<compile_context>
chip_gen: v7x
topology: tpu7x:2x2x1
jax: 0.10.2.dev20260603
libtpu: 0.0.44.dev20260713+nightly
codegen_flags: <defaults>
</compile_context>

<pallas_src>
import functools

import jax
import jax.numpy as jnp
from jax import lax
from jax.experimental import pallas as pl
from jax.experimental.pallas import tpu as pltpu
from jax.experimental.pallas import tpu_sc as plsc

_V = 1000
_NTOT = 1024 * 50
_NW = 32
_PER_W = _NTOT // _NW
_C = 32
_NSCH = 24
_DBASE = _NSCH * _C
_DCH = 16
_NDCH = (_PER_W - _DBASE) // _DCH
_DLAG = 16
_DPER = 3
_ROWS_PER_S = 62


def _sc_gather(table, idx_flat):
  mesh = plsc.VectorSubcoreMesh(core_axis_name="c", subcore_axis_name="s")

  @functools.partial(
      pl.kernel,
      mesh=mesh,
      out_type=jax.ShapeDtypeStruct((_NTOT, _V), jnp.float32),
      compiler_params=pltpu.CompilerParams(use_tc_tiling_on_sc=False),
      scratch_types=[
          pltpu.VMEM_SHARED((_V, _V), jnp.float32),
          pltpu.VMEM((_PER_W,), jnp.int32),
          pltpu.VMEM((_C, _V), jnp.float32),
          pltpu.VMEM((_C, _V), jnp.float32),
          pltpu.SemaphoreType.DMA,
          pltpu.SemaphoreType.DMA,
          pltpu.SemaphoreType.DMA,
          pltpu.SemaphoreType.DMA,
          pltpu.SemaphoreType.DMA,
      ],
  )
  def k(table_hbm, idx_hbm, out_hbm, table_sp, idx_v, rows0, rows1,
        gsem0, gsem1, ssem0, ssem1, dsem):
    sid = lax.axis_index("s")
    wid = sid * 2 + lax.axis_index("c")
    base = wid * _PER_W

    r0 = sid * _ROWS_PER_S
    pltpu.sync_copy(table_hbm.at[pl.ds(r0, _ROWS_PER_S)],
                    table_sp.at[pl.ds(r0, _ROWS_PER_S)])

    @pl.when(sid == 0)
    def _tail_rows():
      pltpu.sync_copy(table_hbm.at[pl.ds(_ROWS_PER_S * 16, 8)],
                      table_sp.at[pl.ds(_ROWS_PER_S * 16, 8)])

    pltpu.sync_copy(idx_hbm.at[pl.ds(base, _PER_W)], idx_v)
    plsc.subcore_barrier()

    def start_gather(g, buf, sem):
      pltpu.async_copy(table_sp.at[idx_v.at[pl.ds(g * _C, _C)]], buf, sem)

    def wait_gather(buf, sem):
      pltpu.make_async_copy(table_sp.at[idx_v.at[pl.ds(0, _C)]], buf,
                            sem).wait()

    def start_scatter(g, buf, sem):
      pltpu.async_copy(buf, out_hbm.at[pl.ds(base + g * _C, _C)], sem)

    def wait_scatter(buf, sem):
      pltpu.make_async_copy(buf, out_hbm.at[pl.ds(base, _C)], sem).wait()

    def issue_dchunk(d):
      chunk = idx_v[pl.ds(_DBASE + d * _DCH, _DCH)]
      for l in range(_DCH):
        row = chunk[l]
        pltpu.async_copy(table_sp.at[row],
                         out_hbm.at[base + _DBASE + d * _DCH + l], dsem)

    def wait_d():
      pltpu.make_async_copy(table_sp.at[0], out_hbm.at[0], dsem).wait()

    def dprime(d, carry):
      issue_dchunk(d)
      return carry

    lax.fori_loop(0, _DLAG, dprime, 0)

    start_gather(0, rows0, gsem0)
    start_gather(1, rows1, gsem1)

    def body(p, carry):
      g = 2 * p
      wait_gather(rows0, gsem0)
      start_scatter(g, rows0, ssem0)
      wait_gather(rows1, gsem1)
      start_scatter(g + 1, rows1, ssem1)
      wait_scatter(rows0, ssem0)
      start_gather(g + 2, rows0, gsem0)
      wait_scatter(rows1, ssem1)
      start_gather(g + 3, rows1, gsem1)
      for q in range(_DPER):
        for _ in range(_DCH):
          wait_d()
        issue_dchunk(_DLAG + _DPER * p + q)
      return carry

    lax.fori_loop(0, _NSCH // 2 - 1, body, 0)

    wait_gather(rows0, gsem0)
    start_scatter(_NSCH - 2, rows0, ssem0)
    wait_gather(rows1, gsem1)
    start_scatter(_NSCH - 1, rows1, ssem1)
    wait_scatter(rows0, ssem0)
    wait_scatter(rows1, ssem1)

    def dfeed(d, carry):
      for _ in range(_DCH):
        wait_d()
      issue_dchunk(d)
      return carry

    lax.fori_loop(_DLAG + _DPER * (_NSCH // 2 - 1), _NDCH, dfeed, 0)

    def ddrain(i, carry):
      wait_d()
      return carry

    lax.fori_loop(0, _DLAG * _DCH, ddrain, 0)

  return k(table, idx_flat)


def kernel(x, prob):
  idx = x.reshape(-1).astype(jnp.int32)
  out = _sc_gather(prob, idx)
  return out.reshape(x.shape[0], x.shape[1], _V)

# --- scband reference (transcript-rebuilt; emitter-appended) ---
"""Pipeline reference for scband-ngram-85925115724491 (READ-ONLY COPY).

The authoritative reference and input builder live on the scoring server;
editing this copy changes nothing except your own understanding.
"""

import jax, jax.numpy as jnp
import numpy as np

VOCAB = 1000
BATCH = 1024
SEQ = 50

def setup_inputs(seed: int = 0) -> dict:
    key = jax.random.key(seed)
    k1, k2 = jax.random.split(key)
    x = jax.random.randint(k1, (BATCH, SEQ), 0, VOCAB, dtype=jnp.int64)
    # nn.Embedding weight: [vocab_size, vocab_size], default N(0,1) init scaled down
    prob = jax.random.normal(k2, (VOCAB, VOCAB), dtype=jnp.float32) * 0.02
    return {"x": x, "prob": prob}

def reference(x, prob):
    # NGram.forward: self.prob(x) -> embedding lookup, output [B, T, vocab]
    return jnp.take(prob, x, axis=0)

if __name__ == "__main__":
    import jax
    _d = setup_inputs()
    print(jax.jit(kernel)(*tuple(_d.values())))

</pallas_src>

<mosaic_0001>
#map = affine_map<(d0, d1) -> (0, 0)>
#map1 = affine_map<(d0, d1) -> (0)>
module attributes {stable_mosaic.version = 14 : i64} {
  func.func @k(%arg0: i32, %arg1: i32, %arg2: memref<1000x1000xf32, #tpu.memory_space<hbm>>, %arg3: memref<51200xi32, #tpu.memory_space<hbm>>, %arg4: memref<51200x1000xf32, #tpu.memory_space<hbm>>, %arg5: memref<1000x1000xf32, #tpu.memory_space<vmem_shared>>, %arg6: memref<1600xi32, #tpu.memory_space<vmem>>, %arg7: memref<32x1000xf32, #tpu.memory_space<vmem>>, %arg8: memref<32x1000xf32, #tpu.memory_space<vmem>>, %arg9: memref<!tpu.dma_semaphore, #tpu.memory_space<semaphore_mem>>, %arg10: memref<!tpu.dma_semaphore, #tpu.memory_space<semaphore_mem>>, %arg11: memref<!tpu.dma_semaphore, #tpu.memory_space<semaphore_mem>>, %arg12: memref<!tpu.dma_semaphore, #tpu.memory_space<semaphore_mem>>, %arg13: memref<!tpu.dma_semaphore, #tpu.memory_space<semaphore_mem>>) attributes {dimension_semantics = [#tpu.dimension_semantics<core_parallel>, #tpu.dimension_semantics<subcore_parallel>], iteration_bounds = array<i64: 2, 16>, scalar_prefetch = 0 : i64, scratch_operands = 9 : i64, tpu.core_type = #tpu.core_type<sc_vector_subcore>, window_params = [{transform_indices = #map}, {transform_indices = #map1}, {transform_indices = #map}]} {
    %mul3A = arith.constant 2 : i32
    %mul3A_0 = arith.muli %arg1, %mul3A : i32
    %add3A = arith.addi %mul3A_0, %arg0 : i32
    %mul3A_1 = arith.constant 1600 : i32
    %mul3A_2 = arith.muli %add3A, %mul3A_1 : i32
    %mul3A_3 = arith.constant 62 : i32
    %mul3A_4 = arith.muli %arg1, %mul3A_3 : i32
    "tpu.region"() ({
      %run_scoped3A = tpu.sem_alloc : memref<!tpu.dma_semaphore, #tpu.memory_space<semaphore_mem>>
      %dma_start3A_68 = arith.constant 0 : i32
      %dma_start3A_69 = tpu.memref_slice %arg5[%mul3A_4, %dma_start3A_68] : memref<1000x1000xf32, #tpu.memory_space<vmem_shared>> -> memref<62x1000xf32, #tpu.memory_space<vmem_shared>>
      %dma_start3A_70 = arith.constant 0 : i32
      %dma_start3A_71 = tpu.memref_slice %arg2[%mul3A_4, %dma_start3A_70] : memref<1000x1000xf32, #tpu.memory_space<hbm>> -> memref<62x1000xf32, #tpu.memory_space<hbm>>
      tpu.enqueue_dma source(%dma_start3A_71 : memref<62x1000xf32, #tpu.memory_space<hbm>>) target(%dma_start3A_69 : memref<62x1000xf32, #tpu.memory_space<vmem_shared>>) target_semaphore(%run_scoped3A : memref<!tpu.dma_semaphore, #tpu.memory_space<semaphore_mem>>)
      %dma_wait3A_72 = arith.constant 0 : i32
      %dma_wait3A_73 = tpu.memref_slice %arg5[%mul3A_4, %dma_wait3A_72] : memref<1000x1000xf32, #tpu.memory_space<vmem_shared>> -> memref<62x1000xf32, #tpu.memory_space<vmem_shared>>
      %dma_wait3A_74 = arith.constant 0 : i32
      %dma_wait3A_75 = tpu.memref_slice %arg2[%mul3A_4, %dma_wait3A_74] : memref<1000x1000xf32, #tpu.memory_space<hbm>> -> memref<62x1000xf32, #tpu.memory_space<hbm>>
      tpu.wait_dma2 semaphore(%run_scoped3A : memref<!tpu.dma_semaphore, #tpu.memory_space<semaphore_mem>>) src(%dma_wait3A_75 : memref<62x1000xf32, #tpu.memory_space<hbm>>) dst(%dma_wait3A_73 : memref<62x1000xf32, #tpu.memory_space<vmem_shared>>)
      tpu.yield
    }) : () -> ()
    %eq3A = arith.constant 0 : i32
    %eq3A_5 = arith.cmpi eq, %arg1, %eq3A : i32
    %convert_element_type3A = arith.extui %eq3A_5 : i1 to i32
    %cond3A = arith.constant 0 : i32
    %cond3A_6 = arith.cmpi ne, %convert_element_type3A, %cond3A : i32
    scf.if %cond3A_6 {
      "tpu.region"() ({
        %run_scoped3A = tpu.sem_alloc : memref<!tpu.dma_semaphore, #tpu.memory_space<semaphore_mem>>
        %dma_start3A_68 = arith.constant 992 : i32
        %dma_start3A_69 = arith.constant 0 : i32
        %dma_start3A_70 = tpu.memref_slice %arg5[%dma_start3A_68, %dma_start3A_69] : memref<1000x1000xf32, #tpu.memory_space<vmem_shared>> -> memref<8x1000xf32, #tpu.memory_space<vmem_shared>>
        %dma_start3A_71 = arith.constant 992 : i32
        %dma_start3A_72 = arith.constant 0 : i32
        %dma_start3A_73 = tpu.memref_slice %arg2[%dma_start3A_71, %dma_start3A_72] : memref<1000x1000xf32, #tpu.memory_space<hbm>> -> memref<8x1000xf32, #tpu.memory_space<hbm>>
        tpu.enqueue_dma source(%dma_start3A_73 : memref<8x1000xf32, #tpu.memory_space<hbm>>) target(%dma_start3A_70 : memref<8x1000xf32, #tpu.memory_space<vmem_shared>>) target_semaphore(%run_scoped3A : memref<!tpu.dma_semaphore, #tpu.memory_space<semaphore_mem>>)
        %dma_wait3A_74 = arith.constant 992 : i32
        %dma_wait3A_75 = arith.constant 0 : i32
        %dma_wait3A_76 = tpu.memref_slice %arg5[%dma_wait3A_74, %dma_wait3A_75] : memref<1000x1000xf32, #tpu.memory_space<vmem_shared>> -> memref<8x1000xf32, #tpu.memory_space<vmem_shared>>
        %dma_wait3A_77 = arith.constant 992 : i32
        %dma_wait3A_78 = arith.constant 0 : i32
        %dma_wait3A_79 = tpu.memref_slice %arg2[%dma_wait3A_77, %dma_wait3A_78] : memref<1000x1000xf32, #tpu.memory_space<hbm>> -> memref<8x1000xf32, #tpu.memory_space<hbm>>
        tpu.wait_dma2 semaphore(%run_scoped3A : memref<!tpu.dma_semaphore, #tpu.memory_space<semaphore_mem>>) src(%dma_wait3A_79 : memref<8x1000xf32, #tpu.memory_space<hbm>>) dst(%dma_wait3A_76 : memref<8x1000xf32, #tpu.memory_space<vmem_shared>>)
        tpu.yield
      }) : () -> ()
    } else {
    }
    "tpu.region"() ({
      %run_scoped3A = tpu.sem_alloc : memref<!tpu.dma_semaphore, #tpu.memory_space<semaphore_mem>>
      %dma_start3A_68 = tpu.memref_slice %arg3[%mul3A_2] : memref<51200xi32, #tpu.memory_space<hbm>> -> memref<1600xi32, #tpu.memory_space<hbm>>
      %dma_start3A_69 = tpu.memref_slice %arg3[%mul3A_2] : memref<51200xi32, #tpu.memory_space<hbm>> -> memref<1600xi32, #tpu.memory_space<hbm>>
      tpu.enqueue_dma source(%dma_start3A_69 : memref<1600xi32, #tpu.memory_space<hbm>>) target(%arg6 : memref<1600xi32, #tpu.memory_space<vmem>>) target_semaphore(%run_scoped3A : memref<!tpu.dma_semaphore, #tpu.memory_space<semaphore_mem>>)
      %dma_wait3A_70 = tpu.memref_slice %arg3[%mul3A_2] : memref<51200xi32, #tpu.memory_space<hbm>> -> memref<1600xi32, #tpu.memory_space<hbm>>
      %dma_wait3A_71 = tpu.memref_slice %arg3[%mul3A_2] : memref<51200xi32, #tpu.memory_space<hbm>> -> memref<1600xi32, #tpu.memory_space<hbm>>
      tpu.wait_dma2 semaphore(%run_scoped3A : memref<!tpu.dma_semaphore, #tpu.memory_space<semaphore_mem>>) src(%dma_wait3A_71 : memref<1600xi32, #tpu.memory_space<hbm>>) dst(%arg6 : memref<1600xi32, #tpu.memory_space<vmem>>)
      tpu.yield
    }) : () -> ()
    %barrier3A = arith.constant 0 : index
    tpu.barrier barrier_id(%barrier3A)
    %scan3A = arith.constant 0 : i32
    %scan3A_7 = arith.constant 0 : i32
    %scan3A_8 = arith.constant 16 : i32
    %scan3A_9 = arith.addi %scan3A_7, %scan3A_8 : i32
    %scan3A_10 = arith.constant 1 : i32
    scf.for %scan3A_68 = %scan3A_7 to %scan3A_9 step %scan3A_10  : i32 {
      %mul3A_69 = arith.constant 16 : i32
      %mul3A_70 = arith.muli %scan3A_68, %mul3A_69 : i32
      %add3A_71 = arith.constant 768 : i32
      %add3A_72 = arith.addi %add3A_71, %mul3A_70 : i32
      %get3A = arith.index_cast %add3A_72 : i32 to index
      %get3A_73 = tpu.vector_load %arg6[%get3A] {strides = array<i32>} : memref<1600xi32, #tpu.memory_space<vmem>>, vector<16xi32>,
      %get3A_74 = vector.shape_cast %get3A_73 : vector<16xi32> to vector<16xi32>
      %slice3A = vector.extract_strided_slice %get3A_74 {offsets = [0], sizes = [1], strides = [1]} : vector<16xi32> to vector<1xi32>
      %squeeze3A = vector.extract %slice3A[0] : i32 from vector<1xi32>
      %add3A_75 = arith.constant 768 : i32
      %add3A_76 = arith.addi %mul3A_2, %add3A_75 : i32
      %mul3A_77 = arith.constant 16 : i32
      %mul3A_78 = arith.muli %scan3A_68, %mul3A_77 : i32
      %add3A_79 = arith.addi %add3A_76, %mul3A_78 : i32
      %add3A_80 = arith.constant 0 : i32
      %add3A_81 = arith.addi %add3A_79, %add3A_80 : i32
      %dma_start3A_82 = arith.constant 0 : i32
      %dma_start3A_83 = tpu.memref_slice %arg4[%add3A_81, %dma_start3A_82] : memref<51200x1000xf32, #tpu.memory_space<hbm>> -> memref<1x1000xf32, #tpu.memory_space<hbm>>
      %dma_start3A_84 = tpu.memref_squeeze %dma_start3A_83 : memref<1x1000xf32, #tpu.memory_space<hbm>> -> memref<1000xf32, #tpu.memory_space<hbm>>
      %dma_start3A_85 = arith.constant 0 : i32
      %dma_start3A_86 = tpu.memref_slice %arg5[%squeeze3A, %dma_start3A_85] : memref<1000x1000xf32, #tpu.memory_space<vmem_shared>> -> memref<1x1000xf32, #tpu.memory_space<vmem_shared>>
      %dma_start3A_87 = tpu.memref_squeeze %dma_start3A_86 : memref<1x1000xf32, #tpu.memory_space<vmem_shared>> -> memref<1000xf32, #tpu.memory_space<vmem_shared>>
      tpu.enqueue_dma source(%dma_start3A_87 : memref<1000xf32, #tpu.memory_space<vmem_shared>>) target(%dma_start3A_84 : memref<1000xf32, #tpu.memory_space<hbm>>) target_semaphore(%arg13 : memref<!tpu.dma_semaphore, #tpu.memory_space<semaphore_mem>>)
      %slice3A_88 = vector.extract_strided_slice %get3A_74 {offsets = [1], sizes = [1], strides = [1]} : vector<16xi32> to vector<1xi32>
      %squeeze3A_89 = vector.extract %slice3A_88[0] : i32 from vector<1xi32>
      %add3A_90 = arith.constant 768 : i32
      %add3A_91 = arith.addi %mul3A_2, %add3A_90 : i32
      %mul3A_92 = arith.constant 16 : i32
      %mul3A_93 = arith.muli %scan3A_68, %mul3A_92 : i32
      %add3A_94 = arith.addi %add3A_91, %mul3A_93 : i32
      %add3A_95 = arith.constant 1 : i32
      %add3A_96 = arith.addi %add3A_94, %add3A_95 : i32
      %dma_start3A_97 = arith.constant 0 : i32
      %dma_start3A_98 = tpu.memref_slice %arg4[%add3A_96, %dma_start3A_97] : memref<51200x1000xf32, #tpu.memory_space<hbm>> -> memref<1x1000xf32, #tpu.memory_space<hbm>>
      %dma_start3A_99 = tpu.memref_squeeze %dma_start3A_98 : memref<1x1000xf32, #tpu.memory_space<hbm>> -> memref<1000xf32, #tpu.memory_space<hbm>>
      %dma_start3A_100 = arith.constant 0 : i32
      %dma_start3A_101 = tpu.memref_slice %arg5[%squeeze3A_89, %dma_start3A_100] : memref<1000x1000xf32, #tpu.memory_space<vmem_shared>> -> memref<1x1000xf32, #tpu.memory_space<vmem_shared>>
      %dma_start3A_102 = tpu.memref_squeeze %dma_start3A_101 : memref<1x1000xf32, #tpu.memory_space<vmem_shared>> -> memref<1000xf32, #tpu.memory_space<vmem_shared>>
      tpu.enqueue_dma source(%dma_start3A_102 : memref<1000xf32, #tpu.memory_space<vmem_shared>>) target(%dma_start3A_99 : memref<1000xf32, #tpu.memory_space<hbm>>) target_semaphore(%arg13 : memref<!tpu.dma_semaphore, #tpu.memory_space<semaphore_mem>>)
      %slice3A_103 = vector.extract_strided_slice %get3A_74 {offsets = [2], sizes = [1], strides = [1]} : vector<16xi32> to vector<1xi32>
      %squeeze3A_104 = vector.extract %slice3A_103[0] : i32 from vector<1xi32>
      %add3A_105 = arith.constant 768 : i32
      %add3A_106 = arith.addi %mul3A_2, %add3A_105 : i32
      %mul3A_107 = arith.constant 16 : i32
      %mul3A_108 = arith.muli %scan3A_68, %mul3A_107 : i32
      %add3A_109 = arith.addi %add3A_106, %mul3A_108 : i32
      %add3A_110 = arith.constant 2 : i32
      %add3A_111 = arith.addi %add3A_109, %add3A_110 : i32
      %dma_start3A_112 = arith.constant 0 : i32
      %dma_start3A_113 = tpu.memref_slice %arg4[%add3A_111, %dma_start3A_112] : memref<51200x1000xf32, #tpu.memory_space<hbm>> -> memref<1x1000xf32, #tpu.memory_space<hbm>>
      %dma_start3A_114 = tpu.memref_squeeze %dma_start3A_113 : memref<1x1000xf32, #tpu.memory_space<hbm>> -> memref<1000xf32, #tpu.memory_space<hbm>>
      %dma_start3A_115 = arith.constant 0 : i32
      %dma_start3A_116 = tpu.memref_slice %arg5[%squeeze3A_104, %dma_start3A_115] : memref<1000x1000xf32, #tpu.memory_space<vmem_shared>> -> memref<1x1000xf32, #tpu.memory_space<vmem_shared>>
      %dma_start3A_117 = tpu.memref_squeeze %dma_start3A_116 : memref<1x1000xf32, #tpu.memory_space<vmem_shared>> -> memref<1000xf32, #tpu.memory_space<vmem_shared>>
      tpu.enqueue_dma source(%dma_start3A_117 : memref<1000xf32, #tpu.memory_space<vmem_shared>>) target(%dma_start3A_114 : memref<1000xf32, #tpu.memory_space<hbm>>) target_semaphore(%arg13 : memref<!tpu.dma_semaphore, #tpu.memory_space<semaphore_mem>>)
      %slice3A_118 = vector.extract_strided_slice %get3A_74 {offsets = [3], sizes = [1], strides = [1]} : vector<16xi32> to vector<1xi32>
      %squeeze3A_119 = vector.extract %slice3A_118[0] : i32 from vector<1xi32>
      %add3A_120 = arith.constant 768 : i32
      %add3A_121 = arith.addi %mul3A_2, %add3A_120 : i32
      %mul3A_122 = arith.constant 16 : i32
      %mul3A_123 = arith.muli %scan3A_68, %mul3A_122 : i32
      %add3A_124 = arith.addi %add3A_121, %mul3A_123 : i32
      %add3A_125 = arith.constant 3 : i32
      %add3A_126 = arith.addi %add3A_124, %add3A_125 : i32
      %dma_start3A_127 = arith.constant 0 : i32
      %dma_start3A_128 = tpu.memref_slice %arg4[%add3A_126, %dma_start3A_127] : memref<51200x1000xf32, #tpu.memory_space<hbm>> -> memref<1x1000xf32, #tpu.memory_space<hbm>>
      %dma_start3A_129 = tpu.memref_squeeze %dma_start3A_128 : memref<1x1000xf32, #tpu.memory_space<hbm>> -> memref<1000xf32, #tpu.memory_space<hbm>>
      %dma_start3A_130 = arith.constant 0 : i32
      %dma_start3A_131 = tpu.memref_slice %arg5[%squeeze3A_119, %dma_start3A_130] : memref<1000x1000xf32, #tpu.memory_space<vmem_shared>> -> memref<1x1000xf32, #tpu.memory_space<vmem_shared>>
      %dma_start3A_132 = tpu.memref_squeeze %dma_start3A_131 : memref<1x1000xf32, #tpu.memory_space<vmem_shared>> -> memref<1000xf32, #tpu.memory_space<vmem_shared>>
      tpu.enqueue_dma source(%dma_start3A_132 : memref<1000xf32, #tpu.memory_space<vmem_shared>>) target(%dma_start3A_129 : memref<1000xf32, #tpu.memory_space<hbm>>) target_semaphore(%arg13 : memref<!tpu.dma_semaphore, #tpu.memory_space<semaphore_mem>>)
      %slice3A_133 = vector.extract_strided_slice %get3A_74 {offsets = [4], sizes = [1], strides = [1]} : vector<16xi32> to vector<1xi32>
      %squeeze3A_134 = vector.extract %slice3A_133[0] : i32 from vector<1xi32>
      %add3A_135 = arith.constant 768 : i32
      %add3A_136 = arith.addi %mul3A_2, %add3A_135 : i32
      %mul3A_137 = arith.constant 16 : i32
      %mul3A_138 = arith.muli %scan3A_68, %mul3A_137 : i32
      %add3A_139 = arith.addi %add3A_136, %mul3A_138 : i32
      %add3A_140 = arith.constant 4 : i32
      %add3A_141 = arith.addi %add3A_139, %add3A_140 : i32
      %dma_start3A_142 = arith.constant 0 : i32
      %dma_start3A_143 = tpu.memref_slice %arg4[%add3A_141, %dma_start3A_142] : memref<51200x1000xf32, #tpu.memory_space<hbm>> -> memref<1x1000xf32, #tpu.memory_space<hbm>>
      %dma_start3A_144 = tpu.memref_squeeze %dma_start3A_143 : memref<1x1000xf32, #tpu.memory_space<hbm>> -> memref<1000xf32, #tpu.memory_space<hbm>>
      %dma_start3A_145 = arith.constant 0 : i32
      %dma_start3A_146 = tpu.memref_slice %arg5[%squeeze3A_134, %dma_start3A_145] : memref<1000x1000xf32, #tpu.memory_space<vmem_shared>> -> memref<1x1000xf32, #tpu.memory_space<vmem_shared>>
      %dma_start3A_147 = tpu.memref_squeeze %dma_start3A_146 : memref<1x1000xf32, #tpu.memory_space<vmem_shared>> -> memref<1000xf32, #tpu.memory_space<vmem_shared>>
      tpu.enqueue_dma source(%dma_start3A_147 : memref<1000xf32, #tpu.memory_space<vmem_shared>>) target(%dma_start3A_144 : memref<1000xf32, #tpu.memory_space<hbm>>) target_semaphore(%arg13 : memref<!tpu.dma_semaphore, #tpu.memory_space<semaphore_mem>>)
      %slice3A_148 = vector.extract_strided_slice %get3A_74 {offsets = [5], sizes = [1], strides = [1]} : vector<16xi32> to vector<1xi32>
      %squeeze3A_149 = vector.extract %slice3A_148[0] : i32 from vector<1xi32>
      %add3A_150 = arith.constant 768 : i32
      %add3A_151 = arith.addi %mul3A_2, %add3A_150 : i32
      %mul3A_152 = arith.constant 16 : i32
      %mul3A_153 = arith.muli %scan3A_68, %mul3A_152 : i32
      %add3A_154 = arith.addi %add3A_151, %mul3A_153 : i32
      %add3A_155 = arith.constant 5 : i32
      %add3A_156 = arith.addi %add3A_154, %add3A_155 : i32
      %dma_start3A_157 = arith.constant 0 : i32
      %dma_start3A_158 = tpu.memref_slice %arg4[%add3A_156, %dma_start3A_157] : memref<51200x1000xf32, #tpu.memory_space<hbm>> -> memref<1x1000xf32, #tpu.memory_space<hbm>>
      %dma_start3A_159 = tpu.memref_squeeze %dma_start3A_158 : memref<1x1000xf32, #tpu.memory_space<hbm>> -> memref<1000xf32, #tpu.memory_space<hbm>>
      %dma_start3A_160 = arith.constant 0 : i32
      %dma_start3A_161 = tpu.memref_slice %arg5[%squeeze3A_149, %dma_start3A_160] : memref<1000x1000xf32, #tpu.memory_space<vmem_shared>> -> memref<1x1000xf32, #tpu.memory_space<vmem_shared>>
      %dma_start3A_162 = tpu.memref_squeeze %dma_start3A_161 : memref<1x1000xf32, #tpu.memory_space<vmem_shared>> -> memref<1000xf32, #tpu.memory_space<vmem_shared>>
      tpu.enqueue_dma source(%dma_start3A_162 : memref<1000xf32, #tpu.memory_space<vmem_shared>>) target(%dma_start3A_159 : memref<1000xf32, #tpu.memory_space<hbm>>) target_semaphore(%arg13 : memref<!tpu.dma_semaphore, #tpu.memory_space<semaphore_mem>>)
      %slice3A_163 = vector.extract_strided_slice %get3A_74 {offsets = [6], sizes = [1], strides = [1]} : vector<16xi32> to vector<1xi32>
      %squeeze3A_164 = vector.extract %slice3A_163[0] : i32 from vector<1xi32>
      %add3A_165 = arith.constant 768 : i32
      %add3A_166 = arith.addi %mul3A_2, %add3A_165 : i32
      %mul3A_167 = arith.constant 16 : i32
      %mul3A_168 = arith.muli %scan3A_68, %mul3A_167 : i32
      %add3A_169 = arith.addi %add3A_166, %mul3A_168 : i32
      %add3A_170 = arith.constant 6 : i32
      %add3A_171 = arith.addi %add3A_169, %add3A_170 : i32
      %dma_start3A_172 = arith.constant 0 : i32
      %dma_start3A_173 = tpu.memref_slice %arg4[%add3A_171, %dma_start3A_172] : memref<51200x1000xf32, #tpu.memory_space<hbm>> -> memref<1x1000xf32, #tpu.memory_space<hbm>>
      %dma_start3A_174 = tpu.memref_squeeze %dma_start3A_173 : memref<1x1000xf32, #tpu.memory_space<hbm>> -> memref<1000xf32, #tpu.memory_space<hbm>>
      %dma_start3A_175 = arith.constant 0 : i32
      %dma_start3A_176 = tpu.memref_slice %arg5[%squeeze3A_164, %dma_start3A_175] : memref<1000x1000xf32, #tpu.memory_space<vmem_shared>> -> memref<1x1000xf32, #tpu.memory_space<vmem_shared>>
      %dma_start3A_177 = tpu.memref_squeeze %dma_start3A_176 : memref<1x1000xf32, #tpu.memory_space<vmem_shared>> -> memref<1000xf32, #tpu.memory_space<vmem_shared>>
      tpu.enqueue_dma source(%dma_start3A_177 : memref<1000xf32, #tpu.memory_space<vmem_shared>>) target(%dma_start3A_174 : memref<1000xf32, #tpu.memory_space<hbm>>) target_semaphore(%arg13 : memref<!tpu.dma_semaphore, #tpu.memory_space<semaphore_mem>>)
      %slice3A_178 = vector.extract_strided_slice %get3A_74 {offsets = [7], sizes = [1], strides = [1]} : vector<16xi32> to vector<1xi32>
      %squeeze3A_179 = vector.extract %slice3A_178[0] : i32 from vector<1xi32>
      %add3A_180 = arith.constant 768 : i32
      %add3A_181 = arith.addi %mul3A_2, %add3A_180 : i32
      %mul3A_182 = arith.constant 16 : i32
      %mul3A_183 = arith.muli %scan3A_68, %mul3A_182 : i32
      %add3A_184 = arith.addi %add3A_181, %mul3A_183 : i32
      %add3A_185 = arith.constant 7 : i32
      %add3A_186 = arith.addi %add3A_184, %add3A_185 : i32
      %dma_start3A_187 = arith.constant 0 : i32
      %dma_start3A_188 = tpu.memref_slice %arg4[%add3A_186, %dma_start3A_187] : memref<51200x1000xf32, #tpu.memory_space<hbm>> -> memref<1x1000xf32, #tpu.memory_space<hbm>>
      %dma_start3A_189 = tpu.memref_squeeze %dma_start3A_188 : memref<1x1000xf32, #tpu.memory_space<hbm>> -> memref<1000xf32, #tpu.memory_space<hbm>>
      %dma_start3A_190 = arith.constant 0 : i32
      %dma_start3A_191 = tpu.memref_slice %arg5[%squeeze3A_179, %dma_start3A_190] : memref<1000x1000xf32, #tpu.memory_space<vmem_shared>> -> memref<1x1000xf32, #tpu.memory_space<vmem_shared>>
      %dma_start3A_192 = tpu.memref_squeeze %dma_start3A_191 : memref<1x1000xf32, #tpu.memory_space<vmem_shared>> -> memref<1000xf32, #tpu.memory_space<vmem_shared>>
      tpu.enqueue_dma source(%dma_start3A_192 : memref<1000xf32, #tpu.memory_space<vmem_shared>>) target(%dma_start3A_189 : memref<1000xf32, #tpu.memory_space<hbm>>) target_semaphore(%arg13 : memref<!tpu.dma_semaphore, #tpu.memory_space<semaphore_mem>>)
      %slice3A_193 = vector.extract_strided_slice %get3A_74 {offsets = [8], sizes = [1], strides = [1]} : vector<16xi32> to vector<1xi32>
      %squeeze3A_194 = vector.extract %slice3A_193[0] : i32 from vector<1xi32>
      %add3A_195 = arith.constant 768 : i32
      %add3A_196 = arith.addi %mul3A_2, %add3A_195 : i32
      %mul3A_197 = arith.constant 16 : i32
      %mul3A_198 = arith.muli %scan3A_68, %mul3A_197 : i32
      %add3A_199 = arith.addi %add3A_196, %mul3A_198 : i32
      %add3A_200 = arith.constant 8 : i32
      %add3A_201 = arith.addi %add3A_199, %add3A_200 : i32
      %dma_start3A_202 = arith.constant 0 : i32
      %dma_start3A_203 = tpu.memref_slice %arg4[%add3A_201, %dma_start3A_202] : memref<51200x1000xf32, #tpu.memory_space<hbm>> -> memref<1x1000xf32, #tpu.memory_space<hbm>>
      %dma_start3A_204 = tpu.memref_squeeze %dma_start3A_203 : memref<1x1000xf32, #tpu.memory_space<hbm>> -> memref<1000xf32, #tpu.memory_space<hbm>>
      %dma_start3A_205 = arith.constant 0 : i32
      %dma_start3A_206 = tpu.memref_slice %arg5[%squeeze3A_194, %dma_start3A_205] : memref<1000x1000xf32, #tpu.memory_space<vmem_shared>> -> memref<1x1000xf32, #tpu.memory_space<vmem_shared>>
      %dma_start3A_207 = tpu.memref_squeeze %dma_start3A_206 : memref<1x1000xf32, #tpu.memory_space<vmem_shared>> -> memref<1000xf32, #tpu.memory_space<vmem_shared>>
      tpu.enqueue_dma source(%dma_start3A_207 : memref<1000xf32, #tpu.memory_space<vmem_shared>>) target(%dma_start3A_204 : memref<1000xf32, #tpu.memory_space<hbm>>) target_semaphore(%arg13 : memref<!tpu.dma_semaphore, #tpu.memory_space<semaphore_mem>>)
      %slice3A_208 = vector.extract_strided_slice %get3A_74 {offsets = [9], sizes = [1], strides = [1]} : vector<16xi32> to vector<1xi32>
      %squeeze3A_209 = vector.extract %slice3A_208[0] : i32 from vector<1xi32>
      %add3A_210 = arith.constant 768 : i32
      %add3A_211 = arith.addi %mul3A_2, %add3A_210 : i32
      %mul3A_212 = arith.constant 16 : i32
      %mul3A_213 = arith.muli %scan3A_68, %mul3A_212 : i32
      %add3A_214 = arith.addi %add3A_211, %mul3A_213 : i32
      %add3A_215 = arith.constant 9 : i32
      %add3A_216 = arith.addi %add3A_214, %add3A_215 : i32
      %dma_start3A_217 = arith.constant 0 : i32
      %dma_start3A_218 = tpu.memref_slice %arg4[%add3A_216, %dma_start3A_217] : memref<51200x1000xf32, #tpu.memory_space<hbm>> -> memref<1x1000xf32, #tpu.memory_space<hbm>>
      %dma_start3A_219 = tpu.memref_squeeze %dma_start3A_218 : memref<1x1000xf32, #tpu.memory_space<hbm>> -> memref<1000xf32, #tpu.memory_space<hbm>>
      %dma_start3A_220 = arith.constant 0 : i32
      %dma_start3A_221 = tpu.memref_slice %arg5[%squeeze3A_209, %dma_start3A_220] : memref<1000x1000xf32, #tpu.memory_space<vmem_shared>> -> memref<1x1000xf32, #tpu.memory_space<vmem_shared>>
      %dma_start3A_222 = tpu.memref_squeeze %dma_start3A_221 : memref<1x1000xf32, #tpu.memory_space<vmem_shared>> -> memref<1000xf32, #tpu.memory_space<vmem_shared>>
      tpu.enqueue_dma source(%dma_start3A_222 : memref<1000xf32, #tpu.memory_space<vmem_shared>>) target(%dma_start3A_219 : memref<1000xf32, #tpu.memory_space<hbm>>) target_semaphore(%arg13 : memref<!tpu.dma_semaphore, #tpu.memory_space<semaphore_mem>>)
      %slice3A_223 = vector.extract_strided_slice %get3A_74 {offsets = [10], sizes = [1], strides = [1]} : vector<16xi32> to vector<1xi32>
      %squeeze3A_224 = vector.extract %slice3A_223[0] : i32 from vector<1xi32>
      %add3A_225 = arith.constant 768 : i32
      %add3A_226 = arith.addi %mul3A_2, %add3A_225 : i32
      %mul3A_227 = arith.constant 16 : i32
      %mul3A_228 = arith.muli %scan3A_68, %mul3A_227 : i32
      %add3A_229 = arith.addi %add3A_226, %mul3A_228 : i32
      %add3A_230 = arith.constant 10 : i32
      %add3A_231 = arith.addi %add3A_229, %add3A_230 : i32
      %dma_start3A_232 = arith.constant 0 : i32
      %dma_start3A_233 = tpu.memref_slice %arg4[%add3A_231, %dma_start3A_232] : memref<51200x1000xf32, #tpu.memory_space<hbm>> -> memref<1x1000xf32, #tpu.memory_space<hbm>>
      %dma_start3A_234 = tpu.memref_squeeze %dma_start3A_233 : memref<1x1000xf32, #tpu.memory_space<hbm>> -> memref<1000xf32, #tpu.memory_space<hbm>>
      %dma_start3A_235 = arith.constant 0 : i32
      %dma_start3A_236 = tpu.memref_slice %arg5[%squeeze3A_224, %dma_start3A_235] : memref<1000x1000xf32, #tpu.memory_space<vmem_shared>> -> memref<1x1000xf32, #tpu.memory_space<vmem_shared>>
      %dma_start3A_237 = tpu.memref_squeeze %dma_start3A_236 : memref<1x1000xf32, #tpu.memory_space<vmem_shared>> -> memref<1000xf32, #tpu.memory_space<vmem_shared>>
      tpu.enqueue_dma source(%dma_start3A_237 : memref<1000xf32, #tpu.memory_space<vmem_shared>>) target(%dma_start3A_234 : memref<1000xf32, #tpu.memory_space<hbm>>) target_semaphore(%arg13 : memref<!tpu.dma_semaphore, #tpu.memory_space<semaphore_mem>>)
      %slice3A_238 = vector.extract_strided_slice %get3A_74 {offsets = [11], sizes = [1], strides = [1]} : vector<16xi32> to vector<1xi32>
      %squeeze3A_239 = vector.extract %slice3A_238[0] : i32 from vector<1xi32>
      %add3A_240 = arith.constant 768 : i32
      %add3A_241 = arith.addi %mul3A_2, %add3A_240 : i32
      %mul3A_242 = arith.constant 16 : i32
      %mul3A_243 = arith.muli %scan3A_68, %mul3A_242 : i32
      %add3A_244 = arith.addi %add3A_241, %mul3A_243 : i32
      %add3A_245 = arith.constant 11 : i32
      %add3A_246 = arith.addi %add3A_244, %add3A_245 : i32
      %dma_start3A_247 = arith.constant 0 : i32
      %dma_start3A_248 = tpu.memref_slice %arg4[%add3A_246, %dma_start3A_247] : memref<51200x1000xf32, #tpu.memory_space<hbm>> -> memref<1x1000xf32, #tpu.memory_space<hbm>>
      %dma_start3A_249 = tpu.memref_squeeze %dma_start3A_248 : memref<1x1000xf32, #tpu.memory_space<hbm>> -> memref<1000xf32, #tpu.memory_space<hbm>>
      %dma_start3A_250 = arith.constant 0 : i32
      %dma_start3A_251 = tpu.memref_slice %arg5[%squeeze3A_239, %dma_start3A_250] : memref<1000x1000xf32, #tpu.memory_space<vmem_shared>> -> memref<1x1000xf32, #tpu.memory_space<vmem_shared>>
      %dma_start3A_252 = tpu.memref_squeeze %dma_start3A_251 : memref<1x1000xf32, #tpu.memory_space<vmem_shared>> -> memref<1000xf32, #tpu.memory_space<vmem_shared>>
      tpu.enqueue_dma source(%dma_start3A_252 : memref<1000xf32, #tpu.memory_space<vmem_shared>>) target(%dma_start3A_249 : memref<1000xf32, #tpu.memory_space<hbm>>) target_semaphore(%arg13 : memref<!tpu.dma_semaphore, #tpu.memory_space<semaphore_mem>>)
      %slice3A_253 = vector.extract_strided_slice %get3A_74 {offsets = [12], sizes = [1], strides = [1]} : vector<16xi32> to vector<1xi32>
      %squeeze3A_254 = vector.extract %slice3A_253[0] : i32 from vector<1xi32>
      %add3A_255 = arith.constant 768 : i32
      %add3A_256 = arith.addi %mul3A_2, %add3A_255 : i32
      %mul3A_257 = arith.constant 16 : i32
      %mul3A_258 = arith.muli %scan3A_68, %mul3A_257 : i32
      %add3A_259 = arith.addi %add3A_256, %mul3A_258 : i32
      %add3A_260 = arith.constant 12 : i32
      %add3A_261 = arith.addi %add3A_259, %add3A_260 : i32
      %dma_start3A_262 = arith.constant 0 : i32
      %dma_start3A_263 = tpu.memref_slice %arg4[%add3A_261, %dma_start3A_262] : memref<51200x1000xf32, #tpu.memory_space<hbm>> -> memref<1x1000xf32, #tpu.memory_space<hbm>>
      %dma_start3A_264 = tpu.memref_squeeze %dma_start3A_263 : memref<1x1000xf32, #tpu.memory_space<hbm>> -> memref<1000xf32, #tpu.memory_space<hbm>>
      %dma_start3A_265 = arith.constant 0 : i32
      %dma_start3A_266 = tpu.memref_slice %arg5[%squeeze3A_254, %dma_start3A_265] : memref<1000x1000xf32, #tpu.memory_space<vmem_shared>> -> memref<1x1000xf32, #tpu.memory_space<vmem_shared>>
      %dma_start3A_267 = tpu.memref_squeeze %dma_start3A_266 : memref<1x1000xf32, #tpu.memory_space<vmem_shared>> -> memref<1000xf32, #tpu.memory_space<vmem_shared>>
      tpu.enqueue_dma source(%dma_start3A_267 : memref<1000xf32, #tpu.memory_space<vmem_shared>>) target(%dma_start3A_264 : memref<1000xf32, #tpu.memory_space<hbm>>) target_semaphore(%arg13 : memref<!tpu.dma_semaphore, #tpu.memory_space<semaphore_mem>>)
      %slice3A_268 = vector.extract_strided_slice %get3A_74 {offsets = [13], sizes = [1], strides = [1]} : vector<16xi32> to vector<1xi32>
      %squeeze3A_269 = vector.extract %slice3A_268[0] : i32 from vector<1xi32>
      %add3A_270 = arith.constant 768 : i32
      %add3A_271 = arith.addi %mul3A_2, %add3A_270 : i32
      %mul3A_272 = arith.constant 16 : i32
      %mul3A_273 = arith.muli %scan3A_68, %mul3A_272 : i32
      %add3A_274 = arith.addi %add3A_271, %mul3A_273 : i32
      %add3A_275 = arith.constant 13 : i32
      %add3A_276 = arith.addi %add3A_274, %add3A_275 : i32
      %dma_start3A_277 = arith.constant 0 : i32
      %dma_start3A_278 = tpu.memref_slice %arg4[%add3A_276, %dma_start3A_277] : memref<51200x1000xf32, #tpu.memory_space<hbm>> -> memref<1x1000xf32, #tpu.memory_space<hbm>>
      %dma_start3A_279 = tpu.memref_squeeze %dma_start3A_278 : memref<1x1000xf32, #tpu.memory_space<hbm>> -> memref<1000xf32, #tpu.memory_space<hbm>>
      %dma_start3A_280 = arith.constant 0 : i32
      %dma_start3A_281 = tpu.memref_slice %arg5[%squeeze3A_269, %dma_start3A_280] : memref<1000x1000xf32, #tpu.memory_space<vmem_shared>> -> memref<1x1000xf32, #tpu.memory_space<vmem_shared>>
      %dma_start3A_282 = tpu.memref_squeeze %dma_start3A_281 : memref<1x1000xf32, #tpu.memory_space<vmem_shared>> -> memref<1000xf32, #tpu.memory_space<vmem_shared>>
      tpu.enqueue_dma source(%dma_start3A_282 : memref<1000xf32, #tpu.memory_space<vmem_shared>>) target(%dma_start3A_279 : memref<1000xf32, #tpu.memory_space<hbm>>) target_semaphore(%arg13 : memref<!tpu.dma_semaphore, #tpu.memory_space<semaphore_mem>>)
      %slice3A_283 = vector.extract_strided_slice %get3A_74 {offsets = [14], sizes = [1], strides = [1]} : vector<16xi32> to vector<1xi32>
      %squeeze3A_284 = vector.extract %slice3A_283[0] : i32 from vector<1xi32>
      %add3A_285 = arith.constant 768 : i32
      %add3A_286 = arith.addi %mul3A_2, %add3A_285 : i32
      %mul3A_287 = arith.constant 16 : i32
      %mul3A_288 = arith.muli %scan3A_68, %mul3A_287 : i32
      %add3A_289 = arith.addi %add3A_286, %mul3A_288 : i32
      %add3A_290 = arith.constant 14 : i32
      %add3A_291 = arith.addi %add3A_289, %add3A_290 : i32
      %dma_start3A_292 = arith.constant 0 : i32
      %dma_start3A_293 = tpu.memref_slice %arg4[%add3A_291, %dma_start3A_292] : memref<51200x1000xf32, #tpu.memory_space<hbm>> -> memref<1x1000xf32, #tpu.memory_space<hbm>>
      %dma_start3A_294 = tpu.memref_squeeze %dma_start3A_293 : memref<1x1000xf32, #tpu.memory_space<hbm>> -> memref<1000xf32, #tpu.memory_space<hbm>>
      %dma_start3A_295 = arith.constant 0 : i32
      %dma_start3A_296 = tpu.memref_slice %arg5[%squeeze3A_284, %dma_start3A_295] : memref<1000x1000xf32, #tpu.memory_space<vmem_shared>> -> memref<1x1000xf32, #tpu.memory_space<vmem_shared>>
      %dma_start3A_297 = tpu.memref_squeeze %dma_start3A_296 : memref<1x1000xf32, #tpu.memory_space<vmem_shared>> -> memref<1000xf32, #tpu.memory_space<vmem_shared>>
      tpu.enqueue_dma source(%dma_start3A_297 : memref<1000xf32, #tpu.memory_space<vmem_shared>>) target(%dma_start3A_294 : memref<1000xf32, #tpu.memory_space<hbm>>) target_semaphore(%arg13 : memref<!tpu.dma_semaphore, #tpu.memory_space<semaphore_mem>>)
      %slice3A_298 = vector.extract_strided_slice %get3A_74 {offsets = [15], sizes = [1], strides = [1]} : vector<16xi32> to vector<1xi32>
      %squeeze3A_299 = vector.extract %slice3A_298[0] : i32 from vector<1xi32>
      %add3A_300 = arith.constant 768 : i32
      %add3A_301 = arith.addi %mul3A_2, %add3A_300 : i32
      %mul3A_302 = arith.constant 16 : i32
      %mul3A_303 = arith.muli %scan3A_68, %mul3A_302 : i32
      %add3A_304 = arith.addi %add3A_301, %mul3A_303 : i32
      %add3A_305 = arith.constant 15 : i32
      %add3A_306 = arith.addi %add3A_304, %add3A_305 : i32
      %dma_start3A_307 = arith.constant 0 : i32
      %dma_start3A_308 = tpu.memref_slice %arg4[%add3A_306, %dma_start3A_307] : memref<51200x1000xf32, #tpu.memory_space<hbm>> -> memref<1x1000xf32, #tpu.memory_space<hbm>>
      %dma_start3A_309 = tpu.memref_squeeze %dma_start3A_308 : memref<1x1000xf32, #tpu.memory_space<hbm>> -> memref<1000xf32, #tpu.memory_space<hbm>>
      %dma_start3A_310 = arith.constant 0 : i32
      %dma_start3A_311 = tpu.memref_slice %arg5[%squeeze3A_299, %dma_start3A_310] : memref<1000x1000xf32, #tpu.memory_space<vmem_shared>> -> memref<1x1000xf32, #tpu.memory_space<vmem_shared>>
      %dma_start3A_312 = tpu.memref_squeeze %dma_start3A_311 : memref<1x1000xf32, #tpu.memory_space<vmem_shared>> -> memref<1000xf32, #tpu.memory_space<vmem_shared>>
      tpu.enqueue_dma source(%dma_start3A_312 : memref<1000xf32, #tpu.memory_space<vmem_shared>>) target(%dma_start3A_309 : memref<1000xf32, #tpu.memory_space<hbm>>) target_semaphore(%arg13 : memref<!tpu.dma_semaphore, #tpu.memory_space<semaphore_mem>>)
    }
    %scan3A_11 = arith.constant 16 : i32
    %dma_start3A = arith.constant 0 : i32
    %dma_start3A_12 = tpu.memref_slice %arg6[%dma_start3A] : memref<1600xi32, #tpu.memory_space<vmem>> -> memref<32xi32, #tpu.memory_space<vmem>>
    %dma_start3A_13 = arith.constant 0 : i32
    %dma_start3A_14 = arith.constant 0 : i32
    %dma_start3A_15 = tpu.memref_slice %arg5[%dma_start3A_13, %dma_start3A_14] : memref<1000x1000xf32, #tpu.memory_space<vmem_shared>> -> memref<1000x1000xf32, #tpu.memory_space<vmem_shared>>
    tpu.enqueue_indirect_dma source(%dma_start3A_15 : memref<1000x1000xf32, #tpu.memory_space<vmem_shared>>) target(%arg7 : memref<32x1000xf32, #tpu.memory_space<vmem>>) offsets(%dma_start3A_12 : memref<32xi32, #tpu.memory_space<vmem>>) semaphore(%arg9 : memref<!tpu.dma_semaphore, #tpu.memory_space<semaphore_mem>>)
    %dma_start3A_16 = arith.constant 32 : i32
    %dma_start3A_17 = tpu.memref_slice %arg6[%dma_start3A_16] : memref<1600xi32, #tpu.memory_space<vmem>> -> memref<32xi32, #tpu.memory_space<vmem>>
    %dma_start3A_18 = arith.constant 0 : i32
    %dma_start3A_19 = arith.constant 0 : i32
    %dma_start3A_20 = tpu.memref_slice %arg5[%dma_start3A_18, %dma_start3A_19] : memref<1000x1000xf32, #tpu.memory_space<vmem_shared>> -> memref<1000x1000xf32, #tpu.memory_space<vmem_shared>>
    tpu.enqueue_indirect_dma source(%dma_start3A_20 : memref<1000x1000xf32, #tpu.memory_space<vmem_shared>>) target(%arg8 : memref<32x1000xf32, #tpu.memory_space<vmem>>) offsets(%dma_start3A_17 : memref<32xi32, #tpu.memory_space<vmem>>) semaphore(%arg10 : memref<!tpu.dma_semaphore, #tpu.memory_space<semaphore_mem>>)
    %scan3A_21 = arith.constant 0 : i32
    %scan3A_22 = arith.constant 0 : i32
    %scan3A_23 = arith.constant 11 : i32
    %scan3A_24 = arith.addi %scan3A_22, %scan3A_23 : i32
    %scan3A_25 = arith.constant 1 : i32
    scf.for %scan3A_68 = %scan3A_22 to %scan3A_24 step %scan3A_25  : i32 {
      %mul3A_69 = arith.constant 2 : i32
      %mul3A_70 = arith.muli %mul3A_69, %scan3A_68 : i32
      %dma_wait3A_71 = arith.constant 0 : i32
      %dma_wait3A_72 = tpu.memref_slice %arg6[%dma_wait3A_71] : memref<1600xi32, #tpu.memory_space<vmem>> -> memref<32xi32, #tpu.memory_space<vmem>>
      %dma_wait3A_73 = arith.constant 0 : i32
      %dma_wait3A_74 = arith.constant 0 : i32
      %dma_wait3A_75 = tpu.memref_slice %arg5[%dma_wait3A_73, %dma_wait3A_74] : memref<1000x1000xf32, #tpu.memory_space<vmem_shared>> -> memref<1000x1000xf32, #tpu.memory_space<vmem_shared>>
      tpu.wait_indirect_dma semaphore(%arg9 : memref<!tpu.dma_semaphore, #tpu.memory_space<semaphore_mem>>) src(%dma_wait3A_75 : memref<1000x1000xf32, #tpu.memory_space<vmem_shared>>) dst(%arg7 : memref<32x1000xf32, #tpu.memory_space<vmem>>)
      %mul3A_76 = arith.constant 32 : i32
      %mul3A_77 = arith.muli %mul3A_70, %mul3A_76 : i32
      %add3A_78 = arith.addi %mul3A_2, %mul3A_77 : i32
      %dma_start3A_79 = arith.constant 0 : i32
      %dma_start3A_80 = tpu.memref_slice %arg4[%add3A_78, %dma_start3A_79] : memref<51200x1000xf32, #tpu.memory_space<hbm>> -> memref<32x1000xf32, #tpu.memory_space<hbm>>
      %dma_start3A_81 = arith.constant 0 : i32
      %dma_start3A_82 = tpu.memref_slice %arg4[%add3A_78, %dma_start3A_81] : memref<51200x1000xf32, #tpu.memory_space<hbm>> -> memref<32x1000xf32, #tpu.memory_space<hbm>>
      tpu.enqueue_dma source(%arg7 : memref<32x1000xf32, #tpu.memory_space<vmem>>) target(%dma_start3A_82 : memref<32x1000xf32, #tpu.memory_space<hbm>>) target_semaphore(%arg11 : memref<!tpu.dma_semaphore, #tpu.memory_space<semaphore_mem>>)
      %dma_wait3A_83 = arith.constant 0 : i32
      %dma_wait3A_84 = tpu.memref_slice %arg6[%dma_wait3A_83] : memref<1600xi32, #tpu.memory_space<vmem>> -> memref<32xi32, #tpu.memory_space<vmem>>
      %dma_wait3A_85 = arith.constant 0 : i32
      %dma_wait3A_86 = arith.constant 0 : i32
      %dma_wait3A_87 = tpu.memref_slice %arg5[%dma_wait3A_85, %dma_wait3A_86] : memref<1000x1000xf32, #tpu.memory_space<vmem_shared>> -> memref<1000x1000xf32, #tpu.memory_space<vmem_shared>>
      tpu.wait_indirect_dma semaphore(%arg10 : memref<!tpu.dma_semaphore, #tpu.memory_space<semaphore_mem>>) src(%dma_wait3A_87 : memref<1000x1000xf32, #tpu.memory_space<vmem_shared>>) dst(%arg8 : memref<32x1000xf32, #tpu.memory_space<vmem>>)
      %add3A_88 = arith.constant 1 : i32
      %add3A_89 = arith.addi %mul3A_70, %add3A_88 : i32
      %mul3A_90 = arith.constant 32 : i32
      %mul3A_91 = arith.muli %add3A_89, %mul3A_90 : i32
      %add3A_92 = arith.addi %mul3A_2, %mul3A_91 : i32
      %dma_start3A_93 = arith.constant 0 : i32
      %dma_start3A_94 = tpu.memref_slice %arg4[%add3A_92, %dma_start3A_93] : memref<51200x1000xf32, #tpu.memory_space<hbm>> -> memref<32x1000xf32, #tpu.memory_space<hbm>>
      %dma_start3A_95 = arith.constant 0 : i32
      %dma_start3A_96 = tpu.memref_slice %arg4[%add3A_92, %dma_start3A_95] : memref<51200x1000xf32, #tpu.memory_space<hbm>> -> memref<32x1000xf32, #tpu.memory_space<hbm>>
      tpu.enqueue_dma source(%arg8 : memref<32x1000xf32, #tpu.memory_space<vmem>>) target(%dma_start3A_96 : memref<32x1000xf32, #tpu.memory_space<hbm>>) target_semaphore(%arg12 : memref<!tpu.dma_semaphore, #tpu.memory_space<semaphore_mem>>)
      %dma_wait3A_97 = arith.constant 0 : i32
      %dma_wait3A_98 = tpu.memref_slice %arg4[%mul3A_2, %dma_wait3A_97] : memref<51200x1000xf32, #tpu.memory_space<hbm>> -> memref<32x1000xf32, #tpu.memory_space<hbm>>
      %dma_wait3A_99 = arith.constant 0 : i32
      %dma_wait3A_100 = tpu.memref_slice %arg4[%mul3A_2, %dma_wait3A_99] : memref<51200x1000xf32, #tpu.memory_space<hbm>> -> memref<32x1000xf32, #tpu.memory_space<hbm>>
      tpu.wait_dma2 semaphore(%arg11 : memref<!tpu.dma_semaphore, #tpu.memory_space<semaphore_mem>>) src(%arg7 : memref<32x1000xf32, #tpu.memory_space<vmem>>) dst(%dma_wait3A_100 : memref<32x1000xf32, #tpu.memory_space<hbm>>)
      %add3A_101 = arith.constant 2 : i32
      %add3A_102 = arith.addi %mul3A_70, %add3A_101 : i32
      %mul3A_103 = arith.constant 32 : i32
      %mul3A_104 = arith.muli %add3A_102, %mul3A_103 : i32
      %dma_start3A_105 = tpu.memref_slice %arg6[%mul3A_104] : memref<1600xi32, #tpu.memory_space<vmem>> -> memref<32xi32, #tpu.memory_space<vmem>>
      %dma_start3A_106 = arith.constant 0 : i32
      %dma_start3A_107 = arith.constant 0 : i32
      %dma_start3A_108 = tpu.memref_slice %arg5[%dma_start3A_106, %dma_start3A_107] : memref<1000x1000xf32, #tpu.memory_space<vmem_shared>> -> memref<1000x1000xf32, #tpu.memory_space<vmem_shared>>
      tpu.enqueue_indirect_dma source(%dma_start3A_108 : memref<1000x1000xf32, #tpu.memory_space<vmem_shared>>) target(%arg7 : memref<32x1000xf32, #tpu.memory_space<vmem>>) offsets(%dma_start3A_105 : memref<32xi32, #tpu.memory_space<vmem>>) semaphore(%arg9 : memref<!tpu.dma_semaphore, #tpu.memory_space<semaphore_mem>>)
      %dma_wait3A_109 = arith.constant 0 : i32
      %dma_wait3A_110 = tpu.memref_slice %arg4[%mul3A_2, %dma_wait3A_109] : memref<51200x1000xf32, #tpu.memory_space<hbm>> -> memref<32x1000xf32, #tpu.memory_space<hbm>>
      %dma_wait3A_111 = arith.constant 0 : i32
      %dma_wait3A_112 = tpu.memref_slice %arg4[%mul3A_2, %dma_wait3A_111] : memref<51200x1000xf32, #tpu.memory_space<hbm>> -> memref<32x1000xf32, #tpu.memory_space<hbm>>
      tpu.wait_dma2 semaphore(%arg12 : memref<!tpu.dma_semaphore, #tpu.memory_space<semaphore_mem>>) src(%arg8 : memref<32x1000xf32, #tpu.memory_space<vmem>>) dst(%dma_wait3A_112 : memref<32x1000xf32, #tpu.memory_space<hbm>>)
      %add3A_113 = arith.constant 3 : i32
      %add3A_114 = arith.addi %mul3A_70, %add3A_113 : i32
      %mul3A_115 = arith.constant 32 : i32
      %mul3A_116 = arith.muli %add3A_114, %mul3A_115 : i32
      %dma_start3A_117 = tpu.memref_slice %arg6[%mul3A_116] : memref<1600xi32, #tpu.memory_space<vmem>> -> memref<32xi32, #tpu.memory_space<vmem>>
      %dma_start3A_118 = arith.constant 0 : i32
      %dma_start3A_119 = arith.constant 0 : i32
      %dma_start3A_120 = tpu.memref_slice %arg5[%dma_start3A_118, %dma_start3A_119] : memref<1000x1000xf32, #tpu.memory_space<vmem_shared>> -> memref<1000x1000xf32, #tpu.memory_space<vmem_shared>>
      tpu.enqueue_indirect_dma source(%dma_start3A_120 : memref<1000x1000xf32, #tpu.memory_space<vmem_shared>>) target(%arg8 : memref<32x1000xf32, #tpu.memory_space<vmem>>) offsets(%dma_start3A_117 : memref<32xi32, #tpu.memory_space<vmem>>) semaphore(%arg10 : memref<!tpu.dma_semaphore, #tpu.memory_space<semaphore_mem>>)
      %dma_wait3A_121 = arith.constant 0 : i32
      %dma_wait3A_122 = arith.constant 0 : i32
      %dma_wait3A_123 = arith.constant 0 : i32
      %dma_wait3A_124 = tpu.memref_slice %arg4[%dma_wait3A_122, %dma_wait3A_123] : memref<51200x1000xf32, #tpu.memory_space<hbm>> -> memref<1x1000xf32, #tpu.memory_space<hbm>>
      %dma_wait3A_125 = tpu.memref_squeeze %dma_wait3A_124 : memref<1x1000xf32, #tpu.memory_space<hbm>> -> memref<1000xf32, #tpu.memory_space<hbm>>
      %dma_wait3A_126 = arith.constant 0 : i32
      %dma_wait3A_127 = tpu.memref_slice %arg5[%dma_wait3A_121, %dma_wait3A_126] : memref<1000x1000xf32, #tpu.memory_space<vmem_shared>> -> memref<1x1000xf32, #tpu.memory_space<vmem_shared>>
      %dma_wait3A_128 = tpu.memref_squeeze %dma_wait3A_127 : memref<1x1000xf32, #tpu.memory_space<vmem_shared>> -> memref<1000xf32, #tpu.memory_space<vmem_shared>>
      tpu.wait_dma2 semaphore(%arg13 : memref<!tpu.dma_semaphore, #tpu.memory_space<semaphore_mem>>) src(%dma_wait3A_128 : memref<1000xf32, #tpu.memory_space<vmem_shared>>) dst(%dma_wait3A_125 : memref<1000xf32, #tpu.memory_space<hbm>>)
      %dma_wait3A_129 = arith.constant 0 : i32
      %dma_wait3A_130 = arith.constant 0 : i32
      %dma_wait3A_131 = arith.constant 0 : i32
      %dma_wait3A_132 = tpu.memref_slice %arg4[%dma_wait3A_130, %dma_wait3A_131] : memref<51200x1000xf32, #tpu.memory_space<hbm>> -> memref<1x1000xf32, #tpu.memory_space<hbm>>
      %dma_wait3A_133 = tpu.memref_squeeze %dma_wait3A_132 : memref<1x1000xf32, #tpu.memory_space<hbm>> -> memref<1000xf32, #tpu.memory_space<hbm>>
      %dma_wait3A_134 = arith.constant 0 : i32
      %dma_wait3A_135 = tpu.memref_slice %arg5[%dma_wait3A_129, %dma_wait3A_134] : memref<1000x1000xf32, #tpu.memory_space<vmem_shared>> -> memref<1x1000xf32, #tpu.memory_space<vmem_shared>>
      %dma_wait3A_136 = tpu.memref_squeeze %dma_wait3A_135 : memref<1x1000xf32, #tpu.memory_space<vmem_shared>> -> memref<1000xf32, #tpu.memory_space<vmem_shared>>
      tpu.wait_dma2 semaphore(%arg13 : memref<!tpu.dma_semaphore, #tpu.memory_space<semaphore_mem>>) src(%dma_wait3A_136 : memref<1000xf32, #tpu.memory_space<vmem_shared>>) dst(%dma_wait3A_133 : memref<1000xf32, #tpu.memory_space<hbm>>)
      %dma_wait3A_137 = arith.constant 0 : i32
      %dma_wait3A_138 = arith.constant 0 : i32
      %dma_wait3A_139 = arith.constant 0 : i32
      %dma_wait3A_140 = tpu.memref_slice %arg4[%dma_wait3A_138, %dma_wait3A_139] : memref<51200x1000xf32, #tpu.memory_space<hbm>> -> memref<1x1000xf32, #tpu.memory_space<hbm>>
      %dma_wait3A_141 = tpu.memref_squeeze %dma_wait3A_140 : memref<1x1000xf32, #tpu.memory_space<hbm>> -> memref<1000xf32, #tpu.memory_space<hbm>>
      %dma_wait3A_142 = arith.constant 0 : i32
      %dma_wait3A_143 = tpu.memref_slice %arg5[%dma_wait3A_137, %dma_wait3A_142] : memref<1000x1000xf32, #tpu.memory_space<vmem_shared>> -> memref<1x1000xf32, #tpu.memory_space<vmem_shared>>
      %dma_wait3A_144 = tpu.memref_squeeze %dma_wait3A_143 : memref<1x1000xf32, #tpu.memory_space<vmem_shared>> -> memref<1000xf32, #tpu.memory_space<vmem_shared>>
      tpu.wait_dma2 semaphore(%arg13 : memref<!tpu.dma_semaphore, #tpu.memory_space<semaphore_mem>>) src(%dma_wait3A_144 : memref<1000xf32, #tpu.memory_space<vmem_shared>>) dst(%dma_wait3A_141 : memref<1000xf32, #tpu.memory_space<hbm>>)
      %dma_wait3A_145 = arith.constant 0 : i32
      %dma_wait3A_146 = arith.constant 0 : i32
      %dma_wait3A_147 = arith.constant 0 : i32
      %dma_wait3A_148 = tpu.memref_slice %arg4[%dma_wait3A_146, %dma_wait3A_147] : memref<51200x1000xf32, #tpu.memory_space<hbm>> -> memref<1x1000xf32, #tpu.memory_space<hbm>>
      %dma_wait3A_149 = tpu.memref_squeeze %dma_wait3A_148 : memref<1x1000xf32, #tpu.memory_space<hbm>> -> memref<1000xf32, #tpu.memory_space<hbm>>
      %dma_wait3A_150 = arith.constant 0 : i32
      %dma_wait3A_151 = tpu.memref_slice %arg5[%dma_wait3A_145, %dma_wait3A_150] : memref<1000x1000xf32, #tpu.memory_space<vmem_shared>> -> memref<1x1000xf32, #tpu.memory_space<vmem_shared>>
      %dma_wait3A_152 = tpu.memref_squeeze %dma_wait3A_151 : memref<1x1000xf32, #tpu.memory_space<vmem_shared>> -> memref<1000xf32, #tpu.memory_space<vmem_shared>>
      tpu.wait_dma2 semaphore(%arg13 : memref<!tpu.dma_semaphore, #tpu.memory_space<semaphore_mem>>) src(%dma_wait3A_152 : memref<1000xf32, #tpu.memory_space<vmem_shared>>) dst(%dma_wait3A_149 : memref<1000xf32, #tpu.memory_space<hbm>>)
      %dma_wait3A_153 = arith.constant 0 : i32
      %dma_wait3A_154 = arith.constant 0 : i32
      %dma_wait3A_155 = arith.constant 0 : i32
      %dma_wait3A_156 = tpu.memref_slice %arg4[%dma_wait3A_154, %dma_wait3A_155] : memref<51200x1000xf32, #tpu.memory_space<hbm>> -> memref<1x1000xf32, #tpu.memory_space<hbm>>
      %dma_wait3A_157 = tpu.memref_squeeze %dma_wait3A_156 : memref<1x1000xf32, #tpu.memory_space<hbm>> -> memref<1000xf32, #tpu.memory_space<hbm>>
      %dma_wait3A_158 = arith.constant 0 : i32
      %dma_wait3A_159 = tpu.memref_slice %arg5[%dma_wait3A_153, %dma_wait3A_158] : memref<1000x1000xf32, #tpu.memory_space<vmem_shared>> -> memref<1x1000xf32, #tpu.memory_space<vmem_shared>>
      %dma_wait3A_160 = tpu.memref_squeeze %dma_wait3A_159 : memref<1x1000xf32, #tpu.memory_space<vmem_shared>> -> memref<1000xf32, #tpu.memory_space<vmem_shared>>
      tpu.wait_dma2 semaphore(%arg13 : memref<!tpu.dma_semaphore, #tpu.memory_space<semaphore_mem>>) src(%dma_wait3A_160 : memref<1000xf32, #tpu.memory_space<vmem_shared>>) dst(%dma_wait3A_157 : memref<1000xf32, #tpu.memory_space<hbm>>)
      %dma_wait3A_161 = arith.constant 0 : i32
      %dma_wait3A_162 = arith.constant 0 : i32
      %dma_wait3A_163 = arith.constant 0 : i32
      %dma_wait3A_164 = tpu.memref_slice %arg4[%dma_wait3A_162, %dma_wait3A_163] : memref<51200x1000xf32, #tpu.memory_space<hbm>> -> memref<1x1000xf32, #tpu.memory_space<hbm>>
      %dma_wait3A_165 = tpu.memref_squeeze %dma_wait3A_164 : memref<1x1000xf32, #tpu.memory_space<hbm>> -> memref<1000xf32, #tpu.memory_space<hbm>>
      %dma_wait3A_166 = arith.constant 0 : i32
      %dma_wait3A_167 = tpu.memref_slice %arg5[%dma_wait3A_161, %dma_wait3A_166] : memref<1000x1000xf32, #tpu.memory_space<vmem_shared>> -> memref<1x1000xf32, #tpu.memory_space<vmem_shared>>
      %dma_wait3A_168 = tpu.memref_squeeze %dma_wait3A_167 : memref<1x1000xf32, #tpu.memory_space<vmem_shared>> -> memref<1000xf32, #tpu.memory_space<vmem_shared>>
      tpu.wait_dma2 semaphore(%arg13 : memref<!tpu.dma_semaphore, #tpu.memory_space<semaphore_mem>>) src(%dma_wait3A_168 : memref<1000xf32, #tpu.memory_space<vmem_shared>>) dst(%dma_wait3A_165 : memref<1000xf32, #tpu.memory_space<hbm>>)
      %dma_wait3A_169 = arith.constant 0 : i32
      %dma_wait3A_170 = arith.constant 0 : i32
      %dma_wait3A_171 = arith.constant 0 : i32
      %dma_wait3A_172 = tpu.memref_slice %arg4[%dma_wait3A_170, %dma_wait3A_171] : memref<51200x1000xf32, #tpu.memory_space<hbm>> -> memref<1x1000xf32, #tpu.memory_space<hbm>>
      %dma_wait3A_173 = tpu.memref_squeeze %dma_wait3A_172 : memref<1x1000xf32, #tpu.memory_space<hbm>> -> memref<1000xf32, #tpu.memory_space<hbm>>
      %dma_wait3A_174 = arith.constant 0 : i32
      %dma_wait3A_175 = tpu.memref_slice %arg5[%dma_wait3A_169, %dma_wait3A_174] : memref<1000x1000xf32, #tpu.memory_space<vmem_shared>> -> memref<1x1000xf32, #tpu.memory_space<vmem_shared>>
      %dma_wait3A_176 = tpu.memref_squeeze %dma_wait3A_175 : memref<1x1000xf32, #tpu.memory_space<vmem_shared>> -> memref<1000xf32, #tpu.memory_space<vmem_shared>>
      tpu.wait_dma2 semaphore(%arg13 : memref<!tpu.dma_semaphore, #tpu.memory_space<semaphore_mem>>) src(%dma_wait3A_176 : memref<1000xf32, #tpu.memory_space<vmem_shared>>) dst(%dma_wait3A_173 : memref<1000xf32, #tpu.memory_space<hbm>>)
      %dma_wait3A_177 = arith.constant 0 : i32
      %dma_wait3A_178 = arith.constant 0 : i32
      %dma_wait3A_179 = arith.constant 0 : i32
      %dma_wait3A_180 = tpu.memref_slice %arg4[%dma_wait3A_178, %dma_wait3A_179] : memref<51200x1000xf32, #tpu.memory_space<hbm>> -> memref<1x1000xf32, #tpu.memory_space<hbm>>
      %dma_wait3A_181 = tpu.memref_squeeze %dma_wait3A_180 : memref<1x1000xf32, #tpu.memory_space<hbm>> -> memref<1000xf32, #tpu.memory_space<hbm>>
      %dma_wait3A_182 = arith.constant 0 : i32
      %dma_wait3A_183 = tpu.memref_slice %arg5[%dma_wait3A_177, %dma_wait3A_182] : memref<1000x1000xf32, #tpu.memory_space<vmem_shared>> -> memref<1x1000xf32, #tpu.memory_space<vmem_shared>>
      %dma_wait3A_184 = tpu.memref_squeeze %dma_wait3A_183 : memref<1x1000xf32, #tpu.memory_space<vmem_shared>> -> memref<1000xf32, #tpu.memory_space<vmem_shared>>
      tpu.wait_dma2 semaphore(%arg13 : memref<!tpu.dma_semaphore, #tpu.memory_space<semaphore_mem>>) src(%dma_wait3A_184 : memref<1000xf32, #tpu.memory_space<vmem_shared>>) dst(%dma_wait3A_181 : memref<1000xf32, #tpu.memory_space<hbm>>)
      %dma_wait3A_185 = arith.constant 0 : i32
      %dma_wait3A_186 = arith.constant 0 : i32
      %dma_wait3A_187 = arith.constant 0 : i32
      %dma_wait3A_188 = tpu.memref_slice %arg4[%dma_wait3A_186, %dma_wait3A_187] : memref<51200x1000xf32, #tpu.memory_space<hbm>> -> memref<1x1000xf32, #tpu.memory_space<hbm>>
      %dma_wait3A_189 = tpu.memref_squeeze %dma_wait3A_188 : memref<1x1000xf32, #tpu.memory_space<hbm>> -> memref<1000xf32, #tpu.memory_space<hbm>>
      %dma_wait3A_190 = arith.constant 0 : i32
      %dma_wait3A_191 = tpu.memref_slice %arg5[%dma_wait3A_185, %dma_wait3A_190] : memref<1000x1000xf32, #tpu.memory_space<vmem_shared>> -> memref<1x1000xf32, #tpu.memory_space<vmem_shared>>
      %dma_wait3A_192 = tpu.memref_squeeze %dma_wait3A_191 : memref<1x1000xf32, #tpu.memory_space<vmem_shared>> -> memref<1000xf32, #tpu.memory_space<vmem_shared>>
      tpu.wait_dma2 semaphore(%arg13 : memref<!tpu.dma_semaphore, #tpu.memory_space<semaphore_mem>>) src(%dma_wait3A_192 : memref<1000xf32, #tpu.memory_space<vmem_shared>>) dst(%dma_wait3A_189 : memref<1000xf32, #tpu.memory_space<hbm>>)
      %dma_wait3A_193 = arith.constant 0 : i32
      %dma_wait3A_194 = arith.constant 0 : i32
      %dma_wait3A_195 = arith.constant 0 : i32
      %dma_wait3A_196 = tpu.memref_slice %arg4[%dma_wait3A_194, %dma_wait3A_195] : memref<51200x1000xf32, #tpu.memory_space<hbm>> -> memref<1x1000xf32, #tpu.memory_space<hbm>>
      %dma_wait3A_197 = tpu.memref_squeeze %dma_wait3A_196 : memref<1x1000xf32, #tpu.memory_space<hbm>> -> memref<1000xf32, #tpu.memory_space<hbm>>
      %dma_wait3A_198 = arith.constant 0 : i32
      %dma_wait3A_199 = tpu.memref_slice %arg5[%dma_wait3A_193, %dma_wait3A_198] : memref<1000x1000xf32, #tpu.memory_space<vmem_shared>> -> memref<1x1000xf32, #tpu.memory_space<vmem_shared>>
      %dma_wait3A_200 = tpu.memref_squeeze %dma_wait3A_199 : memref<1x1000xf32, #tpu.memory_space<vmem_shared>> -> memref<1000xf32, #tpu.memory_space<vmem_shared>>
      tpu.wait_dma2 semaphore(%arg13 : memref<!tpu.dma_semaphore, #tpu.memory_space<semaphore_mem>>) src(%dma_wait3A_200 : memref<1000xf32, #tpu.memory_space<vmem_shared>>) dst(%dma_wait3A_197 : memref<1000xf32, #tpu.memory_space<hbm>>)
      %dma_wait3A_201 = arith.constant 0 : i32
      %dma_wait3A_202 = arith.constant 0 : i32
      %dma_wait3A_203 = arith.constant 0 : i32
      %dma_wait3A_204 = tpu.memref_slice %arg4[%dma_wait3A_202, %dma_wait3A_203] : memref<51200x1000xf32, #tpu.memory_space<hbm>> -> memref<1x1000xf32, #tpu.memory_space<hbm>>
      %dma_wait3A_205 = tpu.memref_squeeze %dma_wait3A_204 : memref<1x1000xf32, #tpu.memory_space<hbm>> -> memref<1000xf32, #tpu.memory_space<hbm>>
      %dma_wait3A_206 = arith.constant 0 : i32
      %dma_wait3A_207 = tpu.memref_slice %arg5[%dma_wait3A_201, %dma_wait3A_206] : memref<1000x1000xf32, #tpu.memory_space<vmem_shared>> -> memref<1x1000xf32, #tpu.memory_space<vmem_shared>>
      %dma_wait3A_208 = tpu.memref_squeeze %dma_wait3A_207 : memref<1x1000xf32, #tpu.memory_space<vmem_shared>> -> memref<1000xf32, #tpu.memory_space<vmem_shared>>
      tpu.wait_dma2 semaphore(%arg13 : memref<!tpu.dma_semaphore, #tpu.memory_space<semaphore_mem>>) src(%dma_wait3A_208 : memref<1000xf32, #tpu.memory_space<vmem_shared>>) dst(%dma_wait3A_205 : memref<1000xf32, #tpu.memory_space<hbm>>)
      %dma_wait3A_209 = arith.constant 0 : i32
      %dma_wait3A_210 = arith.constant 0 : i32
      %dma_wait3A_211 = arith.constant 0 : i32
      %dma_wait3A_212 = tpu.memref_slice %arg4[%dma_wait3A_210, %dma_wait3A_211] : memref<51200x1000xf32, #tpu.memory_space<hbm>> -> memref<1x1000xf32, #tpu.memory_space<hbm>>
      %dma_wait3A_213 = tpu.memref_squeeze %dma_wait3A_212 : memref<1x1000xf32, #tpu.memory_space<hbm>> -> memref<1000xf32, #tpu.memory_space<hbm>>
      %dma_wait3A_214 = arith.constant 0 : i32
      %dma_wait3A_215 = tpu.memref_slice %arg5[%dma_wait3A_209, %dma_wait3A_214] : memref<1000x1000xf32, #tpu.memory_space<vmem_shared>> -> memref<1x1000xf32, #tpu.memory_space<vmem_shared>>
      %dma_wait3A_216 = tpu.memref_squeeze %dma_wait3A_215 : memref<1x1000xf32, #tpu.memory_space<vmem_shared>> -> memref<1000xf32, #tpu.memory_space<vmem_shared>>
      tpu.wait_dma2 semaphore(%arg13 : memref<!tpu.dma_semaphore, #tpu.memory_space<semaphore_mem>>) src(%dma_wait3A_216 : memref<1000xf32, #tpu.memory_space<vmem_shared>>) dst(%dma_wait3A_213 : memref<1000xf32, #tpu.memory_space<hbm>>)
      %dma_wait3A_217 = arith.constant 0 : i32
      %dma_wait3A_218 = arith.constant 0 : i32
      %dma_wait3A_219 = arith.constant 0 : i32
      %dma_wait3A_220 = tpu.memref_slice %arg4[%dma_wait3A_218, %dma_wait3A_219] : memref<51200x1000xf32, #tpu.memory_space<hbm>> -> memref<1x1000xf32, #tpu.memory_space<hbm>>
      %dma_wait3A_221 = tpu.memref_squeeze %dma_wait3A_220 : memref<1x1000xf32, #tpu.memory_space<hbm>> -> memref<1000xf32, #tpu.memory_space<hbm>>
      %dma_wait3A_222 = arith.constant 0 : i32
      %dma_wait3A_223 = tpu.memref_slice %arg5[%dma_wait3A_217, %dma_wait3A_222] : memref<1000x1000xf32, #tpu.memory_space<vmem_shared>> -> memref<1x1000xf32, #tpu.memory_space<vmem_shared>>
      %dma_wait3A_224 = tpu.memref_squeeze %dma_wait3A_223 : memref<1x1000xf32, #tpu.memory_space<vmem_shared>> -> memref<1000xf32, #tpu.memory_space<vmem_shared>>
      tpu.wait_dma2 semaphore(%arg13 : memref<!tpu.dma_semaphore, #tpu.memory_space<semaphore_mem>>) src(%dma_wait3A_224 : memref<1000xf32, #tpu.memory_space<vmem_shared>>) dst(%dma_wait3A_221 : memref<1000xf32, #tpu.memory_space<hbm>>)
      %dma_wait3A_225 = arith.constant 0 : i32
      %dma_wait3A_226 = arith.constant 0 : i32
      %dma_wait3A_227 = arith.constant 0 : i32
      %dma_wait3A_228 = tpu.memref_slice %arg4[%dma_wait3A_226, %dma_wait3A_227] : memref<51200x1000xf32, #tpu.memory_space<hbm>> -> memref<1x1000xf32, #tpu.memory_space<hbm>>
      %dma_wait3A_229 = tpu.memref_squeeze %dma_wait3A_228 : memref<1x1000xf32, #tpu.memory_space<hbm>> -> memref<1000xf32, #tpu.memory_space<hbm>>
      %dma_wait3A_230 = arith.constant 0 : i32
      %dma_wait3A_231 = tpu.memref_slice %arg5[%dma_wait3A_225, %dma_wait3A_230] : memref<1000x1000xf32, #tpu.memory_space<vmem_shared>> -> memref<1x1000xf32, #tpu.memory_space<vmem_shared>>
      %dma_wait3A_232 = tpu.memref_squeeze %dma_wait3A_231 : memref<1x1000xf32, #tpu.memory_space<vmem_shared>> -> memref<1000xf32, #tpu.memory_space<vmem_shared>>
      tpu.wait_dma2 semaphore(%arg13 : memref<!tpu.dma_semaphore, #tpu.memory_space<semaphore_mem>>) src(%dma_wait3A_232 : memref<1000xf32, #tpu.memory_space<vmem_shared>>) dst(%dma_wait3A_229 : memref<1000xf32, #tpu.memory_space<hbm>>)
      %dma_wait3A_233 = arith.constant 0 : i32
      %dma_wait3A_234 = arith.constant 0 : i32
      %dma_wait3A_235 = arith.constant 0 : i32
      %dma_wait3A_236 = tpu.memref_slice %arg4[%dma_wait3A_234, %dma_wait3A_235] : memref<51200x1000xf32, #tpu.memory_space<hbm>> -> memref<1x1000xf32, #tpu.memory_space<hbm>>
      %dma_wait3A_237 = tpu.memref_squeeze %dma_wait3A_236 : memref<1x1000xf32, #tpu.memory_space<hbm>> -> memref<1000xf32, #tpu.memory_space<hbm>>
      %dma_wait3A_238 = arith.constant 0 : i32
      %dma_wait3A_239 = tpu.memref_slice %arg5[%dma_wait3A_233, %dma_wait3A_238] : memref<1000x1000xf32, #tpu.memory_space<vmem_shared>> -> memref<1x1000xf32, #tpu.memory_space<vmem_shared>>
      %dma_wait3A_240 = tpu.memref_squeeze %dma_wait3A_239 : memref<1x1000xf32, #tpu.memory_space<vmem_shared>> -> memref<1000xf32, #tpu.memory_space<vmem_shared>>
      tpu.wait_dma2 semaphore(%arg13 : memref<!tpu.dma_semaphore, #tpu.memory_space<semaphore_mem>>) src(%dma_wait3A_240 : memref<1000xf32, #tpu.memory_space<vmem_shared>>) dst(%dma_wait3A_237 : memref<1000xf32, #tpu.memory_space<hbm>>)
      %dma_wait3A_241 = arith.constant 0 : i32
      %dma_wait3A_242 = arith.constant 0 : i32
      %dma_wait3A_243 = arith.constant 0 : i32
      %dma_wait3A_244 = tpu.memref_slice %arg4[%dma_wait3A_242, %dma_wait3A_243] : memref<51200x1000xf32, #tpu.memory_space<hbm>> -> memref<1x1000xf32, #tpu.memory_space<hbm>>
      %dma_wait3A_245 = tpu.memref_squeeze %dma_wait3A_244 : memref<1x1000xf32, #tpu.memory_space<hbm>> -> memref<1000xf32, #tpu.memory_space<hbm>>
      %dma_wait3A_246 = arith.constant 0 : i32
      %dma_wait3A_247 = tpu.memref_slice %arg5[%dma_wait3A_241, %dma_wait3A_246] : memref<1000x1000xf32, #tpu.memory_space<vmem_shared>> -> memref<1x1000xf32, #tpu.memory_space<vmem_shared>>
      %dma_wait3A_248 = tpu.memref_squeeze %dma_wait3A_247 : memref<1x1000xf32, #tpu.memory_space<vmem_shared>> -> memref<1000xf32, #tpu.memory_space<vmem_shared>>
      tpu.wait_dma2 semaphore(%arg13 : memref<!tpu.dma_semaphore, #tpu.memory_space<semaphore_mem>>) src(%dma_wait3A_248 : memref<1000xf32, #tpu.memory_space<vmem_shared>>) dst(%dma_wait3A_245 : memref<1000xf32, #tpu.memory_space<hbm>>)
      %mul3A_249 = arith.constant 3 : i32
      %mul3A_250 = arith.muli %mul3A_249, %scan3A_68 : i32
      %add3A_251 = arith.constant 16 : i32
      %add3A_252 = arith.addi %add3A_251, %mul3A_250 : i32
      %add3A_253 = arith.constant 0 : i32
      %add3A_254 = arith.addi %add3A_252, %add3A_253 : i32
      %mul3A_255 = arith.constant 16 : i32
      %mul3A_256 = arith.muli %add3A_254, %mul3A_255 : i32
      %add3A_257 = arith.constant 768 : i32
      %add3A_258 = arith.addi %add3A_257, %mul3A_256 : i32
      %get3A = arith.index_cast %add3A_258 : i32 to index
      %get3A_259 = tpu.vector_load %arg6[%get3A] {strides = array<i32>} : memref<1600xi32, #tpu.memory_space<vmem>>, vector<16xi32>,
      %get3A_260 = vector.shape_cast %get3A_259 : vector<16xi32> to vector<16xi32>
      %slice3A = vector.extract_strided_slice %get3A_260 {offsets = [0], sizes = [1], strides = [1]} : vector<16xi32> to vector<1xi32>
      %squeeze3A = vector.extract %slice3A[0] : i32 from vector<1xi32>
      %add3A_261 = arith.constant 768 : i32
      %add3A_262 = arith.addi %mul3A_2, %add3A_261 : i32
      %mul3A_263 = arith.constant 16 : i32
      %mul3A_264 = arith.muli %add3A_254, %mul3A_263 : i32
      %add3A_265 = arith.addi %add3A_262, %mul3A_264 : i32
      %add3A_266 = arith.constant 0 : i32
      %add3A_267 = arith.addi %add3A_265, %add3A_266 : i32
      %dma_start3A_268 = arith.constant 0 : i32
      %dma_start3A_269 = tpu.memref_slice %arg4[%add3A_267, %dma_start3A_268] : memref<51200x1000xf32, #tpu.memory_space<hbm>> -> memref<1x1000xf32, #tpu.memory_space<hbm>>
      %dma_start3A_270 = tpu.memref_squeeze %dma_start3A_269 : memref<1x1000xf32, #tpu.memory_space<hbm>> -> memref<1000xf32, #tpu.memory_space<hbm>>
      %dma_start3A_271 = arith.constant 0 : i32
      %dma_start3A_272 = tpu.memref_slice %arg5[%squeeze3A, %dma_start3A_271] : memref<1000x1000xf32, #tpu.memory_space<vmem_shared>> -> memref<1x1000xf32, #tpu.memory_space<vmem_shared>>
      %dma_start3A_273 = tpu.memref_squeeze %dma_start3A_272 : memref<1x1000xf32, #tpu.memory_space<vmem_shared>> -> memref<1000xf32, #tpu.memory_space<vmem_shared>>
      tpu.enqueue_dma source(%dma_start3A_273 : memref<1000xf32, #tpu.memory_space<vmem_shared>>) target(%dma_start3A_270 : memref<1000xf32, #tpu.memory_space<hbm>>) target_semaphore(%arg13 : memref<!tpu.dma_semaphore, #tpu.memory_space<semaphore_mem>>)
      %slice3A_274 = vector.extract_strided_slice %get3A_260 {offsets = [1], sizes = [1], strides = [1]} : vector<16xi32> to vector<1xi32>
      %squeeze3A_275 = vector.extract %slice3A_274[0] : i32 from vector<1xi32>
      %add3A_276 = arith.constant 768 : i32
      %add3A_277 = arith.addi %mul3A_2, %add3A_276 : i32
      %mul3A_278 = arith.constant 16 : i32
      %mul3A_279 = arith.muli %add3A_254, %mul3A_278 : i32
      %add3A_280 = arith.addi %add3A_277, %mul3A_279 : i32
      %add3A_281 = arith.constant 1 : i32
      %add3A_282 = arith.addi %add3A_280, %add3A_281 : i32
      %dma_start3A_283 = arith.constant 0 : i32
      %dma_start3A_284 = tpu.memref_slice %arg4[%add3A_282, %dma_start3A_283] : memref<51200x1000xf32, #tpu.memory_space<hbm>> -> memref<1x1000xf32, #tpu.memory_space<hbm>>
      %dma_start3A_285 = tpu.memref_squeeze %dma_start3A_284 : memref<1x1000xf32, #tpu.memory_space<hbm>> -> memref<1000xf32, #tpu.memory_space<hbm>>
      %dma_start3A_286 = arith.constant 0 : i32
      %dma_start3A_287 = tpu.memref_slice %arg5[%squeeze3A_275, %dma_start3A_286] : memref<1000x1000xf32, #tpu.memory_space<vmem_shared>> -> memref<1x1000xf32, #tpu.memory_space<vmem_shared>>
      %dma_start3A_288 = tpu.memref_squeeze %dma_start3A_287 : memref<1x1000xf32, #tpu.memory_space<vmem_shared>> -> memref<1000xf32, #tpu.memory_space<vmem_shared>>
      tpu.enqueue_dma source(%dma_start3A_288 : memref<1000xf32, #tpu.memory_space<vmem_shared>>) target(%dma_start3A_285 : memref<1000xf32, #tpu.memory_space<hbm>>) target_semaphore(%arg13 : memref<!tpu.dma_semaphore, #tpu.memory_space<semaphore_mem>>)
      %slice3A_289 = vector.extract_strided_slice %get3A_260 {offsets = [2], sizes = [1], strides = [1]} : vector<16xi32> to vector<1xi32>
      %squeeze3A_290 = vector.extract %slice3A_289[0] : i32 from vector<1xi32>
      %add3A_291 = arith.constant 768 : i32
      %add3A_292 = arith.addi %mul3A_2, %add3A_291 : i32
      %mul3A_293 = arith.constant 16 : i32
      %mul3A_294 = arith.muli %add3A_254, %mul3A_293 : i32
      %add3A_295 = arith.addi %add3A_292, %mul3A_294 : i32
      %add3A_296 = arith.constant 2 : i32
      %add3A_297 = arith.addi %add3A_295, %add3A_296 : i32
      %dma_start3A_298 = arith.constant 0 : i32
      %dma_start3A_299 = tpu.memref_slice %arg4[%add3A_297, %dma_start3A_298] : memref<51200x1000xf32, #tpu.memory_space<hbm>> -> memref<1x1000xf32, #tpu.memory_space<hbm>>
      %dma_start3A_300 = tpu.memref_squeeze %dma_start3A_299 : memref<1x1000xf32, #tpu.memory_space<hbm>> -> memref<1000xf32, #tpu.memory_space<hbm>>
      %dma_start3A_301 = arith.constant 0 : i32
      %dma_start3A_302 = tpu.memref_slice %arg5[%squeeze3A_290, %dma_start3A_301] : memref<1000x1000xf32, #tpu.memory_space<vmem_shared>> -> memref<1x1000xf32, #tpu.memory_space<vmem_shared>>
      %dma_start3A_303 = tpu.memref_squeeze %dma_start3A_302 : memref<1x1000xf32, #tpu.memory_space<vmem_shared>> -> memref<1000xf32, #tpu.memory_space<vmem_shared>>
      tpu.enqueue_dma source(%dma_start3A_303 : memref<1000xf32, #tpu.memory_space<vmem_shared>>) target(%dma_start3A_300 : memref<1000xf32, #tpu.memory_space<hbm>>) target_semaphore(%arg13 : memref<!tpu.dma_semaphore, #tpu.memory_space<semaphore_mem>>)
      %slice3A_304 = vector.extract_strided_slice %get3A_260 {offsets = [3], sizes = [1], strides = [1]} : vector<16xi32> to vector<1xi32>
      %squeeze3A_305 = vector.extract %slice3A_304[0] : i32 from vector<1xi32>
      %add3A_306 = arith.constant 768 : i32
      %add3A_307 = arith.addi %mul3A_2, %add3A_306 : i32
      %mul3A_308 = arith.constant 16 : i32
      %mul3A_309 = arith.muli %add3A_254, %mul3A_308 : i32
      %add3A_310 = arith.addi %add3A_307, %mul3A_309 : i32
      %add3A_311 = arith.constant 3 : i32
      %add3A_312 = arith.addi %add3A_310, %add3A_311 : i32
      %dma_start3A_313 = arith.constant 0 : i32
      %dma_start3A_314 = tpu.memref_slice %arg4[%add3A_312, %dma_start3A_313] : memref<51200x1000xf32, #tpu.memory_space<hbm>> -> memref<1x1000xf32, #tpu.memory_space<hbm>>
      %dma_start3A_315 = tpu.memref_squeeze %dma_start3A_314 : memref<1x1000xf32, #tpu.memory_space<hbm>> -> memref<1000xf32, #tpu.memory_space<hbm>>
      %dma_start3A_316 = arith.constant 0 : i32
      %dma_start3A_317 = tpu.memref_slice %arg5[%squeeze3A_305, %dma_start3A_316] : memref<1000x1000xf32, #tpu.memory_space<vmem_shared>> -> memref<1x1000xf32, #tpu.memory_space<vmem_shared>>
      %dma_start3A_318 = tpu.memref_squeeze %dma_start3A_317 : memref<1x1000xf32, #tpu.memory_space<vmem_shared>> -> memref<1000xf32, #tpu.memory_space<vmem_shared>>
      tpu.enqueue_dma source(%dma_start3A_318 : memref<1000xf32, #tpu.memory_space<vmem_shared>>) target(%dma_start3A_315 : memref<1000xf32, #tpu.memory_space<hbm>>) target_semaphore(%arg13 : memref<!tpu.dma_semaphore, #tpu.memory_space<semaphore_mem>>)
      %slice3A_319 = vector.extract_strided_slice %get3A_260 {offsets = [4], sizes = [1], strides = [1]} : vector<16xi32> to vector<1xi32>
      %squeeze3A_320 = vector.extract %slice3A_319[0] : i32 from vector<1xi32>
      %add3A_321 = arith.constant 768 : i32
      %add3A_322 = arith.addi %mul3A_2, %add3A_321 : i32
      %mul3A_323 = arith.constant 16 : i32
      %mul3A_324 = arith.muli %add3A_254, %mul3A_323 : i32
      %add3A_325 = arith.addi %add3A_322, %mul3A_324 : i32
      %add3A_326 = arith.constant 4 : i32
      %add3A_327 = arith.addi %add3A_325, %add3A_326 : i32
      %dma_start3A_328 = arith.constant 0 : i32
      %dma_start3A_329 = tpu.memref_slice %arg4[%add3A_327, %dma_start3A_328] : memref<51200x1000xf32, #tpu.memory_space<hbm>> -> memref<1x1000xf32, #tpu.memory_space<hbm>>
      %dma_start3A_330 = tpu.memref_squeeze %dma_start3A_329 : memref<1x1000xf32, #tpu.memory_space<hbm>> -> memref<1000xf32, #tpu.memory_space<hbm>>
      %dma_start3A_331 = arith.constant 0 : i32
      %dma_start3A_332 = tpu.memref_slice %arg5[%squeeze3A_320, %dma_start3A_331] : memref<1000x1000xf32, #tpu.memory_space<vmem_shared>> -> memref<1x1000xf32, #tpu.memory_space<vmem_shared>>
      %dma_start3A_333 = tpu.memref_squeeze %dma_start3A_332 : memref<1x1000xf32, #tpu.memory_space<vmem_shared>> -> memref<1000xf32, #tpu.memory_space<vmem_shared>>
      tpu.enqueue_dma source(%dma_start3A_333 : memref<1000xf32, #tpu.memory_space<vmem_shared>>) target(%dma_start3A_330 : memref<1000xf32, #tpu.memory_space<hbm>>) target_semaphore(%arg13 : memref<!tpu.dma_semaphore, #tpu.memory_space<semaphore_mem>>)
      %slice3A_334 = vector.extract_strided_slice %get3A_260 {offsets = [5], sizes = [1], strides = [1]} : vector<16xi32> to vector<1xi32>
      %squeeze3A_335 = vector.extract %slice3A_334[0] : i32 from vector<1xi32>
      %add3A_336 = arith.constant 768 : i32
      %add3A_337 = arith.addi %mul3A_2, %add3A_336 : i32
      %mul3A_338 = arith.constant 16 : i32
      %mul3A_339 = arith.muli %add3A_254, %mul3A_338 : i32
      %add3A_340 = arith.addi %add3A_337, %mul3A_339 : i32
      %add3A_341 = arith.constant 5 : i32
      %add3A_342 = arith.addi %add3A_340, %add3A_341 : i32
      %dma_start3A_343 = arith.constant 0 : i32
      %dma_start3A_344 = tpu.memref_slice %arg4[%add3A_342, %dma_start3A_343] : memref<51200x1000xf32, #tpu.memory_space<hbm>> -> memref<1x1000xf32, #tpu.memory_space<hbm>>
      %dma_start3A_345 = tpu.memref_squeeze %dma_start3A_344 : memref<1x1000xf32, #tpu.memory_space<hbm>> -> memref<1000xf32, #tpu.memory_space<hbm>>
      %dma_start3A_346 = arith.constant 0 : i32
      %dma_start3A_347 = tpu.memref_slice %arg5[%squeeze3A_335, %dma_start3A_346] : memref<1000x1000xf32, #tpu.memory_space<vmem_shared>> -> memref<1x1000xf32, #tpu.memory_space<vmem_shared>>
      %dma_start3A_348 = tpu.memref_squeeze %dma_start3A_347 : memref<1x1000xf32, #tpu.memory_space<vmem_shared>> -> memref<1000xf32, #tpu.memory_space<vmem_shared>>
      tpu.enqueue_dma source(%dma_start3A_348 : memref<1000xf32, #tpu.memory_space<vmem_shared>>) target(%dma_start3A_345 : memref<1000xf32, #tpu.memory_space<hbm>>) target_semaphore(%arg13 : memref<!tpu.dma_semaphore, #tpu.memory_space<semaphore_mem>>)
      %slice3A_349 = vector.extract_strided_slice %get3A_260 {offsets = [6], sizes = [1], strides = [1]} : vector<16xi32> to vector<1xi32>
      %squeeze3A_350 = vector.extract %slice3A_349[0] : i32 from vector<1xi32>
      %add3A_351 = arith.constant 768 : i32
      %add3A_352 = arith.addi %mul3A_2, %add3A_351 : i32
      %mul3A_353 = arith.constant 16 : i32
      %mul3A_354 = arith.muli %add3A_254, %mul3A_353 : i32
      %add3A_355 = arith.addi %add3A_352, %mul3A_354 : i32
      %add3A_356 = arith.constant 6 : i32
      %add3A_357 = arith.addi %add3A_355, %add3A_356 : i32
      %dma_start3A_358 = arith.constant 0 : i32
      %dma_start3A_359 = tpu.memref_slice %arg4[%add3A_357, %dma_start3A_358] : memref<51200x1000xf32, #tpu.memory_space<hbm>> -> memref<1x1000xf32, #tpu.memory_space<hbm>>
      %dma_start3A_360 = tpu.memref_squeeze %dma_start3A_359 : memref<1x1000xf32, #tpu.memory_space<hbm>> -> memref<1000xf32, #tpu.memory_space<hbm>>
      %dma_start3A_361 = arith.constant 0 : i32
      %dma_start3A_362 = tpu.memref_slice %arg5[%squeeze3A_350, %dma_start3A_361] : memref<1000x1000xf32, #tpu.memory_space<vmem_shared>> -> memref<1x1000xf32, #tpu.memory_space<vmem_shared>>
      %dma_start3A_363 = tpu.memref_squeeze %dma_start3A_362 : memref<1x1000xf32, #tpu.memory_space<vmem_shared>> -> memref<1000xf32, #tpu.memory_space<vmem_shared>>
      tpu.enqueue_dma source(%dma_start3A_363 : memref<1000xf32, #tpu.memory_space<vmem_shared>>) target(%dma_start3A_360 : memref<1000xf32, #tpu.memory_space<hbm>>) target_semaphore(%arg13 : memref<!tpu.dma_semaphore, #tpu.memory_space<semaphore_mem>>)
      %slice3A_364 = vector.extract_strided_slice %get3A_260 {offsets = [7], sizes = [1], strides = [1]} : vector<16xi32> to vector<1xi32>
      %squeeze3A_365 = vector.extract %slice3A_364[0] : i32 from vector<1xi32>
      %add3A_366 = arith.constant 768 : i32
      %add3A_367 = arith.addi %mul3A_2, %add3A_366 : i32
      %mul3A_368 = arith.constant 16 : i32
      %mul3A_369 = arith.muli %add3A_254, %mul3A_368 : i32
      %add3A_370 = arith.addi %add3A_367, %mul3A_369 : i32
      %add3A_371 = arith.constant 7 : i32
      %add3A_372 = arith.addi %add3A_370, %add3A_371 : i32
      %dma_start3A_373 = arith.constant 0 : i32
      %dma_start3A_374 = tpu.memref_slice %arg4[%add3A_372, %dma_start3A_373] : memref<51200x1000xf32, #tpu.memory_space<hbm>> -> memref<1x1000xf32, #tpu.memory_space<hbm>>
      %dma_start3A_375 = tpu.memref_squeeze %dma_start3A_374 : memref<1x1000xf32, #tpu.memory_space<hbm>> -> memref<1000xf32, #tpu.memory_space<hbm>>
      %dma_start3A_376 = arith.constant 0 : i32
      %dma_start3A_377 = tpu.memref_slice %arg5[%squeeze3A_365, %dma_start3A_376] : memref<1000x1000xf32, #tpu.memory_space<vmem_shared>> -> memref<1x1000xf32, #tpu.memory_space<vmem_shared>>
      %dma_start3A_378 = tpu.memref_squeeze %dma_start3A_377 : memref<1x1000xf32, #tpu.memory_space<vmem_shared>> -> memref<1000xf32, #tpu.memory_space<vmem_shared>>
      tpu.enqueue_dma source(%dma_start3A_378 : memref<1000xf32, #tpu.memory_space<vmem_shared>>) target(%dma_start3A_375 : memref<1000xf32, #tpu.memory_space<hbm>>) target_semaphore(%arg13 : memref<!tpu.dma_semaphore, #tpu.memory_space<semaphore_mem>>)
      %slice3A_379 = vector.extract_strided_slice %get3A_260 {offsets = [8], sizes = [1], strides = [1]} : vector<16xi32> to vector<1xi32>
      %squeeze3A_380 = vector.extract %slice3A_379[0] : i32 from vector<1xi32>
      %add3A_381 = arith.constant 768 : i32
      %add3A_382 = arith.addi %mul3A_2, %add3A_381 : i32
      %mul3A_383 = arith.constant 16 : i32
      %mul3A_384 = arith.muli %add3A_254, %mul3A_383 : i32
      %add3A_385 = arith.addi %add3A_382, %mul3A_384 : i32
      %add3A_386 = arith.constant 8 : i32
      %add3A_387 = arith.addi %add3A_385, %add3A_386 : i32
      %dma_start3A_388 = arith.constant 0 : i32
      %dma_start3A_389 = tpu.memref_slice %arg4[%add3A_387, %dma_start3A_388] : memref<51200x1000xf32, #tpu.memory_space<hbm>> -> memref<1x1000xf32, #tpu.memory_space<hbm>>
      %dma_start3A_390 = tpu.memref_squeeze %dma_start3A_389 : memref<1x1000xf32, #tpu.memory_space<hbm>> -> memref<1000xf32, #tpu.memory_space<hbm>>
      %dma_start3A_391 = arith.constant 0 : i32
      %dma_start3A_392 = tpu.memref_slice %arg5[%squeeze3A_380, %dma_start3A_391] : memref<1000x1000xf32, #tpu.memory_space<vmem_shared>> -> memref<1x1000xf32, #tpu.memory_space<vmem_shared>>
      %dma_start3A_393 = tpu.memref_squeeze %dma_start3A_392 : memref<1x1000xf32, #tpu.memory_space<vmem_shared>> -> memref<1000xf32, #tpu.memory_space<vmem_shared>>
      tpu.enqueue_dma source(%dma_start3A_393 : memref<1000xf32, #tpu.memory_space<vmem_shared>>) target(%dma_start3A_390 : memref<1000xf32, #tpu.memory_space<hbm>>) target_semaphore(%arg13 : memref<!tpu.dma_semaphore, #tpu.memory_space<semaphore_mem>>)
      %slice3A_394 = vector.extract_strided_slice %get3A_260 {offsets = [9], sizes = [1], strides = [1]} : vector<16xi32> to vector<1xi32>
      %squeeze3A_395 = vector.extract %slice3A_394[0] : i32 from vector<1xi32>
      %add3A_396 = arith.constant 768 : i32
      %add3A_397 = arith.addi %mul3A_2, %add3A_396 : i32
      %mul3A_398 = arith.constant 16 : i32
      %mul3A_399 = arith.muli %add3A_254, %mul3A_398 : i32
      %add3A_400 = arith.addi %add3A_397, %mul3A_399 : i32
      %add3A_401 = arith.constant 9 : i32
      %add3A_402 = arith.addi %add3A_400, %add3A_401 : i32
      %dma_start3A_403 = arith.constant 0 : i32
      %dma_start3A_404 = tpu.memref_slice %arg4[%add3A_402, %dma_start3A_403] : memref<51200x1000xf32, #tpu.memory_space<hbm>> -> memref<1x1000xf32, #tpu.memory_space<hbm>>
      %dma_start3A_405 = tpu.memref_squeeze %dma_start3A_404 : memref<1x1000xf32, #tpu.memory_space<hbm>> -> memref<1000xf32, #tpu.memory_space<hbm>>
      %dma_start3A_406 = arith.constant 0 : i32
      %dma_start3A_407 = tpu.memref_slice %arg5[%squeeze3A_395, %dma_start3A_406] : memref<1000x1000xf32, #tpu.memory_space<vmem_shared>> -> memref<1x1000xf32, #tpu.memory_space<vmem_shared>>
      %dma_start3A_408 = tpu.memref_squeeze %dma_start3A_407 : memref<1x1000xf32, #tpu.memory_space<vmem_shared>> -> memref<1000xf32, #tpu.memory_space<vmem_shared>>
      tpu.enqueue_dma source(%dma_start3A_408 : memref<1000xf32, #tpu.memory_space<vmem_shared>>) target(%dma_start3A_405 : memref<1000xf32, #tpu.memory_space<hbm>>) target_semaphore(%arg13 : memref<!tpu.dma_semaphore, #tpu.memory_space<semaphore_mem>>)
      %slice3A_409 = vector.extract_strided_slice %get3A_260 {offsets = [10], sizes = [1], strides = [1]} : vector<16xi32> to vector<1xi32>
      %squeeze3A_410 = vector.extract %slice3A_409[0] : i32 from vector<1xi32>
      %add3A_411 = arith.constant 768 : i32
      %add3A_412 = arith.addi %mul3A_2, %add3A_411 : i32
      %mul3A_413 = arith.constant 16 : i32
      %mul3A_414 = arith.muli %add3A_254, %mul3A_413 : i32
      %add3A_415 = arith.addi %add3A_412, %mul3A_414 : i32
      %add3A_416 = arith.constant 10 : i32
      %add3A_417 = arith.addi %add3A_415, %add3A_416 : i32
      %dma_start3A_418 = arith.constant 0 : i32
      %dma_start3A_419 = tpu.memref_slice %arg4[%add3A_417, %dma_start3A_418] : memref<51200x1000xf32, #tpu.memory_space<hbm>> -> memref<1x1000xf32, #tpu.memory_space<hbm>>
      %dma_start3A_420 = tpu.memref_squeeze %dma_start3A_419 : memref<1x1000xf32, #tpu.memory_space<hbm>> -> memref<1000xf32, #tpu.memory_space<hbm>>
      %dma_start3A_421 = arith.constant 0 : i32
      %dma_start3A_422 = tpu.memref_slice %arg5[%squeeze3A_410, %dma_start3A_421] : memref<1000x1000xf32, #tpu.memory_space<vmem_shared>> -> memref<1x1000xf32, #tpu.memory_space<vmem_shared>>
      %dma_start3A_423 = tpu.memref_squeeze %dma_start3A_422 : memref<1x1000xf32, #tpu.memory_space<vmem_shared>> -> memref<1000xf32, #tpu.memory_space<vmem_shared>>
      tpu.enqueue_dma source(%dma_start3A_423 : memref<1000xf32, #tpu.memory_space<vmem_shared>>) target(%dma_start3A_420 : memref<1000xf32, #tpu.memory_space<hbm>>) target_semaphore(%arg13 : memref<!tpu.dma_semaphore, #tpu.memory_space<semaphore_mem>>)
      %slice3A_424 = vector.extract_strided_slice %get3A_260 {offsets = [11], sizes = [1], strides = [1]} : vector<16xi32> to vector<1xi32>
      %squeeze3A_425 = vector.extract %slice3A_424[0] : i32 from vector<1xi32>
      %add3A_426 = arith.constant 768 : i32
      %add3A_427 = arith.addi %mul3A_2, %add3A_426 : i32
      %mul3A_428 = arith.constant 16 : i32
      %mul3A_429 = arith.muli %add3A_254, %mul3A_428 : i32
      %add3A_430 = arith.addi %add3A_427, %mul3A_429 : i32
      %add3A_431 = arith.constant 11 : i32
      %add3A_432 = arith.addi %add3A_430, %add3A_431 : i32
      %dma_start3A_433 = arith.constant 0 : i32
      %dma_start3A_434 = tpu.memref_slice %arg4[%add3A_432, %dma_start3A_433] : memref<51200x1000xf32, #tpu.memory_space<hbm>> -> memref<1x1000xf32, #tpu.memory_space<hbm>>
      %dma_start3A_435 = tpu.memref_squeeze %dma_start3A_434 : memref<1x1000xf32, #tpu.memory_space<hbm>> -> memref<1000xf32, #tpu.memory_space<hbm>>
      %dma_start3A_436 = arith.constant 0 : i32
      %dma_start3A_437 = tpu.memref_slice %arg5[%squeeze3A_425, %dma_start3A_436] : memref<1000x1000xf32, #tpu.memory_space<vmem_shared>> -> memref<1x1000xf32, #tpu.memory_space<vmem_shared>>
      %dma_start3A_438 = tpu.memref_squeeze %dma_start3A_437 : memref<1x1000xf32, #tpu.memory_space<vmem_shared>> -> memref<1000xf32, #tpu.memory_space<vmem_shared>>
      tpu.enqueue_dma source(%dma_start3A_438 : memref<1000xf32, #tpu.memory_space<vmem_shared>>) target(%dma_start3A_435 : memref<1000xf32, #tpu.memory_space<hbm>>) target_semaphore(%arg13 : memref<!tpu.dma_semaphore, #tpu.memory_space<semaphore_mem>>)
      %slice3A_439 = vector.extract_strided_slice %get3A_260 {offsets = [12], sizes = [1], strides = [1]} : vector<16xi32> to vector<1xi32>
      %squeeze3A_440 = vector.extract %slice3A_439[0] : i32 from vector<1xi32>
      %add3A_441 = arith.constant 768 : i32
      %add3A_442 = arith.addi %mul3A_2, %add3A_441 : i32
      %mul3A_443 = arith.constant 16 : i32
      %mul3A_444 = arith.muli %add3A_254, %mul3A_443 : i32
      %add3A_445 = arith.addi %add3A_442, %mul3A_444 : i32
      %add3A_446 = arith.constant 12 : i32
      %add3A_447 = arith.addi %add3A_445, %add3A_446 : i32
      %dma_start3A_448 = arith.constant 0 : i32
      %dma_start3A_449 = tpu.memref_slice %arg4[%add3A_447, %dma_start3A_448] : memref<51200x1000xf32, #tpu.memory_space<hbm>> -> memref<1x1000xf32, #tpu.memory_space<hbm>>
      %dma_start3A_450 = tpu.memref_squeeze %dma_start3A_449 : memref<1x1000xf32, #tpu.memory_space<hbm>> -> memref<1000xf32, #tpu.memory_space<hbm>>
      %dma_start3A_451 = arith.constant 0 : i32
      %dma_start3A_452 = tpu.memref_slice %arg5[%squeeze3A_440, %dma_start3A_451] : memref<1000x1000xf32, #tpu.memory_space<vmem_shared>> -> memref<1x1000xf32, #tpu.memory_space<vmem_shared>>
      %dma_start3A_453 = tpu.memref_squeeze %dma_start3A_452 : memref<1x1000xf32, #tpu.memory_space<vmem_shared>> -> memref<1000xf32, #tpu.memory_space<vmem_shared>>
      tpu.enqueue_dma source(%dma_start3A_453 : memref<1000xf32, #tpu.memory_space<vmem_shared>>) target(%dma_start3A_450 : memref<1000xf32, #tpu.memory_space<hbm>>) target_semaphore(%arg13 : memref<!tpu.dma_semaphore, #tpu.memory_space<semaphore_mem>>)
      %slice3A_454 = vector.extract_strided_slice %get3A_260 {offsets = [13], sizes = [1], strides = [1]} : vector<16xi32> to vector<1xi32>
      %squeeze3A_455 = vector.extract %slice3A_454[0] : i32 from vector<1xi32>
      %add3A_456 = arith.constant 768 : i32
      %add3A_457 = arith.addi %mul3A_2, %add3A_456 : i32
      %mul3A_458 = arith.constant 16 : i32
      %mul3A_459 = arith.muli %add3A_254, %mul3A_458 : i32
      %add3A_460 = arith.addi %add3A_457, %mul3A_459 : i32
      %add3A_461 = arith.constant 13 : i32
      %add3A_462 = arith.addi %add3A_460, %add3A_461 : i32
      %dma_start3A_463 = arith.constant 0 : i32
      %dma_start3A_464 = tpu.memref_slice %arg4[%add3A_462, %dma_start3A_463] : memref<51200x1000xf32, #tpu.memory_space<hbm>> -> memref<1x1000xf32, #tpu.memory_space<hbm>>
      %dma_start3A_465 = tpu.memref_squeeze %dma_start3A_464 : memref<1x1000xf32, #tpu.memory_space<hbm>> -> memref<1000xf32, #tpu.memory_space<hbm>>
      %dma_start3A_466 = arith.constant 0 : i32
      %dma_start3A_467 = tpu.memref_slice %arg5[%squeeze3A_455, %dma_start3A_466] : memref<1000x1000xf32, #tpu.memory_space<vmem_shared>> -> memref<1x1000xf32, #tpu.memory_space<vmem_shared>>
      %dma_start3A_468 = tpu.memref_squeeze %dma_start3A_467 : memref<1x1000xf32, #tpu.memory_space<vmem_shared>> -> memref<1000xf32, #tpu.memory_space<vmem_shared>>
      tpu.enqueue_dma source(%dma_start3A_468 : memref<1000xf32, #tpu.memory_space<vmem_shared>>) target(%dma_start3A_465 : memref<1000xf32, #tpu.memory_space<hbm>>) target_semaphore(%arg13 : memref<!tpu.dma_semaphore, #tpu.memory_space<semaphore_mem>>)
      %slice3A_469 = vector.extract_strided_slice %get3A_260 {offsets = [14], sizes = [1], strides = [1]} : vector<16xi32> to vector<1xi32>
      %squeeze3A_470 = vector.extract %slice3A_469[0] : i32 from vector<1xi32>
      %add3A_471 = arith.constant 768 : i32
      %add3A_472 = arith.addi %mul3A_2, %add3A_471 : i32
      %mul3A_473 = arith.constant 16 : i32
      %mul3A_474 = arith.muli %add3A_254, %mul3A_473 : i32
      %add3A_475 = arith.addi %add3A_472, %mul3A_474 : i32
      %add3A_476 = arith.constant 14 : i32
      %add3A_477 = arith.addi %add3A_475, %add3A_476 : i32
      %dma_start3A_478 = arith.constant 0 : i32
      %dma_start3A_479 = tpu.memref_slice %arg4[%add3A_477, %dma_start3A_478] : memref<51200x1000xf32, #tpu.memory_space<hbm>> -> memref<1x1000xf32, #tpu.memory_space<hbm>>
      %dma_start3A_480 = tpu.memref_squeeze %dma_start3A_479 : memref<1x1000xf32, #tpu.memory_space<hbm>> -> memref<1000xf32, #tpu.memory_space<hbm>>
      %dma_start3A_481 = arith.constant 0 : i32
      %dma_start3A_482 = tpu.memref_slice %arg5[%squeeze3A_470, %dma_start3A_481] : memref<1000x1000xf32, #tpu.memory_space<vmem_shared>> -> memref<1x1000xf32, #tpu.memory_space<vmem_shared>>
      %dma_start3A_483 = tpu.memref_squeeze %dma_start3A_482 : memref<1x1000xf32, #tpu.memory_space<vmem_shared>> -> memref<1000xf32, #tpu.memory_space<vmem_shared>>
      tpu.enqueue_dma source(%dma_start3A_483 : memref<1000xf32, #tpu.memory_space<vmem_shared>>) target(%dma_start3A_480 : memref<1000xf32, #tpu.memory_space<hbm>>) target_semaphore(%arg13 : memref<!tpu.dma_semaphore, #tpu.memory_space<semaphore_mem>>)
      %slice3A_484 = vector.extract_strided_slice %get3A_260 {offsets = [15], sizes = [1], strides = [1]} : vector<16xi32> to vector<1xi32>
      %squeeze3A_485 = vector.extract %slice3A_484[0] : i32 from vector<1xi32>
      %add3A_486 = arith.constant 768 : i32
      %add3A_487 = arith.addi %mul3A_2, %add3A_486 : i32
      %mul3A_488 = arith.constant 16 : i32
      %mul3A_489 = arith.muli %add3A_254, %mul3A_488 : i32
      %add3A_490 = arith.addi %add3A_487, %mul3A_489 : i32
      %add3A_491 = arith.constant 15 : i32
      %add3A_492 = arith.addi %add3A_490, %add3A_491 : i32
      %dma_start3A_493 = arith.constant 0 : i32
      %dma_start3A_494 = tpu.memref_slice %arg4[%add3A_492, %dma_start3A_493] : memref<51200x1000xf32, #tpu.memory_space<hbm>> -> memref<1x1000xf32, #tpu.memory_space<hbm>>
      %dma_start3A_495 = tpu.memref_squeeze %dma_start3A_494 : memref<1x1000xf32, #tpu.memory_space<hbm>> -> memref<1000xf32, #tpu.memory_space<hbm>>
      %dma_start3A_496 = arith.constant 0 : i32
      %dma_start3A_497 = tpu.memref_slice %arg5[%squeeze3A_485, %dma_start3A_496] : memref<1000x1000xf32, #tpu.memory_space<vmem_shared>> -> memref<1x1000xf32, #tpu.memory_space<vmem_shared>>
      %dma_start3A_498 = tpu.memref_squeeze %dma_start3A_497 : memref<1x1000xf32, #tpu.memory_space<vmem_shared>> -> memref<1000xf32, #tpu.memory_space<vmem_shared>>
      tpu.enqueue_dma source(%dma_start3A_498 : memref<1000xf32, #tpu.memory_space<vmem_shared>>) target(%dma_start3A_495 : memref<1000xf32, #tpu.memory_space<hbm>>) target_semaphore(%arg13 : memref<!tpu.dma_semaphore, #tpu.memory_space<semaphore_mem>>)
      %dma_wait3A_499 = arith.constant 0 : i32
      %dma_wait3A_500 = arith.constant 0 : i32
      %dma_wait3A_501 = arith.constant 0 : i32
      %dma_wait3A_502 = tpu.memref_slice %arg4[%dma_wait3A_500, %dma_wait3A_501] : memref<51200x1000xf32, #tpu.memory_space<hbm>> -> memref<1x1000xf32, #tpu.memory_space<hbm>>
      %dma_wait3A_503 = tpu.memref_squeeze %dma_wait3A_502 : memref<1x1000xf32, #tpu.memory_space<hbm>> -> memref<1000xf32, #tpu.memory_space<hbm>>
      %dma_wait3A_504 = arith.constant 0 : i32
      %dma_wait3A_505 = tpu.memref_slice %arg5[%dma_wait3A_499, %dma_wait3A_504] : memref<1000x1000xf32, #tpu.memory_space<vmem_shared>> -> memref<1x1000xf32, #tpu.memory_space<vmem_shared>>
      %dma_wait3A_506 = tpu.memref_squeeze %dma_wait3A_505 : memref<1x1000xf32, #tpu.memory_space<vmem_shared>> -> memref<1000xf32, #tpu.memory_space<vmem_shared>>
      tpu.wait_dma2 semaphore(%arg13 : memref<!tpu.dma_semaphore, #tpu.memory_space<semaphore_mem>>) src(%dma_wait3A_506 : memref<1000xf32, #tpu.memory_space<vmem_shared>>) dst(%dma_wait3A_503 : memref<1000xf32, #tpu.memory_space<hbm>>)
      %dma_wait3A_507 = arith.constant 0 : i32
      %dma_wait3A_508 = arith.constant 0 : i32
      %dma_wait3A_509 = arith.constant 0 : i32
      %dma_wait3A_510 = tpu.memref_slice %arg4[%dma_wait3A_508, %dma_wait3A_509] : memref<51200x1000xf32, #tpu.memory_space<hbm>> -> memref<1x1000xf32, #tpu.memory_space<hbm>>
      %dma_wait3A_511 = tpu.memref_squeeze %dma_wait3A_510 : memref<1x1000xf32, #tpu.memory_space<hbm>> -> memref<1000xf32, #tpu.memory_space<hbm>>
      %dma_wait3A_512 = arith.constant 0 : i32
      %dma_wait3A_513 = tpu.memref_slice %arg5[%dma_wait3A_507, %dma_wait3A_512] : memref<1000x1000xf32, #tpu.memory_space<vmem_shared>> -> memref<1x1000xf32, #tpu.memory_space<vmem_shared>>
      %dma_wait3A_514 = tpu.memref_squeeze %dma_wait3A_513 : memref<1x1000xf32, #tpu.memory_space<vmem_shared>> -> memref<1000xf32, #tpu.memory_space<vmem_shared>>
      tpu.wait_dma2 semaphore(%arg13 : memref<!tpu.dma_semaphore, #tpu.memory_space<semaphore_mem>>) src(%dma_wait3A_514 : memref<1000xf32, #tpu.memory_space<vmem_shared>>) dst(%dma_wait3A_511 : memref<1000xf32, #tpu.memory_space<hbm>>)
      %dma_wait3A_515 = arith.constant 0 : i32
      %dma_wait3A_516 = arith.constant 0 : i32
      %dma_wait3A_517 = arith.constant 0 : i32
      %dma_wait3A_518 = tpu.memref_slice %arg4[%dma_wait3A_516, %dma_wait3A_517] : memref<51200x1000xf32, #tpu.memory_space<hbm>> -> memref<1x1000xf32, #tpu.memory_space<hbm>>
      %dma_wait3A_519 = tpu.memref_squeeze %dma_wait3A_518 : memref<1x1000xf32, #tpu.memory_space<hbm>> -> memref<1000xf32, #tpu.memory_space<hbm>>
      %dma_wait3A_520 = arith.constant 0 : i32
      %dma_wait3A_521 = tpu.memref_slice %arg5[%dma_wait3A_515, %dma_wait3A_520] : memref<1000x1000xf32, #tpu.memory_space<vmem_shared>> -> memref<1x1000xf32, #tpu.memory_space<vmem_shared>>
      %dma_wait3A_522 = tpu.memref_squeeze %dma_wait3A_521 : memref<1x1000xf32, #tpu.memory_space<vmem_shared>> -> memref<1000xf32, #tpu.memory_space<vmem_shared>>
      tpu.wait_dma2 semaphore(%arg13 : memref<!tpu.dma_semaphore, #tpu.memory_space<semaphore_mem>>) src(%dma_wait3A_522 : memref<1000xf32, #tpu.memory_space<vmem_shared>>) dst(%dma_wait3A_519 : memref<1000xf32, #tpu.memory_space<hbm>>)
      %dma_wait3A_523 = arith.constant 0 : i32
      %dma_wait3A_524 = arith.constant 0 : i32
      %dma_wait3A_525 = arith.constant 0 : i32
      %dma_wait3A_526 = tpu.memref_slice %arg4[%dma_wait3A_524, %dma_wait3A_525] : memref<51200x1000xf32, #tpu.memory_space<hbm>> -> memref<1x1000xf32, #tpu.memory_space<hbm>>
      %dma_wait3A_527 = tpu.memref_squeeze %dma_wait3A_526 : memref<1x1000xf32, #tpu.memory_space<hbm>> -> memref<1000xf32, #tpu.memory_space<hbm>>
      %dma_wait3A_528 = arith.constant 0 : i32
      %dma_wait3A_529 = tpu.memref_slice %arg5[%dma_wait3A_523, %dma_wait3A_528] : memref<1000x1000xf32, #tpu.memory_space<vmem_shared>> -> memref<1x1000xf32, #tpu.memory_space<vmem_shared>>
      %dma_wait3A_530 = tpu.memref_squeeze %dma_wait3A_529 : memref<1x1000xf32, #tpu.memory_space<vmem_shared>> -> memref<1000xf32, #tpu.memory_space<vmem_shared>>
      tpu.wait_dma2 semaphore(%arg13 : memref<!tpu.dma_semaphore, #tpu.memory_space<semaphore_mem>>) src(%dma_wait3A_530 : memref<1000xf32, #tpu.memory_space<vmem_shared>>) dst(%dma_wait3A_527 : memref<1000xf32, #tpu.memory_space<hbm>>)
      %dma_wait3A_531 = arith.constant 0 : i32
      %dma_wait3A_532 = arith.constant 0 : i32
      %dma_wait3A_533 = arith.constant 0 : i32
      %dma_wait3A_534 = tpu.memref_slice %arg4[%dma_wait3A_532, %dma_wait3A_533] : memref<51200x1000xf32, #tpu.memory_space<hbm>> -> memref<1x1000xf32, #tpu.memory_space<hbm>>
      %dma_wait3A_535 = tpu.memref_squeeze %dma_wait3A_534 : memref<1x1000xf32, #tpu.memory_space<hbm>> -> memref<1000xf32, #tpu.memory_space<hbm>>
      %dma_wait3A_536 = arith.constant 0 : i32
      %dma_wait3A_537 = tpu.memref_slice %arg5[%dma_wait3A_531, %dma_wait3A_536] : memref<1000x1000xf32, #tpu.memory_space<vmem_shared>> -> memref<1x1000xf32, #tpu.memory_space<vmem_shared>>
      %dma_wait3A_538 = tpu.memref_squeeze %dma_wait3A_537 : memref<1x1000xf32, #tpu.memory_space<vmem_shared>> -> memref<1000xf32, #tpu.memory_space<vmem_shared>>
      tpu.wait_dma2 semaphore(%arg13 : memref<!tpu.dma_semaphore, #tpu.memory_space<semaphore_mem>>) src(%dma_wait3A_538 : memref<1000xf32, #tpu.memory_space<vmem_shared>>) dst(%dma_wait3A_535 : memref<1000xf32, #tpu.memory_space<hbm>>)
      %dma_wait3A_539 = arith.constant 0 : i32
      %dma_wait3A_540 = arith.constant 0 : i32
      %dma_wait3A_541 = arith.constant 0 : i32
      %dma_wait3A_542 = tpu.memref_slice %arg4[%dma_wait3A_540, %dma_wait3A_541] : memref<51200x1000xf32, #tpu.memory_space<hbm>> -> memref<1x1000xf32, #tpu.memory_space<hbm>>
      %dma_wait3A_543 = tpu.memref_squeeze %dma_wait3A_542 : memref<1x1000xf32, #tpu.memory_space<hbm>> -> memref<1000xf32, #tpu.memory_space<hbm>>
      %dma_wait3A_544 = arith.constant 0 : i32
      %dma_wait3A_545 = tpu.memref_slice %arg5[%dma_wait3A_539, %dma_wait3A_544] : memref<1000x1000xf32, #tpu.memory_space<vmem_shared>> -> memref<1x1000xf32, #tpu.memory_space<vmem_shared>>
      %dma_wait3A_546 = tpu.memref_squeeze %dma_wait3A_545 : memref<1x1000xf32, #tpu.memory_space<vmem_shared>> -> memref<1000xf32, #tpu.memory_space<vmem_shared>>
      tpu.wait_dma2 semaphore(%arg13 : memref<!tpu.dma_semaphore, #tpu.memory_space<semaphore_mem>>) src(%dma_wait3A_546 : memref<1000xf32, #tpu.memory_space<vmem_shared>>) dst(%dma_wait3A_543 : memref<1000xf32, #tpu.memory_space<hbm>>)
      %dma_wait3A_547 = arith.constant 0 : i32
      %dma_wait3A_548 = arith.constant 0 : i32
      %dma_wait3A_549 = arith.constant 0 : i32
      %dma_wait3A_550 = tpu.memref_slice %arg4[%dma_wait3A_548, %dma_wait3A_549] : memref<51200x1000xf32, #tpu.memory_space<hbm>> -> memref<1x1000xf32, #tpu.memory_space<hbm>>
      %dma_wait3A_551 = tpu.memref_squeeze %dma_wait3A_550 : memref<1x1000xf32, #tpu.memory_space<hbm>> -> memref<1000xf32, #tpu.memory_space<hbm>>
      %dma_wait3A_552 = arith.constant 0 : i32
      %dma_wait3A_553 = tpu.memref_slice %arg5[%dma_wait3A_547, %dma_wait3A_552] : memref<1000x1000xf32, #tpu.memory_space<vmem_shared>> -> memref<1x1000xf32, #tpu.memory_space<vmem_shared>>
      %dma_wait3A_554 = tpu.memref_squeeze %dma_wait3A_553 : memref<1x1000xf32, #tpu.memory_space<vmem_shared>> -> memref<1000xf32, #tpu.memory_space<vmem_shared>>
      tpu.wait_dma2 semaphore(%arg13 : memref<!tpu.dma_semaphore, #tpu.memory_space<semaphore_mem>>) src(%dma_wait3A_554 : memref<1000xf32, #tpu.memory_space<vmem_shared>>) dst(%dma_wait3A_551 : memref<1000xf32, #tpu.memory_space<hbm>>)
      %dma_wait3A_555 = arith.constant 0 : i32
      %dma_wait3A_556 = arith.constant 0 : i32
      %dma_wait3A_557 = arith.constant 0 : i32
      %dma_wait3A_558 = tpu.memref_slice %arg4[%dma_wait3A_556, %dma_wait3A_557] : memref<51200x1000xf32, #tpu.memory_space<hbm>> -> memref<1x1000xf32, #tpu.memory_space<hbm>>
      %dma_wait3A_559 = tpu.memref_squeeze %dma_wait3A_558 : memref<1x1000xf32, #tpu.memory_space<hbm>> -> memref<1000xf32, #tpu.memory_space<hbm>>
      %dma_wait3A_560 = arith.constant 0 : i32
      %dma_wait3A_561 = tpu.memref_slice %arg5[%dma_wait3A_555, %dma_wait3A_560] : memref<1000x1000xf32, #tpu.memory_space<vmem_shared>> -> memref<1x1000xf32, #tpu.memory_space<vmem_shared>>
      %dma_wait3A_562 = tpu.memref_squeeze %dma_wait3A_561 : memref<1x1000xf32, #tpu.memory_space<vmem_shared>> -> memref<1000xf32, #tpu.memory_space<vmem_shared>>
      tpu.wait_dma2 semaphore(%arg13 : memref<!tpu.dma_semaphore, #tpu.memory_space<semaphore_mem>>) src(%dma_wait3A_562 : memref<1000xf32, #tpu.memory_space<vmem_shared>>) dst(%dma_wait3A_559 : memref<1000xf32, #tpu.memory_space<hbm>>)
      %dma_wait3A_563 = arith.constant 0 : i32
      %dma_wait3A_564 = arith.constant 0 : i32
      %dma_wait3A_565 = arith.constant 0 : i32
      %dma_wait3A_566 = tpu.memref_slice %arg4[%dma_wait3A_564, %dma_wait3A_565] : memref<51200x1000xf32, #tpu.memory_space<hbm>> -> memref<1x1000xf32, #tpu.memory_space<hbm>>
      %dma_wait3A_567 = tpu.memref_squeeze %dma_wait3A_566 : memref<1x1000xf32, #tpu.memory_space<hbm>> -> memref<1000xf32, #tpu.memory_space<hbm>>
      %dma_wait3A_568 = arith.constant 0 : i32
      %dma_wait3A_569 = tpu.memref_slice %arg5[%dma_wait3A_563, %dma_wait3A_568] : memref<1000x1000xf32, #tpu.memory_space<vmem_shared>> -> memref<1x1000xf32, #tpu.memory_space<vmem_shared>>
      %dma_wait3A_570 = tpu.memref_squeeze %dma_wait3A_569 : memref<1x1000xf32, #tpu.memory_space<vmem_shared>> -> memref<1000xf32, #tpu.memory_space<vmem_shared>>
      tpu.wait_dma2 semaphore(%arg13 : memref<!tpu.dma_semaphore, #tpu.memory_space<semaphore_mem>>) src(%dma_wait3A_570 : memref<1000xf32, #tpu.memory_space<vmem_shared>>) dst(%dma_wait3A_567 : memref<1000xf32, #tpu.memory_space<hbm>>)
      %dma_wait3A_571 = arith.constant 0 : i32
      %dma_wait3A_572 = arith.constant 0 : i32
      %dma_wait3A_573 = arith.constant 0 : i32
      %dma_wait3A_574 = tpu.memref_slice %arg4[%dma_wait3A_572, %dma_wait3A_573] : memref<51200x1000xf32, #tpu.memory_space<hbm>> -> memref<1x1000xf32, #tpu.memory_space<hbm>>
      %dma_wait3A_575 = tpu.memref_squeeze %dma_wait3A_574 : memref<1x1000xf32, #tpu.memory_space<hbm>> -> memref<1000xf32, #tpu.memory_space<hbm>>
      %dma_wait3A_576 = arith.constant 0 : i32
      %dma_wait3A_577 = tpu.memref_slice %arg5[%dma_wait3A_571, %dma_wait3A_576] : memref<1000x1000xf32, #tpu.memory_space<vmem_shared>> -> memref<1x1000xf32, #tpu.memory_space<vmem_shared>>
      %dma_wait3A_578 = tpu.memref_squeeze %dma_wait3A_577 : memref<1x1000xf32, #tpu.memory_space<vmem_shared>> -> memref<1000xf32, #tpu.memory_space<vmem_shared>>
      tpu.wait_dma2 semaphore(%arg13 : memref<!tpu.dma_semaphore, #tpu.memory_space<semaphore_mem>>) src(%dma_wait3A_578 : memref<1000xf32, #tpu.memory_space<vmem_shared>>) dst(%dma_wait3A_575 : memref<1000xf32, #tpu.memory_space<hbm>>)
      %dma_wait3A_579 = arith.constant 0 : i32
      %dma_wait3A_580 = arith.constant 0 : i32
      %dma_wait3A_581 = arith.constant 0 : i32
      %dma_wait3A_582 = tpu.memref_slice %arg4[%dma_wait3A_580, %dma_wait3A_581] : memref<51200x1000xf32, #tpu.memory_space<hbm>> -> memref<1x1000xf32, #tpu.memory_space<hbm>>
      %dma_wait3A_583 = tpu.memref_squeeze %dma_wait3A_582 : memref<1x1000xf32, #tpu.memory_space<hbm>> -> memref<1000xf32, #tpu.memory_space<hbm>>
      %dma_wait3A_584 = arith.constant 0 : i32
      %dma_wait3A_585 = tpu.memref_slice %arg5[%dma_wait3A_579, %dma_wait3A_584] : memref<1000x1000xf32, #tpu.memory_space<vmem_shared>> -> memref<1x1000xf32, #tpu.memory_space<vmem_shared>>
      %dma_wait3A_586 = tpu.memref_squeeze %dma_wait3A_585 : memref<1x1000xf32, #tpu.memory_space<vmem_shared>> -> memref<1000xf32, #tpu.memory_space<vmem_shared>>
      tpu.wait_dma2 semaphore(%arg13 : memref<!tpu.dma_semaphore, #tpu.memory_space<semaphore_mem>>) src(%dma_wait3A_586 : memref<1000xf32, #tpu.memory_space<vmem_shared>>) dst(%dma_wait3A_583 : memref<1000xf32, #tpu.memory_space<hbm>>)
      %dma_wait3A_587 = arith.constant 0 : i32
      %dma_wait3A_588 = arith.constant 0 : i32
      %dma_wait3A_589 = arith.constant 0 : i32
      %dma_wait3A_590 = tpu.memref_slice %arg4[%dma_wait3A_588, %dma_wait3A_589] : memref<51200x1000xf32, #tpu.memory_space<hbm>> -> memref<1x1000xf32, #tpu.memory_space<hbm>>
      %dma_wait3A_591 = tpu.memref_squeeze %dma_wait3A_590 : memref<1x1000xf32, #tpu.memory_space<hbm>> -> memref<1000xf32, #tpu.memory_space<hbm>>
      %dma_wait3A_592 = arith.constant 0 : i32
      %dma_wait3A_593 = tpu.memref_slice %arg5[%dma_wait3A_587, %dma_wait3A_592] : memref<1000x1000xf32, #tpu.memory_space<vmem_shared>> -> memref<1x1000xf32, #tpu.memory_space<vmem_shared>>
      %dma_wait3A_594 = tpu.memref_squeeze %dma_wait3A_593 : memref<1x1000xf32, #tpu.memory_space<vmem_shared>> -> memref<1000xf32, #tpu.memory_space<vmem_shared>>
      tpu.wait_dma2 semaphore(%arg13 : memref<!tpu.dma_semaphore, #tpu.memory_space<semaphore_mem>>) src(%dma_wait3A_594 : memref<1000xf32, #tpu.memory_space<vmem_shared>>) dst(%dma_wait3A_591 : memref<1000xf32, #tpu.memory_space<hbm>>)
      %dma_wait3A_595 = arith.constant 0 : i32
      %dma_wait3A_596 = arith.constant 0 : i32
      %dma_wait3A_597 = arith.constant 0 : i32
      %dma_wait3A_598 = tpu.memref_slice %arg4[%dma_wait3A_596, %dma_wait3A_597] : memref<51200x1000xf32, #tpu.memory_space<hbm>> -> memref<1x1000xf32, #tpu.memory_space<hbm>>
      %dma_wait3A_599 = tpu.memref_squeeze %dma_wait3A_598 : memref<1x1000xf32, #tpu.memory_space<hbm>> -> memref<1000xf32, #tpu.memory_space<hbm>>
      %dma_wait3A_600 = arith.constant 0 : i32
      %dma_wait3A_601 = tpu.memref_slice %arg5[%dma_wait3A_595, %dma_wait3A_600] : memref<1000x1000xf32, #tpu.memory_space<vmem_shared>> -> memref<1x1000xf32, #tpu.memory_space<vmem_shared>>
      %dma_wait3A_602 = tpu.memref_squeeze %dma_wait3A_601 : memref<1x1000xf32, #tpu.memory_space<vmem_shared>> -> memref<1000xf32, #tpu.memory_space<vmem_shared>>
      tpu.wait_dma2 semaphore(%arg13 : memref<!tpu.dma_semaphore, #tpu.memory_space<semaphore_mem>>) src(%dma_wait3A_602 : memref<1000xf32, #tpu.memory_space<vmem_shared>>) dst(%dma_wait3A_599 : memref<1000xf32, #tpu.memory_space<hbm>>)
      %dma_wait3A_603 = arith.constant 0 : i32
      %dma_wait3A_604 = arith.constant 0 : i32
      %dma_wait3A_605 = arith.constant 0 : i32
      %dma_wait3A_606 = tpu.memref_slice %arg4[%dma_wait3A_604, %dma_wait3A_605] : memref<51200x1000xf32, #tpu.memory_space<hbm>> -> memref<1x1000xf32, #tpu.memory_space<hbm>>
      %dma_wait3A_607 = tpu.memref_squeeze %dma_wait3A_606 : memref<1x1000xf32, #tpu.memory_space<hbm>> -> memref<1000xf32, #tpu.memory_space<hbm>>
      %dma_wait3A_608 = arith.constant 0 : i32
      %dma_wait3A_609 = tpu.memref_slice %arg5[%dma_wait3A_603, %dma_wait3A_608] : memref<1000x1000xf32, #tpu.memory_space<vmem_shared>> -> memref<1x1000xf32, #tpu.memory_space<vmem_shared>>
      %dma_wait3A_610 = tpu.memref_squeeze %dma_wait3A_609 : memref<1x1000xf32, #tpu.memory_space<vmem_shared>> -> memref<1000xf32, #tpu.memory_space<vmem_shared>>
      tpu.wait_dma2 semaphore(%arg13 : memref<!tpu.dma_semaphore, #tpu.memory_space<semaphore_mem>>) src(%dma_wait3A_610 : memref<1000xf32, #tpu.memory_space<vmem_shared>>) dst(%dma_wait3A_607 : memref<1000xf32, #tpu.memory_space<hbm>>)
      %dma_wait3A_611 = arith.constant 0 : i32
      %dma_wait3A_612 = arith.constant 0 : i32
      %dma_wait3A_613 = arith.constant 0 : i32
      %dma_wait3A_614 = tpu.memref_slice %arg4[%dma_wait3A_612, %dma_wait3A_613] : memref<51200x1000xf32, #tpu.memory_space<hbm>> -> memref<1x1000xf32, #tpu.memory_space<hbm>>
      %dma_wait3A_615 = tpu.memref_squeeze %dma_wait3A_614 : memref<1x1000xf32, #tpu.memory_space<hbm>> -> memref<1000xf32, #tpu.memory_space<hbm>>
      %dma_wait3A_616 = arith.constant 0 : i32
      %dma_wait3A_617 = tpu.memref_slice %arg5[%dma_wait3A_611, %dma_wait3A_616] : memref<1000x1000xf32, #tpu.memory_space<vmem_shared>> -> memref<1x1000xf32, #tpu.memory_space<vmem_shared>>
      %dma_wait3A_618 = tpu.memref_squeeze %dma_wait3A_617 : memref<1x1000xf32, #tpu.memory_space<vmem_shared>> -> memref<1000xf32, #tpu.memory_space<vmem_shared>>
      tpu.wait_dma2 semaphore(%arg13 : memref<!tpu.dma_semaphore, #tpu.memory_space<semaphore_mem>>) src(%dma_wait3A_618 : memref<1000xf32, #tpu.memory_space<vmem_shared>>) dst(%dma_wait3A_615 : memref<1000xf32, #tpu.memory_space<hbm>>)
      %dma_wait3A_619 = arith.constant 0 : i32
      %dma_wait3A_620 = arith.constant 0 : i32
      %dma_wait3A_621 = arith.constant 0 : i32
      %dma_wait3A_622 = tpu.memref_slice %arg4[%dma_wait3A_620, %dma_wait3A_621] : memref<51200x1000xf32, #tpu.memory_space<hbm>> -> memref<1x1000xf32, #tpu.memory_space<hbm>>
      %dma_wait3A_623 = tpu.memref_squeeze %dma_wait3A_622 : memref<1x1000xf32, #tpu.memory_space<hbm>> -> memref<1000xf32, #tpu.memory_space<hbm>>
      %dma_wait3A_624 = arith.constant 0 : i32
      %dma_wait3A_625 = tpu.memref_slice %arg5[%dma_wait3A_619, %dma_wait3A_624] : memref<1000x1000xf32, #tpu.memory_space<vmem_shared>> -> memref<1x1000xf32, #tpu.memory_space<vmem_shared>>
      %dma_wait3A_626 = tpu.memref_squeeze %dma_wait3A_625 : memref<1x1000xf32, #tpu.memory_space<vmem_shared>> -> memref<1000xf32, #tpu.memory_space<vmem_shared>>
      tpu.wait_dma2 semaphore(%arg13 : memref<!tpu.dma_semaphore, #tpu.memory_space<semaphore_mem>>) src(%dma_wait3A_626 : memref<1000xf32, #tpu.memory_space<vmem_shared>>) dst(%dma_wait3A_623 : memref<1000xf32, #tpu.memory_space<hbm>>)
      %mul3A_627 = arith.constant 3 : i32
      %mul3A_628 = arith.muli %mul3A_627, %scan3A_68 : i32
      %add3A_629 = arith.constant 16 : i32
      %add3A_630 = arith.addi %add3A_629, %mul3A_628 : i32
      %add3A_631 = arith.constant 1 : i32
      %add3A_632 = arith.addi %add3A_630, %add3A_631 : i32
      %mul3A_633 = arith.constant 16 : i32
      %mul3A_634 = arith.muli %add3A_632, %mul3A_633 : i32
      %add3A_635 = arith.constant 768 : i32
      %add3A_636 = arith.addi %add3A_635, %mul3A_634 : i32
      %get3A_637 = arith.index_cast %add3A_636 : i32 to index
      %get3A_638 = tpu.vector_load %arg6[%get3A_637] {strides = array<i32>} : memref<1600xi32, #tpu.memory_space<vmem>>, vector<16xi32>,
      %get3A_639 = vector.shape_cast %get3A_638 : vector<16xi32> to vector<16xi32>
      %slice3A_640 = vector.extract_strided_slice %get3A_639 {offsets = [0], sizes = [1], strides = [1]} : vector<16xi32> to vector<1xi32>
      %squeeze3A_641 = vector.extract %slice3A_640[0] : i32 from vector<1xi32>
      %add3A_642 = arith.constant 768 : i32
      %add3A_643 = arith.addi %mul3A_2, %add3A_642 : i32
      %mul3A_644 = arith.constant 16 : i32
      %mul3A_645 = arith.muli %add3A_632, %mul3A_644 : i32
      %add3A_646 = arith.addi %add3A_643, %mul3A_645 : i32
      %add3A_647 = arith.constant 0 : i32
      %add3A_648 = arith.addi %add3A_646, %add3A_647 : i32
      %dma_start3A_649 = arith.constant 0 : i32
      %dma_start3A_650 = tpu.memref_slice %arg4[%add3A_648, %dma_start3A_649] : memref<51200x1000xf32, #tpu.memory_space<hbm>> -> memref<1x1000xf32, #tpu.memory_space<hbm>>
      %dma_start3A_651 = tpu.memref_squeeze %dma_start3A_650 : memref<1x1000xf32, #tpu.memory_space<hbm>> -> memref<1000xf32, #tpu.memory_space<hbm>>
      %dma_start3A_652 = arith.constant 0 : i32
      %dma_start3A_653 = tpu.memref_slice %arg5[%squeeze3A_641, %dma_start3A_652] : memref<1000x1000xf32, #tpu.memory_space<vmem_shared>> -> memref<1x1000xf32, #tpu.memory_space<vmem_shared>>
      %dma_start3A_654 = tpu.memref_squeeze %dma_start3A_653 : memref<1x1000xf32, #tpu.memory_space<vmem_shared>> -> memref<1000xf32, #tpu.memory_space<vmem_shared>>
      tpu.enqueue_dma source(%dma_start3A_654 : memref<1000xf32, #tpu.memory_space<vmem_shared>>) target(%dma_start3A_651 : memref<1000xf32, #tpu.memory_space<hbm>>) target_semaphore(%arg13 : memref<!tpu.dma_semaphore, #tpu.memory_space<semaphore_mem>>)
      %slice3A_655 = vector.extract_strided_slice %get3A_639 {offsets = [1], sizes = [1], strides = [1]} : vector<16xi32> to vector<1xi32>
      %squeeze3A_656 = vector.extract %slice3A_655[0] : i32 from vector<1xi32>
      %add3A_657 = arith.constant 768 : i32
      %add3A_658 = arith.addi %mul3A_2, %add3A_657 : i32
      %mul3A_659 = arith.constant 16 : i32
      %mul3A_660 = arith.muli %add3A_632, %mul3A_659 : i32
      %add3A_661 = arith.addi %add3A_658, %mul3A_660 : i32
      %add3A_662 = arith.constant 1 : i32
      %add3A_663 = arith.addi %add3A_661, %add3A_662 : i32
      %dma_start3A_664 = arith.constant 0 : i32
      %dma_start3A_665 = tpu.memref_slice %arg4[%add3A_663, %dma_start3A_664] : memref<51200x1000xf32, #tpu.memory_space<hbm>> -> memref<1x1000xf32, #tpu.memory_space<hbm>>
      %dma_start3A_666 = tpu.memref_squeeze %dma_start3A_665 : memref<1x1000xf32, #tpu.memory_space<hbm>> -> memref<1000xf32, #tpu.memory_space<hbm>>
      %dma_start3A_667 = arith.constant 0 : i32
      %dma_start3A_668 = tpu.memref_slice %arg5[%squeeze3A_656, %dma_start3A_667] : memref<1000x1000xf32, #tpu.memory_space<vmem_shared>> -> memref<1x1000xf32, #tpu.memory_space<vmem_shared>>
      %dma_start3A_669 = tpu.memref_squeeze %dma_start3A_668 : memref<1x1000xf32, #tpu.memory_space<vmem_shared>> -> memref<1000xf32, #tpu.memory_space<vmem_shared>>
      tpu.enqueue_dma source(%dma_start3A_669 : memref<1000xf32, #tpu.memory_space<vmem_shared>>) target(%dma_start3A_666 : memref<1000xf32, #tpu.memory_space<hbm>>) target_semaphore(%arg13 : memref<!tpu.dma_semaphore, #tpu.memory_space<semaphore_mem>>)
      %slice3A_670 = vector.extract_strided_slice %get3A_639 {offsets = [2], sizes = [1], strides = [1]} : vector<16xi32> to vector<1xi32>
      %squeeze3A_671 = vector.extract %slice3A_670[0] : i32 from vector<1xi32>
      %add3A_672 = arith.constant 768 : i32
      %add3A_673 = arith.addi %mul3A_2, %add3A_672 : i32
      %mul3A_674 = arith.constant 16 : i32
      %mul3A_675 = arith.muli %add3A_632, %mul3A_674 : i32
      %add3A_676 = arith.addi %add3A_673, %mul3A_675 : i32
      %add3A_677 = arith.constant 2 : i32
      %add3A_678 = arith.addi %add3A_676, %add3A_677 : i32
      %dma_start3A_679 = arith.constant 0 : i32
      %dma_start3A_680 = tpu.memref_slice %arg4[%add3A_678, %dma_start3A_679] : memref<51200x1000xf32, #tpu.memory_space<hbm>> -> memref<1x1000xf32, #tpu.memory_space<hbm>>
      %dma_start3A_681 = tpu.memref_squeeze %dma_start3A_680 : memref<1x1000xf32, #tpu.memory_space<hbm>> -> memref<1000xf32, #tpu.memory_space<hbm>>
      %dma_start3A_682 = arith.constant 0 : i32
      %dma_start3A_683 = tpu.memref_slice %arg5[%squeeze3A_671, %dma_start3A_682] : memref<1000x1000xf32, #tpu.memory_space<vmem_shared>> -> memref<1x1000xf32, #tpu.memory_space<vmem_shared>>
      %dma_start3A_684 = tpu.memref_squeeze %dma_start3A_683 : memref<1x1000xf32, #tpu.memory_space<vmem_shared>> -> memref<1000xf32, #tpu.memory_space<vmem_shared>>
      tpu.enqueue_dma source(%dma_start3A_684 : memref<1000xf32, #tpu.memory_space<vmem_shared>>) target(%dma_start3A_681 : memref<1000xf32, #tpu.memory_space<hbm>>) target_semaphore(%arg13 : memref<!tpu.dma_semaphore, #tpu.memory_space<semaphore_mem>>)
      %slice3A_685 = vector.extract_strided_slice %get3A_639 {offsets = [3], sizes = [1], strides = [1]} : vector<16xi32> to vector<1xi32>
      %squeeze3A_686 = vector.extract %slice3A_685[0] : i32 from vector<1xi32>
      %add3A_687 = arith.constant 768 : i32
      %add3A_688 = arith.addi %mul3A_2, %add3A_687 : i32
      %mul3A_689 = arith.constant 16 : i32
      %mul3A_690 = arith.muli %add3A_632, %mul3A_689 : i32
      %add3A_691 = arith.addi %add3A_688, %mul3A_690 : i32
      %add3A_692 = arith.constant 3 : i32
      %add3A_693 = arith.addi %add3A_691, %add3A_692 : i32
      %dma_start3A_694 = arith.constant 0 : i32
      %dma_start3A_695 = tpu.memref_slice %arg4[%add3A_693, %dma_start3A_694] : memref<51200x1000xf32, #tpu.memory_space<hbm>> -> memref<1x1000xf32, #tpu.memory_space<hbm>>
      %dma_start3A_696 = tpu.memref_squeeze %dma_start3A_695 : memref<1x1000xf32, #tpu.memory_space<hbm>> -> memref<1000xf32, #tpu.memory_space<hbm>>
      %dma_start3A_697 = arith.constant 0 : i32
      %dma_start3A_698 = tpu.memref_slice %arg5[%squeeze3A_686, %dma_start3A_697] : memref<1000x1000xf32, #tpu.memory_space<vmem_shared>> -> memref<1x1000xf32, #tpu.memory_space<vmem_shared>>
      %dma_start3A_699 = tpu.memref_squeeze %dma_start3A_698 : memref<1x1000xf32, #tpu.memory_space<vmem_shared>> -> memref<1000xf32, #tpu.memory_space<vmem_shared>>
      tpu.enqueue_dma source(%dma_start3A_699 : memref<1000xf32, #tpu.memory_space<vmem_shared>>) target(%dma_start3A_696 : memref<1000xf32, #tpu.memory_space<hbm>>) target_semaphore(%arg13 : memref<!tpu.dma_semaphore, #tpu.memory_space<semaphore_mem>>)
      %slice3A_700 = vector.extract_strided_slice %get3A_639 {offsets = [4], sizes = [1], strides = [1]} : vector<16xi32> to vector<1xi32>
      %squeeze3A_701 = vector.extract %slice3A_700[0] : i32 from vector<1xi32>
      %add3A_702 = arith.constant 768 : i32
      %add3A_703 = arith.addi %mul3A_2, %add3A_702 : i32
      %mul3A_704 = arith.constant 16 : i32
      %mul3A_705 = arith.muli %add3A_632, %mul3A_704 : i32
      %add3A_706 = arith.addi %add3A_703, %mul3A_705 : i32
      %add3A_707 = arith.constant 4 : i32
      %add3A_708 = arith.addi %add3A_706, %add3A_707 : i32
      %dma_start3A_709 = arith.constant 0 : i32
      %dma_start3A_710 = tpu.memref_slice %arg4[%add3A_708, %dma_start3A_709] : memref<51200x1000xf32, #tpu.memory_space<hbm>> -> memref<1x1000xf32, #tpu.memory_space<hbm>>
      %dma_start3A_711 = tpu.memref_squeeze %dma_start3A_710 : memref<1x1000xf32, #tpu.memory_space<hbm>> -> memref<1000xf32, #tpu.memory_space<hbm>>
      %dma_start3A_712 = arith.constant 0 : i32
      %dma_start3A_713 = tpu.memref_slice %arg5[%squeeze3A_701, %dma_start3A_712] : memref<1000x1000xf32, #tpu.memory_space<vmem_shared>> -> memref<1x1000xf32, #tpu.memory_space<vmem_shared>>
      %dma_start3A_714 = tpu.memref_squeeze %dma_start3A_713 : memref<1x1000xf32, #tpu.memory_space<vmem_shared>> -> memref<1000xf32, #tpu.memory_space<vmem_shared>>
      tpu.enqueue_dma source(%dma_start3A_714 : memref<1000xf32, #tpu.memory_space<vmem_shared>>) target(%dma_start3A_711 : memref<1000xf32, #tpu.memory_space<hbm>>) target_semaphore(%arg13 : memref<!tpu.dma_semaphore, #tpu.memory_space<semaphore_mem>>)
      %slice3A_715 = vector.extract_strided_slice %get3A_639 {offsets = [5], sizes = [1], strides = [1]} : vector<16xi32> to vector<1xi32>
      %squeeze3A_716 = vector.extract %slice3A_715[0] : i32 from vector<1xi32>
      %add3A_717 = arith.constant 768 : i32
      %add3A_718 = arith.addi %mul3A_2, %add3A_717 : i32
      %mul3A_719 = arith.constant 16 : i32
      %mul3A_720 = arith.muli %add3A_632, %mul3A_719 : i32
      %add3A_721 = arith.addi %add3A_718, %mul3A_720 : i32
      %add3A_722 = arith.constant 5 : i32
      %add3A_723 = arith.addi %add3A_721, %add3A_722 : i32
      %dma_start3A_724 = arith.constant 0 : i32
      %dma_start3A_725 = tpu.memref_slice %arg4[%add3A_723, %dma_start3A_724] : memref<51200x1000xf32, #tpu.memory_space<hbm>> -> memref<1x1000xf32, #tpu.memory_space<hbm>>
      %dma_start3A_726 = tpu.memref_squeeze %dma_start3A_725 : memref<1x1000xf32, #tpu.memory_space<hbm>> -> memref<1000xf32, #tpu.memory_space<hbm>>
      %dma_start3A_727 = arith.constant 0 : i32
      %dma_start3A_728 = tpu.memref_slice %arg5[%squeeze3A_716, %dma_start3A_727] : memref<1000x1000xf32, #tpu.memory_space<vmem_shared>> -> memref<1x1000xf32, #tpu.memory_space<vmem_shared>>
      %dma_start3A_729 = tpu.memref_squeeze %dma_start3A_728 : memref<1x1000xf32, #tpu.memory_space<vmem_shared>> -> memref<1000xf32, #tpu.memory_space<vmem_shared>>
      tpu.enqueue_dma source(%dma_start3A_729 : memref<1000xf32, #tpu.memory_space<vmem_shared>>) target(%dma_start3A_726 : memref<1000xf32, #tpu.memory_space<hbm>>) target_semaphore(%arg13 : memref<!tpu.dma_semaphore, #tpu.memory_space<semaphore_mem>>)
      %slice3A_730 = vector.extract_strided_slice %get3A_639 {offsets = [6], sizes = [1], strides = [1]} : vector<16xi32> to vector<1xi32>
      %squeeze3A_731 = vector.extract %slice3A_730[0] : i32 from vector<1xi32>
      %add3A_732 = arith.constant 768 : i32
      %add3A_733 = arith.addi %mul3A_2, %add3A_732 : i32
      %mul3A_734 = arith.constant 16 : i32
      %mul3A_735 = arith.muli %add3A_632, %mul3A_734 : i32
      %add3A_736 = arith.addi %add3A_733, %mul3A_735 : i32
      %add3A_737 = arith.constant 6 : i32
      %add3A_738 = arith.addi %add3A_736, %add3A_737 : i32
      %dma_start3A_739 = arith.constant 0 : i32
      %dma_start3A_740 = tpu.memref_slice %arg4[%add3A_738, %dma_start3A_739] : memref<51200x1000xf32, #tpu.memory_space<hbm>> -> memref<1x1000xf32, #tpu.memory_space<hbm>>
      %dma_start3A_741 = tpu.memref_squeeze %dma_start3A_740 : memref<1x1000xf32, #tpu.memory_space<hbm>> -> memref<1000xf32, #tpu.memory_space<hbm>>
      %dma_start3A_742 = arith.constant 0 : i32
      %dma_start3A_743 = tpu.memref_slice %arg5[%squeeze3A_731, %dma_start3A_742] : memref<1000x1000xf32, #tpu.memory_space<vmem_shared>> -> memref<1x1000xf32, #tpu.memory_space<vmem_shared>>
      %dma_start3A_744 = tpu.memref_squeeze %dma_start3A_743 : memref<1x1000xf32, #tpu.memory_space<vmem_shared>> -> memref<1000xf32, #tpu.memory_space<vmem_shared>>
      tpu.enqueue_dma source(%dma_start3A_744 : memref<1000xf32, #tpu.memory_space<vmem_shared>>) target(%dma_start3A_741 : memref<1000xf32, #tpu.memory_space<hbm>>) target_semaphore(%arg13 : memref<!tpu.dma_semaphore, #tpu.memory_space<semaphore_mem>>)
      %slice3A_745 = vector.extract_strided_slice %get3A_639 {offsets = [7], sizes = [1], strides = [1]} : vector<16xi32> to vector<1xi32>
      %squeeze3A_746 = vector.extract %slice3A_745[0] : i32 from vector<1xi32>
      %add3A_747 = arith.constant 768 : i32
      %add3A_748 = arith.addi %mul3A_2, %add3A_747 : i32
      %mul3A_749 = arith.constant 16 : i32
      %mul3A_750 = arith.muli %add3A_632, %mul3A_749 : i32
      %add3A_751 = arith.addi %add3A_748, %mul3A_750 : i32
      %add3A_752 = arith.constant 7 : i32
      %add3A_753 = arith.addi %add3A_751, %add3A_752 : i32
      %dma_start3A_754 = arith.constant 0 : i32
      %dma_start3A_755 = tpu.memref_slice %arg4[%add3A_753, %dma_start3A_754] : memref<51200x1000xf32, #tpu.memory_space<hbm>> -> memref<1x1000xf32, #tpu.memory_space<hbm>>
      %dma_start3A_756 = tpu.memref_squeeze %dma_start3A_755 : memref<1x1000xf32, #tpu.memory_space<hbm>> -> memref<1000xf32, #tpu.memory_space<hbm>>
      %dma_start3A_757 = arith.constant 0 : i32
      %dma_start3A_758 = tpu.memref_slice %arg5[%squeeze3A_746, %dma_start3A_757] : memref<1000x1000xf32, #tpu.memory_space<vmem_shared>> -> memref<1x1000xf32, #tpu.memory_space<vmem_shared>>
      %dma_start3A_759 = tpu.memref_squeeze %dma_start3A_758 : memref<1x1000xf32, #tpu.memory_space<vmem_shared>> -> memref<1000xf32, #tpu.memory_space<vmem_shared>>
      tpu.enqueue_dma source(%dma_start3A_759 : memref<1000xf32, #tpu.memory_space<vmem_shared>>) target(%dma_start3A_756 : memref<1000xf32, #tpu.memory_space<hbm>>) target_semaphore(%arg13 : memref<!tpu.dma_semaphore, #tpu.memory_space<semaphore_mem>>)
      %slice3A_760 = vector.extract_strided_slice %get3A_639 {offsets = [8], sizes = [1], strides = [1]} : vector<16xi32> to vector<1xi32>
      %squeeze3A_761 = vector.extract %slice3A_760[0] : i32 from vector<1xi32>
      %add3A_762 = arith.constant 768 : i32
      %add3A_763 = arith.addi %mul3A_2, %add3A_762 : i32
      %mul3A_764 = arith.constant 16 : i32
      %mul3A_765 = arith.muli %add3A_632, %mul3A_764 : i32
      %add3A_766 = arith.addi %add3A_763, %mul3A_765 : i32
      %add3A_767 = arith.constant 8 : i32
      %add3A_768 = arith.addi %add3A_766, %add3A_767 : i32
      %dma_start3A_769 = arith.constant 0 : i32
      %dma_start3A_770 = tpu.memref_slice %arg4[%add3A_768, %dma_start3A_769] : memref<51200x1000xf32, #tpu.memory_space<hbm>> -> memref<1x1000xf32, #tpu.memory_space<hbm>>
      %dma_start3A_771 = tpu.memref_squeeze %dma_start3A_770 : memref<1x1000xf32, #tpu.memory_space<hbm>> -> memref<1000xf32, #tpu.memory_space<hbm>>
      %dma_start3A_772 = arith.constant 0 : i32
      %dma_start3A_773 = tpu.memref_slice %arg5[%squeeze3A_761, %dma_start3A_772] : memref<1000x1000xf32, #tpu.memory_space<vmem_shared>> -> memref<1x1000xf32, #tpu.memory_space<vmem_shared>>
      %dma_start3A_774 = tpu.memref_squeeze %dma_start3A_773 : memref<1x1000xf32, #tpu.memory_space<vmem_shared>> -> memref<1000xf32, #tpu.memory_space<vmem_shared>>
      tpu.enqueue_dma source(%dma_start3A_774 : memref<1000xf32, #tpu.memory_space<vmem_shared>>) target(%dma_start3A_771 : memref<1000xf32, #tpu.memory_space<hbm>>) target_semaphore(%arg13 : memref<!tpu.dma_semaphore, #tpu.memory_space<semaphore_mem>>)
      %slice3A_775 = vector.extract_strided_slice %get3A_639 {offsets = [9], sizes = [1], strides = [1]} : vector<16xi32> to vector<1xi32>
      %squeeze3A_776 = vector.extract %slice3A_775[0] : i32 from vector<1xi32>
      %add3A_777 = arith.constant 768 : i32
      %add3A_778 = arith.addi %mul3A_2, %add3A_777 : i32
      %mul3A_779 = arith.constant 16 : i32
      %mul3A_780 = arith.muli %add3A_632, %mul3A_779 : i32
      %add3A_781 = arith.addi %add3A_778, %mul3A_780 : i32
      %add3A_782 = arith.constant 9 : i32
      %add3A_783 = arith.addi %add3A_781, %add3A_782 : i32
      %dma_start3A_784 = arith.constant 0 : i32
      %dma_start3A_785 = tpu.memref_slice %arg4[%add3A_783, %dma_start3A_784] : memref<51200x1000xf32, #tpu.memory_space<hbm>> -> memref<1x1000xf32, #tpu.memory_space<hbm>>
      %dma_start3A_786 = tpu.memref_squeeze %dma_start3A_785 : memref<1x1000xf32, #tpu.memory_space<hbm>> -> memref<1000xf32, #tpu.memory_space<hbm>>
      %dma_start3A_787 = arith.constant 0 : i32
      %dma_start3A_788 = tpu.memref_slice %arg5[%squeeze3A_776, %dma_start3A_787] : memref<1000x1000xf32, #tpu.memory_space<vmem_shared>> -> memref<1x1000xf32, #tpu.memory_space<vmem_shared>>
      %dma_start3A_789 = tpu.memref_squeeze %dma_start3A_788 : memref<1x1000xf32, #tpu.memory_space<vmem_shared>> -> memref<1000xf32, #tpu.memory_space<vmem_shared>>
      tpu.enqueue_dma source(%dma_start3A_789 : memref<1000xf32, #tpu.memory_space<vmem_shared>>) target(%dma_start3A_786 : memref<1000xf32, #tpu.memory_space<hbm>>) target_semaphore(%arg13 : memref<!tpu.dma_semaphore, #tpu.memory_space<semaphore_mem>>)
      %slice3A_790 = vector.extract_strided_slice %get3A_639 {offsets = [10], sizes = [1], strides = [1]} : vector<16xi32> to vector<1xi32>
      %squeeze3A_791 = vector.extract %slice3A_790[0] : i32 from vector<1xi32>
      %add3A_792 = arith.constant 768 : i32
      %add3A_793 = arith.addi %mul3A_2, %add3A_792 : i32
      %mul3A_794 = arith.constant 16 : i32
      %mul3A_795 = arith.muli %add3A_632, %mul3A_794 : i32
      %add3A_796 = arith.addi %add3A_793, %mul3A_795 : i32
      %add3A_797 = arith.constant 10 : i32
      %add3A_798 = arith.addi %add3A_796, %add3A_797 : i32
      %dma_start3A_799 = arith.constant 0 : i32
      %dma_start3A_800 = tpu.memref_slice %arg4[%add3A_798, %dma_start3A_799] : memref<51200x1000xf32, #tpu.memory_space<hbm>> -> memref<1x1000xf32, #tpu.memory_space<hbm>>
      %dma_start3A_801 = tpu.memref_squeeze %dma_start3A_800 : memref<1x1000xf32, #tpu.memory_space<hbm>> -> memref<1000xf32, #tpu.memory_space<hbm>>
      %dma_start3A_802 = arith.constant 0 : i32
      %dma_start3A_803 = tpu.memref_slice %arg5[%squeeze3A_791, %dma_start3A_802] : memref<1000x1000xf32, #tpu.memory_space<vmem_shared>> -> memref<1x1000xf32, #tpu.memory_space<vmem_shared>>
      %dma_start3A_804 = tpu.memref_squeeze %dma_start3A_803 : memref<1x1000xf32, #tpu.memory_space<vmem_shared>> -> memref<1000xf32, #tpu.memory_space<vmem_shared>>
      tpu.enqueue_dma source(%dma_start3A_804 : memref<1000xf32, #tpu.memory_space<vmem_shared>>) target(%dma_start3A_801 : memref<1000xf32, #tpu.memory_space<hbm>>) target_semaphore(%arg13 : memref<!tpu.dma_semaphore, #tpu.memory_space<semaphore_mem>>)
      %slice3A_805 = vector.extract_strided_slice %get3A_639 {offsets = [11], sizes = [1], strides = [1]} : vector<16xi32> to vector<1xi32>
      %squeeze3A_806 = vector.extract %slice3A_805[0] : i32 from vector<1xi32>
      %add3A_807 = arith.constant 768 : i32
      %add3A_808 = arith.addi %mul3A_2, %add3A_807 : i32
      %mul3A_809 = arith.constant 16 : i32
      %mul3A_810 = arith.muli %add3A_632, %mul3A_809 : i32
      %add3A_811 = arith.addi %add3A_808, %mul3A_810 : i32
      %add3A_812 = arith.constant 11 : i32
      %add3A_813 = arith.addi %add3A_811, %add3A_812 : i32
      %dma_start3A_814 = arith.constant 0 : i32
      %dma_start3A_815 = tpu.memref_slice %arg4[%add3A_813, %dma_start3A_814] : memref<51200x1000xf32, #tpu.memory_space<hbm>> -> memref<1x1000xf32, #tpu.memory_space<hbm>>
      %dma_start3A_816 = tpu.memref_squeeze %dma_start3A_815 : memref<1x1000xf32, #tpu.memory_space<hbm>> -> memref<1000xf32, #tpu.memory_space<hbm>>
      %dma_start3A_817 = arith.constant 0 : i32
      %dma_start3A_818 = tpu.memref_slice %arg5[%squeeze3A_806, %dma_start3A_817] : memref<1000x1000xf32, #tpu.memory_space<vmem_shared>> -> memref<1x1000xf32, #tpu.memory_space<vmem_shared>>
      %dma_start3A_819 = tpu.memref_squeeze %dma_start3A_818 : memref<1x1000xf32, #tpu.memory_space<vmem_shared>> -> memref<1000xf32, #tpu.memory_space<vmem_shared>>
      tpu.enqueue_dma source(%dma_start3A_819 : memref<1000xf32, #tpu.memory_space<vmem_shared>>) target(%dma_start3A_816 : memref<1000xf32, #tpu.memory_space<hbm>>) target_semaphore(%arg13 : memref<!tpu.dma_semaphore, #tpu.memory_space<semaphore_mem>>)
      %slice3A_820 = vector.extract_strided_slice %get3A_639 {offsets = [12], sizes = [1], strides = [1]} : vector<16xi32> to vector<1xi32>
      %squeeze3A_821 = vector.extract %slice3A_820[0] : i32 from vector<1xi32>
      %add3A_822 = arith.constant 768 : i32
      %add3A_823 = arith.addi %mul3A_2, %add3A_822 : i32
      %mul3A_824 = arith.constant 16 : i32
      %mul3A_825 = arith.muli %add3A_632, %mul3A_824 : i32
      %add3A_826 = arith.addi %add3A_823, %mul3A_825 : i32
      %add3A_827 = arith.constant 12 : i32
      %add3A_828 = arith.addi %add3A_826, %add3A_827 : i32
      %dma_start3A_829 = arith.constant 0 : i32
      %dma_start3A_830 = tpu.memref_slice %arg4[%add3A_828, %dma_start3A_829] : memref<51200x1000xf32, #tpu.memory_space<hbm>> -> memref<1x1000xf32, #tpu.memory_space<hbm>>
      %dma_start3A_831 = tpu.memref_squeeze %dma_start3A_830 : memref<1x1000xf32, #tpu.memory_space<hbm>> -> memref<1000xf32, #tpu.memory_space<hbm>>
      %dma_start3A_832 = arith.constant 0 : i32
      %dma_start3A_833 = tpu.memref_slice %arg5[%squeeze3A_821, %dma_start3A_832] : memref<1000x1000xf32, #tpu.memory_space<vmem_shared>> -> memref<1x1000xf32, #tpu.memory_space<vmem_shared>>
      %dma_start3A_834 = tpu.memref_squeeze %dma_start3A_833 : memref<1x1000xf32, #tpu.memory_space<vmem_shared>> -> memref<1000xf32, #tpu.memory_space<vmem_shared>>
      tpu.enqueue_dma source(%dma_start3A_834 : memref<1000xf32, #tpu.memory_space<vmem_shared>>) target(%dma_start3A_831 : memref<1000xf32, #tpu.memory_space<hbm>>) target_semaphore(%arg13 : memref<!tpu.dma_semaphore, #tpu.memory_space<semaphore_mem>>)
      %slice3A_835 = vector.extract_strided_slice %get3A_639 {offsets = [13], sizes = [1], strides = [1]} : vector<16xi32> to vector<1xi32>
      %squeeze3A_836 = vector.extract %slice3A_835[0] : i32 from vector<1xi32>
      %add3A_837 = arith.constant 768 : i32
      %add3A_838 = arith.addi %mul3A_2, %add3A_837 : i32
      %mul3A_839 = arith.constant 16 : i32
      %mul3A_840 = arith.muli %add3A_632, %mul3A_839 : i32
      %add3A_841 = arith.addi %add3A_838, %mul3A_840 : i32
      %add3A_842 = arith.constant 13 : i32
      %add3A_843 = arith.addi %add3A_841, %add3A_842 : i32
      %dma_start3A_844 = arith.constant 0 : i32
      %dma_start3A_845 = tpu.memref_slice %arg4[%add3A_843, %dma_start3A_844] : memref<51200x1000xf32, #tpu.memory_space<hbm>> -> memref<1x1000xf32, #tpu.memory_space<hbm>>
      %dma_start3A_846 = tpu.memref_squeeze %dma_start3A_845 : memref<1x1000xf32, #tpu.memory_space<hbm>> -> memref<1000xf32, #tpu.memory_space<hbm>>
      %dma_start3A_847 = arith.constant 0 : i32
      %dma_start3A_848 = tpu.memref_slice %arg5[%squeeze3A_836, %dma_start3A_847] : memref<1000x1000xf32, #tpu.memory_space<vmem_shared>> -> memref<1x1000xf32, #tpu.memory_space<vmem_shared>>
      %dma_start3A_849 = tpu.memref_squeeze %dma_start3A_848 : memref<1x1000xf32, #tpu.memory_space<vmem_shared>> -> memref<1000xf32, #tpu.memory_space<vmem_shared>>
      tpu.enqueue_dma source(%dma_start3A_849 : memref<1000xf32, #tpu.memory_space<vmem_shared>>) target(%dma_start3A_846 : memref<1000xf32, #tpu.memory_space<hbm>>) target_semaphore(%arg13 : memref<!tpu.dma_semaphore, #tpu.memory_space<semaphore_mem>>)
      %slice3A_850 = vector.extract_strided_slice %get3A_639 {offsets = [14], sizes = [1], strides = [1]} : vector<16xi32> to vector<1xi32>
      %squeeze3A_851 = vector.extract %slice3A_850[0] : i32 from vector<1xi32>
      %add3A_852 = arith.constant 768 : i32
      %add3A_853 = arith.addi %mul3A_2, %add3A_852 : i32
      %mul3A_854 = arith.constant 16 : i32
      %mul3A_855 = arith.muli %add3A_632, %mul3A_854 : i32
      %add3A_856 = arith.addi %add3A_853, %mul3A_855 : i32
      %add3A_857 = arith.constant 14 : i32
      %add3A_858 = arith.addi %add3A_856, %add3A_857 : i32
      %dma_start3A_859 = arith.constant 0 : i32
      %dma_start3A_860 = tpu.memref_slice %arg4[%add3A_858, %dma_start3A_859] : memref<51200x1000xf32, #tpu.memory_space<hbm>> -> memref<1x1000xf32, #tpu.memory_space<hbm>>
      %dma_start3A_861 = tpu.memref_squeeze %dma_start3A_860 : memref<1x1000xf32, #tpu.memory_space<hbm>> -> memref<1000xf32, #tpu.memory_space<hbm>>
      %dma_start3A_862 = arith.constant 0 : i32
      %dma_start3A_863 = tpu.memref_slice %arg5[%squeeze3A_851, %dma_start3A_862] : memref<1000x1000xf32, #tpu.memory_space<vmem_shared>> -> memref<1x1000xf32, #tpu.memory_space<vmem_shared>>
      %dma_start3A_864 = tpu.memref_squeeze %dma_start3A_863 : memref<1x1000xf32, #tpu.memory_space<vmem_shared>> -> memref<1000xf32, #tpu.memory_space<vmem_shared>>
      tpu.enqueue_dma source(%dma_start3A_864 : memref<1000xf32, #tpu.memory_space<vmem_shared>>) target(%dma_start3A_861 : memref<1000xf32, #tpu.memory_space<hbm>>) target_semaphore(%arg13 : memref<!tpu.dma_semaphore, #tpu.memory_space<semaphore_mem>>)
      %slice3A_865 = vector.extract_strided_slice %get3A_639 {offsets = [15], sizes = [1], strides = [1]} : vector<16xi32> to vector<1xi32>
      %squeeze3A_866 = vector.extract %slice3A_865[0] : i32 from vector<1xi32>
      %add3A_867 = arith.constant 768 : i32
      %add3A_868 = arith.addi %mul3A_2, %add3A_867 : i32
      %mul3A_869 = arith.constant 16 : i32
      %mul3A_870 = arith.muli %add3A_632, %mul3A_869 : i32
      %add3A_871 = arith.addi %add3A_868, %mul3A_870 : i32
      %add3A_872 = arith.constant 15 : i32
      %add3A_873 = arith.addi %add3A_871, %add3A_872 : i32
      %dma_start3A_874 = arith.constant 0 : i32
      %dma_start3A_875 = tpu.memref_slice %arg4[%add3A_873, %dma_start3A_874] : memref<51200x1000xf32, #tpu.memory_space<hbm>> -> memref<1x1000xf32, #tpu.memory_space<hbm>>
      %dma_start3A_876 = tpu.memref_squeeze %dma_start3A_875 : memref<1x1000xf32, #tpu.memory_space<hbm>> -> memref<1000xf32, #tpu.memory_space<hbm>>
      %dma_start3A_877 = arith.constant 0 : i32
      %dma_start3A_878 = tpu.memref_slice %arg5[%squeeze3A_866, %dma_start3A_877] : memref<1000x1000xf32, #tpu.memory_space<vmem_shared>> -> memref<1x1000xf32, #tpu.memory_space<vmem_shared>>
      %dma_start3A_879 = tpu.memref_squeeze %dma_start3A_878 : memref<1x1000xf32, #tpu.memory_space<vmem_shared>> -> memref<1000xf32, #tpu.memory_space<vmem_shared>>
      tpu.enqueue_dma source(%dma_start3A_879 : memref<1000xf32, #tpu.memory_space<vmem_shared>>) target(%dma_start3A_876 : memref<1000xf32, #tpu.memory_space<hbm>>) target_semaphore(%arg13 : memref<!tpu.dma_semaphore, #tpu.memory_space<semaphore_mem>>)
      %dma_wait3A_880 = arith.constant 0 : i32
      %dma_wait3A_881 = arith.constant 0 : i32
      %dma_wait3A_882 = arith.constant 0 : i32
      %dma_wait3A_883 = tpu.memref_slice %arg4[%dma_wait3A_881, %dma_wait3A_882] : memref<51200x1000xf32, #tpu.memory_space<hbm>> -> memref<1x1000xf32, #tpu.memory_space<hbm>>
      %dma_wait3A_884 = tpu.memref_squeeze %dma_wait3A_883 : memref<1x1000xf32, #tpu.memory_space<hbm>> -> memref<1000xf32, #tpu.memory_space<hbm>>
      %dma_wait3A_885 = arith.constant 0 : i32
      %dma_wait3A_886 = tpu.memref_slice %arg5[%dma_wait3A_880, %dma_wait3A_885] : memref<1000x1000xf32, #tpu.memory_space<vmem_shared>> -> memref<1x1000xf32, #tpu.memory_space<vmem_shared>>
      %dma_wait3A_887 = tpu.memref_squeeze %dma_wait3A_886 : memref<1x1000xf32, #tpu.memory_space<vmem_shared>> -> memref<1000xf32, #tpu.memory_space<vmem_shared>>
      tpu.wait_dma2 semaphore(%arg13 : memref<!tpu.dma_semaphore, #tpu.memory_space<semaphore_mem>>) src(%dma_wait3A_887 : memref<1000xf32, #tpu.memory_space<vmem_shared>>) dst(%dma_wait3A_884 : memref<1000xf32, #tpu.memory_space<hbm>>)
      %dma_wait3A_888 = arith.constant 0 : i32
      %dma_wait3A_889 = arith.constant 0 : i32
      %dma_wait3A_890 = arith.constant 0 : i32
      %dma_wait3A_891 = tpu.memref_slice %arg4[%dma_wait3A_889, %dma_wait3A_890] : memref<51200x1000xf32, #tpu.memory_space<hbm>> -> memref<1x1000xf32, #tpu.memory_space<hbm>>
      %dma_wait3A_892 = tpu.memref_squeeze %dma_wait3A_891 : memref<1x1000xf32, #tpu.memory_space<hbm>> -> memref<1000xf32, #tpu.memory_space<hbm>>
      %dma_wait3A_893 = arith.constant 0 : i32
      %dma_wait3A_894 = tpu.memref_slice %arg5[%dma_wait3A_888, %dma_wait3A_893] : memref<1000x1000xf32, #tpu.memory_space<vmem_shared>> -> memref<1x1000xf32, #tpu.memory_space<vmem_shared>>
      %dma_wait3A_895 = tpu.memref_squeeze %dma_wait3A_894 : memref<1x1000xf32, #tpu.memory_space<vmem_shared>> -> memref<1000xf32, #tpu.memory_space<vmem_shared>>
      tpu.wait_dma2 semaphore(%arg13 : memref<!tpu.dma_semaphore, #tpu.memory_space<semaphore_mem>>) src(%dma_wait3A_895 : memref<1000xf32, #tpu.memory_space<vmem_shared>>) dst(%dma_wait3A_892 : memref<1000xf32, #tpu.memory_space<hbm>>)
      %dma_wait3A_896 = arith.constant 0 : i32
      %dma_wait3A_897 = arith.constant 0 : i32
      %dma_wait3A_898 = arith.constant 0 : i32
      %dma_wait3A_899 = tpu.memref_slice %arg4[%dma_wait3A_897, %dma_wait3A_898] : memref<51200x1000xf32, #tpu.memory_space<hbm>> -> memref<1x1000xf32, #tpu.memory_space<hbm>>
      %dma_wait3A_900 = tpu.memref_squeeze %dma_wait3A_899 : memref<1x1000xf32, #tpu.memory_space<hbm>> -> memref<1000xf32, #tpu.memory_space<hbm>>
      %dma_wait3A_901 = arith.constant 0 : i32
      %dma_wait3A_902 = tpu.memref_slice %arg5[%dma_wait3A_896, %dma_wait3A_901] : memref<1000x1000xf32, #tpu.memory_space<vmem_shared>> -> memref<1x1000xf32, #tpu.memory_space<vmem_shared>>
      %dma_wait3A_903 = tpu.memref_squeeze %dma_wait3A_902 : memref<1x1000xf32, #tpu.memory_space<vmem_shared>> -> memref<1000xf32, #tpu.memory_space<vmem_shared>>
      tpu.wait_dma2 semaphore(%arg13 : memref<!tpu.dma_semaphore, #tpu.memory_space<semaphore_mem>>) src(%dma_wait3A_903 : memref<1000xf32, #tpu.memory_space<vmem_shared>>) dst(%dma_wait3A_900 : memref<1000xf32, #tpu.memory_space<hbm>>)
      %dma_wait3A_904 = arith.constant 0 : i32
      %dma_wait3A_905 = arith.constant 0 : i32
      %dma_wait3A_906 = arith.constant 0 : i32
      %dma_wait3A_907 = tpu.memref_slice %arg4[%dma_wait3A_905, %dma_wait3A_906] : memref<51200x1000xf32, #tpu.memory_space<hbm>> -> memref<1x1000xf32, #tpu.memory_space<hbm>>
      %dma_wait3A_908 = tpu.memref_squeeze %dma_wait3A_907 : memref<1x1000xf32, #tpu.memory_space<hbm>> -> memref<1000xf32, #tpu.memory_space<hbm>>
      %dma_wait3A_909 = arith.constant 0 : i32
      %dma_wait3A_910 = tpu.memref_slice %arg5[%dma_wait3A_904, %dma_wait3A_909] : memref<1000x1000xf32, #tpu.memory_space<vmem_shared>> -> memref<1x1000xf32, #tpu.memory_space<vmem_shared>>
      %dma_wait3A_911 = tpu.memref_squeeze %dma_wait3A_910 : memref<1x1000xf32, #tpu.memory_space<vmem_shared>> -> memref<1000xf32, #tpu.memory_space<vmem_shared>>
      tpu.wait_dma2 semaphore(%arg13 : memref<!tpu.dma_semaphore, #tpu.memory_space<semaphore_mem>>) src(%dma_wait3A_911 : memref<1000xf32, #tpu.memory_space<vmem_shared>>) dst(%dma_wait3A_908 : memref<1000xf32, #tpu.memory_space<hbm>>)
      %dma_wait3A_912 = arith.constant 0 : i32
      %dma_wait3A_913 = arith.constant 0 : i32
      %dma_wait3A_914 = arith.constant 0 : i32
      %dma_wait3A_915 = tpu.memref_slice %arg4[%dma_wait3A_913, %dma_wait3A_914] : memref<51200x1000xf32, #tpu.memory_space<hbm>> -> memref<1x1000xf32, #tpu.memory_space<hbm>>
      %dma_wait3A_916 = tpu.memref_squeeze %dma_wait3A_915 : memref<1x1000xf32, #tpu.memory_space<hbm>> -> memref<1000xf32, #tpu.memory_space<hbm>>
      %dma_wait3A_917 = arith.constant 0 : i32
      %dma_wait3A_918 = tpu.memref_slice %arg5[%dma_wait3A_912, %dma_wait3A_917] : memref<1000x1000xf32, #tpu.memory_space<vmem_shared>> -> memref<1x1000xf32, #tpu.memory_space<vmem_shared>>
      %dma_wait3A_919 = tpu.memref_squeeze %dma_wait3A_918 : memref<1x1000xf32, #tpu.memory_space<vmem_shared>> -> memref<1000xf32, #tpu.memory_space<vmem_shared>>
      tpu.wait_dma2 semaphore(%arg13 : memref<!tpu.dma_semaphore, #tpu.memory_space<semaphore_mem>>) src(%dma_wait3A_919 : memref<1000xf32, #tpu.memory_space<vmem_shared>>) dst(%dma_wait3A_916 : memref<1000xf32, #tpu.memory_space<hbm>>)
      %dma_wait3A_920 = arith.constant 0 : i32
      %dma_wait3A_921 = arith.constant 0 : i32
      %dma_wait3A_922 = arith.constant 0 : i32
      %dma_wait3A_923 = tpu.memref_slice %arg4[%dma_wait3A_921, %dma_wait3A_922] : memref<51200x1000xf32, #tpu.memory_space<hbm>> -> memref<1x1000xf32, #tpu.memory_space<hbm>>
      %dma_wait3A_924 = tpu.memref_squeeze %dma_wait3A_923 : memref<1x1000xf32, #tpu.memory_space<hbm>> -> memref<1000xf32, #tpu.memory_space<hbm>>
      %dma_wait3A_925 = arith.constant 0 : i32
      %dma_wait3A_926 = tpu.memref_slice %arg5[%dma_wait3A_920, %dma_wait3A_925] : memref<1000x1000xf32, #tpu.memory_space<vmem_shared>> -> memref<1x1000xf32, #tpu.memory_space<vmem_shared>>
      %dma_wait3A_927 = tpu.memref_squeeze %dma_wait3A_926 : memref<1x1000xf32, #tpu.memory_space<vmem_shared>> -> memref<1000xf32, #tpu.memory_space<vmem_shared>>
      tpu.wait_dma2 semaphore(%arg13 : memref<!tpu.dma_semaphore, #tpu.memory_space<semaphore_mem>>) src(%dma_wait3A_927 : memref<1000xf32, #tpu.memory_space<vmem_shared>>) dst(%dma_wait3A_924 : memref<1000xf32, #tpu.memory_space<hbm>>)
      %dma_wait3A_928 = arith.constant 0 : i32
      %dma_wait3A_929 = arith.constant 0 : i32
      %dma_wait3A_930 = arith.constant 0 : i32
      %dma_wait3A_931 = tpu.memref_slice %arg4[%dma_wait3A_929, %dma_wait3A_930] : memref<51200x1000xf32, #tpu.memory_space<hbm>> -> memref<1x1000xf32, #tpu.memory_space<hbm>>
      %dma_wait3A_932 = tpu.memref_squeeze %dma_wait3A_931 : memref<1x1000xf32, #tpu.memory_space<hbm>> -> memref<1000xf32, #tpu.memory_space<hbm>>
      %dma_wait3A_933 = arith.constant 0 : i32
      %dma_wait3A_934 = tpu.memref_slice %arg5[%dma_wait3A_928, %dma_wait3A_933] : memref<1000x1000xf32, #tpu.memory_space<vmem_shared>> -> memref<1x1000xf32, #tpu.memory_space<vmem_shared>>
      %dma_wait3A_935 = tpu.memref_squeeze %dma_wait3A_934 : memref<1x1000xf32, #tpu.memory_space<vmem_shared>> -> memref<1000xf32, #tpu.memory_space<vmem_shared>>
      tpu.wait_dma2 semaphore(%arg13 : memref<!tpu.dma_semaphore, #tpu.memory_space<semaphore_mem>>) src(%dma_wait3A_935 : memref<1000xf32, #tpu.memory_space<vmem_shared>>) dst(%dma_wait3A_932 : memref<1000xf32, #tpu.memory_space<hbm>>)
      %dma_wait3A_936 = arith.constant 0 : i32
      %dma_wait3A_937 = arith.constant 0 : i32
      %dma_wait3A_938 = arith.constant 0 : i32
      %dma_wait3A_939 = tpu.memref_slice %arg4[%dma_wait3A_937, %dma_wait3A_938] : memref<51200x1000xf32, #tpu.memory_space<hbm>> -> memref<1x1000xf32, #tpu.memory_space<hbm>>
      %dma_wait3A_940 = tpu.memref_squeeze %dma_wait3A_939 : memref<1x1000xf32, #tpu.memory_space<hbm>> -> memref<1000xf32, #tpu.memory_space<hbm>>
      %dma_wait3A_941 = arith.constant 0 : i32
      %dma_wait3A_942 = tpu.memref_slice %arg5[%dma_wait3A_936, %dma_wait3A_941] : memref<1000x1000xf32, #tpu.memory_space<vmem_shared>> -> memref<1x1000xf32, #tpu.memory_space<vmem_shared>>
      %dma_wait3A_943 = tpu.memref_squeeze %dma_wait3A_942 : memref<1x1000xf32, #tpu.memory_space<vmem_shared>> -> memref<1000xf32, #tpu.memory_space<vmem_shared>>
      tpu.wait_dma2 semaphore(%arg13 : memref<!tpu.dma_semaphore, #tpu.memory_space<semaphore_mem>>) src(%dma_wait3A_943 : memref<1000xf32, #tpu.memory_space<vmem_shared>>) dst(%dma_wait3A_940 : memref<1000xf32, #tpu.memory_space<hbm>>)
      %dma_wait3A_944 = arith.constant 0 : i32
      %dma_wait3A_945 = arith.constant 0 : i32
      %dma_wait3A_946 = arith.constant 0 : i32
      %dma_wait3A_947 = tpu.memref_slice %arg4[%dma_wait3A_945, %dma_wait3A_946] : memref<51200x1000xf32, #tpu.memory_space<hbm>> -> memref<1x1000xf32, #tpu.memory_space<hbm>>
      %dma_wait3A_948 = tpu.memref_squeeze %dma_wait3A_947 : memref<1x1000xf32, #tpu.memory_space<hbm>> -> memref<1000xf32, #tpu.memory_space<hbm>>
      %dma_wait3A_949 = arith.constant 0 : i32
      %dma_wait3A_950 = tpu.memref_slice %arg5[%dma_wait3A_944, %dma_wait3A_949] : memref<1000x1000xf32, #tpu.memory_space<vmem_shared>> -> memref<1x1000xf32, #tpu.memory_space<vmem_shared>>
      %dma_wait3A_951 = tpu.memref_squeeze %dma_wait3A_950 : memref<1x1000xf32, #tpu.memory_space<vmem_shared>> -> memref<1000xf32, #tpu.memory_space<vmem_shared>>
      tpu.wait_dma2 semaphore(%arg13 : memref<!tpu.dma_semaphore, #tpu.memory_space<semaphore_mem>>) src(%dma_wait3A_951 : memref<1000xf32, #tpu.memory_space<vmem_shared>>) dst(%dma_wait3A_948 : memref<1000xf32, #tpu.memory_space<hbm>>)
      %dma_wait3A_952 = arith.constant 0 : i32
      %dma_wait3A_953 = arith.constant 0 : i32
      %dma_wait3A_954 = arith.constant 0 : i32
      %dma_wait3A_955 = tpu.memref_slice %arg4[%dma_wait3A_953, %dma_wait3A_954] : memref<51200x1000xf32, #tpu.memory_space<hbm>> -> memref<1x1000xf32, #tpu.memory_space<hbm>>
      %dma_wait3A_956 = tpu.memref_squeeze %dma_wait3A_955 : memref<1x1000xf32, #tpu.memory_space<hbm>> -> memref<1000xf32, #tpu.memory_space<hbm>>
      %dma_wait3A_957 = arith.constant 0 : i32
      %dma_wait3A_958 = tpu.memref_slice %arg5[%dma_wait3A_952, %dma_wait3A_957] : memref<1000x1000xf32, #tpu.memory_space<vmem_shared>> -> memref<1x1000xf32, #tpu.memory_space<vmem_shared>>
      %dma_wait3A_959 = tpu.memref_squeeze %dma_wait3A_958 : memref<1x1000xf32, #tpu.memory_space<vmem_shared>> -> memref<1000xf32, #tpu.memory_space<vmem_shared>>
      tpu.wait_dma2 semaphore(%arg13 : memref<!tpu.dma_semaphore, #tpu.memory_space<semaphore_mem>>) src(%dma_wait3A_959 : memref<1000xf32, #tpu.memory_space<vmem_shared>>) dst(%dma_wait3A_956 : memref<1000xf32, #tpu.memory_space<hbm>>)
      %dma_wait3A_960 = arith.constant 0 : i32
      %dma_wait3A_961 = arith.constant 0 : i32
      %dma_wait3A_962 = arith.constant 0 : i32
      %dma_wait3A_963 = tpu.memref_slice %arg4[%dma_wait3A_961, %dma_wait3A_962] : memref<51200x1000xf32, #tpu.memory_space<hbm>> -> memref<1x1000xf32, #tpu.memory_space<hbm>>
      %dma_wait3A_964 = tpu.memref_squeeze %dma_wait3A_963 : memref<1x1000xf32, #tpu.memory_space<hbm>> -> memref<1000xf32, #tpu.memory_space<hbm>>
      %dma_wait3A_965 = arith.constant 0 : i32
      %dma_wait3A_966 = tpu.memref_slice %arg5[%dma_wait3A_960, %dma_wait3A_965] : memref<1000x1000xf32, #tpu.memory_space<vmem_shared>> -> memref<1x1000xf32, #tpu.memory_space<vmem_shared>>
      %dma_wait3A_967 = tpu.memref_squeeze %dma_wait3A_966 : memref<1x1000xf32, #tpu.memory_space<vmem_shared>> -> memref<1000xf32, #tpu.memory_space<vmem_shared>>
      tpu.wait_dma2 semaphore(%arg13 : memref<!tpu.dma_semaphore, #tpu.memory_space<semaphore_mem>>) src(%dma_wait3A_967 : memref<1000xf32, #tpu.memory_space<vmem_shared>>) dst(%dma_wait3A_964 : memref<1000xf32, #tpu.memory_space<hbm>>)
      %dma_wait3A_968 = arith.constant 0 : i32
      %dma_wait3A_969 = arith.constant 0 : i32
      %dma_wait3A_970 = arith.constant 0 : i32
      %dma_wait3A_971 = tpu.memref_slice %arg4[%dma_wait3A_969, %dma_wait3A_970] : memref<51200x1000xf32, #tpu.memory_space<hbm>> -> memref<1x1000xf32, #tpu.memory_space<hbm>>
      %dma_wait3A_972 = tpu.memref_squeeze %dma_wait3A_971 : memref<1x1000xf32, #tpu.memory_space<hbm>> -> memref<1000xf32, #tpu.memory_space<hbm>>
      %dma_wait3A_973 = arith.constant 0 : i32
      %dma_wait3A_974 = tpu.memref_slice %arg5[%dma_wait3A_968, %dma_wait3A_973] : memref<1000x1000xf32, #tpu.memory_space<vmem_shared>> -> memref<1x1000xf32, #tpu.memory_space<vmem_shared>>
      %dma_wait3A_975 = tpu.memref_squeeze %dma_wait3A_974 : memref<1x1000xf32, #tpu.memory_space<vmem_shared>> -> memref<1000xf32, #tpu.memory_space<vmem_shared>>
      tpu.wait_dma2 semaphore(%arg13 : memref<!tpu.dma_semaphore, #tpu.memory_space<semaphore_mem>>) src(%dma_wait3A_975 : memref<1000xf32, #tpu.memory_space<vmem_shared>>) dst(%dma_wait3A_972 : memref<1000xf32, #tpu.memory_space<hbm>>)
      %dma_wait3A_976 = arith.constant 0 : i32
      %dma_wait3A_977 = arith.constant 0 : i32
      %dma_wait3A_978 = arith.constant 0 : i32
      %dma_wait3A_979 = tpu.memref_slice %arg4[%dma_wait3A_977, %dma_wait3A_978] : memref<51200x1000xf32, #tpu.memory_space<hbm>> -> memref<1x1000xf32, #tpu.memory_space<hbm>>
      %dma_wait3A_980 = tpu.memref_squeeze %dma_wait3A_979 : memref<1x1000xf32, #tpu.memory_space<hbm>> -> memref<1000xf32, #tpu.memory_space<hbm>>
      %dma_wait3A_981 = arith.constant 0 : i32
      %dma_wait3A_982 = tpu.memref_slice %arg5[%dma_wait3A_976, %dma_wait3A_981] : memref<1000x1000xf32, #tpu.memory_space<vmem_shared>> -> memref<1x1000xf32, #tpu.memory_space<vmem_shared>>
      %dma_wait3A_983 = tpu.memref_squeeze %dma_wait3A_982 : memref<1x1000xf32, #tpu.memory_space<vmem_shared>> -> memref<1000xf32, #tpu.memory_space<vmem_shared>>
      tpu.wait_dma2 semaphore(%arg13 : memref<!tpu.dma_semaphore, #tpu.memory_space<semaphore_mem>>) src(%dma_wait3A_983 : memref<1000xf32, #tpu.memory_space<vmem_shared>>) dst(%dma_wait3A_980 : memref<1000xf32, #tpu.memory_space<hbm>>)
      %dma_wait3A_984 = arith.constant 0 : i32
      %dma_wait3A_985 = arith.constant 0 : i32
      %dma_wait3A_986 = arith.constant 0 : i32
      %dma_wait3A_987 = tpu.memref_slice %arg4[%dma_wait3A_985, %dma_wait3A_986] : memref<51200x1000xf32, #tpu.memory_space<hbm>> -> memref<1x1000xf32, #tpu.memory_space<hbm>>
      %dma_wait3A_988 = tpu.memref_squeeze %dma_wait3A_987 : memref<1x1000xf32, #tpu.memory_space<hbm>> -> memref<1000xf32, #tpu.memory_space<hbm>>
      %dma_wait3A_989 = arith.constant 0 : i32
      %dma_wait3A_990 = tpu.memref_slice %arg5[%dma_wait3A_984, %dma_wait3A_989] : memref<1000x1000xf32, #tpu.memory_space<vmem_shared>> -> memref<1x1000xf32, #tpu.memory_space<vmem_shared>>
      %dma_wait3A_991 = tpu.memref_squeeze %dma_wait3A_990 : memref<1x1000xf32, #tpu.memory_space<vmem_shared>> -> memref<1000xf32, #tpu.memory_space<vmem_shared>>
      tpu.wait_dma2 semaphore(%arg13 : memref<!tpu.dma_semaphore, #tpu.memory_space<semaphore_mem>>) src(%dma_wait3A_991 : memref<1000xf32, #tpu.memory_space<vmem_shared>>) dst(%dma_wait3A_988 : memref<1000xf32, #tpu.memory_space<hbm>>)
      %dma_wait3A_992 = arith.constant 0 : i32
      %dma_wait3A_993 = arith.constant 0 : i32
      %dma_wait3A_994 = arith.constant 0 : i32
      %dma_wait3A_995 = tpu.memref_slice %arg4[%dma_wait3A_993, %dma_wait3A_994] : memref<51200x1000xf32, #tpu.memory_space<hbm>> -> memref<1x1000xf32, #tpu.memory_space<hbm>>
      %dma_wait3A_996 = tpu.memref_squeeze %dma_wait3A_995 : memref<1x1000xf32, #tpu.memory_space<hbm>> -> memref<1000xf32, #tpu.memory_space<hbm>>
      %dma_wait3A_997 = arith.constant 0 : i32
      %dma_wait3A_998 = tpu.memref_slice %arg5[%dma_wait3A_992, %dma_wait3A_997] : memref<1000x1000xf32, #tpu.memory_space<vmem_shared>> -> memref<1x1000xf32, #tpu.memory_space<vmem_shared>>
      %dma_wait3A_999 = tpu.memref_squeeze %dma_wait3A_998 : memref<1x1000xf32, #tpu.memory_space<vmem_shared>> -> memref<1000xf32, #tpu.memory_space<vmem_shared>>
      tpu.wait_dma2 semaphore(%arg13 : memref<!tpu.dma_semaphore, #tpu.memory_space<semaphore_mem>>) src(%dma_wait3A_999 : memref<1000xf32, #tpu.memory_space<vmem_shared>>) dst(%dma_wait3A_996 : memref<1000xf32, #tpu.memory_space<hbm>>)
      %dma_wait3A_1000 = arith.constant 0 : i32
      %dma_wait3A_1001 = arith.constant 0 : i32
      %dma_wait3A_1002 = arith.constant 0 : i32
      %dma_wait3A_1003 = tpu.memref_slice %arg4[%dma_wait3A_1001, %dma_wait3A_1002] : memref<51200x1000xf32, #tpu.memory_space<hbm>> -> memref<1x1000xf32, #tpu.memory_space<hbm>>
      %dma_wait3A_1004 = tpu.memref_squeeze %dma_wait3A_1003 : memref<1x1000xf32, #tpu.memory_space<hbm>> -> memref<1000xf32, #tpu.memory_space<hbm>>
      %dma_wait3A_1005 = arith.constant 0 : i32
      %dma_wait3A_1006 = tpu.memref_slice %arg5[%dma_wait3A_1000, %dma_wait3A_1005] : memref<1000x1000xf32, #tpu.memory_space<vmem_shared>> -> memref<1x1000xf32, #tpu.memory_space<vmem_shared>>
      %dma_wait3A_1007 = tpu.memref_squeeze %dma_wait3A_1006 : memref<1x1000xf32, #tpu.memory_space<vmem_shared>> -> memref<1000xf32, #tpu.memory_space<vmem_shared>>
      tpu.wait_dma2 semaphore(%arg13 : memref<!tpu.dma_semaphore, #tpu.memory_space<semaphore_mem>>) src(%dma_wait3A_1007 : memref<1000xf32, #tpu.memory_space<vmem_shared>>) dst(%dma_wait3A_1004 : memref<1000xf32, #tpu.memory_space<hbm>>)
      %mul3A_1008 = arith.constant 3 : i32
      %mul3A_1009 = arith.muli %mul3A_1008, %scan3A_68 : i32
      %add3A_1010 = arith.constant 16 : i32
      %add3A_1011 = arith.addi %add3A_1010, %mul3A_1009 : i32
      %add3A_1012 = arith.constant 2 : i32
      %add3A_1013 = arith.addi %add3A_1011, %add3A_1012 : i32
      %mul3A_1014 = arith.constant 16 : i32
      %mul3A_1015 = arith.muli %add3A_1013, %mul3A_1014 : i32
      %add3A_1016 = arith.constant 768 : i32
      %add3A_1017 = arith.addi %add3A_1016, %mul3A_1015 : i32
      %get3A_1018 = arith.index_cast %add3A_1017 : i32 to index
      %get3A_1019 = tpu.vector_load %arg6[%get3A_1018] {strides = array<i32>} : memref<1600xi32, #tpu.memory_space<vmem>>, vector<16xi32>,
      %get3A_1020 = vector.shape_cast %get3A_1019 : vector<16xi32> to vector<16xi32>
      %slice3A_1021 = vector.extract_strided_slice %get3A_1020 {offsets = [0], sizes = [1], strides = [1]} : vector<16xi32> to vector<1xi32>
      %squeeze3A_1022 = vector.extract %slice3A_1021[0] : i32 from vector<1xi32>
      %add3A_1023 = arith.constant 768 : i32
      %add3A_1024 = arith.addi %mul3A_2, %add3A_1023 : i32
      %mul3A_1025 = arith.constant 16 : i32
      %mul3A_1026 = arith.muli %add3A_1013, %mul3A_1025 : i32
      %add3A_1027 = arith.addi %add3A_1024, %mul3A_1026 : i32
      %add3A_1028 = arith.constant 0 : i32
      %add3A_1029 = arith.addi %add3A_1027, %add3A_1028 : i32
      %dma_start3A_1030 = arith.constant 0 : i32
      %dma_start3A_1031 = tpu.memref_slice %arg4[%add3A_1029, %dma_start3A_1030] : memref<51200x1000xf32, #tpu.memory_space<hbm>> -> memref<1x1000xf32, #tpu.memory_space<hbm>>
      %dma_start3A_1032 = tpu.memref_squeeze %dma_start3A_1031 : memref<1x1000xf32, #tpu.memory_space<hbm>> -> memref<1000xf32, #tpu.memory_space<hbm>>
      %dma_start3A_1033 = arith.constant 0 : i32
      %dma_start3A_1034 = tpu.memref_slice %arg5[%squeeze3A_1022, %dma_start3A_1033] : memref<1000x1000xf32, #tpu.memory_space<vmem_shared>> -> memref<1x1000xf32, #tpu.memory_space<vmem_shared>>
      %dma_start3A_1035 = tpu.memref_squeeze %dma_start3A_1034 : memref<1x1000xf32, #tpu.memory_space<vmem_shared>> -> memref<1000xf32, #tpu.memory_space<vmem_shared>>
      tpu.enqueue_dma source(%dma_start3A_1035 : memref<1000xf32, #tpu.memory_space<vmem_shared>>) target(%dma_start3A_1032 : memref<1000xf32, #tpu.memory_space<hbm>>) target_semaphore(%arg13 : memref<!tpu.dma_semaphore, #tpu.memory_space<semaphore_mem>>)
      %slice3A_1036 = vector.extract_strided_slice %get3A_1020 {offsets = [1], sizes = [1], strides = [1]} : vector<16xi32> to vector<1xi32>
      %squeeze3A_1037 = vector.extract %slice3A_1036[0] : i32 from vector<1xi32>
      %add3A_1038 = arith.constant 768 : i32
      %add3A_1039 = arith.addi %mul3A_2, %add3A_1038 : i32
      %mul3A_1040 = arith.constant 16 : i32
      %mul3A_1041 = arith.muli %add3A_1013, %mul3A_1040 : i32
      %add3A_1042 = arith.addi %add3A_1039, %mul3A_1041 : i32
      %add3A_1043 = arith.constant 1 : i32
      %add3A_1044 = arith.addi %add3A_1042, %add3A_1043 : i32
      %dma_start3A_1045 = arith.constant 0 : i32
      %dma_start3A_1046 = tpu.memref_slice %arg4[%add3A_1044, %dma_start3A_1045] : memref<51200x1000xf32, #tpu.memory_space<hbm>> -> memref<1x1000xf32, #tpu.memory_space<hbm>>
      %dma_start3A_1047 = tpu.memref_squeeze %dma_start3A_1046 : memref<1x1000xf32, #tpu.memory_space<hbm>> -> memref<1000xf32, #tpu.memory_space<hbm>>
      %dma_start3A_1048 = arith.constant 0 : i32
      %dma_start3A_1049 = tpu.memref_slice %arg5[%squeeze3A_1037, %dma_start3A_1048] : memref<1000x1000xf32, #tpu.memory_space<vmem_shared>> -> memref<1x1000xf32, #tpu.memory_space<vmem_shared>>
      %dma_start3A_1050 = tpu.memref_squeeze %dma_start3A_1049 : memref<1x1000xf32, #tpu.memory_space<vmem_shared>> -> memref<1000xf32, #tpu.memory_space<vmem_shared>>
      tpu.enqueue_dma source(%dma_start3A_1050 : memref<1000xf32, #tpu.memory_space<vmem_shared>>) target(%dma_start3A_1047 : memref<1000xf32, #tpu.memory_space<hbm>>) target_semaphore(%arg13 : memref<!tpu.dma_semaphore, #tpu.memory_space<semaphore_mem>>)
      %slice3A_1051 = vector.extract_strided_slice %get3A_1020 {offsets = [2], sizes = [1], strides = [1]} : vector<16xi32> to vector<1xi32>
      %squeeze3A_1052 = vector.extract %slice3A_1051[0] : i32 from vector<1xi32>
      %add3A_1053 = arith.constant 768 : i32
      %add3A_1054 = arith.addi %mul3A_2, %add3A_1053 : i32
      %mul3A_1055 = arith.constant 16 : i32
      %mul3A_1056 = arith.muli %add3A_1013, %mul3A_1055 : i32
      %add3A_1057 = arith.addi %add3A_1054, %mul3A_1056 : i32
      %add3A_1058 = arith.constant 2 : i32
      %add3A_1059 = arith.addi %add3A_1057, %add3A_1058 : i32
      %dma_start3A_1060 = arith.constant 0 : i32
      %dma_start3A_1061 = tpu.memref_slice %arg4[%add3A_1059, %dma_start3A_1060] : memref<51200x1000xf32, #tpu.memory_space<hbm>> -> memref<1x1000xf32, #tpu.memory_space<hbm>>
      %dma_start3A_1062 = tpu.memref_squeeze %dma_start3A_1061 : memref<1x1000xf32, #tpu.memory_space<hbm>> -> memref<1000xf32, #tpu.memory_space<hbm>>
      %dma_start3A_1063 = arith.constant 0 : i32
      %dma_start3A_1064 = tpu.memref_slice %arg5[%squeeze3A_1052, %dma_start3A_1063] : memref<1000x1000xf32, #tpu.memory_space<vmem_shared>> -> memref<1x1000xf32, #tpu.memory_space<vmem_shared>>
      %dma_start3A_1065 = tpu.memref_squeeze %dma_start3A_1064 : memref<1x1000xf32, #tpu.memory_space<vmem_shared>> -> memref<1000xf32, #tpu.memory_space<vmem_shared>>
      tpu.enqueue_dma source(%dma_start3A_1065 : memref<1000xf32, #tpu.memory_space<vmem_shared>>) target(%dma_start3A_1062 : memref<1000xf32, #tpu.memory_space<hbm>>) target_semaphore(%arg13 : memref<!tpu.dma_semaphore, #tpu.memory_space<semaphore_mem>>)
      %slice3A_1066 = vector.extract_strided_slice %get3A_1020 {offsets = [3], sizes = [1], strides = [1]} : vector<16xi32> to vector<1xi32>
      %squeeze3A_1067 = vector.extract %slice3A_1066[0] : i32 from vector<1xi32>
      %add3A_1068 = arith.constant 768 : i32
      %add3A_1069 = arith.addi %mul3A_2, %add3A_1068 : i32
      %mul3A_1070 = arith.constant 16 : i32
      %mul3A_1071 = arith.muli %add3A_1013, %mul3A_1070 : i32
      %add3A_1072 = arith.addi %add3A_1069, %mul3A_1071 : i32
      %add3A_1073 = arith.constant 3 : i32
      %add3A_1074 = arith.addi %add3A_1072, %add3A_1073 : i32
      %dma_start3A_1075 = arith.constant 0 : i32
      %dma_start3A_1076 = tpu.memref_slice %arg4[%add3A_1074, %dma_start3A_1075] : memref<51200x1000xf32, #tpu.memory_space<hbm>> -> memref<1x1000xf32, #tpu.memory_space<hbm>>
      %dma_start3A_1077 = tpu.memref_squeeze %dma_start3A_1076 : memref<1x1000xf32, #tpu.memory_space<hbm>> -> memref<1000xf32, #tpu.memory_space<hbm>>
      %dma_start3A_1078 = arith.constant 0 : i32
      %dma_start3A_1079 = tpu.memref_slice %arg5[%squeeze3A_1067, %dma_start3A_1078] : memref<1000x1000xf32, #tpu.memory_space<vmem_shared>> -> memref<1x1000xf32, #tpu.memory_space<vmem_shared>>
      %dma_start3A_1080 = tpu.memref_squeeze %dma_start3A_1079 : memref<1x1000xf32, #tpu.memory_space<vmem_shared>> -> memref<1000xf32, #tpu.memory_space<vmem_shared>>
      tpu.enqueue_dma source(%dma_start3A_1080 : memref<1000xf32, #tpu.memory_space<vmem_shared>>) target(%dma_start3A_1077 : memref<1000xf32, #tpu.memory_space<hbm>>) target_semaphore(%arg13 : memref<!tpu.dma_semaphore, #tpu.memory_space<semaphore_mem>>)
      %slice3A_1081 = vector.extract_strided_slice %get3A_1020 {offsets = [4], sizes = [1], strides = [1]} : vector<16xi32> to vector<1xi32>
      %squeeze3A_1082 = vector.extract %slice3A_1081[0] : i32 from vector<1xi32>
      %add3A_1083 = arith.constant 768 : i32
      %add3A_1084 = arith.addi %mul3A_2, %add3A_1083 : i32
      %mul3A_1085 = arith.constant 16 : i32
      %mul3A_1086 = arith.muli %add3A_1013, %mul3A_1085 : i32
      %add3A_1087 = arith.addi %add3A_1084, %mul3A_1086 : i32
      %add3A_1088 = arith.constant 4 : i32
      %add3A_1089 = arith.addi %add3A_1087, %add3A_1088 : i32
      %dma_start3A_1090 = arith.constant 0 : i32
      %dma_start3A_1091 = tpu.memref_slice %arg4[%add3A_1089, %dma_start3A_1090] : memref<51200x1000xf32, #tpu.memory_space<hbm>> -> memref<1x1000xf32, #tpu.memory_space<hbm>>
      %dma_start3A_1092 = tpu.memref_squeeze %dma_start3A_1091 : memref<1x1000xf32, #tpu.memory_space<hbm>> -> memref<1000xf32, #tpu.memory_space<hbm>>
      %dma_start3A_1093 = arith.constant 0 : i32
      %dma_start3A_1094 = tpu.memref_slice %arg5[%squeeze3A_1082, %dma_start3A_1093] : memref<1000x1000xf32, #tpu.memory_space<vmem_shared>> -> memref<1x1000xf32, #tpu.memory_space<vmem_shared>>
      %dma_start3A_1095 = tpu.memref_squeeze %dma_start3A_1094 : memref<1x1000xf32, #tpu.memory_space<vmem_shared>> -> memref<1000xf32, #tpu.memory_space<vmem_shared>>
      tpu.enqueue_dma source(%dma_start3A_1095 : memref<1000xf32, #tpu.memory_space<vmem_shared>>) target(%dma_start3A_1092 : memref<1000xf32, #tpu.memory_space<hbm>>) target_semaphore(%arg13 : memref<!tpu.dma_semaphore, #tpu.memory_space<semaphore_mem>>)
      %slice3A_1096 = vector.extract_strided_slice %get3A_1020 {offsets = [5], sizes = [1], strides = [1]} : vector<16xi32> to vector<1xi32>
      %squeeze3A_1097 = vector.extract %slice3A_1096[0] : i32 from vector<1xi32>
      %add3A_1098 = arith.constant 768 : i32
      %add3A_1099 = arith.addi %mul3A_2, %add3A_1098 : i32
      %mul3A_1100 = arith.constant 16 : i32
      %mul3A_1101 = arith.muli %add3A_1013, %mul3A_1100 : i32
      %add3A_1102 = arith.addi %add3A_1099, %mul3A_1101 : i32
      %add3A_1103 = arith.constant 5 : i32
      %add3A_1104 = arith.addi %add3A_1102, %add3A_1103 : i32
      %dma_start3A_1105 = arith.constant 0 : i32
      %dma_start3A_1106 = tpu.memref_slice %arg4[%add3A_1104, %dma_start3A_1105] : memref<51200x1000xf32, #tpu.memory_space<hbm>> -> memref<1x1000xf32, #tpu.memory_space<hbm>>
      %dma_start3A_1107 = tpu.memref_squeeze %dma_start3A_1106 : memref<1x1000xf32, #tpu.memory_space<hbm>> -> memref<1000xf32, #tpu.memory_space<hbm>>
      %dma_start3A_1108 = arith.constant 0 : i32
      %dma_start3A_1109 = tpu.memref_slice %arg5[%squeeze3A_1097, %dma_start3A_1108] : memref<1000x1000xf32, #tpu.memory_space<vmem_shared>> -> memref<1x1000xf32, #tpu.memory_space<vmem_shared>>
      %dma_start3A_1110 = tpu.memref_squeeze %dma_start3A_1109 : memref<1x1000xf32, #tpu.memory_space<vmem_shared>> -> memref<1000xf32, #tpu.memory_space<vmem_shared>>
      tpu.enqueue_dma source(%dma_start3A_1110 : memref<1000xf32, #tpu.memory_space<vmem_shared>>) target(%dma_start3A_1107 : memref<1000xf32, #tpu.memory_space<hbm>>) target_semaphore(%arg13 : memref<!tpu.dma_semaphore, #tpu.memory_space<semaphore_mem>>)
      %slice3A_1111 = vector.extract_strided_slice %get3A_1020 {offsets = [6], sizes = [1], strides = [1]} : vector<16xi32> to vector<1xi32>
      %squeeze3A_1112 = vector.extract %slice3A_1111[0] : i32 from vector<1xi32>
      %add3A_1113 = arith.constant 768 : i32
      %add3A_1114 = arith.addi %mul3A_2, %add3A_1113 : i32
      %mul3A_1115 = arith.constant 16 : i32
      %mul3A_1116 = arith.muli %add3A_1013, %mul3A_1115 : i32
      %add3A_1117 = arith.addi %add3A_1114, %mul3A_1116 : i32
      %add3A_1118 = arith.constant 6 : i32
      %add3A_1119 = arith.addi %add3A_1117, %add3A_1118 : i32
      %dma_start3A_1120 = arith.constant 0 : i32
      %dma_start3A_1121 = tpu.memref_slice %arg4[%add3A_1119, %dma_start3A_1120] : memref<51200x1000xf32, #tpu.memory_space<hbm>> -> memref<1x1000xf32, #tpu.memory_space<hbm>>
      %dma_start3A_1122 = tpu.memref_squeeze %dma_start3A_1121 : memref<1x1000xf32, #tpu.memory_space<hbm>> -> memref<1000xf32, #tpu.memory_space<hbm>>
      %dma_start3A_1123 = arith.constant 0 : i32
      %dma_start3A_1124 = tpu.memref_slice %arg5[%squeeze3A_1112, %dma_start3A_1123] : memref<1000x1000xf32, #tpu.memory_space<vmem_shared>> -> memref<1x1000xf32, #tpu.memory_space<vmem_shared>>
      %dma_start3A_1125 = tpu.memref_squeeze %dma_start3A_1124 : memref<1x1000xf32, #tpu.memory_space<vmem_shared>> -> memref<1000xf32, #tpu.memory_space<vmem_shared>>
      tpu.enqueue_dma source(%dma_start3A_1125 : memref<1000xf32, #tpu.memory_space<vmem_shared>>) target(%dma_start3A_1122 : memref<1000xf32, #tpu.memory_space<hbm>>) target_semaphore(%arg13 : memref<!tpu.dma_semaphore, #tpu.memory_space<semaphore_mem>>)
      %slice3A_1126 = vector.extract_strided_slice %get3A_1020 {offsets = [7], sizes = [1], strides = [1]} : vector<16xi32> to vector<1xi32>
      %squeeze3A_1127 = vector.extract %slice3A_1126[0] : i32 from vector<1xi32>
      %add3A_1128 = arith.constant 768 : i32
      %add3A_1129 = arith.addi %mul3A_2, %add3A_1128 : i32
      %mul3A_1130 = arith.constant 16 : i32
      %mul3A_1131 = arith.muli %add3A_1013, %mul3A_1130 : i32
      %add3A_1132 = arith.addi %add3A_1129, %mul3A_1131 : i32
      %add3A_1133 = arith.constant 7 : i32
      %add3A_1134 = arith.addi %add3A_1132, %add3A_1133 : i32
      %dma_start3A_1135 = arith.constant 0 : i32
      %dma_start3A_1136 = tpu.memref_slice %arg4[%add3A_1134, %dma_start3A_1135] : memref<51200x1000xf32, #tpu.memory_space<hbm>> -> memref<1x1000xf32, #tpu.memory_space<hbm>>
      %dma_start3A_1137 = tpu.memref_squeeze %dma_start3A_1136 : memref<1x1000xf32, #tpu.memory_space<hbm>> -> memref<1000xf32, #tpu.memory_space<hbm>>
      %dma_start3A_1138 = arith.constant 0 : i32
      %dma_start3A_1139 = tpu.memref_slice %arg5[%squeeze3A_1127, %dma_start3A_1138] : memref<1000x1000xf32, #tpu.memory_space<vmem_shared>> -> memref<1x1000xf32, #tpu.memory_space<vmem_shared>>
      %dma_start3A_1140 = tpu.memref_squeeze %dma_start3A_1139 : memref<1x1000xf32, #tpu.memory_space<vmem_shared>> -> memref<1000xf32, #tpu.memory_space<vmem_shared>>
      tpu.enqueue_dma source(%dma_start3A_1140 : memref<1000xf32, #tpu.memory_space<vmem_shared>>) target(%dma_start3A_1137 : memref<1000xf32, #tpu.memory_space<hbm>>) target_semaphore(%arg13 : memref<!tpu.dma_semaphore, #tpu.memory_space<semaphore_mem>>)
      %slice3A_1141 = vector.extract_strided_slice %get3A_1020 {offsets = [8], sizes = [1], strides = [1]} : vector<16xi32> to vector<1xi32>
      %squeeze3A_1142 = vector.extract %slice3A_1141[0] : i32 from vector<1xi32>
      %add3A_1143 = arith.constant 768 : i32
      %add3A_1144 = arith.addi %mul3A_2, %add3A_1143 : i32
      %mul3A_1145 = arith.constant 16 : i32
      %mul3A_1146 = arith.muli %add3A_1013, %mul3A_1145 : i32
      %add3A_1147 = arith.addi %add3A_1144, %mul3A_1146 : i32
      %add3A_1148 = arith.constant 8 : i32
      %add3A_1149 = arith.addi %add3A_1147, %add3A_1148 : i32
      %dma_start3A_1150 = arith.constant 0 : i32
      %dma_start3A_1151 = tpu.memref_slice %arg4[%add3A_1149, %dma_start3A_1150] : memref<51200x1000xf32, #tpu.memory_space<hbm>> -> memref<1x1000xf32, #tpu.memory_space<hbm>>
      %dma_start3A_1152 = tpu.memref_squeeze %dma_start3A_1151 : memref<1x1000xf32, #tpu.memory_space<hbm>> -> memref<1000xf32, #tpu.memory_space<hbm>>
      %dma_start3A_1153 = arith.constant 0 : i32
      %dma_start3A_1154 = tpu.memref_slice %arg5[%squeeze3A_1142, %dma_start3A_1153] : memref<1000x1000xf32, #tpu.memory_space<vmem_shared>> -> memref<1x1000xf32, #tpu.memory_space<vmem_shared>>
      %dma_start3A_1155 = tpu.memref_squeeze %dma_start3A_1154 : memref<1x1000xf32, #tpu.memory_space<vmem_shared>> -> memref<1000xf32, #tpu.memory_space<vmem_shared>>
      tpu.enqueue_dma source(%dma_start3A_1155 : memref<1000xf32, #tpu.memory_space<vmem_shared>>) target(%dma_start3A_1152 : memref<1000xf32, #tpu.memory_space<hbm>>) target_semaphore(%arg13 : memref<!tpu.dma_semaphore, #tpu.memory_space<semaphore_mem>>)
      %slice3A_1156 = vector.extract_strided_slice %get3A_1020 {offsets = [9], sizes = [1], strides = [1]} : vector<16xi32> to vector<1xi32>
      %squeeze3A_1157 = vector.extract %slice3A_1156[0] : i32 from vector<1xi32>
      %add3A_1158 = arith.constant 768 : i32
      %add3A_1159 = arith.addi %mul3A_2, %add3A_1158 : i32
      %mul3A_1160 = arith.constant 16 : i32
      %mul3A_1161 = arith.muli %add3A_1013, %mul3A_1160 : i32
      %add3A_1162 = arith.addi %add3A_1159, %mul3A_1161 : i32
      %add3A_1163 = arith.constant 9 : i32
      %add3A_1164 = arith.addi %add3A_1162, %add3A_1163 : i32
      %dma_start3A_1165 = arith.constant 0 : i32
      %dma_start3A_1166 = tpu.memref_slice %arg4[%add3A_1164, %dma_start3A_1165] : memref<51200x1000xf32, #tpu.memory_space<hbm>> -> memref<1x1000xf32, #tpu.memory_space<hbm>>
      %dma_start3A_1167 = tpu.memref_squeeze %dma_start3A_1166 : memref<1x1000xf32, #tpu.memory_space<hbm>> -> memref<1000xf32, #tpu.memory_space<hbm>>
      %dma_start3A_1168 = arith.constant 0 : i32
      %dma_start3A_1169 = tpu.memref_slice %arg5[%squeeze3A_1157, %dma_start3A_1168] : memref<1000x1000xf32, #tpu.memory_space<vmem_shared>> -> memref<1x1000xf32, #tpu.memory_space<vmem_shared>>
      %dma_start3A_1170 = tpu.memref_squeeze %dma_start3A_1169 : memref<1x1000xf32, #tpu.memory_space<vmem_shared>> -> memref<1000xf32, #tpu.memory_space<vmem_shared>>
      tpu.enqueue_dma source(%dma_start3A_1170 : memref<1000xf32, #tpu.memory_space<vmem_shared>>) target(%dma_start3A_1167 : memref<1000xf32, #tpu.memory_space<hbm>>) target_semaphore(%arg13 : memref<!tpu.dma_semaphore, #tpu.memory_space<semaphore_mem>>)
      %slice3A_1171 = vector.extract_strided_slice %get3A_1020 {offsets = [10], sizes = [1], strides = [1]} : vector<16xi32> to vector<1xi32>
      %squeeze3A_1172 = vector.extract %slice3A_1171[0] : i32 from vector<1xi32>
      %add3A_1173 = arith.constant 768 : i32
      %add3A_1174 = arith.addi %mul3A_2, %add3A_1173 : i32
      %mul3A_1175 = arith.constant 16 : i32
      %mul3A_1176 = arith.muli %add3A_1013, %mul3A_1175 : i32
      %add3A_1177 = arith.addi %add3A_1174, %mul3A_1176 : i32
      %add3A_1178 = arith.constant 10 : i32
      %add3A_1179 = arith.addi %add3A_1177, %add3A_1178 : i32
      %dma_start3A_1180 = arith.constant 0 : i32
      %dma_start3A_1181 = tpu.memref_slice %arg4[%add3A_1179, %dma_start3A_1180] : memref<51200x1000xf32, #tpu.memory_space<hbm>> -> memref<1x1000xf32, #tpu.memory_space<hbm>>
      %dma_start3A_1182 = tpu.memref_squeeze %dma_start3A_1181 : memref<1x1000xf32, #tpu.memory_space<hbm>> -> memref<1000xf32, #tpu.memory_space<hbm>>
      %dma_start3A_1183 = arith.constant 0 : i32
      %dma_start3A_1184 = tpu.memref_slice %arg5[%squeeze3A_1172, %dma_start3A_1183] : memref<1000x1000xf32, #tpu.memory_space<vmem_shared>> -> memref<1x1000xf32, #tpu.memory_space<vmem_shared>>
      %dma_start3A_1185 = tpu.memref_squeeze %dma_start3A_1184 : memref<1x1000xf32, #tpu.memory_space<vmem_shared>> -> memref<1000xf32, #tpu.memory_space<vmem_shared>>
      tpu.enqueue_dma source(%dma_start3A_1185 : memref<1000xf32, #tpu.memory_space<vmem_shared>>) target(%dma_start3A_1182 : memref<1000xf32, #tpu.memory_space<hbm>>) target_semaphore(%arg13 : memref<!tpu.dma_semaphore, #tpu.memory_space<semaphore_mem>>)
      %slice3A_1186 = vector.extract_strided_slice %get3A_1020 {offsets = [11], sizes = [1], strides = [1]} : vector<16xi32> to vector<1xi32>
      %squeeze3A_1187 = vector.extract %slice3A_1186[0] : i32 from vector<1xi32>
      %add3A_1188 = arith.constant 768 : i32
      %add3A_1189 = arith.addi %mul3A_2, %add3A_1188 : i32
      %mul3A_1190 = arith.constant 16 : i32
      %mul3A_1191 = arith.muli %add3A_1013, %mul3A_1190 : i32
      %add3A_1192 = arith.addi %add3A_1189, %mul3A_1191 : i32
      %add3A_1193 = arith.constant 11 : i32
      %add3A_1194 = arith.addi %add3A_1192, %add3A_1193 : i32
      %dma_start3A_1195 = arith.constant 0 : i32
      %dma_start3A_1196 = tpu.memref_slice %arg4[%add3A_1194, %dma_start3A_1195] : memref<51200x1000xf32, #tpu.memory_space<hbm>> -> memref<1x1000xf32, #tpu.memory_space<hbm>>
      %dma_start3A_1197 = tpu.memref_squeeze %dma_start3A_1196 : memref<1x1000xf32, #tpu.memory_space<hbm>> -> memref<1000xf32, #tpu.memory_space<hbm>>
      %dma_start3A_1198 = arith.constant 0 : i32
      %dma_start3A_1199 = tpu.memref_slice %arg5[%squeeze3A_1187, %dma_start3A_1198] : memref<1000x1000xf32, #tpu.memory_space<vmem_shared>> -> memref<1x1000xf32, #tpu.memory_space<vmem_shared>>
      %dma_start3A_1200 = tpu.memref_squeeze %dma_start3A_1199 : memref<1x1000xf32, #tpu.memory_space<vmem_shared>> -> memref<1000xf32, #tpu.memory_space<vmem_shared>>
      tpu.enqueue_dma source(%dma_start3A_1200 : memref<1000xf32, #tpu.memory_space<vmem_shared>>) target(%dma_start3A_1197 : memref<1000xf32, #tpu.memory_space<hbm>>) target_semaphore(%arg13 : memref<!tpu.dma_semaphore, #tpu.memory_space<semaphore_mem>>)
      %slice3A_1201 = vector.extract_strided_slice %get3A_1020 {offsets = [12], sizes = [1], strides = [1]} : vector<16xi32> to vector<1xi32>
      %squeeze3A_1202 = vector.extract %slice3A_1201[0] : i32 from vector<1xi32>
      %add3A_1203 = arith.constant 768 : i32
      %add3A_1204 = arith.addi %mul3A_2, %add3A_1203 : i32
      %mul3A_1205 = arith.constant 16 : i32
      %mul3A_1206 = arith.muli %add3A_1013, %mul3A_1205 : i32
      %add3A_1207 = arith.addi %add3A_1204, %mul3A_1206 : i32
      %add3A_1208 = arith.constant 12 : i32
      %add3A_1209 = arith.addi %add3A_1207, %add3A_1208 : i32
      %dma_start3A_1210 = arith.constant 0 : i32
      %dma_start3A_1211 = tpu.memref_slice %arg4[%add3A_1209, %dma_start3A_1210] : memref<51200x1000xf32, #tpu.memory_space<hbm>> -> memref<1x1000xf32, #tpu.memory_space<hbm>>
      %dma_start3A_1212 = tpu.memref_squeeze %dma_start3A_1211 : memref<1x1000xf32, #tpu.memory_space<hbm>> -> memref<1000xf32, #tpu.memory_space<hbm>>
      %dma_start3A_1213 = arith.constant 0 : i32
      %dma_start3A_1214 = tpu.memref_slice %arg5[%squeeze3A_1202, %dma_start3A_1213] : memref<1000x1000xf32, #tpu.memory_space<vmem_shared>> -> memref<1x1000xf32, #tpu.memory_space<vmem_shared>>
      %dma_start3A_1215 = tpu.memref_squeeze %dma_start3A_1214 : memref<1x1000xf32, #tpu.memory_space<vmem_shared>> -> memref<1000xf32, #tpu.memory_space<vmem_shared>>
      tpu.enqueue_dma source(%dma_start3A_1215 : memref<1000xf32, #tpu.memory_space<vmem_shared>>) target(%dma_start3A_1212 : memref<1000xf32, #tpu.memory_space<hbm>>) target_semaphore(%arg13 : memref<!tpu.dma_semaphore, #tpu.memory_space<semaphore_mem>>)
      %slice3A_1216 = vector.extract_strided_slice %get3A_1020 {offsets = [13], sizes = [1], strides = [1]} : vector<16xi32> to vector<1xi32>
      %squeeze3A_1217 = vector.extract %slice3A_1216[0] : i32 from vector<1xi32>
      %add3A_1218 = arith.constant 768 : i32
      %add3A_1219 = arith.addi %mul3A_2, %add3A_1218 : i32
      %mul3A_1220 = arith.constant 16 : i32
      %mul3A_1221 = arith.muli %add3A_1013, %mul3A_1220 : i32
      %add3A_1222 = arith.addi %add3A_1219, %mul3A_1221 : i32
      %add3A_1223 = arith.constant 13 : i32
      %add3A_1224 = arith.addi %add3A_1222, %add3A_1223 : i32
      %dma_start3A_1225 = arith.constant 0 : i32
      %dma_start3A_1226 = tpu.memref_slice %arg4[%add3A_1224, %dma_start3A_1225] : memref<51200x1000xf32, #tpu.memory_space<hbm>> -> memref<1x1000xf32, #tpu.memory_space<hbm>>
      %dma_start3A_1227 = tpu.memref_squeeze %dma_start3A_1226 : memref<1x1000xf32, #tpu.memory_space<hbm>> -> memref<1000xf32, #tpu.memory_space<hbm>>
      %dma_start3A_1228 = arith.constant 0 : i32
      %dma_start3A_1229 = tpu.memref_slice %arg5[%squeeze3A_1217, %dma_start3A_1228] : memref<1000x1000xf32, #tpu.memory_space<vmem_shared>> -> memref<1x1000xf32, #tpu.memory_space<vmem_shared>>
      %dma_start3A_1230 = tpu.memref_squeeze %dma_start3A_1229 : memref<1x1000xf32, #tpu.memory_space<vmem_shared>> -> memref<1000xf32, #tpu.memory_space<vmem_shared>>
      tpu.enqueue_dma source(%dma_start3A_1230 : memref<1000xf32, #tpu.memory_space<vmem_shared>>) target(%dma_start3A_1227 : memref<1000xf32, #tpu.memory_space<hbm>>) target_semaphore(%arg13 : memref<!tpu.dma_semaphore, #tpu.memory_space<semaphore_mem>>)
      %slice3A_1231 = vector.extract_strided_slice %get3A_1020 {offsets = [14], sizes = [1], strides = [1]} : vector<16xi32> to vector<1xi32>
      %squeeze3A_1232 = vector.extract %slice3A_1231[0] : i32 from vector<1xi32>
      %add3A_1233 = arith.constant 768 : i32
      %add3A_1234 = arith.addi %mul3A_2, %add3A_1233 : i32
      %mul3A_1235 = arith.constant 16 : i32
      %mul3A_1236 = arith.muli %add3A_1013, %mul3A_1235 : i32
      %add3A_1237 = arith.addi %add3A_1234, %mul3A_1236 : i32
      %add3A_1238 = arith.constant 14 : i32
      %add3A_1239 = arith.addi %add3A_1237, %add3A_1238 : i32
      %dma_start3A_1240 = arith.constant 0 : i32
      %dma_start3A_1241 = tpu.memref_slice %arg4[%add3A_1239, %dma_start3A_1240] : memref<51200x1000xf32, #tpu.memory_space<hbm>> -> memref<1x1000xf32, #tpu.memory_space<hbm>>
      %dma_start3A_1242 = tpu.memref_squeeze %dma_start3A_1241 : memref<1x1000xf32, #tpu.memory_space<hbm>> -> memref<1000xf32, #tpu.memory_space<hbm>>
      %dma_start3A_1243 = arith.constant 0 : i32
      %dma_start3A_1244 = tpu.memref_slice %arg5[%squeeze3A_1232, %dma_start3A_1243] : memref<1000x1000xf32, #tpu.memory_space<vmem_shared>> -> memref<1x1000xf32, #tpu.memory_space<vmem_shared>>
      %dma_start3A_1245 = tpu.memref_squeeze %dma_start3A_1244 : memref<1x1000xf32, #tpu.memory_space<vmem_shared>> -> memref<1000xf32, #tpu.memory_space<vmem_shared>>
      tpu.enqueue_dma source(%dma_start3A_1245 : memref<1000xf32, #tpu.memory_space<vmem_shared>>) target(%dma_start3A_1242 : memref<1000xf32, #tpu.memory_space<hbm>>) target_semaphore(%arg13 : memref<!tpu.dma_semaphore, #tpu.memory_space<semaphore_mem>>)
      %slice3A_1246 = vector.extract_strided_slice %get3A_1020 {offsets = [15], sizes = [1], strides = [1]} : vector<16xi32> to vector<1xi32>
      %squeeze3A_1247 = vector.extract %slice3A_1246[0] : i32 from vector<1xi32>
      %add3A_1248 = arith.constant 768 : i32
      %add3A_1249 = arith.addi %mul3A_2, %add3A_1248 : i32
      %mul3A_1250 = arith.constant 16 : i32
      %mul3A_1251 = arith.muli %add3A_1013, %mul3A_1250 : i32
      %add3A_1252 = arith.addi %add3A_1249, %mul3A_1251 : i32
      %add3A_1253 = arith.constant 15 : i32
      %add3A_1254 = arith.addi %add3A_1252, %add3A_1253 : i32
      %dma_start3A_1255 = arith.constant 0 : i32
      %dma_start3A_1256 = tpu.memref_slice %arg4[%add3A_1254, %dma_start3A_1255] : memref<51200x1000xf32, #tpu.memory_space<hbm>> -> memref<1x1000xf32, #tpu.memory_space<hbm>>
      %dma_start3A_1257 = tpu.memref_squeeze %dma_start3A_1256 : memref<1x1000xf32, #tpu.memory_space<hbm>> -> memref<1000xf32, #tpu.memory_space<hbm>>
      %dma_start3A_1258 = arith.constant 0 : i32
      %dma_start3A_1259 = tpu.memref_slice %arg5[%squeeze3A_1247, %dma_start3A_1258] : memref<1000x1000xf32, #tpu.memory_space<vmem_shared>> -> memref<1x1000xf32, #tpu.memory_space<vmem_shared>>
      %dma_start3A_1260 = tpu.memref_squeeze %dma_start3A_1259 : memref<1x1000xf32, #tpu.memory_space<vmem_shared>> -> memref<1000xf32, #tpu.memory_space<vmem_shared>>
      tpu.enqueue_dma source(%dma_start3A_1260 : memref<1000xf32, #tpu.memory_space<vmem_shared>>) target(%dma_start3A_1257 : memref<1000xf32, #tpu.memory_space<hbm>>) target_semaphore(%arg13 : memref<!tpu.dma_semaphore, #tpu.memory_space<semaphore_mem>>)
    }
    %scan3A_26 = arith.constant 11 : i32
    %dma_wait3A = arith.constant 0 : i32
    %dma_wait3A_27 = tpu.memref_slice %arg6[%dma_wait3A] : memref<1600xi32, #tpu.memory_space<vmem>> -> memref<32xi32, #tpu.memory_space<vmem>>
    %dma_wait3A_28 = arith.constant 0 : i32
    %dma_wait3A_29 = arith.constant 0 : i32
    %dma_wait3A_30 = tpu.memref_slice %arg5[%dma_wait3A_28, %dma_wait3A_29] : memref<1000x1000xf32, #tpu.memory_space<vmem_shared>> -> memref<1000x1000xf32, #tpu.memory_space<vmem_shared>>
    tpu.wait_indirect_dma semaphore(%arg9 : memref<!tpu.dma_semaphore, #tpu.memory_space<semaphore_mem>>) src(%dma_wait3A_30 : memref<1000x1000xf32, #tpu.memory_space<vmem_shared>>) dst(%arg7 : memref<32x1000xf32, #tpu.memory_space<vmem>>)
    %add3A_31 = arith.constant 704 : i32
    %add3A_32 = arith.addi %mul3A_2, %add3A_31 : i32
    %dma_start3A_33 = arith.constant 0 : i32
    %dma_start3A_34 = tpu.memref_slice %arg4[%add3A_32, %dma_start3A_33] : memref<51200x1000xf32, #tpu.memory_space<hbm>> -> memref<32x1000xf32, #tpu.memory_space<hbm>>
    %dma_start3A_35 = arith.constant 0 : i32
    %dma_start3A_36 = tpu.memref_slice %arg4[%add3A_32, %dma_start3A_35] : memref<51200x1000xf32, #tpu.memory_space<hbm>> -> memref<32x1000xf32, #tpu.memory_space<hbm>>
    tpu.enqueue_dma source(%arg7 : memref<32x1000xf32, #tpu.memory_space<vmem>>) target(%dma_start3A_36 : memref<32x1000xf32, #tpu.memory_space<hbm>>) target_semaphore(%arg11 : memref<!tpu.dma_semaphore, #tpu.memory_space<semaphore_mem>>)
    %dma_wait3A_37 = arith.constant 0 : i32
    %dma_wait3A_38 = tpu.memref_slice %arg6[%dma_wait3A_37] : memref<1600xi32, #tpu.memory_space<vmem>> -> memref<32xi32, #tpu.memory_space<vmem>>
    %dma_wait3A_39 = arith.constant 0 : i32
    %dma_wait3A_40 = arith.constant 0 : i32
    %dma_wait3A_41 = tpu.memref_slice %arg5[%dma_wait3A_39, %dma_wait3A_40] : memref<1000x1000xf32, #tpu.memory_space<vmem_shared>> -> memref<1000x1000xf32, #tpu.memory_space<vmem_shared>>
    tpu.wait_indirect_dma semaphore(%arg10 : memref<!tpu.dma_semaphore, #tpu.memory_space<semaphore_mem>>) src(%dma_wait3A_41 : memref<1000x1000xf32, #tpu.memory_space<vmem_shared>>) dst(%arg8 : memref<32x1000xf32, #tpu.memory_space<vmem>>)
    %add3A_42 = arith.constant 736 : i32
    %add3A_43 = arith.addi %mul3A_2, %add3A_42 : i32
    %dma_start3A_44 = arith.constant 0 : i32
    %dma_start3A_45 = tpu.memref_slice %arg4[%add3A_43, %dma_start3A_44] : memref<51200x1000xf32, #tpu.memory_space<hbm>> -> memref<32x1000xf32, #tpu.memory_space<hbm>>
    %dma_start3A_46 = arith.constant 0 : i32
    %dma_start3A_47 = tpu.memref_slice %arg4[%add3A_43, %dma_start3A_46] : memref<51200x1000xf32, #tpu.memory_space<hbm>> -> memref<32x1000xf32, #tpu.memory_space<hbm>>
    tpu.enqueue_dma source(%arg8 : memref<32x1000xf32, #tpu.memory_space<vmem>>) target(%dma_start3A_47 : memref<32x1000xf32, #tpu.memory_space<hbm>>) target_semaphore(%arg12 : memref<!tpu.dma_semaphore, #tpu.memory_space<semaphore_mem>>)
    %dma_wait3A_48 = arith.constant 0 : i32
    %dma_wait3A_49 = tpu.memref_slice %arg4[%mul3A_2, %dma_wait3A_48] : memref<51200x1000xf32, #tpu.memory_space<hbm>> -> memref<32x1000xf32, #tpu.memory_space<hbm>>
    %dma_wait3A_50 = arith.constant 0 : i32
    %dma_wait3A_51 = tpu.memref_slice %arg4[%mul3A_2, %dma_wait3A_50] : memref<51200x1000xf32, #tpu.memory_space<hbm>> -> memref<32x1000xf32, #tpu.memory_space<hbm>>
    tpu.wait_dma2 semaphore(%arg11 : memref<!tpu.dma_semaphore, #tpu.memory_space<semaphore_mem>>) src(%arg7 : memref<32x1000xf32, #tpu.memory_space<vmem>>) dst(%dma_wait3A_51 : memref<32x1000xf32, #tpu.memory_space<hbm>>)
    %dma_wait3A_52 = arith.constant 0 : i32
    %dma_wait3A_53 = tpu.memref_slice %arg4[%mul3A_2, %dma_wait3A_52] : memref<51200x1000xf32, #tpu.memory_space<hbm>> -> memref<32x1000xf32, #tpu.memory_space<hbm>>
    %dma_wait3A_54 = arith.constant 0 : i32
    %dma_wait3A_55 = tpu.memref_slice %arg4[%mul3A_2, %dma_wait3A_54] : memref<51200x1000xf32, #tpu.memory_space<hbm>> -> memref<32x1000xf32, #tpu.memory_space<hbm>>
    tpu.wait_dma2 semaphore(%arg12 : memref<!tpu.dma_semaphore, #tpu.memory_space<semaphore_mem>>) src(%arg8 : memref<32x1000xf32, #tpu.memory_space<vmem>>) dst(%dma_wait3A_55 : memref<32x1000xf32, #tpu.memory_space<hbm>>)
    %scan3A_56 = arith.constant 0 : i32
    %scan3A_57 = arith.constant 49 : i32
    %scan3A_58 = arith.constant 3 : i32
    %scan3A_59 = arith.addi %scan3A_57, %scan3A_58 : i32
    %scan3A_60 = arith.constant 1 : i32
    scf.for %scan3A_68 = %scan3A_57 to %scan3A_59 step %scan3A_60  : i32 {
      %dma_wait3A_69 = arith.constant 0 : i32
      %dma_wait3A_70 = arith.constant 0 : i32
      %dma_wait3A_71 = arith.constant 0 : i32
      %dma_wait3A_72 = tpu.memref_slice %arg4[%dma_wait3A_70, %dma_wait3A_71] : memref<51200x1000xf32, #tpu.memory_space<hbm>> -> memref<1x1000xf32, #tpu.memory_space<hbm>>
      %dma_wait3A_73 = tpu.memref_squeeze %dma_wait3A_72 : memref<1x1000xf32, #tpu.memory_space<hbm>> -> memref<1000xf32, #tpu.memory_space<hbm>>
      %dma_wait3A_74 = arith.constant 0 : i32
      %dma_wait3A_75 = tpu.memref_slice %arg5[%dma_wait3A_69, %dma_wait3A_74] : memref<1000x1000xf32, #tpu.memory_space<vmem_shared>> -> memref<1x1000xf32, #tpu.memory_space<vmem_shared>>
      %dma_wait3A_76 = tpu.memref_squeeze %dma_wait3A_75 : memref<1x1000xf32, #tpu.memory_space<vmem_shared>> -> memref<1000xf32, #tpu.memory_space<vmem_shared>>
      tpu.wait_dma2 semaphore(%arg13 : memref<!tpu.dma_semaphore, #tpu.memory_space<semaphore_mem>>) src(%dma_wait3A_76 : memref<1000xf32, #tpu.memory_space<vmem_shared>>) dst(%dma_wait3A_73 : memref<1000xf32, #tpu.memory_space<hbm>>)
      %dma_wait3A_77 = arith.constant 0 : i32
      %dma_wait3A_78 = arith.constant 0 : i32
      %dma_wait3A_79 = arith.constant 0 : i32
      %dma_wait3A_80 = tpu.memref_slice %arg4[%dma_wait3A_78, %dma_wait3A_79] : memref<51200x1000xf32, #tpu.memory_space<hbm>> -> memref<1x1000xf32, #tpu.memory_space<hbm>>
      %dma_wait3A_81 = tpu.memref_squeeze %dma_wait3A_80 : memref<1x1000xf32, #tpu.memory_space<hbm>> -> memref<1000xf32, #tpu.memory_space<hbm>>
      %dma_wait3A_82 = arith.constant 0 : i32
      %dma_wait3A_83 = tpu.memref_slice %arg5[%dma_wait3A_77, %dma_wait3A_82] : memref<1000x1000xf32, #tpu.memory_space<vmem_shared>> -> memref<1x1000xf32, #tpu.memory_space<vmem_shared>>
      %dma_wait3A_84 = tpu.memref_squeeze %dma_wait3A_83 : memref<1x1000xf32, #tpu.memory_space<vmem_shared>> -> memref<1000xf32, #tpu.memory_space<vmem_shared>>
      tpu.wait_dma2 semaphore(%arg13 : memref<!tpu.dma_semaphore, #tpu.memory_space<semaphore_mem>>) src(%dma_wait3A_84 : memref<1000xf32, #tpu.memory_space<vmem_shared>>) dst(%dma_wait3A_81 : memref<1000xf32, #tpu.memory_space<hbm>>)
      %dma_wait3A_85 = arith.constant 0 : i32
      %dma_wait3A_86 = arith.constant 0 : i32
      %dma_wait3A_87 = arith.constant 0 : i32
      %dma_wait3A_88 = tpu.memref_slice %arg4[%dma_wait3A_86, %dma_wait3A_87] : memref<51200x1000xf32, #tpu.memory_space<hbm>> -> memref<1x1000xf32, #tpu.memory_space<hbm>>
      %dma_wait3A_89 = tpu.memref_squeeze %dma_wait3A_88 : memref<1x1000xf32, #tpu.memory_space<hbm>> -> memref<1000xf32, #tpu.memory_space<hbm>>
      %dma_wait3A_90 = arith.constant 0 : i32
      %dma_wait3A_91 = tpu.memref_slice %arg5[%dma_wait3A_85, %dma_wait3A_90] : memref<1000x1000xf32, #tpu.memory_space<vmem_shared>> -> memref<1x1000xf32, #tpu.memory_space<vmem_shared>>
      %dma_wait3A_92 = tpu.memref_squeeze %dma_wait3A_91 : memref<1x1000xf32, #tpu.memory_space<vmem_shared>> -> memref<1000xf32, #tpu.memory_space<vmem_shared>>
      tpu.wait_dma2 semaphore(%arg13 : memref<!tpu.dma_semaphore, #tpu.memory_space<semaphore_mem>>) src(%dma_wait3A_92 : memref<1000xf32, #tpu.memory_space<vmem_shared>>) dst(%dma_wait3A_89 : memref<1000xf32, #tpu.memory_space<hbm>>)
      %dma_wait3A_93 = arith.constant 0 : i32
      %dma_wait3A_94 = arith.constant 0 : i32
      %dma_wait3A_95 = arith.constant 0 : i32
      %dma_wait3A_96 = tpu.memref_slice %arg4[%dma_wait3A_94, %dma_wait3A_95] : memref<51200x1000xf32, #tpu.memory_space<hbm>> -> memref<1x1000xf32, #tpu.memory_space<hbm>>
      %dma_wait3A_97 = tpu.memref_squeeze %dma_wait3A_96 : memref<1x1000xf32, #tpu.memory_space<hbm>> -> memref<1000xf32, #tpu.memory_space<hbm>>
      %dma_wait3A_98 = arith.constant 0 : i32
      %dma_wait3A_99 = tpu.memref_slice %arg5[%dma_wait3A_93, %dma_wait3A_98] : memref<1000x1000xf32, #tpu.memory_space<vmem_shared>> -> memref<1x1000xf32, #tpu.memory_space<vmem_shared>>
      %dma_wait3A_100 = tpu.memref_squeeze %dma_wait3A_99 : memref<1x1000xf32, #tpu.memory_space<vmem_shared>> -> memref<1000xf32, #tpu.memory_space<vmem_shared>>
      tpu.wait_dma2 semaphore(%arg13 : memref<!tpu.dma_semaphore, #tpu.memory_space<semaphore_mem>>) src(%dma_wait3A_100 : memref<1000xf32, #tpu.memory_space<vmem_shared>>) dst(%dma_wait3A_97 : memref<1000xf32, #tpu.memory_space<hbm>>)
      %dma_wait3A_101 = arith.constant 0 : i32
      %dma_wait3A_102 = arith.constant 0 : i32
      %dma_wait3A_103 = arith.constant 0 : i32
      %dma_wait3A_104 = tpu.memref_slice %arg4[%dma_wait3A_102, %dma_wait3A_103] : memref<51200x1000xf32, #tpu.memory_space<hbm>> -> memref<1x1000xf32, #tpu.memory_space<hbm>>
      %dma_wait3A_105 = tpu.memref_squeeze %dma_wait3A_104 : memref<1x1000xf32, #tpu.memory_space<hbm>> -> memref<1000xf32, #tpu.memory_space<hbm>>
      %dma_wait3A_106 = arith.constant 0 : i32
      %dma_wait3A_107 = tpu.memref_slice %arg5[%dma_wait3A_101, %dma_wait3A_106] : memref<1000x1000xf32, #tpu.memory_space<vmem_shared>> -> memref<1x1000xf32, #tpu.memory_space<vmem_shared>>
      %dma_wait3A_108 = tpu.memref_squeeze %dma_wait3A_107 : memref<1x1000xf32, #tpu.memory_space<vmem_shared>> -> memref<1000xf32, #tpu.memory_space<vmem_shared>>
      tpu.wait_dma2 semaphore(%arg13 : memref<!tpu.dma_semaphore, #tpu.memory_space<semaphore_mem>>) src(%dma_wait3A_108 : memref<1000xf32, #tpu.memory_space<vmem_shared>>) dst(%dma_wait3A_105 : memref<1000xf32, #tpu.memory_space<hbm>>)
      %dma_wait3A_109 = arith.constant 0 : i32
      %dma_wait3A_110 = arith.constant 0 : i32
      %dma_wait3A_111 = arith.constant 0 : i32
      %dma_wait3A_112 = tpu.memref_slice %arg4[%dma_wait3A_110, %dma_wait3A_111] : memref<51200x1000xf32, #tpu.memory_space<hbm>> -> memref<1x1000xf32, #tpu.memory_space<hbm>>
      %dma_wait3A_113 = tpu.memref_squeeze %dma_wait3A_112 : memref<1x1000xf32, #tpu.memory_space<hbm>> -> memref<1000xf32, #tpu.memory_space<hbm>>
      %dma_wait3A_114 = arith.constant 0 : i32
      %dma_wait3A_115 = tpu.memref_slice %arg5[%dma_wait3A_109, %dma_wait3A_114] : memref<1000x1000xf32, #tpu.memory_space<vmem_shared>> -> memref<1x1000xf32, #tpu.memory_space<vmem_shared>>
      %dma_wait3A_116 = tpu.memref_squeeze %dma_wait3A_115 : memref<1x1000xf32, #tpu.memory_space<vmem_shared>> -> memref<1000xf32, #tpu.memory_space<vmem_shared>>
      tpu.wait_dma2 semaphore(%arg13 : memref<!tpu.dma_semaphore, #tpu.memory_space<semaphore_mem>>) src(%dma_wait3A_116 : memref<1000xf32, #tpu.memory_space<vmem_shared>>) dst(%dma_wait3A_113 : memref<1000xf32, #tpu.memory_space<hbm>>)
      %dma_wait3A_117 = arith.constant 0 : i32
      %dma_wait3A_118 = arith.constant 0 : i32
      %dma_wait3A_119 = arith.constant 0 : i32
      %dma_wait3A_120 = tpu.memref_slice %arg4[%dma_wait3A_118, %dma_wait3A_119] : memref<51200x1000xf32, #tpu.memory_space<hbm>> -> memref<1x1000xf32, #tpu.memory_space<hbm>>
      %dma_wait3A_121 = tpu.memref_squeeze %dma_wait3A_120 : memref<1x1000xf32, #tpu.memory_space<hbm>> -> memref<1000xf32, #tpu.memory_space<hbm>>
      %dma_wait3A_122 = arith.constant 0 : i32
      %dma_wait3A_123 = tpu.memref_slice %arg5[%dma_wait3A_117, %dma_wait3A_122] : memref<1000x1000xf32, #tpu.memory_space<vmem_shared>> -> memref<1x1000xf32, #tpu.memory_space<vmem_shared>>
      %dma_wait3A_124 = tpu.memref_squeeze %dma_wait3A_123 : memref<1x1000xf32, #tpu.memory_space<vmem_shared>> -> memref<1000xf32, #tpu.memory_space<vmem_shared>>
      tpu.wait_dma2 semaphore(%arg13 : memref<!tpu.dma_semaphore, #tpu.memory_space<semaphore_mem>>) src(%dma_wait3A_124 : memref<1000xf32, #tpu.memory_space<vmem_shared>>) dst(%dma_wait3A_121 : memref<1000xf32, #tpu.memory_space<hbm>>)
      %dma_wait3A_125 = arith.constant 0 : i32
      %dma_wait3A_126 = arith.constant 0 : i32
      %dma_wait3A_127 = arith.constant 0 : i32
      %dma_wait3A_128 = tpu.memref_slice %arg4[%dma_wait3A_126, %dma_wait3A_127] : memref<51200x1000xf32, #tpu.memory_space<hbm>> -> memref<1x1000xf32, #tpu.memory_space<hbm>>
      %dma_wait3A_129 = tpu.memref_squeeze %dma_wait3A_128 : memref<1x1000xf32, #tpu.memory_space<hbm>> -> memref<1000xf32, #tpu.memory_space<hbm>>
      %dma_wait3A_130 = arith.constant 0 : i32
      %dma_wait3A_131 = tpu.memref_slice %arg5[%dma_wait3A_125, %dma_wait3A_130] : memref<1000x1000xf32, #tpu.memory_space<vmem_shared>> -> memref<1x1000xf32, #tpu.memory_space<vmem_shared>>
      %dma_wait3A_132 = tpu.memref_squeeze %dma_wait3A_131 : memref<1x1000xf32, #tpu.memory_space<vmem_shared>> -> memref<1000xf32, #tpu.memory_space<vmem_shared>>
      tpu.wait_dma2 semaphore(%arg13 : memref<!tpu.dma_semaphore, #tpu.memory_space<semaphore_mem>>) src(%dma_wait3A_132 : memref<1000xf32, #tpu.memory_space<vmem_shared>>) dst(%dma_wait3A_129 : memref<1000xf32, #tpu.memory_space<hbm>>)
      %dma_wait3A_133 = arith.constant 0 : i32
      %dma_wait3A_134 = arith.constant 0 : i32
      %dma_wait3A_135 = arith.constant 0 : i32
      %dma_wait3A_136 = tpu.memref_slice %arg4[%dma_wait3A_134, %dma_wait3A_135] : memref<51200x1000xf32, #tpu.memory_space<hbm>> -> memref<1x1000xf32, #tpu.memory_space<hbm>>
      %dma_wait3A_137 = tpu.memref_squeeze %dma_wait3A_136 : memref<1x1000xf32, #tpu.memory_space<hbm>> -> memref<1000xf32, #tpu.memory_space<hbm>>
      %dma_wait3A_138 = arith.constant 0 : i32
      %dma_wait3A_139 = tpu.memref_slice %arg5[%dma_wait3A_133, %dma_wait3A_138] : memref<1000x1000xf32, #tpu.memory_space<vmem_shared>> -> memref<1x1000xf32, #tpu.memory_space<vmem_shared>>
      %dma_wait3A_140 = tpu.memref_squeeze %dma_wait3A_139 : memref<1x1000xf32, #tpu.memory_space<vmem_shared>> -> memref<1000xf32, #tpu.memory_space<vmem_shared>>
      tpu.wait_dma2 semaphore(%arg13 : memref<!tpu.dma_semaphore, #tpu.memory_space<semaphore_mem>>) src(%dma_wait3A_140 : memref<1000xf32, #tpu.memory_space<vmem_shared>>) dst(%dma_wait3A_137 : memref<1000xf32, #tpu.memory_space<hbm>>)
      %dma_wait3A_141 = arith.constant 0 : i32
      %dma_wait3A_142 = arith.constant 0 : i32
      %dma_wait3A_143 = arith.constant 0 : i32
      %dma_wait3A_144 = tpu.memref_slice %arg4[%dma_wait3A_142, %dma_wait3A_143] : memref<51200x1000xf32, #tpu.memory_space<hbm>> -> memref<1x1000xf32, #tpu.memory_space<hbm>>
      %dma_wait3A_145 = tpu.memref_squeeze %dma_wait3A_144 : memref<1x1000xf32, #tpu.memory_space<hbm>> -> memref<1000xf32, #tpu.memory_space<hbm>>
      %dma_wait3A_146 = arith.constant 0 : i32
      %dma_wait3A_147 = tpu.memref_slice %arg5[%dma_wait3A_141, %dma_wait3A_146] : memref<1000x1000xf32, #tpu.memory_space<vmem_shared>> -> memref<1x1000xf32, #tpu.memory_space<vmem_shared>>
      %dma_wait3A_148 = tpu.memref_squeeze %dma_wait3A_147 : memref<1x1000xf32, #tpu.memory_space<vmem_shared>> -> memref<1000xf32, #tpu.memory_space<vmem_shared>>
      tpu.wait_dma2 semaphore(%arg13 : memref<!tpu.dma_semaphore, #tpu.memory_space<semaphore_mem>>) src(%dma_wait3A_148 : memref<1000xf32, #tpu.memory_space<vmem_shared>>) dst(%dma_wait3A_145 : memref<1000xf32, #tpu.memory_space<hbm>>)
      %dma_wait3A_149 = arith.constant 0 : i32
      %dma_wait3A_150 = arith.constant 0 : i32
      %dma_wait3A_151 = arith.constant 0 : i32
      %dma_wait3A_152 = tpu.memref_slice %arg4[%dma_wait3A_150, %dma_wait3A_151] : memref<51200x1000xf32, #tpu.memory_space<hbm>> -> memref<1x1000xf32, #tpu.memory_space<hbm>>
      %dma_wait3A_153 = tpu.memref_squeeze %dma_wait3A_152 : memref<1x1000xf32, #tpu.memory_space<hbm>> -> memref<1000xf32, #tpu.memory_space<hbm>>
      %dma_wait3A_154 = arith.constant 0 : i32
      %dma_wait3A_155 = tpu.memref_slice %arg5[%dma_wait3A_149, %dma_wait3A_154] : memref<1000x1000xf32, #tpu.memory_space<vmem_shared>> -> memref<1x1000xf32, #tpu.memory_space<vmem_shared>>
      %dma_wait3A_156 = tpu.memref_squeeze %dma_wait3A_155 : memref<1x1000xf32, #tpu.memory_space<vmem_shared>> -> memref<1000xf32, #tpu.memory_space<vmem_shared>>
      tpu.wait_dma2 semaphore(%arg13 : memref<!tpu.dma_semaphore, #tpu.memory_space<semaphore_mem>>) src(%dma_wait3A_156 : memref<1000xf32, #tpu.memory_space<vmem_shared>>) dst(%dma_wait3A_153 : memref<1000xf32, #tpu.memory_space<hbm>>)
      %dma_wait3A_157 = arith.constant 0 : i32
      %dma_wait3A_158 = arith.constant 0 : i32
      %dma_wait3A_159 = arith.constant 0 : i32
      %dma_wait3A_160 = tpu.memref_slice %arg4[%dma_wait3A_158, %dma_wait3A_159] : memref<51200x1000xf32, #tpu.memory_space<hbm>> -> memref<1x1000xf32, #tpu.memory_space<hbm>>
      %dma_wait3A_161 = tpu.memref_squeeze %dma_wait3A_160 : memref<1x1000xf32, #tpu.memory_space<hbm>> -> memref<1000xf32, #tpu.memory_space<hbm>>
      %dma_wait3A_162 = arith.constant 0 : i32
      %dma_wait3A_163 = tpu.memref_slice %arg5[%dma_wait3A_157, %dma_wait3A_162] : memref<1000x1000xf32, #tpu.memory_space<vmem_shared>> -> memref<1x1000xf32, #tpu.memory_space<vmem_shared>>
      %dma_wait3A_164 = tpu.memref_squeeze %dma_wait3A_163 : memref<1x1000xf32, #tpu.memory_space<vmem_shared>> -> memref<1000xf32, #tpu.memory_space<vmem_shared>>
      tpu.wait_dma2 semaphore(%arg13 : memref<!tpu.dma_semaphore, #tpu.memory_space<semaphore_mem>>) src(%dma_wait3A_164 : memref<1000xf32, #tpu.memory_space<vmem_shared>>) dst(%dma_wait3A_161 : memref<1000xf32, #tpu.memory_space<hbm>>)
      %dma_wait3A_165 = arith.constant 0 : i32
      %dma_wait3A_166 = arith.constant 0 : i32
      %dma_wait3A_167 = arith.constant 0 : i32
      %dma_wait3A_168 = tpu.memref_slice %arg4[%dma_wait3A_166, %dma_wait3A_167] : memref<51200x1000xf32, #tpu.memory_space<hbm>> -> memref<1x1000xf32, #tpu.memory_space<hbm>>
      %dma_wait3A_169 = tpu.memref_squeeze %dma_wait3A_168 : memref<1x1000xf32, #tpu.memory_space<hbm>> -> memref<1000xf32, #tpu.memory_space<hbm>>
      %dma_wait3A_170 = arith.constant 0 : i32
      %dma_wait3A_171 = tpu.memref_slice %arg5[%dma_wait3A_165, %dma_wait3A_170] : memref<1000x1000xf32, #tpu.memory_space<vmem_shared>> -> memref<1x1000xf32, #tpu.memory_space<vmem_shared>>
      %dma_wait3A_172 = tpu.memref_squeeze %dma_wait3A_171 : memref<1x1000xf32, #tpu.memory_space<vmem_shared>> -> memref<1000xf32, #tpu.memory_space<vmem_shared>>
      tpu.wait_dma2 semaphore(%arg13 : memref<!tpu.dma_semaphore, #tpu.memory_space<semaphore_mem>>) src(%dma_wait3A_172 : memref<1000xf32, #tpu.memory_space<vmem_shared>>) dst(%dma_wait3A_169 : memref<1000xf32, #tpu.memory_space<hbm>>)
      %dma_wait3A_173 = arith.constant 0 : i32
      %dma_wait3A_174 = arith.constant 0 : i32
      %dma_wait3A_175 = arith.constant 0 : i32
      %dma_wait3A_176 = tpu.memref_slice %arg4[%dma_wait3A_174, %dma_wait3A_175] : memref<51200x1000xf32, #tpu.memory_space<hbm>> -> memref<1x1000xf32, #tpu.memory_space<hbm>>
      %dma_wait3A_177 = tpu.memref_squeeze %dma_wait3A_176 : memref<1x1000xf32, #tpu.memory_space<hbm>> -> memref<1000xf32, #tpu.memory_space<hbm>>
      %dma_wait3A_178 = arith.constant 0 : i32
      %dma_wait3A_179 = tpu.memref_slice %arg5[%dma_wait3A_173, %dma_wait3A_178] : memref<1000x1000xf32, #tpu.memory_space<vmem_shared>> -> memref<1x1000xf32, #tpu.memory_space<vmem_shared>>
      %dma_wait3A_180 = tpu.memref_squeeze %dma_wait3A_179 : memref<1x1000xf32, #tpu.memory_space<vmem_shared>> -> memref<1000xf32, #tpu.memory_space<vmem_shared>>
      tpu.wait_dma2 semaphore(%arg13 : memref<!tpu.dma_semaphore, #tpu.memory_space<semaphore_mem>>) src(%dma_wait3A_180 : memref<1000xf32, #tpu.memory_space<vmem_shared>>) dst(%dma_wait3A_177 : memref<1000xf32, #tpu.memory_space<hbm>>)
      %dma_wait3A_181 = arith.constant 0 : i32
      %dma_wait3A_182 = arith.constant 0 : i32
      %dma_wait3A_183 = arith.constant 0 : i32
      %dma_wait3A_184 = tpu.memref_slice %arg4[%dma_wait3A_182, %dma_wait3A_183] : memref<51200x1000xf32, #tpu.memory_space<hbm>> -> memref<1x1000xf32, #tpu.memory_space<hbm>>
      %dma_wait3A_185 = tpu.memref_squeeze %dma_wait3A_184 : memref<1x1000xf32, #tpu.memory_space<hbm>> -> memref<1000xf32, #tpu.memory_space<hbm>>
      %dma_wait3A_186 = arith.constant 0 : i32
      %dma_wait3A_187 = tpu.memref_slice %arg5[%dma_wait3A_181, %dma_wait3A_186] : memref<1000x1000xf32, #tpu.memory_space<vmem_shared>> -> memref<1x1000xf32, #tpu.memory_space<vmem_shared>>
      %dma_wait3A_188 = tpu.memref_squeeze %dma_wait3A_187 : memref<1x1000xf32, #tpu.memory_space<vmem_shared>> -> memref<1000xf32, #tpu.memory_space<vmem_shared>>
      tpu.wait_dma2 semaphore(%arg13 : memref<!tpu.dma_semaphore, #tpu.memory_space<semaphore_mem>>) src(%dma_wait3A_188 : memref<1000xf32, #tpu.memory_space<vmem_shared>>) dst(%dma_wait3A_185 : memref<1000xf32, #tpu.memory_space<hbm>>)
      %dma_wait3A_189 = arith.constant 0 : i32
      %dma_wait3A_190 = arith.constant 0 : i32
      %dma_wait3A_191 = arith.constant 0 : i32
      %dma_wait3A_192 = tpu.memref_slice %arg4[%dma_wait3A_190, %dma_wait3A_191] : memref<51200x1000xf32, #tpu.memory_space<hbm>> -> memref<1x1000xf32, #tpu.memory_space<hbm>>
      %dma_wait3A_193 = tpu.memref_squeeze %dma_wait3A_192 : memref<1x1000xf32, #tpu.memory_space<hbm>> -> memref<1000xf32, #tpu.memory_space<hbm>>
      %dma_wait3A_194 = arith.constant 0 : i32
      %dma_wait3A_195 = tpu.memref_slice %arg5[%dma_wait3A_189, %dma_wait3A_194] : memref<1000x1000xf32, #tpu.memory_space<vmem_shared>> -> memref<1x1000xf32, #tpu.memory_space<vmem_shared>>
      %dma_wait3A_196 = tpu.memref_squeeze %dma_wait3A_195 : memref<1x1000xf32, #tpu.memory_space<vmem_shared>> -> memref<1000xf32, #tpu.memory_space<vmem_shared>>
      tpu.wait_dma2 semaphore(%arg13 : memref<!tpu.dma_semaphore, #tpu.memory_space<semaphore_mem>>) src(%dma_wait3A_196 : memref<1000xf32, #tpu.memory_space<vmem_shared>>) dst(%dma_wait3A_193 : memref<1000xf32, #tpu.memory_space<hbm>>)
      %mul3A_197 = arith.constant 16 : i32
      %mul3A_198 = arith.muli %scan3A_68, %mul3A_197 : i32
      %add3A_199 = arith.constant 768 : i32
      %add3A_200 = arith.addi %add3A_199, %mul3A_198 : i32
      %get3A = arith.index_cast %add3A_200 : i32 to index
      %get3A_201 = tpu.vector_load %arg6[%get3A] {strides = array<i32>} : memref<1600xi32, #tpu.memory_space<vmem>>, vector<16xi32>,
      %get3A_202 = vector.shape_cast %get3A_201 : vector<16xi32> to vector<16xi32>
      %slice3A = vector.extract_strided_slice %get3A_202 {offsets = [0], sizes = [1], strides = [1]} : vector<16xi32> to vector<1xi32>
      %squeeze3A = vector.extract %slice3A[0] : i32 from vector<1xi32>
      %add3A_203 = arith.constant 768 : i32
      %add3A_204 = arith.addi %mul3A_2, %add3A_203 : i32
      %mul3A_205 = arith.constant 16 : i32
      %mul3A_206 = arith.muli %scan3A_68, %mul3A_205 : i32
      %add3A_207 = arith.addi %add3A_204, %mul3A_206 : i32
      %add3A_208 = arith.constant 0 : i32
      %add3A_209 = arith.addi %add3A_207, %add3A_208 : i32
      %dma_start3A_210 = arith.constant 0 : i32
      %dma_start3A_211 = tpu.memref_slice %arg4[%add3A_209, %dma_start3A_210] : memref<51200x1000xf32, #tpu.memory_space<hbm>> -> memref<1x1000xf32, #tpu.memory_space<hbm>>
      %dma_start3A_212 = tpu.memref_squeeze %dma_start3A_211 : memref<1x1000xf32, #tpu.memory_space<hbm>> -> memref<1000xf32, #tpu.memory_space<hbm>>
      %dma_start3A_213 = arith.constant 0 : i32
      %dma_start3A_214 = tpu.memref_slice %arg5[%squeeze3A, %dma_start3A_213] : memref<1000x1000xf32, #tpu.memory_space<vmem_shared>> -> memref<1x1000xf32, #tpu.memory_space<vmem_shared>>
      %dma_start3A_215 = tpu.memref_squeeze %dma_start3A_214 : memref<1x1000xf32, #tpu.memory_space<vmem_shared>> -> memref<1000xf32, #tpu.memory_space<vmem_shared>>
      tpu.enqueue_dma source(%dma_start3A_215 : memref<1000xf32, #tpu.memory_space<vmem_shared>>) target(%dma_start3A_212 : memref<1000xf32, #tpu.memory_space<hbm>>) target_semaphore(%arg13 : memref<!tpu.dma_semaphore, #tpu.memory_space<semaphore_mem>>)
      %slice3A_216 = vector.extract_strided_slice %get3A_202 {offsets = [1], sizes = [1], strides = [1]} : vector<16xi32> to vector<1xi32>
      %squeeze3A_217 = vector.extract %slice3A_216[0] : i32 from vector<1xi32>
      %add3A_218 = arith.constant 768 : i32
      %add3A_219 = arith.addi %mul3A_2, %add3A_218 : i32
      %mul3A_220 = arith.constant 16 : i32
      %mul3A_221 = arith.muli %scan3A_68, %mul3A_220 : i32
      %add3A_222 = arith.addi %add3A_219, %mul3A_221 : i32
      %add3A_223 = arith.constant 1 : i32
      %add3A_224 = arith.addi %add3A_222, %add3A_223 : i32
      %dma_start3A_225 = arith.constant 0 : i32
      %dma_start3A_226 = tpu.memref_slice %arg4[%add3A_224, %dma_start3A_225] : memref<51200x1000xf32, #tpu.memory_space<hbm>> -> memref<1x1000xf32, #tpu.memory_space<hbm>>
      %dma_start3A_227 = tpu.memref_squeeze %dma_start3A_226 : memref<1x1000xf32, #tpu.memory_space<hbm>> -> memref<1000xf32, #tpu.memory_space<hbm>>
      %dma_start3A_228 = arith.constant 0 : i32
      %dma_start3A_229 = tpu.memref_slice %arg5[%squeeze3A_217, %dma_start3A_228] : memref<1000x1000xf32, #tpu.memory_space<vmem_shared>> -> memref<1x1000xf32, #tpu.memory_space<vmem_shared>>
      %dma_start3A_230 = tpu.memref_squeeze %dma_start3A_229 : memref<1x1000xf32, #tpu.memory_space<vmem_shared>> -> memref<1000xf32, #tpu.memory_space<vmem_shared>>
      tpu.enqueue_dma source(%dma_start3A_230 : memref<1000xf32, #tpu.memory_space<vmem_shared>>) target(%dma_start3A_227 : memref<1000xf32, #tpu.memory_space<hbm>>) target_semaphore(%arg13 : memref<!tpu.dma_semaphore, #tpu.memory_space<semaphore_mem>>)
      %slice3A_231 = vector.extract_strided_slice %get3A_202 {offsets = [2], sizes = [1], strides = [1]} : vector<16xi32> to vector<1xi32>
      %squeeze3A_232 = vector.extract %slice3A_231[0] : i32 from vector<1xi32>
      %add3A_233 = arith.constant 768 : i32
      %add3A_234 = arith.addi %mul3A_2, %add3A_233 : i32
      %mul3A_235 = arith.constant 16 : i32
      %mul3A_236 = arith.muli %scan3A_68, %mul3A_235 : i32
      %add3A_237 = arith.addi %add3A_234, %mul3A_236 : i32
      %add3A_238 = arith.constant 2 : i32
      %add3A_239 = arith.addi %add3A_237, %add3A_238 : i32
      %dma_start3A_240 = arith.constant 0 : i32
      %dma_start3A_241 = tpu.memref_slice %arg4[%add3A_239, %dma_start3A_240] : memref<51200x1000xf32, #tpu.memory_space<hbm>> -> memref<1x1000xf32, #tpu.memory_space<hbm>>
      %dma_start3A_242 = tpu.memref_squeeze %dma_start3A_241 : memref<1x1000xf32, #tpu.memory_space<hbm>> -> memref<1000xf32, #tpu.memory_space<hbm>>
      %dma_start3A_243 = arith.constant 0 : i32
      %dma_start3A_244 = tpu.memref_slice %arg5[%squeeze3A_232, %dma_start3A_243] : memref<1000x1000xf32, #tpu.memory_space<vmem_shared>> -> memref<1x1000xf32, #tpu.memory_space<vmem_shared>>
      %dma_start3A_245 = tpu.memref_squeeze %dma_start3A_244 : memref<1x1000xf32, #tpu.memory_space<vmem_shared>> -> memref<1000xf32, #tpu.memory_space<vmem_shared>>
      tpu.enqueue_dma source(%dma_start3A_245 : memref<1000xf32, #tpu.memory_space<vmem_shared>>) target(%dma_start3A_242 : memref<1000xf32, #tpu.memory_space<hbm>>) target_semaphore(%arg13 : memref<!tpu.dma_semaphore, #tpu.memory_space<semaphore_mem>>)
      %slice3A_246 = vector.extract_strided_slice %get3A_202 {offsets = [3], sizes = [1], strides = [1]} : vector<16xi32> to vector<1xi32>
      %squeeze3A_247 = vector.extract %slice3A_246[0] : i32 from vector<1xi32>
      %add3A_248 = arith.constant 768 : i32
      %add3A_249 = arith.addi %mul3A_2, %add3A_248 : i32
      %mul3A_250 = arith.constant 16 : i32
      %mul3A_251 = arith.muli %scan3A_68, %mul3A_250 : i32
      %add3A_252 = arith.addi %add3A_249, %mul3A_251 : i32
      %add3A_253 = arith.constant 3 : i32
      %add3A_254 = arith.addi %add3A_252, %add3A_253 : i32
      %dma_start3A_255 = arith.constant 0 : i32
      %dma_start3A_256 = tpu.memref_slice %arg4[%add3A_254, %dma_start3A_255] : memref<51200x1000xf32, #tpu.memory_space<hbm>> -> memref<1x1000xf32, #tpu.memory_space<hbm>>
      %dma_start3A_257 = tpu.memref_squeeze %dma_start3A_256 : memref<1x1000xf32, #tpu.memory_space<hbm>> -> memref<1000xf32, #tpu.memory_space<hbm>>
      %dma_start3A_258 = arith.constant 0 : i32
      %dma_start3A_259 = tpu.memref_slice %arg5[%squeeze3A_247, %dma_start3A_258] : memref<1000x1000xf32, #tpu.memory_space<vmem_shared>> -> memref<1x1000xf32, #tpu.memory_space<vmem_shared>>
      %dma_start3A_260 = tpu.memref_squeeze %dma_start3A_259 : memref<1x1000xf32, #tpu.memory_space<vmem_shared>> -> memref<1000xf32, #tpu.memory_space<vmem_shared>>
      tpu.enqueue_dma source(%dma_start3A_260 : memref<1000xf32, #tpu.memory_space<vmem_shared>>) target(%dma_start3A_257 : memref<1000xf32, #tpu.memory_space<hbm>>) target_semaphore(%arg13 : memref<!tpu.dma_semaphore, #tpu.memory_space<semaphore_mem>>)
      %slice3A_261 = vector.extract_strided_slice %get3A_202 {offsets = [4], sizes = [1], strides = [1]} : vector<16xi32> to vector<1xi32>
      %squeeze3A_262 = vector.extract %slice3A_261[0] : i32 from vector<1xi32>
      %add3A_263 = arith.constant 768 : i32
      %add3A_264 = arith.addi %mul3A_2, %add3A_263 : i32
      %mul3A_265 = arith.constant 16 : i32
      %mul3A_266 = arith.muli %scan3A_68, %mul3A_265 : i32
      %add3A_267 = arith.addi %add3A_264, %mul3A_266 : i32
      %add3A_268 = arith.constant 4 : i32
      %add3A_269 = arith.addi %add3A_267, %add3A_268 : i32
      %dma_start3A_270 = arith.constant 0 : i32
      %dma_start3A_271 = tpu.memref_slice %arg4[%add3A_269, %dma_start3A_270] : memref<51200x1000xf32, #tpu.memory_space<hbm>> -> memref<1x1000xf32, #tpu.memory_space<hbm>>
      %dma_start3A_272 = tpu.memref_squeeze %dma_start3A_271 : memref<1x1000xf32, #tpu.memory_space<hbm>> -> memref<1000xf32, #tpu.memory_space<hbm>>
      %dma_start3A_273 = arith.constant 0 : i32
      %dma_start3A_274 = tpu.memref_slice %arg5[%squeeze3A_262, %dma_start3A_273] : memref<1000x1000xf32, #tpu.memory_space<vmem_shared>> -> memref<1x1000xf32, #tpu.memory_space<vmem_shared>>
      %dma_start3A_275 = tpu.memref_squeeze %dma_start3A_274 : memref<1x1000xf32, #tpu.memory_space<vmem_shared>> -> memref<1000xf32, #tpu.memory_space<vmem_shared>>
      tpu.enqueue_dma source(%dma_start3A_275 : memref<1000xf32, #tpu.memory_space<vmem_shared>>) target(%dma_start3A_272 : memref<1000xf32, #tpu.memory_space<hbm>>) target_semaphore(%arg13 : memref<!tpu.dma_semaphore, #tpu.memory_space<semaphore_mem>>)
      %slice3A_276 = vector.extract_strided_slice %get3A_202 {offsets = [5], sizes = [1], strides = [1]} : vector<16xi32> to vector<1xi32>
      %squeeze3A_277 = vector.extract %slice3A_276[0] : i32 from vector<1xi32>
      %add3A_278 = arith.constant 768 : i32
      %add3A_279 = arith.addi %mul3A_2, %add3A_278 : i32
      %mul3A_280 = arith.constant 16 : i32
      %mul3A_281 = arith.muli %scan3A_68, %mul3A_280 : i32
      %add3A_282 = arith.addi %add3A_279, %mul3A_281 : i32
      %add3A_283 = arith.constant 5 : i32
      %add3A_284 = arith.addi %add3A_282, %add3A_283 : i32
      %dma_start3A_285 = arith.constant 0 : i32
      %dma_start3A_286 = tpu.memref_slice %arg4[%add3A_284, %dma_start3A_285] : memref<51200x1000xf32, #tpu.memory_space<hbm>> -> memref<1x1000xf32, #tpu.memory_space<hbm>>
      %dma_start3A_287 = tpu.memref_squeeze %dma_start3A_286 : memref<1x1000xf32, #tpu.memory_space<hbm>> -> memref<1000xf32, #tpu.memory_space<hbm>>
      %dma_start3A_288 = arith.constant 0 : i32
      %dma_start3A_289 = tpu.memref_slice %arg5[%squeeze3A_277, %dma_start3A_288] : memref<1000x1000xf32, #tpu.memory_space<vmem_shared>> -> memref<1x1000xf32, #tpu.memory_space<vmem_shared>>
      %dma_start3A_290 = tpu.memref_squeeze %dma_start3A_289 : memref<1x1000xf32, #tpu.memory_space<vmem_shared>> -> memref<1000xf32, #tpu.memory_space<vmem_shared>>
      tpu.enqueue_dma source(%dma_start3A_290 : memref<1000xf32, #tpu.memory_space<vmem_shared>>) target(%dma_start3A_287 : memref<1000xf32, #tpu.memory_space<hbm>>) target_semaphore(%arg13 : memref<!tpu.dma_semaphore, #tpu.memory_space<semaphore_mem>>)
      %slice3A_291 = vector.extract_strided_slice %get3A_202 {offsets = [6], sizes = [1], strides = [1]} : vector<16xi32> to vector<1xi32>
      %squeeze3A_292 = vector.extract %slice3A_291[0] : i32 from vector<1xi32>
      %add3A_293 = arith.constant 768 : i32
      %add3A_294 = arith.addi %mul3A_2, %add3A_293 : i32
      %mul3A_295 = arith.constant 16 : i32
      %mul3A_296 = arith.muli %scan3A_68, %mul3A_295 : i32
      %add3A_297 = arith.addi %add3A_294, %mul3A_296 : i32
      %add3A_298 = arith.constant 6 : i32
      %add3A_299 = arith.addi %add3A_297, %add3A_298 : i32
      %dma_start3A_300 = arith.constant 0 : i32
      %dma_start3A_301 = tpu.memref_slice %arg4[%add3A_299, %dma_start3A_300] : memref<51200x1000xf32, #tpu.memory_space<hbm>> -> memref<1x1000xf32, #tpu.memory_space<hbm>>
      %dma_start3A_302 = tpu.memref_squeeze %dma_start3A_301 : memref<1x1000xf32, #tpu.memory_space<hbm>> -> memref<1000xf32, #tpu.memory_space<hbm>>
      %dma_start3A_303 = arith.constant 0 : i32
      %dma_start3A_304 = tpu.memref_slice %arg5[%squeeze3A_292, %dma_start3A_303] : memref<1000x1000xf32, #tpu.memory_space<vmem_shared>> -> memref<1x1000xf32, #tpu.memory_space<vmem_shared>>
      %dma_start3A_305 = tpu.memref_squeeze %dma_start3A_304 : memref<1x1000xf32, #tpu.memory_space<vmem_shared>> -> memref<1000xf32, #tpu.memory_space<vmem_shared>>
      tpu.enqueue_dma source(%dma_start3A_305 : memref<1000xf32, #tpu.memory_space<vmem_shared>>) target(%dma_start3A_302 : memref<1000xf32, #tpu.memory_space<hbm>>) target_semaphore(%arg13 : memref<!tpu.dma_semaphore, #tpu.memory_space<semaphore_mem>>)
      %slice3A_306 = vector.extract_strided_slice %get3A_202 {offsets = [7], sizes = [1], strides = [1]} : vector<16xi32> to vector<1xi32>
      %squeeze3A_307 = vector.extract %slice3A_306[0] : i32 from vector<1xi32>
      %add3A_308 = arith.constant 768 : i32
      %add3A_309 = arith.addi %mul3A_2, %add3A_308 : i32
      %mul3A_310 = arith.constant 16 : i32
      %mul3A_311 = arith.muli %scan3A_68, %mul3A_310 : i32
      %add3A_312 = arith.addi %add3A_309, %mul3A_311 : i32
      %add3A_313 = arith.constant 7 : i32
      %add3A_314 = arith.addi %add3A_312, %add3A_313 : i32
      %dma_start3A_315 = arith.constant 0 : i32
      %dma_start3A_316 = tpu.memref_slice %arg4[%add3A_314, %dma_start3A_315] : memref<51200x1000xf32, #tpu.memory_space<hbm>> -> memref<1x1000xf32, #tpu.memory_space<hbm>>
      %dma_start3A_317 = tpu.memref_squeeze %dma_start3A_316 : memref<1x1000xf32, #tpu.memory_space<hbm>> -> memref<1000xf32, #tpu.memory_space<hbm>>
      %dma_start3A_318 = arith.constant 0 : i32
      %dma_start3A_319 = tpu.memref_slice %arg5[%squeeze3A_307, %dma_start3A_318] : memref<1000x1000xf32, #tpu.memory_space<vmem_shared>> -> memref<1x1000xf32, #tpu.memory_space<vmem_shared>>
      %dma_start3A_320 = tpu.memref_squeeze %dma_start3A_319 : memref<1x1000xf32, #tpu.memory_space<vmem_shared>> -> memref<1000xf32, #tpu.memory_space<vmem_shared>>
      tpu.enqueue_dma source(%dma_start3A_320 : memref<1000xf32, #tpu.memory_space<vmem_shared>>) target(%dma_start3A_317 : memref<1000xf32, #tpu.memory_space<hbm>>) target_semaphore(%arg13 : memref<!tpu.dma_semaphore, #tpu.memory_space<semaphore_mem>>)
      %slice3A_321 = vector.extract_strided_slice %get3A_202 {offsets = [8], sizes = [1], strides = [1]} : vector<16xi32> to vector<1xi32>
      %squeeze3A_322 = vector.extract %slice3A_321[0] : i32 from vector<1xi32>
      %add3A_323 = arith.constant 768 : i32
      %add3A_324 = arith.addi %mul3A_2, %add3A_323 : i32
      %mul3A_325 = arith.constant 16 : i32
      %mul3A_326 = arith.muli %scan3A_68, %mul3A_325 : i32
      %add3A_327 = arith.addi %add3A_324, %mul3A_326 : i32
      %add3A_328 = arith.constant 8 : i32
      %add3A_329 = arith.addi %add3A_327, %add3A_328 : i32
      %dma_start3A_330 = arith.constant 0 : i32
      %dma_start3A_331 = tpu.memref_slice %arg4[%add3A_329, %dma_start3A_330] : memref<51200x1000xf32, #tpu.memory_space<hbm>> -> memref<1x1000xf32, #tpu.memory_space<hbm>>
      %dma_start3A_332 = tpu.memref_squeeze %dma_start3A_331 : memref<1x1000xf32, #tpu.memory_space<hbm>> -> memref<1000xf32, #tpu.memory_space<hbm>>
      %dma_start3A_333 = arith.constant 0 : i32
      %dma_start3A_334 = tpu.memref_slice %arg5[%squeeze3A_322, %dma_start3A_333] : memref<1000x1000xf32, #tpu.memory_space<vmem_shared>> -> memref<1x1000xf32, #tpu.memory_space<vmem_shared>>
      %dma_start3A_335 = tpu.memref_squeeze %dma_start3A_334 : memref<1x1000xf32, #tpu.memory_space<vmem_shared>> -> memref<1000xf32, #tpu.memory_space<vmem_shared>>
      tpu.enqueue_dma source(%dma_start3A_335 : memref<1000xf32, #tpu.memory_space<vmem_shared>>) target(%dma_start3A_332 : memref<1000xf32, #tpu.memory_space<hbm>>) target_semaphore(%arg13 : memref<!tpu.dma_semaphore, #tpu.memory_space<semaphore_mem>>)
      %slice3A_336 = vector.extract_strided_slice %get3A_202 {offsets = [9], sizes = [1], strides = [1]} : vector<16xi32> to vector<1xi32>
      %squeeze3A_337 = vector.extract %slice3A_336[0] : i32 from vector<1xi32>
      %add3A_338 = arith.constant 768 : i32
      %add3A_339 = arith.addi %mul3A_2, %add3A_338 : i32
      %mul3A_340 = arith.constant 16 : i32
      %mul3A_341 = arith.muli %scan3A_68, %mul3A_340 : i32
      %add3A_342 = arith.addi %add3A_339, %mul3A_341 : i32
      %add3A_343 = arith.constant 9 : i32
      %add3A_344 = arith.addi %add3A_342, %add3A_343 : i32
      %dma_start3A_345 = arith.constant 0 : i32
      %dma_start3A_346 = tpu.memref_slice %arg4[%add3A_344, %dma_start3A_345] : memref<51200x1000xf32, #tpu.memory_space<hbm>> -> memref<1x1000xf32, #tpu.memory_space<hbm>>
      %dma_start3A_347 = tpu.memref_squeeze %dma_start3A_346 : memref<1x1000xf32, #tpu.memory_space<hbm>> -> memref<1000xf32, #tpu.memory_space<hbm>>
      %dma_start3A_348 = arith.constant 0 : i32
      %dma_start3A_349 = tpu.memref_slice %arg5[%squeeze3A_337, %dma_start3A_348] : memref<1000x1000xf32, #tpu.memory_space<vmem_shared>> -> memref<1x1000xf32, #tpu.memory_space<vmem_shared>>
      %dma_start3A_350 = tpu.memref_squeeze %dma_start3A_349 : memref<1x1000xf32, #tpu.memory_space<vmem_shared>> -> memref<1000xf32, #tpu.memory_space<vmem_shared>>
      tpu.enqueue_dma source(%dma_start3A_350 : memref<1000xf32, #tpu.memory_space<vmem_shared>>) target(%dma_start3A_347 : memref<1000xf32, #tpu.memory_space<hbm>>) target_semaphore(%arg13 : memref<!tpu.dma_semaphore, #tpu.memory_space<semaphore_mem>>)
      %slice3A_351 = vector.extract_strided_slice %get3A_202 {offsets = [10], sizes = [1], strides = [1]} : vector<16xi32> to vector<1xi32>
      %squeeze3A_352 = vector.extract %slice3A_351[0] : i32 from vector<1xi32>
      %add3A_353 = arith.constant 768 : i32
      %add3A_354 = arith.addi %mul3A_2, %add3A_353 : i32
      %mul3A_355 = arith.constant 16 : i32
      %mul3A_356 = arith.muli %scan3A_68, %mul3A_355 : i32
      %add3A_357 = arith.addi %add3A_354, %mul3A_356 : i32
      %add3A_358 = arith.constant 10 : i32
      %add3A_359 = arith.addi %add3A_357, %add3A_358 : i32
      %dma_start3A_360 = arith.constant 0 : i32
      %dma_start3A_361 = tpu.memref_slice %arg4[%add3A_359, %dma_start3A_360] : memref<51200x1000xf32, #tpu.memory_space<hbm>> -> memref<1x1000xf32, #tpu.memory_space<hbm>>
      %dma_start3A_362 = tpu.memref_squeeze %dma_start3A_361 : memref<1x1000xf32, #tpu.memory_space<hbm>> -> memref<1000xf32, #tpu.memory_space<hbm>>
      %dma_start3A_363 = arith.constant 0 : i32
      %dma_start3A_364 = tpu.memref_slice %arg5[%squeeze3A_352, %dma_start3A_363] : memref<1000x1000xf32, #tpu.memory_space<vmem_shared>> -> memref<1x1000xf32, #tpu.memory_space<vmem_shared>>
      %dma_start3A_365 = tpu.memref_squeeze %dma_start3A_364 : memref<1x1000xf32, #tpu.memory_space<vmem_shared>> -> memref<1000xf32, #tpu.memory_space<vmem_shared>>
      tpu.enqueue_dma source(%dma_start3A_365 : memref<1000xf32, #tpu.memory_space<vmem_shared>>) target(%dma_start3A_362 : memref<1000xf32, #tpu.memory_space<hbm>>) target_semaphore(%arg13 : memref<!tpu.dma_semaphore, #tpu.memory_space<semaphore_mem>>)
      %slice3A_366 = vector.extract_strided_slice %get3A_202 {offsets = [11], sizes = [1], strides = [1]} : vector<16xi32> to vector<1xi32>
      %squeeze3A_367 = vector.extract %slice3A_366[0] : i32 from vector<1xi32>
      %add3A_368 = arith.constant 768 : i32
      %add3A_369 = arith.addi %mul3A_2, %add3A_368 : i32
      %mul3A_370 = arith.constant 16 : i32
      %mul3A_371 = arith.muli %scan3A_68, %mul3A_370 : i32
      %add3A_372 = arith.addi %add3A_369, %mul3A_371 : i32
      %add3A_373 = arith.constant 11 : i32
      %add3A_374 = arith.addi %add3A_372, %add3A_373 : i32
      %dma_start3A_375 = arith.constant 0 : i32
      %dma_start3A_376 = tpu.memref_slice %arg4[%add3A_374, %dma_start3A_375] : memref<51200x1000xf32, #tpu.memory_space<hbm>> -> memref<1x1000xf32, #tpu.memory_space<hbm>>
      %dma_start3A_377 = tpu.memref_squeeze %dma_start3A_376 : memref<1x1000xf32, #tpu.memory_space<hbm>> -> memref<1000xf32, #tpu.memory_space<hbm>>
      %dma_start3A_378 = arith.constant 0 : i32
      %dma_start3A_379 = tpu.memref_slice %arg5[%squeeze3A_367, %dma_start3A_378] : memref<1000x1000xf32, #tpu.memory_space<vmem_shared>> -> memref<1x1000xf32, #tpu.memory_space<vmem_shared>>
      %dma_start3A_380 = tpu.memref_squeeze %dma_start3A_379 : memref<1x1000xf32, #tpu.memory_space<vmem_shared>> -> memref<1000xf32, #tpu.memory_space<vmem_shared>>
      tpu.enqueue_dma source(%dma_start3A_380 : memref<1000xf32, #tpu.memory_space<vmem_shared>>) target(%dma_start3A_377 : memref<1000xf32, #tpu.memory_space<hbm>>) target_semaphore(%arg13 : memref<!tpu.dma_semaphore, #tpu.memory_space<semaphore_mem>>)
      %slice3A_381 = vector.extract_strided_slice %get3A_202 {offsets = [12], sizes = [1], strides = [1]} : vector<16xi32> to vector<1xi32>
      %squeeze3A_382 = vector.extract %slice3A_381[0] : i32 from vector<1xi32>
      %add3A_383 = arith.constant 768 : i32
      %add3A_384 = arith.addi %mul3A_2, %add3A_383 : i32
      %mul3A_385 = arith.constant 16 : i32
      %mul3A_386 = arith.muli %scan3A_68, %mul3A_385 : i32
      %add3A_387 = arith.addi %add3A_384, %mul3A_386 : i32
      %add3A_388 = arith.constant 12 : i32
      %add3A_389 = arith.addi %add3A_387, %add3A_388 : i32
      %dma_start3A_390 = arith.constant 0 : i32
      %dma_start3A_391 = tpu.memref_slice %arg4[%add3A_389, %dma_start3A_390] : memref<51200x1000xf32, #tpu.memory_space<hbm>> -> memref<1x1000xf32, #tpu.memory_space<hbm>>
      %dma_start3A_392 = tpu.memref_squeeze %dma_start3A_391 : memref<1x1000xf32, #tpu.memory_space<hbm>> -> memref<1000xf32, #tpu.memory_space<hbm>>
      %dma_start3A_393 = arith.constant 0 : i32
      %dma_start3A_394 = tpu.memref_slice %arg5[%squeeze3A_382, %dma_start3A_393] : memref<1000x1000xf32, #tpu.memory_space<vmem_shared>> -> memref<1x1000xf32, #tpu.memory_space<vmem_shared>>
      %dma_start3A_395 = tpu.memref_squeeze %dma_start3A_394 : memref<1x1000xf32, #tpu.memory_space<vmem_shared>> -> memref<1000xf32, #tpu.memory_space<vmem_shared>>
      tpu.enqueue_dma source(%dma_start3A_395 : memref<1000xf32, #tpu.memory_space<vmem_shared>>) target(%dma_start3A_392 : memref<1000xf32, #tpu.memory_space<hbm>>) target_semaphore(%arg13 : memref<!tpu.dma_semaphore, #tpu.memory_space<semaphore_mem>>)
      %slice3A_396 = vector.extract_strided_slice %get3A_202 {offsets = [13], sizes = [1], strides = [1]} : vector<16xi32> to vector<1xi32>
      %squeeze3A_397 = vector.extract %slice3A_396[0] : i32 from vector<1xi32>
      %add3A_398 = arith.constant 768 : i32
      %add3A_399 = arith.addi %mul3A_2, %add3A_398 : i32
      %mul3A_400 = arith.constant 16 : i32
      %mul3A_401 = arith.muli %scan3A_68, %mul3A_400 : i32
      %add3A_402 = arith.addi %add3A_399, %mul3A_401 : i32
      %add3A_403 = arith.constant 13 : i32
      %add3A_404 = arith.addi %add3A_402, %add3A_403 : i32
      %dma_start3A_405 = arith.constant 0 : i32
      %dma_start3A_406 = tpu.memref_slice %arg4[%add3A_404, %dma_start3A_405] : memref<51200x1000xf32, #tpu.memory_space<hbm>> -> memref<1x1000xf32, #tpu.memory_space<hbm>>
      %dma_start3A_407 = tpu.memref_squeeze %dma_start3A_406 : memref<1x1000xf32, #tpu.memory_space<hbm>> -> memref<1000xf32, #tpu.memory_space<hbm>>
      %dma_start3A_408 = arith.constant 0 : i32
      %dma_start3A_409 = tpu.memref_slice %arg5[%squeeze3A_397, %dma_start3A_408] : memref<1000x1000xf32, #tpu.memory_space<vmem_shared>> -> memref<1x1000xf32, #tpu.memory_space<vmem_shared>>
      %dma_start3A_410 = tpu.memref_squeeze %dma_start3A_409 : memref<1x1000xf32, #tpu.memory_space<vmem_shared>> -> memref<1000xf32, #tpu.memory_space<vmem_shared>>
      tpu.enqueue_dma source(%dma_start3A_410 : memref<1000xf32, #tpu.memory_space<vmem_shared>>) target(%dma_start3A_407 : memref<1000xf32, #tpu.memory_space<hbm>>) target_semaphore(%arg13 : memref<!tpu.dma_semaphore, #tpu.memory_space<semaphore_mem>>)
      %slice3A_411 = vector.extract_strided_slice %get3A_202 {offsets = [14], sizes = [1], strides = [1]} : vector<16xi32> to vector<1xi32>
      %squeeze3A_412 = vector.extract %slice3A_411[0] : i32 from vector<1xi32>
      %add3A_413 = arith.constant 768 : i32
      %add3A_414 = arith.addi %mul3A_2, %add3A_413 : i32
      %mul3A_415 = arith.constant 16 : i32
      %mul3A_416 = arith.muli %scan3A_68, %mul3A_415 : i32
      %add3A_417 = arith.addi %add3A_414, %mul3A_416 : i32
      %add3A_418 = arith.constant 14 : i32
      %add3A_419 = arith.addi %add3A_417, %add3A_418 : i32
      %dma_start3A_420 = arith.constant 0 : i32
      %dma_start3A_421 = tpu.memref_slice %arg4[%add3A_419, %dma_start3A_420] : memref<51200x1000xf32, #tpu.memory_space<hbm>> -> memref<1x1000xf32, #tpu.memory_space<hbm>>
      %dma_start3A_422 = tpu.memref_squeeze %dma_start3A_421 : memref<1x1000xf32, #tpu.memory_space<hbm>> -> memref<1000xf32, #tpu.memory_space<hbm>>
      %dma_start3A_423 = arith.constant 0 : i32
      %dma_start3A_424 = tpu.memref_slice %arg5[%squeeze3A_412, %dma_start3A_423] : memref<1000x1000xf32, #tpu.memory_space<vmem_shared>> -> memref<1x1000xf32, #tpu.memory_space<vmem_shared>>
      %dma_start3A_425 = tpu.memref_squeeze %dma_start3A_424 : memref<1x1000xf32, #tpu.memory_space<vmem_shared>> -> memref<1000xf32, #tpu.memory_space<vmem_shared>>
      tpu.enqueue_dma source(%dma_start3A_425 : memref<1000xf32, #tpu.memory_space<vmem_shared>>) target(%dma_start3A_422 : memref<1000xf32, #tpu.memory_space<hbm>>) target_semaphore(%arg13 : memref<!tpu.dma_semaphore, #tpu.memory_space<semaphore_mem>>)
      %slice3A_426 = vector.extract_strided_slice %get3A_202 {offsets = [15], sizes = [1], strides = [1]} : vector<16xi32> to vector<1xi32>
      %squeeze3A_427 = vector.extract %slice3A_426[0] : i32 from vector<1xi32>
      %add3A_428 = arith.constant 768 : i32
      %add3A_429 = arith.addi %mul3A_2, %add3A_428 : i32
      %mul3A_430 = arith.constant 16 : i32
      %mul3A_431 = arith.muli %scan3A_68, %mul3A_430 : i32
      %add3A_432 = arith.addi %add3A_429, %mul3A_431 : i32
      %add3A_433 = arith.constant 15 : i32
      %add3A_434 = arith.addi %add3A_432, %add3A_433 : i32
      %dma_start3A_435 = arith.constant 0 : i32
      %dma_start3A_436 = tpu.memref_slice %arg4[%add3A_434, %dma_start3A_435] : memref<51200x1000xf32, #tpu.memory_space<hbm>> -> memref<1x1000xf32, #tpu.memory_space<hbm>>
      %dma_start3A_437 = tpu.memref_squeeze %dma_start3A_436 : memref<1x1000xf32, #tpu.memory_space<hbm>> -> memref<1000xf32, #tpu.memory_space<hbm>>
      %dma_start3A_438 = arith.constant 0 : i32
      %dma_start3A_439 = tpu.memref_slice %arg5[%squeeze3A_427, %dma_start3A_438] : memref<1000x1000xf32, #tpu.memory_space<vmem_shared>> -> memref<1x1000xf32, #tpu.memory_space<vmem_shared>>
      %dma_start3A_440 = tpu.memref_squeeze %dma_start3A_439 : memref<1x1000xf32, #tpu.memory_space<vmem_shared>> -> memref<1000xf32, #tpu.memory_space<vmem_shared>>
      tpu.enqueue_dma source(%dma_start3A_440 : memref<1000xf32, #tpu.memory_space<vmem_shared>>) target(%dma_start3A_437 : memref<1000xf32, #tpu.memory_space<hbm>>) target_semaphore(%arg13 : memref<!tpu.dma_semaphore, #tpu.memory_space<semaphore_mem>>)
    }
    %scan3A_61 = arith.constant 3 : i32
    %scan3A_62 = arith.constant 0 : i32
    %scan3A_63 = arith.constant 0 : i32
    %scan3A_64 = arith.constant 256 : i32
    %scan3A_65 = arith.addi %scan3A_63, %scan3A_64 : i32
    %scan3A_66 = arith.constant 1 : i32
    scf.for %scan3A_68 = %scan3A_63 to %scan3A_65 step %scan3A_66  : i32 {
      %dma_wait3A_69 = arith.constant 0 : i32
      %dma_wait3A_70 = arith.constant 0 : i32
      %dma_wait3A_71 = arith.constant 0 : i32
      %dma_wait3A_72 = tpu.memref_slice %arg4[%dma_wait3A_70, %dma_wait3A_71] : memref<51200x1000xf32, #tpu.memory_space<hbm>> -> memref<1x1000xf32, #tpu.memory_space<hbm>>
      %dma_wait3A_73 = tpu.memref_squeeze %dma_wait3A_72 : memref<1x1000xf32, #tpu.memory_space<hbm>> -> memref<1000xf32, #tpu.memory_space<hbm>>
      %dma_wait3A_74 = arith.constant 0 : i32
      %dma_wait3A_75 = tpu.memref_slice %arg5[%dma_wait3A_69, %dma_wait3A_74] : memref<1000x1000xf32, #tpu.memory_space<vmem_shared>> -> memref<1x1000xf32, #tpu.memory_space<vmem_shared>>
      %dma_wait3A_76 = tpu.memref_squeeze %dma_wait3A_75 : memref<1x1000xf32, #tpu.memory_space<vmem_shared>> -> memref<1000xf32, #tpu.memory_space<vmem_shared>>
      tpu.wait_dma2 semaphore(%arg13 : memref<!tpu.dma_semaphore, #tpu.memory_space<semaphore_mem>>) src(%dma_wait3A_76 : memref<1000xf32, #tpu.memory_space<vmem_shared>>) dst(%dma_wait3A_73 : memref<1000xf32, #tpu.memory_space<hbm>>)
    }
    %scan3A_67 = arith.constant 256 : i32
    return
  }
}

</mosaic_0001>

<sc_bundles>
// kernel: kernel.3.cloned.1.call-start
scs
__scs_entry_jumppad:
0x0: {  	(pc) =	sbr.rel $0x88, $3  }
0x1: {  	(tag) =	ssettag $0x0;
	lr =	simm.s32 $0x1  }
0x2: {  	[smem:$0x3F9F] =	sst lr;
	_ =	strace $0xD0000000  }
0x3: {  	_ = 	snop  }
0x4: {  	_ = 	snop  }
0x5: {  	_ = 	snop  }
0x6: {  	_ = 	snop  }
0x7: {  	_ = 	snop  }
__scs_overlays_trampoline_lowered:
0x8: {  	[smem:$0x3FAE] =	sst s0  }
0x9: {  	[smem:$0x3FAF] =	sst s1  }
0xa: {  	[smem:$0x3FB0] =	sst s2  }
0xb: {  	[smem:$0x3FB1] =	sst s3  }
0xc: {  	[smem:$0x3FB2] =	sst s4  }
0xd: {  	[smem:$0x3FB3] =	sst s5  }
0xe: {  	[smem:$0x3FB4] =	sst s6  }
0xf: {  	[smem:$0x3FB5] =	sst s7  }
0x10: {  	[smem:$0x3FB6] =	sst s8  }
0x11: {  	[smem:$0x3FB7] =	sst s9;
	s0 =	simm.s32 @!p0 $0x0  }
0x12: {  	s1 =	sld [smem:$0x3F9D];
	s0 =	simm.s32 @p0 $0x1  }
0x13: {  	[smem:$0x3FB8] =	sst s0;
	s0 =	simm.s32 @!p1 $0x0  }
0x14: {  	s2 =	sld [smem:$0x3F9C];
	s0 =	simm.s32 @p1 $0x1  }
0x15: {  	[smem:$0x3FB9] =	sst s0;
	s0 =	simm.s32 @!p2 $0x0  }
0x16: {  	s3 =	sld [smem:$0x3FDB];
	s0 =	simm.s32 @p2 $0x1  }
0x17: {  	s4 =	simm.s32 $0x1BF5;
	[smem:$0x3FBB] =	sst s0  }
0x18: {  	s0 =	sld [smem:$0x3F9E];
	_ =	swait.ge [sflag:s4], $0x0  }
0x19: {  	s7 =	sld [smem:$0x3F9F]  }
0x1a: {  	s8 =	sadd.s32 $0xFFFFE003, lr  }
0x1b: {  	s9 =	sadd.s32 $0xFFFFFEF7, lr;
	s5 =	simm.s32 $0xFFFFFFFF;
	p2 =	slt.u32 s8, $0xFFFFF086  }
0x1c: {  	p1 =	slt.u32 s9, $0xF7A;
	s5 =	simm.s32 @!p2 $0x0  }
0x1d: {  	s5 =	simm.s32 @p1 $0x1;
	p0 =	seq.s32 s7, s2  }
0x1e: {  	s7 =	smul.u32 @!p0 $0xF7A, s2;
	p2 =	seq.s32 @!p0 s5, $0x0  }
0x1f: {  	s9 =	smul.u32 $0xF7A, s1;
	s8 =	simm.s32 @!p0 $0x1BF5;
	p2 =	por !p2, p0  }
0x20: {  	[sflag:s8] =	ssyncset.s32 @!p0 $0xFFFFF086;
	s6 =	sadd.s32 @!p0 s3, s7;
	s7 =	simm.s32 @!p0 $0x108  }
0x21: {  	s3 =	sadd.s32 s3, s9;
	s6 =	sadd.s32 @!p0 $0x88, s6;
	s7 =	simm.s32 @p2 $0x1082  }
0x22: {  	[simem:s7], [sflag:s8] =	dma.local @!p0 [hbm:s6], $0xF7A  }
0x23: {  	s9 =	sor.u32 $0xD0000000, s2;
	s6 =	simm.s32 $0x108;
	_ =	swait.ge @!p0 [sflag:s8], $0x0  }
0x24: {  	s3 =	sadd.s32 $0x88, s3;
	s6 =	simm.s32 @!p1 $0x1082;
	[sflag:s4] =	ssyncset.s32 $0xFFFFF086  }
0x25: {  	[simem:s6], [sflag:s4] =	dma.local [hbm:s3], $0xF7A  }
0x26: {  	[smem:$0x3F9F] =	sst s1;
	(tag) =	ssettag s2;
	_ =	strace s9  }
0x27: {  	s1 =	sld [smem:$0x3FAF]  }
0x28: {  	s2 =	sld [smem:$0x3FB0]  }
0x29: {  	s4 =	sld [smem:$0x3FB2]  }
0x2a: {  	p0 =	seq.s32 s5, $0x0;
	s5 =	sld [smem:$0x3FB3]  }
0x2b: {  	s6 =	sld [smem:$0x3FB4]  }
0x2c: {  	s7 =	sld [smem:$0x3FB5]  }
0x2d: {  	s3 =	simm.s32 $0x108;
	s8 =	sld [smem:$0x3FB6]  }
0x2e: {  	s3 =	simm.s32 @!p0 $0x1082;
	s9 =	sld [smem:$0x3FB7]  }
0x2f: {  	lr =	sadd.s32 s0, s3;
	s0 =	sld [smem:$0x3FAE]  }
0x30: {  	s3 =	sld [smem:$0x3FB1]  }
0x31: {  	[smem:$0x3FBA] =	sst s10  }
0x32: {  	s10 =	sld [smem:$0x3FB8];
	_ =	sdelay $0x3  }
0x33: {  	p0 =	seq.s32 s10, $0x1;
	s10 =	sld [smem:$0x3FBA];
	_ =	sdelay $0x3  }
0x34: {  	[smem:$0x3FBA] =	sst s10  }
0x35: {  	s10 =	sld [smem:$0x3FB9];
	_ =	sdelay $0x3  }
0x36: {  	p1 =	seq.s32 s10, $0x1;
	s10 =	sld [smem:$0x3FBA];
	_ =	sdelay $0x3  }
0x37: {  	[smem:$0x3FBA] =	sst s10  }
0x38: {  	s10 =	sld [smem:$0x3FBB]  }
0x39: {  	_ = 	snop;
	(pc) =	sbr.ind lr, $3  }
0x3a: {  	_ = 	snop  }
0x3b: {  	_ = 	snop  }
0x3c: {  	p2 =	seq.s32 s10, $0x1;
	s10 =	sld [smem:$0x3FBA]  }
0x3d: {  	_ =	shalt  }
0x3e: {  	_ =	shalt  }
0x3f: {  	_ =	shalt  }
0x40: {  	_ =	shalt  }
0x41: {  	_ =	shalt  }
0x42: {  	_ =	shalt  }
0x43: {  	_ =	shalt  }
0x44: {  	_ =	shalt  }
0x45: {  	_ =	shalt  }
0x46: {  	_ =	shalt  }
0x47: {  	_ =	shalt  }
0x48: {  	_ =	shalt  }
0x49: {  	_ =	shalt  }
0x4a: {  	_ =	shalt  }
0x4b: {  	_ =	shalt  }
0x4c: {  	_ =	shalt  }
0x4d: {  	_ =	shalt  }
0x4e: {  	_ =	shalt  }
0x4f: {  	_ =	shalt  }
0x50: {  	_ =	shalt  }
0x51: {  	_ =	shalt  }
0x52: {  	_ =	shalt  }
0x53: {  	_ =	shalt  }
0x54: {  	_ =	shalt  }
0x55: {  	_ =	shalt  }
0x56: {  	_ =	shalt  }
0x57: {  	_ =	shalt  }
0x58: {  	_ =	shalt  }
0x59: {  	_ =	shalt  }
0x5a: {  	_ =	shalt  }
0x5b: {  	_ =	shalt  }
0x5c: {  	_ =	shalt  }
0x5d: {  	_ =	shalt  }
0x5e: {  	_ =	shalt  }
0x5f: {  	_ =	shalt  }
0x60: {  	_ =	shalt  }
0x61: {  	_ =	shalt  }
0x62: {  	_ =	shalt  }
0x63: {  	_ =	shalt  }
0x64: {  	_ =	shalt  }
0x65: {  	_ =	shalt  }
0x66: {  	_ =	shalt  }
0x67: {  	_ =	shalt  }
0x68: {  	_ =	shalt  }
0x69: {  	_ =	shalt  }
0x6a: {  	_ =	shalt  }
0x6b: {  	_ =	shalt  }
0x6c: {  	_ =	shalt  }
0x6d: {  	_ =	shalt  }
0x6e: {  	_ =	shalt  }
0x6f: {  	_ =	shalt  }
0x70: {  	_ =	shalt  }
0x71: {  	_ =	shalt  }
0x72: {  	_ =	shalt  }
0x73: {  	_ =	shalt  }
0x74: {  	_ =	shalt  }
0x75: {  	_ =	shalt  }
0x76: {  	_ =	shalt  }
0x77: {  	_ =	shalt  }
0x78: {  	_ =	shalt  }
0x79: {  	_ =	shalt  }
0x7a: {  	_ =	shalt  }
0x7b: {  	_ =	shalt  }
0x7c: {  	_ =	shalt  }
0x7d: {  	_ =	shalt  }
0x7e: {  	_ =	shalt  }
0x7f: {  	_ =	shalt  }
0x80: {  	_ =	shalt  }
0x81: {  	_ =	shalt  }
0x82: {  	_ =	shalt  }
0x83: {  	_ =	shalt  }
0x84: {  	_ =	shalt  }
0x85: {  	_ =	shalt  }
0x86: {  	_ =	shalt  }
0x87: {  	_ =	shalt  }
.Lfunc_end0:
.L_simem_size_0:
called_computation.1_lowered:
.L_overlay_start_0:
0x88: {  	s2 =	sld [smem:$0x3FD9]  }
0x89: {  	s3 =	sld [smem:$0x3FFE];
	_ =	sdelay $0x1  }
0x8a: {  	s1 =	srdreg.scid  }
0x8b: {  	s0 =	sand.u32 $0x1, s1  }
0x8c: {  	s17 =	sshll.u32 s0, $0xA;
	s2 =	sadd.s32 s3, s2  }
0x8d: {  	s2 =	sadd.s32 s2, s17  }
0x8e: {  	[smem:$0x3FC6] =	sst s2  }
0x8f: {  	_ = 	snop  }
0x90: {  	s2 =	sld [smem:$0x3FD0];
	(tm) =	ssettm $0x1  }
0x91: {  	s18 =	sld [smem:$0x3FFB];
	_ =	sdelay $0x3  }
0x92: {  	_ =	strace s18  }
0x93: {  	s3 =	sld [smem:$0x3FFC];
	_ =	sdelay $0x3  }
0x94: {  	_ =	strace s3  }
0x95: {  	s3 =	sld [smem:$0x3FFD];
	_ =	sdelay $0x3  }
0x96: {  	_ =	strace s3  }
0x97: {  	_ =	strace $0x8FFFFFFF  }
0x98: {  	s19 =	sld [smem:$0x3FDB];
	_ =	sdelay $0x1  }
0x99: {  	s4 =	simm.s32 $_scs_section_size  }
0x9a: {  	s5 =	simm.s32 $_size__tile_overlayer_lowered;
	s6 =	simm.s32 $_tile_overlayer_lowered  }
0x9b: {  	s22 =	simm.s32 $0x1BFF;
	s21 =	sshll.u32 s6, $0x1;
	s3 =	sadd.s32 s4, s19  }
0x9c: {  	s7 =	simm.s32 $0x0;
	s20 =	sshll.u32 s5, $0x1;
	s5 =	sadd.s32 s21, s3  }
0x9d: {  	[timem:s7], [sflag:s22] =	dma.local [hbm:s5], s20  }
0x9e: {  	_ =	swait.ge [sflag:s22], s20  }
0x9f: {  	s4 =	ssub.s32 $0x0, s20;
	[sflag:s22] =	ssyncset.done $0x0  }
0xa0: {  	[sflag:s22] =	ssyncadd.s32 s4;
	_ =	sdelay $0x1  }
0xa1: {  	s23 =	simm.s32 $0x1B8B  }
0xa2: {  	_ =	swait.ge [sflag:s23], $0x1  }
0xa3: {  	[sflag:s23] =	ssyncset.done $0x0  }
0xa4: {  	s25 =	simm.s32 $0x1B8E;
	s24 =	sld [smem:$0x3FFE];
	[sflag:s23] =	ssyncadd.s32 $0xFFFFFFFF  }
0xa5: {  	s26 =	simm.s32 $execute0_lowered;
	[smem:$0x3FD2] =	sst s25  }
0xa6: {  	s5 =	sshll.u32 s26, $0x1;
	_ =	strace $0x80000046;
	[dreg:$0x1] =	wrdreg $0xFFFFFFFF  }
0xa7: {  	s28 =	simm.s32 $_size_execute0_lowered;
	s3 =	sadd.s32 s3, s5;
	[dreg:$0x0] =	wrdreg $0x0  }
0xa8: {  	s5 =	sshll.u32 s28, $0x1;
	[dreg:$0x2] =	wrdreg s3  }
0xa9: {  	[dreg:$0x3] =	wrdreg s5  }
0xaa: {  	[dreg:$0x4] =	wrdreg $0xC0  }
0xab: {  	_ =	task [dreg:s7], $0x5FFFF  }
0xac: {  	[dreg:$0x1] =	wrdreg $0xFFFFFFFF  }
0xad: {  	[dreg:$0x0] =	wrdreg $0x60  }
0xae: {  	[dreg:$0x2] =	wrdreg s24  }
0xaf: {  	[dreg:$0x3] =	wrdreg s2  }
0xb0: {  	[dreg:$0x4] =	wrdreg $0x0  }
0xb1: {  	[dreg:$0x5] =	wrdreg $0x9  }
0xb2: {  	_ =	task.clear_ibuf [dreg:s7], $0x6FFFF;
	_ =	strace $0x90000046  }
0xb3: {  	s29 =	simm.s32 $0x9;
	_ =	strace $0x80000048  }
0xb4: {  	_ =	swait.ge [sflag:s29], $0x1  }
0xb5: {  	[sflag:s29] =	ssyncadd.s32 $0xFFFFFFFF  }
0xb6: {  	_ =	strace $0x90000048  }
0xb7: {  	_ =	sfence  }
0xb8: {  	s30 =	sld [smem:$0x0];
	_ =	sdelay $0x2  }
0xb9: {  	s31 =	sshll.u32 s1, $0xD;
	s1 =	sshrl.u32 s1, $0x2  }
0xba: {  	s3 =	sand.u32 $0x4000, s31;
	s1 =	sadd.s32 s1, s30  }
0xbb: {  	s0 =	sor.u32 s3, s0;
	s1 =	sshll.u32 s1, $0x11  }
0xbc: {  	s0 =	sor.u32 s1, s0  }
0xbd: {  	s0 =	sadd.s32 $0x8F2B, s0  }
0xbe: {  	[sflag:s0] =	ssyncadd.remote.s32 $0x1  }
0xbf: {  	_ =	sfence.sel $0xFFFF  }
0xc0: {  	[dreg:$0x0] =	wrdreg $0xFFFFFFFF;
	(pc) =	sbr.abs _section_cstart, $3  }
0xc1: {  	[dreg:$0x1] =	wrdreg $0xFFFFFFFF  }
0xc2: {  	_ =	task.clear_ibuf [dreg:s7], $0x2FFFF;
	_ =	strace $0x9FFFFFFF  }
0xc3: {  	(tm) =	ssettm $0x7FFFFFFF  }
tec
execute0_lowered:
.L_overlay_start_1:
0x0: {  	(tag) =	ssettag $0x1  }
0x1: {  	s3 =	rddreg [dreg:$0x0]  }
0x2: {  	s1 =	rddreg [dreg:$0x1];
	s4 =	stileid.u32  }
0x3: {  	s31 =	rddreg [dreg:$0x2];
	s5 =	smul.u32 $0xF230, s4  }
0x4: {  	s13 =	simm.s32 $0x0;
	s0 =	srdreg.scid;
	s11 =	smul.u32 $0x61A80, s4  }
0x5: {  	s7 =	sand.u32 $0x1, s0;
	s22 =	sshll.u32 s4, $0x1;
	s29 =	smul.u32 $0x30D400, s4  }
0x6: {  	[smem:$0x7FF] =	sst s13;
	s14 =	sshll.u32 s4, $0x6;
	s26 =	smul.u32 $0x30D40, s7  }
0x7: {  	p0 =	sne.s32 s4, $0x0;
	s0 =	sor.u32 s7, s22;
	s30 =	smul.u32 $0x186A00, s7  }
0x8: {  	_ =	strace $0x80000047;
	s23 =	ssub.s32 $0x2, s7;
	s8 =	smul.u32 $0x640, s0  }
0x9: {  	[smem:$0x7FC] =	sst s14;
	s6 =	sshrl.u32 s5, $0x3;
	s10 =	smul.u32 $0x186A00, s0  }
0xa: {  	s25 =	sshrl.u32 s23, $0x1;
	s0 =	sadd.s32 s5, s31;
	s9 =	sadd.s32 s6, s3  }
0xb: {  	s6 =	ssub.s32 s23, s25;
	s0 =	sshrl.u32 s0, $0x3;
	s24 =	sshrl.u32 s8, $0x3  }
0xc: {  	s28 =	sadd.s32 $0x2200, s9;
	s7 =	sshrl.u32 s10, $0x3;
	[smem:$0x7FA] =	sst s0  }
0xd: {  	s8 =	sadd.s32 s26, s11;
	s6 =	smax.u32 s6, $0x1;
	[smem:$0x7C2] =	sst s28  }
0xe: {  	s12 =	sadd.s32 s24, s3;
	s3 =	sadd.s32 $0x20660, s3;
	[smem:$0x7C5] =	sst s8  }
0xf: {  	s7 =	sadd.s32 s1, s7;
	s5 =	sadd.s32 s1, s8;
	[smem:$0x7C8] =	sst s6  }
0x10: {  	[smem:$0x7C3] =	sst s3;
	s2 =	sadd.s32 $0x800, s12;
	s3 =	sadd.s32 s30, s29  }
0x11: {  	s10 =	sadd.s32 $0x157C0, s7;
	s11 =	sadd.s32 $0x17700, s5;
	[smem:$0x7C4] =	sst s2  }
0x12: {  	s7 =	sadd.s32 $0x16760, s7;
	s5 =	sadd.s32 $0x2F5D0, s5;
	[smem:$0x7C6] =	sst s10  }
0x13: {  	s9 =	sadd.s32 $0xBF298, s3;
	[dreg:$0x4] =	wrdreg s11;
	s15 =	sadd.s32 $0xBEEB0, s3  }
0x14: {  	s16 =	sadd.s32 $0xBEAC8, s3;
	s20 =	sadd.s32 $0xBE6E0, s3;
	s22 =	sadd.s32 $0xBE2F8, s3  }
0x15: {  	s23 =	sadd.s32 $0xBDF10, s3;
	s28 =	sadd.s32 $0xBDB28, s3;
	[smem:$0x7C7] =	sst s7  }
0x16: {  	s30 =	sadd.s32 $0xBD740, s3;
	s2 =	sadd.s32 $0xBD358, s3;
	[dreg:$0x14] =	wrdreg s5  }
0x17: {  	s12 =	sshrl.u32 s9, $0x3;
	s9 =	sshrl.u32 s15, $0x3;
	s18 =	sshrl.u32 s16, $0x3  }
0x18: {  	s21 =	sshrl.u32 s20, $0x3;
	s25 =	sshrl.u32 s23, $0x3;
	s29 =	sshrl.u32 s28, $0x3  }
0x19: {  	s10 =	sshrl.u32 s2, $0x3;
	s16 =	sadd.s32 $0xBCB88, s3;
	s23 =	sadd.s32 $0xBBFD0, s3  }
0x1a: {  	s2 =	sadd.s32 $0x104FC8, s3;
	s8 =	sadd.s32 s12, s1;
	s17 =	sadd.s32 s9, s1  }
0x1b: {  	s19 =	sadd.s32 s18, s1;
	s9 =	sshrl.u32 s22, $0x3;
	[dreg:$0x5] =	wrdreg s8  }
0x1c: {  	s26 =	sadd.s32 s25, s1;
	s11 =	sadd.s32 s10, s1;
	[dreg:$0x6] =	wrdreg s17  }
0x1d: {  	s12 =	sadd.s32 $0xBCF70, s3;
	s10 =	sadd.s32 $0x1047F8, s3;
	[dreg:$0x7] =	wrdreg s19  }
0x1e: {  	s8 =	sadd.s32 s21, s1;
	s24 =	sadd.s32 s9, s1;
	[dreg:$0xa] =	wrdreg s26  }
0x1f: {  	s9 =	sshrl.u32 s30, $0x3;
	[dreg:$0xd] =	wrdreg s11;
	s15 =	sshrl.u32 s12, $0x3  }
0x20: {  	s17 =	sadd.s32 $0xBC7A0, s3;
	s21 =	sadd.s32 $0xBC3B8, s3;
	[dreg:$0x8] =	wrdreg s8  }
0x21: {  	s30 =	sadd.s32 $0x1053B0, s3;
	s11 =	sadd.s32 $0x104410, s3;
	[dreg:$0x9] =	wrdreg s24  }
0x22: {  	s8 =	sadd.s32 s29, s1;
	s9 =	sadd.s32 s9, s1;
	s19 =	sshrl.u32 s17, $0x3  }
0x23: {  	s22 =	sshrl.u32 s21, $0x3;
	s24 =	sadd.s32 $0xBBBE8, s3;
	s29 =	sadd.s32 $0x105798, s3  }
0x24: {  	s12 =	sshrl.u32 s11, $0x3;
	s17 =	sadd.s32 $0x17E918, s3;
	[dreg:$0xb] =	wrdreg s8  }
0x25: {  	[dreg:$0xc] =	wrdreg s9;
	s8 =	sadd.s32 s15, s1;
	s9 =	sshrl.u32 s16, $0x3  }
0x26: {  	s20 =	sadd.s32 s19, s1;
	s26 =	sshrl.u32 s24, $0x3;
	[smem:$0x7CE] =	sst s12  }
0x27: {  	s6 =	sshrl.u32 s29, $0x3;
	s15 =	sadd.s32 $0x104028, s3;
	[dreg:$0xe] =	wrdreg s8  }
0x28: {  	s16 =	sadd.s32 $0x103C40, s3;
	s12 =	sadd.s32 $0x17C9D8, s3;
	[dreg:$0x10] =	wrdreg s20  }
0x29: {  	s18 =	sadd.s32 s9, s1;
	s8 =	sadd.s32 s22, s1;
	[smem:$0x7C9] =	sst s6  }
0x2a: {  	s9 =	sshrl.u32 s23, $0x3;
	s28 =	sadd.s32 s26, s1;
	[dreg:$0xf] =	wrdreg s18  }
0x2b: {  	s6 =	sshrl.u32 s30, $0x3;
	s20 =	sadd.s32 $0x17E530, s3;
	[dreg:$0x11] =	wrdreg s8  }
0x2c: {  	s22 =	sadd.s32 $0x17E148, s3;
	s23 =	sadd.s32 $0x17DD60, s3;
	[dreg:$0x13] =	wrdreg s28  }
0x2d: {  	s30 =	sadd.s32 $0x17D590, s3;
	s25 =	sadd.s32 s9, s1;
	[smem:$0x7CA] =	sst s6  }
0x2e: {  	s8 =	sshrl.u32 s2, $0x3;
	s9 =	sadd.s32 $0x104BE0, s3;
	s18 =	sshrl.u32 s17, $0x3  }
0x2f: {  	s21 =	sshrl.u32 s20, $0x3;
	s28 =	sadd.s32 $0x17D978, s3;
	[dreg:$0x12] =	wrdreg s25  }
0x30: {  	s2 =	sadd.s32 $0x17D1A8, s3;
	[smem:$0x7CB] =	sst s8;
	s6 =	sshrl.u32 s9, $0x3  }
0x31: {  	s19 =	sadd.s32 s18, s1;
	s5 =	sadd.s32 s21, s1;
	s25 =	sshrl.u32 s23, $0x3  }
0x32: {  	s29 =	sshrl.u32 s28, $0x3;
	s8 =	sshrl.u32 s2, $0x3;
	[smem:$0x7CC] =	sst s6  }
0x33: {  	s21 =	sadd.s32 $0x17BE20, s3;
	s2 =	sadd.s32 $0x103470, s3;
	[dreg:$0x15] =	wrdreg s19  }
0x34: {  	s6 =	sshrl.u32 s10, $0x3;
	[dreg:$0x16] =	wrdreg s5;
	s26 =	sadd.s32 s25, s1  }
0x35: {  	s5 =	sadd.s32 s29, s1;
	s9 =	sadd.s32 s8, s1;
	[smem:$0x7CD] =	sst s6  }
0x36: {  	s10 =	sadd.s32 $0x17CDC0, s3;
	s19 =	sadd.s32 $0x17C208, s3;
	[dreg:$0x18] =	wrdreg s26  }
0x37: {  	s29 =	sadd.s32 $0x17B268, s3;
	s8 =	sadd.s32 $0x103088, s3;
	[dreg:$0x19] =	wrdreg s5  }
0x38: {  	s6 =	sshrl.u32 s15, $0x3;
	[dreg:$0x1b] =	wrdreg s9;
	s15 =	sadd.s32 $0x17C5F0, s3  }
0x39: {  	s11 =	sshrl.u32 s10, $0x3;
	s26 =	sadd.s32 $0x17B650, s3;
	s9 =	sadd.s32 $0x102CA0, s3  }
0x3a: {  	s20 =	sshrl.u32 s19, $0x3;
	s10 =	sadd.s32 $0x1028B8, s3;
	[smem:$0x7CF] =	sst s6  }
0x3b: {  	s6 =	sshrl.u32 s16, $0x3;
	s5 =	sadd.s32 s11, s1;
	s17 =	sshrl.u32 s15, $0x3  }
0x3c: {  	s28 =	sshrl.u32 s26, $0x3;
	s4 =	sshrl.u32 s9, $0x3;
	s11 =	sadd.s32 $0x1024D0, s3  }
0x3d: {  	s26 =	sadd.s32 $0xFF9D8, s3;
	s9 =	sadd.s32 $0xFDA98, s3;
	[smem:$0x7D0] =	sst s6  }
0x3e: {  	s6 =	sshrl.u32 s22, $0x3;
	[dreg:$0x1c] =	wrdreg s5;
	s18 =	sadd.s32 s17, s1  }
0x3f: {  	s5 =	sadd.s32 s20, s1;
	s22 =	sadd.s32 $0x17BA38, s3;
	[smem:$0x7D8] =	sst s4  }
0x40: {  	s4 =	sshrl.u32 s10, $0x3;
	s17 =	sadd.s32 $0x101530, s3;
	s20 =	sadd.s32 $0x100D60, s3  }
0x41: {  	s10 =	sadd.s32 $0xFD6B0, s3;
	s24 =	sadd.s32 s6, s1;
	[dreg:$0x1e] =	wrdreg s18  }
0x42: {  	s6 =	sshrl.u32 s30, $0x3;
	[dreg:$0x1f] =	wrdreg s5;
	s30 =	sadd.s32 $0x103858, s3  }
0x43: {  	s5 =	sadd.s32 s28, s1;
	[smem:$0x7D9] =	sst s4;
	s4 =	sshrl.u32 s11, $0x3  }
0x44: {  	s18 =	sadd.s32 $0x101148, s3;
	s28 =	sshrl.u32 s26, $0x3;
	[dreg:$0x17] =	wrdreg s24  }
0x45: {  	s11 =	sadd.s32 $0xFD2C8, s3;
	s6 =	sadd.s32 s6, s1;
	[smem:$0x7D3] =	sst s5  }
0x46: {  	s24 =	sshrl.u32 s22, $0x3;
	s7 =	sshrl.u32 s30, $0x3;
	[smem:$0x7DA] =	sst s4  }
0x47: {  	s5 =	sshrl.u32 s2, $0x3;
	s19 =	sshrl.u32 s18, $0x3;
	[smem:$0x7E4] =	sst s28  }
0x48: {  	s22 =	sadd.s32 $0x100590, s3;
	s30 =	sadd.s32 $0xFF208, s3;
	[dreg:$0x1a] =	wrdreg s6  }
0x49: {  	s28 =	sadd.s32 $0xFABB8, s3;
	s6 =	sshrl.u32 s12, $0x3;
	[smem:$0x7D4] =	sst s7  }
0x4a: {  	s25 =	sadd.s32 s24, s1;
	[smem:$0x7D5] =	sst s5;
	s12 =	sadd.s32 $0x1020E8, s3  }
0x4b: {  	s5 =	sshrl.u32 s8, $0x3;
	[smem:$0x7DE] =	sst s19;
	s24 =	sadd.s32 $0x1001A8, s3  }
0x4c: {  	s7 =	sadd.s32 $0xFE268, s3;
	s19 =	sadd.s32 $0xFC328, s3;
	[smem:$0x7D2] =	sst s25  }
0x4d: {  	s16 =	sadd.s32 s6, s1;
	s6 =	sshrl.u32 s21, $0x3;
	[smem:$0x7D7] =	sst s5  }
0x4e: {  	s15 =	sshrl.u32 s12, $0x3;
	s21 =	sadd.s32 $0x100978, s3;
	[dreg:$0x1d] =	wrdreg s16  }
0x4f: {  	s25 =	sadd.s32 $0xFFDC0, s3;
	s8 =	sshrl.u32 s7, $0x3;
	[smem:$0x7DB] =	sst s15  }
0x50: {  	s5 =	sadd.s32 $0xFEA38, s3;
	s12 =	sshrl.u32 s11, $0x3;
	[smem:$0x7EA] =	sst s8  }
0x51: {  	s23 =	sadd.s32 s6, s1;
	s6 =	sshrl.u32 s29, $0x3;
	[smem:$0x7ED] =	sst s12  }
0x52: {  	s16 =	sadd.s32 $0x101918, s3;
	[smem:$0x7D1] =	sst s23;
	s6 =	sadd.s32 s6, s1  }
0x53: {  	s29 =	sadd.s32 $0xFF5F0, s3;
	s4 =	sshrl.u32 s16, $0x3;
	[smem:$0x7D6] =	sst s6  }
0x54: {  	s15 =	sadd.s32 $0xFCEE0, s3;
	s23 =	sshrl.u32 s22, $0x3;
	[smem:$0x7DC] =	sst s4  }
0x55: {  	s1 =	sadd.s32 $0xFEE20, s3;
	s4 =	sshrl.u32 s17, $0x3;
	[smem:$0x7E1] =	sst s23  }
0x56: {  	s16 =	sadd.s32 $0xFCAF8, s3;
	s2 =	sshrl.u32 s1, $0x3;
	[smem:$0x7DD] =	sst s4  }
0x57: {  	s17 =	sadd.s32 $0xFC710, s3;
	s4 =	sshrl.u32 s20, $0x3;
	[smem:$0x7E7] =	sst s2  }
0x58: {  	s6 =	sadd.s32 $0xFE650, s3;
	s18 =	sshrl.u32 s17, $0x3;
	[smem:$0x7DF] =	sst s4  }
0x59: {  	s23 =	sadd.s32 $0xFB770, s3;
	s4 =	sshrl.u32 s21, $0x3;
	[smem:$0x7F0] =	sst s18  }
0x5a: {  	s21 =	sadd.s32 $0xFBB58, s3;
	[smem:$0x7E0] =	sst s4;
	s4 =	sshrl.u32 s24, $0x3  }
0x5b: {  	s20 =	sadd.s32 $0xFBF40, s3;
	s22 =	sshrl.u32 s21, $0x3;
	[smem:$0x7E2] =	sst s4  }
0x5c: {  	s24 =	sadd.s32 $0xFB388, s3;
	s4 =	sshrl.u32 s25, $0x3;
	[smem:$0x7F3] =	sst s22  }
0x5d: {  	s25 =	sadd.s32 $0xFAFA0, s3;
	[smem:$0x7E3] =	sst s4;
	s4 =	sshrl.u32 s29, $0x3  }
0x5e: {  	s26 =	sshrl.u32 s25, $0x3;
	s29 =	sadd.s32 $0xFA7D0, s3;
	[smem:$0x7E5] =	sst s4  }
0x5f: {  	s3 =	sadd.s32 $0xFA3E8, s3;
	s4 =	sshrl.u32 s30, $0x3;
	[smem:$0x7F6] =	sst s26  }
0x60: {  	s3 =	sshrl.u32 s3, $0x3;
	[smem:$0x7E6] =	sst s4  }
0x61: {  	s30 =	sor.u32 $0x1C06, s14;
	[smem:$0x7F9] =	sst s3  }
0x62: {  	s4 =	sshrl.u32 s5, $0x3;
	[smem:$0x7FD] =	sst s30  }
0x63: {  	s3 =	sadd.s32 $0xF2300, s31;
	[smem:$0x7E8] =	sst s4;
	s4 =	sshrl.u32 s6, $0x3  }
0x64: {  	s0 =	sshrl.u32 @!p0 s3, $0x3;
	[smem:$0x7E9] =	sst s4  }
0x65: {  	s4 =	sshrl.u32 s9, $0x3;
	[smem:$0x7FB] =	sst s0  }
0x66: {  	[smem:$0x7EB] =	sst s4;
	s4 =	sshrl.u32 s10, $0x3  }
0x67: {  	[smem:$0x7EC] =	sst s4;
	s4 =	sshrl.u32 s15, $0x3  }
0x68: {  	[smem:$0x7EE] =	sst s4;
	s4 =	sshrl.u32 s16, $0x3  }
0x69: {  	[smem:$0x7EF] =	sst s4;
	s4 =	sshrl.u32 s19, $0x3  }
0x6a: {  	[smem:$0x7F1] =	sst s4;
	s4 =	sshrl.u32 s20, $0x3  }
0x6b: {  	s7 =	simm.s32 $0xF428;
	[smem:$0x7F2] =	sst s4;
	s4 =	sshrl.u32 s23, $0x3  }
0x6c: {  	s8 =	simm.s32 $0xFA68;
	[smem:$0x7F4] =	sst s4;
	s4 =	sshrl.u32 s24, $0x3  }
0x6d: {  	s12 =	simm.s32 $0x1;
	[smem:$0x7F5] =	sst s4;
	s4 =	sshrl.u32 s28, $0x3  }
0x6e: {  	s3 =	simm.s32 $0x0;
	[smem:$0x7F7] =	sst s4;
	s4 =	sshrl.u32 s29, $0x3  }
0x6f: {  	s9 =	simm.s32 $0x17768;
	s15 =	simm.s32 $0x5;
	[smem:$0x7F8] =	sst s4  }
.LBB2_1:
0x70: {  	s0 =	sld [smem:$0x7C2]  }
0x71: {  	s24 =	sld [smem:$0x7FA]  }
0x72: {  	s4 =	sld [smem:$0x7FD];
	_ =	sdelay $0x1  }
0x73: {  	[smem:$0x7C1] =	sst s3;
	s5 =	simm.s32 $0x6  }
0x74: {  	[spmem:s24], [sflag:s4] =	dma.local [hbm:s0], $0x1E46  }
0x75: {  	_ =	swait.ge [sflag:s5], $0x1E46  }
0x76: {  	s0 =	sld [smem:$0x7C3]  }
0x77: {  	s3 =	sld [smem:$0x7FB]  }
0x78: {  	[sflag:s5] =	ssyncset.done $0x0  }
0x79: {  	[sflag:s5] =	ssyncadd.s32 $0xFFFFE1BA  }
0x7a: {  	[spmem:s3], [sflag:s4] =	dma.local @!p0 [hbm:s0], $0x3E8  }
0x7b: {  	s0 =	simm.s32 @!p0 $0x6  }
0x7c: {  	_ =	swait.ge @!p0 [sflag:s0], $0x3E8  }
0x7d: {  	s25 =	sld [smem:$0x7C4]  }
0x7e: {  	[sflag:s0] =	ssyncset.done @!p0 $0x0  }
0x7f: {  	[sflag:s0] =	ssyncadd.s32 @!p0 $0xFFFFFC18  }
0x80: {  	[tilespmem:s7], [sflag:$0x6] =	stream.linear.gather [hbm4b:s25+s13], $0x640, $0x38;
	[tilespmem:$0x1F468] =	vst v63  }
0x81: {  	_ =	swait.ge [sflag:s5], $0x640  }
0x82: {  	[sflag:s5] =	ssyncset.done $0x0  }
0x83: {  	[sflag:s5] =	ssyncadd.s32 $0xFFFFF9C0  }
0x84: {  	s26 =	simm.s32 $0xF728;
	[bflag:$0x0] =	sbarrier.arrive $0xFFFF  }
0x85: {  	v0 =	vld [tilespmem:s26+$0x0];
	_ =	sdelay $0x4  }
0x86: {  	v0 =	vmul.u32 $0xFA0, v0;
	_ =	sdelay $0x1  }
0x87: {  	v0 =	vshra.s32 v0, $0x2  }
0x88: {  	v0 =	vadd.s32 s31, v0  }
0x89: {  	v0 =	vshrl.u32 v0, $0x3  }
0x8a: {  	(v2sf) =	vpush v0, $0x0;
	_ =	sdelay $0x8  }
0x8b: {  	(v2sf) =	vpush v0, $0x1;
	_ =	sdelay $0x2  }
0x8c: {  	(v2sf) =	vpush v0, $0x2;
	_ =	sdelay $0x2  }
0x8d: {  	s30 =	spop (v2sf);
	(v2sf) =	vpush v0, $0x3;
	_ =	sdelay $0x3  }
0x8e: {  	s29 =	sld [smem:$0x7FC];
	_ =	sdelay $0x1  }
0x8f: {  	s28 =	rddreg [dreg:$0x4]  }
0x90: {  	s0 =	sadd.s32 $0x0, s28;
	s16 =	sor.u32 $0x1C05, s29  }
0x91: {  	[hbm:s0], [sflag:s16] =	dma.local [spmem:s30], $0x7D  }
0x92: {  	s0 =	rddreg [dreg:$0x13];
	s3 =	spop (v2sf);
	(v2sf) =	vpush v0, $0x4  }
0x93: {  	s0 =	sadd.s32 $0x0, s0  }
0x94: {  	[hbm:s0], [sflag:s16] =	dma.local [spmem:s3], $0x7D  }
0x95: {  	s0 =	rddreg [dreg:$0x12];
	s3 =	spop (v2sf);
	(v2sf) =	vpush v0, $0x5  }
0x96: {  	s0 =	sadd.s32 $0x0, s0  }
0x97: {  	[hbm:s0], [sflag:s16] =	dma.local [spmem:s3], $0x7D  }
0x98: {  	s3 =	spop (v2sf);
	(v2sf) =	vpush v0, $0x6;
	_ =	sdelay $0x5  }
0x99: {  	s0 =	rddreg [dreg:$0x11]  }
0x9a: {  	s0 =	sadd.s32 $0x0, s0  }
0x9b: {  	[hbm:s0], [sflag:s16] =	dma.local [spmem:s3], $0x7D  }
0x9c: {  	s0 =	rddreg [dreg:$0x10];
	s3 =	spop (v2sf);
	(v2sf) =	vpush v0, $0x7  }
0x9d: {  	s0 =	sadd.s32 $0x0, s0  }
0x9e: {  	[hbm:s0], [sflag:s16] =	dma.local [spmem:s3], $0x7D  }
0x9f: {  	s0 =	rddreg [dreg:$0xf];
	s3 =	spop (v2sf);
	(v2sf) =	vpush v0, $0x8  }
0xa0: {  	s0 =	sadd.s32 $0x0, s0  }
0xa1: {  	[hbm:s0], [sflag:s16] =	dma.local [spmem:s3], $0x7D  }
0xa2: {  	s3 =	spop (v2sf);
	(v2sf) =	vpush v0, $0x9;
	_ =	sdelay $0x5  }
0xa3: {  	s0 =	rddreg [dreg:$0xe]  }
0xa4: {  	s0 =	sadd.s32 $0x0, s0  }
0xa5: {  	[hbm:s0], [sflag:s16] =	dma.local [spmem:s3], $0x7D  }
0xa6: {  	s0 =	rddreg [dreg:$0xd];
	s3 =	spop (v2sf);
	(v2sf) =	vpush v0, $0xA  }
0xa7: {  	s0 =	sadd.s32 $0x0, s0  }
0xa8: {  	[hbm:s0], [sflag:s16] =	dma.local [spmem:s3], $0x7D  }
0xa9: {  	s0 =	rddreg [dreg:$0xc];
	s3 =	spop (v2sf);
	(v2sf) =	vpush v0, $0xB  }
0xaa: {  	s0 =	sadd.s32 $0x0, s0  }
0xab: {  	[hbm:s0], [sflag:s16] =	dma.local [spmem:s3], $0x7D  }
0xac: {  	s3 =	spop (v2sf);
	(v2sf) =	vpush v0, $0xC;
	_ =	sdelay $0x5  }
0xad: {  	s0 =	rddreg [dreg:$0xb]  }
0xae: {  	s0 =	sadd.s32 $0x0, s0  }
0xaf: {  	[hbm:s0], [sflag:s16] =	dma.local [spmem:s3], $0x7D  }
0xb0: {  	s0 =	rddreg [dreg:$0xa];
	s3 =	spop (v2sf);
	(v2sf) =	vpush v0, $0xD  }
0xb1: {  	s0 =	sadd.s32 $0x0, s0  }
0xb2: {  	[hbm:s0], [sflag:s16] =	dma.local [spmem:s3], $0x7D  }
0xb3: {  	s0 =	rddreg [dreg:$0x9];
	s3 =	spop (v2sf);
	(v2sf) =	vpush v0, $0xE  }
0xb4: {  	s0 =	sadd.s32 $0x0, s0  }
0xb5: {  	[hbm:s0], [sflag:s16] =	dma.local [spmem:s3], $0x7D  }
0xb6: {  	s3 =	spop (v2sf);
	(v2sf) =	vpush v0, $0xF;
	_ =	sdelay $0x4  }
0xb7: {  	s0 =	rddreg [dreg:$0x8]  }
0xb8: {  	s0 =	sadd.s32 $0x0, s0  }
0xb9: {  	[hbm:s0], [sflag:s16] =	dma.local [spmem:s3], $0x7D  }
0xba: {  	s0 =	rddreg [dreg:$0x7]  }
0xbb: {  	s3 =	spop (v2sf);
	s0 =	sadd.s32 $0x0, s0  }
0xbc: {  	[hbm:s0], [sflag:s16] =	dma.local [spmem:s3], $0x7D  }
0xbd: {  	s0 =	rddreg [dreg:$0x6]  }
0xbe: {  	s3 =	spop (v2sf);
	s0 =	sadd.s32 $0x0, s0  }
0xbf: {  	[hbm:s0], [sflag:s16] =	dma.local [spmem:s3], $0x7D  }
0xc0: {  	s0 =	simm.s32 $0x7D0;
	s3 =	rddreg [dreg:$0x5]  }
0xc1: {  	s4 =	sadd.s32 $0x0, s3;
	s3 =	simm.s32 $0xF738;
	s5 =	spop (v2sf)  }
.LBB2_2:
0xc2: {  	[hbm:s4], [sflag:s16] =	dma.local [spmem:s5], $0x7D  }
0xc3: {  	v0 =	vld [tilespmem:s3+$0x0];
	_ =	sdelay $0x4  }
0xc4: {  	v0 =	vmul.u32 $0xFA0, v0;
	_ =	sdelay $0x1  }
0xc5: {  	v0 =	vshra.s32 v0, $0x2  }
0xc6: {  	v0 =	vadd.s32 s31, v0  }
0xc7: {  	v0 =	vshrl.u32 v0, $0x3  }
0xc8: {  	(v2sf) =	vpush v0, $0x0;
	_ =	sdelay $0x8  }
0xc9: {  	(v2sf) =	vpush v0, $0x1;
	_ =	sdelay $0x2  }
0xca: {  	(v2sf) =	vpush v0, $0x2;
	_ =	sdelay $0x2  }
0xcb: {  	s6 =	spop (v2sf);
	(v2sf) =	vpush v0, $0x3;
	_ =	sdelay $0x5  }
0xcc: {  	s30 =	smov.u32 s0;
	s5 =	rddreg [dreg:$0x4]  }
0xcd: {  	s5 =	sadd.s32 s30, s5  }
0xce: {  	[hbm:s5], [sflag:s16] =	dma.local [spmem:s6], $0x7D  }
0xcf: {  	s5 =	rddreg [dreg:$0x13];
	s6 =	spop (v2sf);
	(v2sf) =	vpush v0, $0x4  }
0xd0: {  	s5 =	sadd.s32 s30, s5  }
0xd1: {  	[hbm:s5], [sflag:s16] =	dma.local [spmem:s6], $0x7D  }
0xd2: {  	s5 =	rddreg [dreg:$0x12];
	s6 =	spop (v2sf);
	(v2sf) =	vpush v0, $0x5  }
0xd3: {  	s5 =	sadd.s32 s30, s5  }
0xd4: {  	[hbm:s5], [sflag:s16] =	dma.local [spmem:s6], $0x7D  }
0xd5: {  	s6 =	spop (v2sf);
	(v2sf) =	vpush v0, $0x6;
	_ =	sdelay $0x5  }
0xd6: {  	s5 =	rddreg [dreg:$0x11]  }
0xd7: {  	s5 =	sadd.s32 s30, s5  }
0xd8: {  	[hbm:s5], [sflag:s16] =	dma.local [spmem:s6], $0x7D  }
0xd9: {  	s5 =	rddreg [dreg:$0x10];
	s6 =	spop (v2sf);
	(v2sf) =	vpush v0, $0x7  }
0xda: {  	s5 =	sadd.s32 s30, s5  }
0xdb: {  	[hbm:s5], [sflag:s16] =	dma.local [spmem:s6], $0x7D  }
0xdc: {  	s5 =	rddreg [dreg:$0xf];
	s6 =	spop (v2sf);
	(v2sf) =	vpush v0, $0x8  }
0xdd: {  	s5 =	sadd.s32 s30, s5  }
0xde: {  	[hbm:s5], [sflag:s16] =	dma.local [spmem:s6], $0x7D  }
0xdf: {  	s6 =	spop (v2sf);
	(v2sf) =	vpush v0, $0x9;
	_ =	sdelay $0x5  }
0xe0: {  	s5 =	rddreg [dreg:$0xe]  }
0xe1: {  	s5 =	sadd.s32 s30, s5  }
0xe2: {  	[hbm:s5], [sflag:s16] =	dma.local [spmem:s6], $0x7D  }
0xe3: {  	s5 =	rddreg [dreg:$0xd];
	s6 =	spop (v2sf);
	(v2sf) =	vpush v0, $0xA  }
0xe4: {  	s5 =	sadd.s32 s30, s5  }
0xe5: {  	[hbm:s5], [sflag:s16] =	dma.local [spmem:s6], $0x7D  }
0xe6: {  	s5 =	rddreg [dreg:$0xc];
	s6 =	spop (v2sf);
	(v2sf) =	vpush v0, $0xB  }
0xe7: {  	s5 =	sadd.s32 s30, s5  }
0xe8: {  	[hbm:s5], [sflag:s16] =	dma.local [spmem:s6], $0x7D  }
0xe9: {  	s6 =	spop (v2sf);
	(v2sf) =	vpush v0, $0xC;
	_ =	sdelay $0x5  }
0xea: {  	s5 =	rddreg [dreg:$0xb]  }
0xeb: {  	s5 =	sadd.s32 s30, s5  }
0xec: {  	[hbm:s5], [sflag:s16] =	dma.local [spmem:s6], $0x7D  }
0xed: {  	s5 =	rddreg [dreg:$0xa];
	s6 =	spop (v2sf);
	(v2sf) =	vpush v0, $0xD  }
0xee: {  	s5 =	sadd.s32 s30, s5  }
0xef: {  	[hbm:s5], [sflag:s16] =	dma.local [spmem:s6], $0x7D  }
0xf0: {  	s5 =	rddreg [dreg:$0x9];
	s6 =	spop (v2sf);
	(v2sf) =	vpush v0, $0xE  }
0xf1: {  	s5 =	sadd.s32 s30, s5  }
0xf2: {  	[hbm:s5], [sflag:s16] =	dma.local [spmem:s6], $0x7D  }
0xf3: {  	s6 =	spop (v2sf);
	(v2sf) =	vpush v0, $0xF;
	_ =	sdelay $0x4  }
0xf4: {  	s5 =	rddreg [dreg:$0x8]  }
0xf5: {  	s5 =	sadd.s32 s30, s5  }
0xf6: {  	[hbm:s5], [sflag:s16] =	dma.local [spmem:s6], $0x7D  }
0xf7: {  	s5 =	rddreg [dreg:$0x7]  }
0xf8: {  	p1 =	sne.s32 s0, $0x7530;
	s6 =	spop (v2sf);
	s5 =	sadd.s32 s30, s5  }
0xf9: {  	[hbm:s5], [sflag:s16] =	dma.local [spmem:s6], $0x7D  }
.Ltmp0:
0xfa: {  	s5 =	rddreg [dreg:$0x6];
	(pc) =	sbr.rel @p1 .LBB2_2-.Ltmp0, $4  }
0xfb: {  	s6 =	spop (v2sf);
	s5 =	sadd.s32 s30, s5  }
0xfc: {  	[hbm:s5], [sflag:s16] =	dma.local [spmem:s6], $0x7D  }
0xfd: {  	s0 =	sadd.s32 $0x7D0, s0;
	s5 =	rddreg [dreg:$0x5]  }
0xfe: {  	s3 =	sadd.s32 $0x10, s3;
	s4 =	sadd.s32 s30, s5;
	s5 =	spop (v2sf)  }
0xff: {  	[hbm:s4], [sflag:s16] =	dma.local [spmem:s5], $0x7D  }
0x100: {  	s1 =	simm.s32 $0x20  }
0x101: {  	[tilespmem:s8], [sflag:$0x1] =	stream.indirect.gather [spmem:s31], $0x3E8, s7, s1, $0xb8;
	[tilespmem:$0x1F468] =	vst v63  }
0x102: {  	s14 =	sld [smem:$0x7C5]  }
0x103: {  	s30 =	sld [smem:$0x7F9]  }
0x104: {  	s29 =	sld [smem:$0x7F8]  }
0x105: {  	s22 =	sld [smem:$0x7F7]  }
0x106: {  	s20 =	sld [smem:$0x7F6]  }
0x107: {  	s21 =	sld [smem:$0x7F5]  }
0x108: {  	s8 =	sld [smem:$0x7F4]  }
0x109: {  	s18 =	sld [smem:$0x7F2]  }
0x10a: {  	s17 =	sld [smem:$0x7F0]  }
0x10b: {  	s11 =	sld [smem:$0x7EF]  }
0x10c: {  	s10 =	sld [smem:$0x7EE]  }
0x10d: {  	s2 =	sld [smem:$0x7ED]  }
0x10e: {  	s4 =	sld [smem:$0x7EC]  }
0x10f: {  	s6 =	sld [smem:$0x7EB]  }
0x110: {  	s5 =	sld [smem:$0x7EA]  }
0x111: {  	s23 =	sld [smem:$0x7E9]  }
0x112: {  	s25 =	sld [smem:$0x7E8]  }
0x113: {  	s26 =	sld [smem:$0x7E7]  }
0x114: {  	s3 =	sld [smem:$0x7E6]  }
0x115: {  	s19 =	sld [smem:$0x7E5]  }
0x116: {  	s0 =	simm.s32 $0xF448;
	s28 =	rddreg [dreg:$0x1]  }
0x117: {  	[tilespmem:s9], [sflag:$0x2] =	stream.indirect.gather [spmem:s31], $0x3E8, s0, s1, $0xb8;
	[tilespmem:$0x1F468] =	vst v63  }
0x118: {  	s0 =	sld [smem:$0x7F3]  }
0x119: {  	s1 =	sld [smem:$0x7F1]  }
0x11a: {  	[smem:$0x7A3] =	sst s5  }
0x11b: {  	[smem:$0x7A4] =	sst s23  }
0x11c: {  	[smem:$0x7A5] =	sst s25  }
0x11d: {  	[smem:$0x7A6] =	sst s26  }
0x11e: {  	[smem:$0x7A7] =	sst s3  }
0x11f: {  	[smem:$0x7A8] =	sst s19  }
0x120: {  	s23 =	sld [smem:$0x7E4]  }
0x121: {  	s25 =	sld [smem:$0x7E3]  }
0x122: {  	s26 =	sld [smem:$0x7E2]  }
0x123: {  	s3 =	sld [smem:$0x7E1]  }
0x124: {  	s19 =	sld [smem:$0x7E0]  }
0x125: {  	s5 =	sld [smem:$0x7D5]  }
0x126: {  	[smem:$0x7A9] =	sst s23  }
0x127: {  	[smem:$0x7AA] =	sst s25  }
0x128: {  	[smem:$0x7AB] =	sst s26  }
0x129: {  	[smem:$0x7AC] =	sst s3  }
0x12a: {  	[smem:$0x7AD] =	sst s19  }
0x12b: {  	s23 =	sld [smem:$0x7DF]  }
0x12c: {  	s25 =	sld [smem:$0x7DE]  }
0x12d: {  	s26 =	sld [smem:$0x7DD]  }
0x12e: {  	s3 =	sld [smem:$0x7DC]  }
0x12f: {  	s19 =	sld [smem:$0x7DA]  }
0x130: {  	[smem:$0x7B7] =	sst s5  }
0x131: {  	s5 =	sld [smem:$0x7CD]  }
0x132: {  	[smem:$0x7AE] =	sst s23  }
0x133: {  	[smem:$0x7AF] =	sst s25  }
0x134: {  	[smem:$0x7B0] =	sst s26  }
0x135: {  	[smem:$0x7B1] =	sst s3  }
0x136: {  	s3 =	sld [smem:$0x7DB]  }
0x137: {  	[smem:$0x7B3] =	sst s19  }
0x138: {  	s23 =	sld [smem:$0x7D9]  }
0x139: {  	s25 =	sld [smem:$0x7D8]  }
0x13a: {  	s26 =	sld [smem:$0x7D7]  }
0x13b: {  	s19 =	sld [smem:$0x7D4]  }
0x13c: {  	[smem:$0x7BC] =	sst s5  }
0x13d: {  	[smem:$0x7B2] =	sst s3  }
0x13e: {  	[smem:$0x7B4] =	sst s23  }
0x13f: {  	[smem:$0x7B5] =	sst s25  }
0x140: {  	[smem:$0x7B6] =	sst s26  }
0x141: {  	[smem:$0x7B8] =	sst s19  }
0x142: {  	s23 =	sld [smem:$0x7D0]  }
0x143: {  	s25 =	sld [smem:$0x7CF]  }
0x144: {  	s26 =	sld [smem:$0x7CE]  }
0x145: {  	s19 =	sld [smem:$0x7CC]  }
0x146: {  	[smem:$0x7B9] =	sst s23  }
0x147: {  	[smem:$0x7BA] =	sst s25  }
0x148: {  	[smem:$0x7BB] =	sst s26  }
0x149: {  	[smem:$0x7BD] =	sst s19  }
0x14a: {  	s23 =	sld [smem:$0x7CB]  }
0x14b: {  	s25 =	sld [smem:$0x7CA]  }
0x14c: {  	s26 =	sld [smem:$0x7C9]  }
0x14d: {  	[smem:$0x7BE] =	sst s23  }
0x14e: {  	s7 =	simm.s32 $0xFFFFF500;
	[smem:$0x7BF] =	sst s25  }
0x14f: {  	s9 =	simm.s32 $0xF848;
	s24 =	smov.u32 s14;
	[smem:$0x7C0] =	sst s26  }
.LBB2_4:
0x150: {  	[smem:$0x791] =	sst s9  }
0x151: {  	[smem:$0x792] =	sst s7  }
0x152: {  	_ =	swait.ge [sflag:s12], $0x7D00  }
0x153: {  	s3 =	simm.s32 $0xFA68;
	s5 =	simm.s32 $0x2;
	[sflag:s12] =	ssyncset.done $0x0  }
0x154: {  	[smem:$0x7A2] =	sst s24;
	s24 =	sadd.s32 s24, s28;
	[sflag:s12] =	ssyncadd.s32 $0xFFFF8300  }
0x155: {  	[hbm4b:s24+s13] =	stream.linear.scatter [tilespmem:s3], [sflag:$0x3], $0x7D00, $0x38;
	[tilespmem:$0x1F468] =	vst v63  }
0x156: {  	_ =	swait.ge [sflag:s5], $0x7D00  }
0x157: {  	s19 =	simm.s32 $0x17768;
	[sflag:s5] =	ssyncset.done $0x0  }
0x158: {  	s25 =	simm.s32 $0x3;
	s12 =	sadd.s32 $0xFA0, s24;
	[sflag:s5] =	ssyncadd.s32 $0xFFFF8300  }
0x159: {  	[hbm4b:s12+s13] =	stream.linear.scatter [tilespmem:s19], [sflag:$0x4], $0x7D00, $0x38;
	[tilespmem:$0x1F468] =	vst v63  }
0x15a: {  	_ =	swait.ge [sflag:s25], $0x7D00  }
0x15b: {  	s26 =	sshra.s32 s7, $0x2;
	s7 =	simm.s32 $0x20;
	[sflag:s25] =	ssyncset.done $0x0  }
0x15c: {  	s5 =	sadd.s32 $0xF728, s26;
	s13 =	simm.s32 $0x4;
	[sflag:s25] =	ssyncadd.s32 $0xFFFF8300  }
0x15d: {  	[tilespmem:s3], [sflag:$0x1] =	stream.indirect.gather [spmem:s31], $0x3E8, s5, s7, $0xb8;
	[tilespmem:$0x1F468] =	vst v63  }
0x15e: {  	_ =	swait.ge [sflag:s13], $0x7D00  }
0x15f: {  	[sflag:s13] =	ssyncset.done $0x0  }
0x160: {  	s12 =	sadd.s32 $0xF748, s26;
	[sflag:s13] =	ssyncadd.s32 $0xFFFF8300  }
0x161: {  	[tilespmem:s19], [sflag:$0x2] =	stream.indirect.gather [spmem:s31], $0x3E8, s12, s7, $0xb8;
	[tilespmem:$0x1F468] =	vst v63  }
0x162: {  	_ =	swait.ge [sflag:s15], $0x7D  }
0x163: {  	[sflag:s15] =	ssyncset.done $0x0  }
0x164: {  	[sflag:s15] =	ssyncadd.s32 $0xFFFFFF83  }
0x165: {  	_ =	swait.ge [sflag:s15], $0x7D  }
0x166: {  	[sflag:s15] =	ssyncset.done $0x0  }
0x167: {  	[sflag:s15] =	ssyncadd.s32 $0xFFFFFF83  }
0x168: {  	_ =	swait.ge [sflag:s15], $0x7D  }
0x169: {  	[sflag:s15] =	ssyncset.done $0x0  }
0x16a: {  	[sflag:s15] =	ssyncadd.s32 $0xFFFFFF83  }
0x16b: {  	_ =	swait.ge [sflag:s15], $0x7D  }
0x16c: {  	[sflag:s15] =	ssyncset.done $0x0  }
0x16d: {  	[sflag:s15] =	ssyncadd.s32 $0xFFFFFF83  }
0x16e: {  	_ =	swait.ge [sflag:s15], $0x7D  }
0x16f: {  	[sflag:s15] =	ssyncset.done $0x0  }
0x170: {  	[sflag:s15] =	ssyncadd.s32 $0xFFFFFF83  }
0x171: {  	_ =	swait.ge [sflag:s15], $0x7D  }
0x172: {  	[sflag:s15] =	ssyncset.done $0x0  }
0x173: {  	[sflag:s15] =	ssyncadd.s32 $0xFFFFFF83  }
0x174: {  	_ =	swait.ge [sflag:s15], $0x7D  }
0x175: {  	[sflag:s15] =	ssyncset.done $0x0  }
0x176: {  	[sflag:s15] =	ssyncadd.s32 $0xFFFFFF83  }
0x177: {  	_ =	swait.ge [sflag:s15], $0x7D  }
0x178: {  	[sflag:s15] =	ssyncset.done $0x0  }
0x179: {  	[sflag:s15] =	ssyncadd.s32 $0xFFFFFF83  }
0x17a: {  	_ =	swait.ge [sflag:s15], $0x7D  }
0x17b: {  	[sflag:s15] =	ssyncset.done $0x0  }
0x17c: {  	[sflag:s15] =	ssyncadd.s32 $0xFFFFFF83  }
0x17d: {  	_ =	swait.ge [sflag:s15], $0x7D  }
0x17e: {  	[sflag:s15] =	ssyncset.done $0x0  }
0x17f: {  	[sflag:s15] =	ssyncadd.s32 $0xFFFFFF83  }
0x180: {  	_ =	swait.ge [sflag:s15], $0x7D  }
0x181: {  	[sflag:s15] =	ssyncset.done $0x0  }
0x182: {  	[sflag:s15] =	ssyncadd.s32 $0xFFFFFF83  }
0x183: {  	_ =	swait.ge [sflag:s15], $0x7D  }
0x184: {  	[sflag:s15] =	ssyncset.done $0x0  }
0x185: {  	[sflag:s15] =	ssyncadd.s32 $0xFFFFFF83  }
0x186: {  	_ =	swait.ge [sflag:s15], $0x7D  }
0x187: {  	[sflag:s15] =	ssyncset.done $0x0  }
0x188: {  	[sflag:s15] =	ssyncadd.s32 $0xFFFFFF83  }
0x189: {  	_ =	swait.ge [sflag:s15], $0x7D  }
0x18a: {  	[sflag:s15] =	ssyncset.done $0x0  }
0x18b: {  	[sflag:s15] =	ssyncadd.s32 $0xFFFFFF83  }
0x18c: {  	_ =	swait.ge [sflag:s15], $0x7D  }
0x18d: {  	[sflag:s15] =	ssyncset.done $0x0  }
0x18e: {  	[sflag:s15] =	ssyncadd.s32 $0xFFFFFF83  }
0x18f: {  	_ =	swait.ge [sflag:s15], $0x7D  }
0x190: {  	[sflag:s15] =	ssyncset.done $0x0  }
0x191: {  	[sflag:s15] =	ssyncadd.s32 $0xFFFFFF83  }
0x192: {  	v0 =	vld [tilespmem:s9+$0xFFFFFFE0];
	_ =	sdelay $0x4  }
0x193: {  	v0 =	vmul.u32 $0xFA0, v0;
	_ =	sdelay $0x1  }
0x194: {  	v0 =	vshra.s32 v0, $0x2  }
0x195: {  	v0 =	vadd.s32 s31, v0  }
0x196: {  	v0 =	vshrl.u32 v0, $0x3  }
0x197: {  	(v2sf) =	vpush v0, $0x0;
	_ =	sdelay $0xd  }
0x198: {  	s12 =	sadd.s32 s14, s28  }
0x199: {  	s19 =	sadd.s32 $0x1F400, s12;
	[smem:$0x790] =	sst s14;
	s23 =	spop (v2sf)  }
0x19a: {  	[hbm:s19], [sflag:s16] =	dma.local [spmem:s23], $0x7D  }
0x19b: {  	(v2sf) =	vpush v0, $0x1;
	_ =	sdelay $0xe  }
0x19c: {  	s24 =	sadd.s32 s30, s28;
	[smem:$0x7A1] =	sst s30;
	s14 =	spop (v2sf)  }
0x19d: {  	[hbm:s24], [sflag:s16] =	dma.local [spmem:s14], $0x7D  }
0x19e: {  	(v2sf) =	vpush v0, $0x2;
	_ =	sdelay $0xe  }
0x19f: {  	s25 =	sadd.s32 s29, s28;
	[smem:$0x7A0] =	sst s29;
	s14 =	spop (v2sf)  }
0x1a0: {  	[hbm:s25], [sflag:s16] =	dma.local [spmem:s14], $0x7D  }
0x1a1: {  	(v2sf) =	vpush v0, $0x3;
	_ =	sdelay $0xe  }
0x1a2: {  	s26 =	sadd.s32 s22, s28;
	[smem:$0x79F] =	sst s22;
	s14 =	spop (v2sf)  }
0x1a3: {  	[hbm:s26], [sflag:s16] =	dma.local [spmem:s14], $0x7D  }
0x1a4: {  	(v2sf) =	vpush v0, $0x4;
	_ =	sdelay $0xe  }
0x1a5: {  	s3 =	sadd.s32 s20, s28;
	[smem:$0x79E] =	sst s20;
	s14 =	spop (v2sf)  }
0x1a6: {  	[hbm:s3], [sflag:s16] =	dma.local [spmem:s14], $0x7D  }
0x1a7: {  	(v2sf) =	vpush v0, $0x5;
	_ =	sdelay $0xe  }
0x1a8: {  	s5 =	sadd.s32 s21, s28;
	[smem:$0x79D] =	sst s21;
	s14 =	spop (v2sf)  }
0x1a9: {  	[hbm:s5], [sflag:s16] =	dma.local [spmem:s14], $0x7D  }
0x1aa: {  	(v2sf) =	vpush v0, $0x6;
	_ =	sdelay $0xe  }
0x1ab: {  	s7 =	sadd.s32 s8, s28;
	[smem:$0x79C] =	sst s8;
	s14 =	spop (v2sf)  }
0x1ac: {  	[hbm:s7], [sflag:s16] =	dma.local [spmem:s14], $0x7D  }
0x1ad: {  	(v2sf) =	vpush v0, $0x7;
	_ =	sdelay $0xe  }
0x1ae: {  	s8 =	sadd.s32 s0, s28;
	[smem:$0x79B] =	sst s0;
	s14 =	spop (v2sf)  }
0x1af: {  	[hbm:s8], [sflag:s16] =	dma.local [spmem:s14], $0x7D  }
0x1b0: {  	(v2sf) =	vpush v0, $0x8;
	_ =	sdelay $0xe  }
0x1b1: {  	s19 =	sadd.s32 s18, s28;
	[smem:$0x79A] =	sst s18;
	s14 =	spop (v2sf)  }
0x1b2: {  	[hbm:s19], [sflag:s16] =	dma.local [spmem:s14], $0x7D  }
0x1b3: {  	(v2sf) =	vpush v0, $0x9;
	_ =	sdelay $0xe  }
0x1b4: {  	s20 =	sadd.s32 s1, s28;
	[smem:$0x799] =	sst s1;
	s14 =	spop (v2sf)  }
0x1b5: {  	[hbm:s20], [sflag:s16] =	dma.local [spmem:s14], $0x7D  }
0x1b6: {  	(v2sf) =	vpush v0, $0xA;
	_ =	sdelay $0xe  }
0x1b7: {  	s21 =	sadd.s32 s17, s28;
	[smem:$0x798] =	sst s17;
	s14 =	spop (v2sf)  }
0x1b8: {  	[hbm:s21], [sflag:s16] =	dma.local [spmem:s14], $0x7D  }
0x1b9: {  	(v2sf) =	vpush v0, $0xB;
	_ =	sdelay $0xe  }
0x1ba: {  	s22 =	sadd.s32 s11, s28;
	[smem:$0x797] =	sst s11;
	s14 =	spop (v2sf)  }
0x1bb: {  	[hbm:s22], [sflag:s16] =	dma.local [spmem:s14], $0x7D  }
0x1bc: {  	(v2sf) =	vpush v0, $0xC;
	_ =	sdelay $0xe  }
0x1bd: {  	s23 =	sadd.s32 s10, s28;
	[smem:$0x796] =	sst s10;
	s14 =	spop (v2sf)  }
0x1be: {  	[hbm:s23], [sflag:s16] =	dma.local [spmem:s14], $0x7D  }
0x1bf: {  	(v2sf) =	vpush v0, $0xD;
	_ =	sdelay $0xe  }
0x1c0: {  	s24 =	sadd.s32 s2, s28;
	[smem:$0x795] =	sst s2;
	s14 =	spop (v2sf)  }
0x1c1: {  	[hbm:s24], [sflag:s16] =	dma.local [spmem:s14], $0x7D  }
0x1c2: {  	(v2sf) =	vpush v0, $0xE;
	_ =	sdelay $0xe  }
0x1c3: {  	s25 =	sadd.s32 s4, s28;
	[smem:$0x794] =	sst s4;
	s14 =	spop (v2sf)  }
0x1c4: {  	[hbm:s25], [sflag:s16] =	dma.local [spmem:s14], $0x7D  }
0x1c5: {  	(v2sf) =	vpush v0, $0xF;
	_ =	sdelay $0xe  }
0x1c6: {  	s26 =	sadd.s32 s6, s28;
	[smem:$0x793] =	sst s6;
	s14 =	spop (v2sf)  }
0x1c7: {  	[hbm:s26], [sflag:s16] =	dma.local [spmem:s14], $0x7D  }
0x1c8: {  	_ =	swait.ge [sflag:s15], $0x7D  }
0x1c9: {  	[sflag:s15] =	ssyncset.done $0x0  }
0x1ca: {  	[sflag:s15] =	ssyncadd.s32 $0xFFFFFF83  }
0x1cb: {  	_ =	swait.ge [sflag:s15], $0x7D  }
0x1cc: {  	[sflag:s15] =	ssyncset.done $0x0  }
0x1cd: {  	[sflag:s15] =	ssyncadd.s32 $0xFFFFFF83  }
0x1ce: {  	_ =	swait.ge [sflag:s15], $0x7D  }
0x1cf: {  	[sflag:s15] =	ssyncset.done $0x0  }
0x1d0: {  	[sflag:s15] =	ssyncadd.s32 $0xFFFFFF83  }
0x1d1: {  	_ =	swait.ge [sflag:s15], $0x7D  }
0x1d2: {  	[sflag:s15] =	ssyncset.done $0x0  }
0x1d3: {  	[sflag:s15] =	ssyncadd.s32 $0xFFFFFF83  }
0x1d4: {  	_ =	swait.ge [sflag:s15], $0x7D  }
0x1d5: {  	[sflag:s15] =	ssyncset.done $0x0  }
0x1d6: {  	[sflag:s15] =	ssyncadd.s32 $0xFFFFFF83  }
0x1d7: {  	_ =	swait.ge [sflag:s15], $0x7D  }
0x1d8: {  	[sflag:s15] =	ssyncset.done $0x0  }
0x1d9: {  	[sflag:s15] =	ssyncadd.s32 $0xFFFFFF83  }
0x1da: {  	_ =	swait.ge [sflag:s15], $0x7D  }
0x1db: {  	[sflag:s15] =	ssyncset.done $0x0  }
0x1dc: {  	[sflag:s15] =	ssyncadd.s32 $0xFFFFFF83  }
0x1dd: {  	_ =	swait.ge [sflag:s15], $0x7D  }
0x1de: {  	[sflag:s15] =	ssyncset.done $0x0  }
0x1df: {  	[sflag:s15] =	ssyncadd.s32 $0xFFFFFF83  }
0x1e0: {  	_ =	swait.ge [sflag:s15], $0x7D  }
0x1e1: {  	[sflag:s15] =	ssyncset.done $0x0  }
0x1e2: {  	[sflag:s15] =	ssyncadd.s32 $0xFFFFFF83  }
0x1e3: {  	_ =	swait.ge [sflag:s15], $0x7D  }
0x1e4: {  	[sflag:s15] =	ssyncset.done $0x0  }
0x1e5: {  	[sflag:s15] =	ssyncadd.s32 $0xFFFFFF83  }
0x1e6: {  	_ =	swait.ge [sflag:s15], $0x7D  }
0x1e7: {  	[sflag:s15] =	ssyncset.done $0x0  }
0x1e8: {  	[sflag:s15] =	ssyncadd.s32 $0xFFFFFF83  }
0x1e9: {  	_ =	swait.ge [sflag:s15], $0x7D  }
0x1ea: {  	[sflag:s15] =	ssyncset.done $0x0  }
0x1eb: {  	[sflag:s15] =	ssyncadd.s32 $0xFFFFFF83  }
0x1ec: {  	_ =	swait.ge [sflag:s15], $0x7D  }
0x1ed: {  	[sflag:s15] =	ssyncset.done $0x0  }
0x1ee: {  	[sflag:s15] =	ssyncadd.s32 $0xFFFFFF83  }
0x1ef: {  	_ =	swait.ge [sflag:s15], $0x7D  }
0x1f0: {  	[sflag:s15] =	ssyncset.done $0x0  }
0x1f1: {  	[sflag:s15] =	ssyncadd.s32 $0xFFFFFF83  }
0x1f2: {  	_ =	swait.ge [sflag:s15], $0x7D  }
0x1f3: {  	[sflag:s15] =	ssyncset.done $0x0  }
0x1f4: {  	[sflag:s15] =	ssyncadd.s32 $0xFFFFFF83  }
0x1f5: {  	_ =	swait.ge [sflag:s15], $0x7D  }
0x1f6: {  	[sflag:s15] =	ssyncset.done $0x0  }
0x1f7: {  	[sflag:s15] =	ssyncadd.s32 $0xFFFFFF83  }
0x1f8: {  	v62 =	vld [tilespmem:s9+$0xFFFFFFF0];
	_ =	sdelay $0x4  }
0x1f9: {  	v0 =	vmul.u32 $0xFA0, v62;
	_ =	sdelay $0x1  }
0x1fa: {  	v0 =	vshra.s32 v0, $0x2  }
0x1fb: {  	v0 =	vadd.s32 s31, v0  }
0x1fc: {  	v0 =	vshrl.u32 v0, $0x3  }
0x1fd: {  	(v2sf) =	vpush v0, $0x0;
	_ =	sdelay $0xe  }
0x1fe: {  	s0 =	sadd.s32 $0x1FBD0, s12;
	s1 =	spop (v2sf)  }
0x1ff: {  	[hbm:s0], [sflag:s16] =	dma.local [spmem:s1], $0x7D  }
0x200: {  	(v2sf) =	vpush v0, $0x1;
	_ =	sdelay $0xb  }
0x201: {  	s2 =	sld [smem:$0x7A3];
	_ =	sdelay $0x2  }
0x202: {  	[smem:$0x7A3] =	sst s2;
	s3 =	sadd.s32 s2, s28;
	s14 =	spop (v2sf)  }
0x203: {  	[hbm:s3], [sflag:s16] =	dma.local [spmem:s14], $0x7D  }
0x204: {  	(v2sf) =	vpush v0, $0x2;
	_ =	sdelay $0xb  }
0x205: {  	s4 =	sld [smem:$0x7A4];
	_ =	sdelay $0x2  }
0x206: {  	[smem:$0x7A4] =	sst s4;
	s5 =	sadd.s32 s4, s28;
	s14 =	spop (v2sf)  }
0x207: {  	[hbm:s5], [sflag:s16] =	dma.local [spmem:s14], $0x7D  }
0x208: {  	(v2sf) =	vpush v0, $0x3;
	_ =	sdelay $0xb  }
0x209: {  	s6 =	sld [smem:$0x7A5];
	_ =	sdelay $0x2  }
0x20a: {  	[smem:$0x7A5] =	sst s6;
	s7 =	sadd.s32 s6, s28;
	s14 =	spop (v2sf)  }
0x20b: {  	[hbm:s7], [sflag:s16] =	dma.local [spmem:s14], $0x7D  }
0x20c: {  	(v2sf) =	vpush v0, $0x4;
	_ =	sdelay $0xb  }
0x20d: {  	s8 =	sld [smem:$0x7A6];
	_ =	sdelay $0x2  }
0x20e: {  	[smem:$0x7A6] =	sst s8;
	s9 =	sadd.s32 s8, s28;
	s14 =	spop (v2sf)  }
0x20f: {  	[hbm:s9], [sflag:s16] =	dma.local [spmem:s14], $0x7D  }
0x210: {  	(v2sf) =	vpush v0, $0x5;
	_ =	sdelay $0xb  }
0x211: {  	s30 =	sld [smem:$0x7A7];
	_ =	sdelay $0x2  }
0x212: {  	s10 =	sadd.s32 s30, s28;
	s14 =	spop (v2sf)  }
0x213: {  	[hbm:s10], [sflag:s16] =	dma.local [spmem:s14], $0x7D  }
0x214: {  	(v2sf) =	vpush v0, $0x6;
	_ =	sdelay $0xb  }
0x215: {  	s29 =	sld [smem:$0x7A8];
	_ =	sdelay $0x2  }
0x216: {  	s11 =	sadd.s32 s29, s28;
	s14 =	spop (v2sf)  }
0x217: {  	[hbm:s11], [sflag:s16] =	dma.local [spmem:s14], $0x7D  }
0x218: {  	(v2sf) =	vpush v0, $0x7;
	_ =	sdelay $0xb  }
0x219: {  	s24 =	sld [smem:$0x7A9];
	_ =	sdelay $0x2  }
0x21a: {  	s17 =	sadd.s32 s24, s28;
	s14 =	spop (v2sf)  }
0x21b: {  	[hbm:s17], [sflag:s16] =	dma.local [spmem:s14], $0x7D  }
0x21c: {  	(v2sf) =	vpush v0, $0x8;
	_ =	sdelay $0xb  }
0x21d: {  	s11 =	sld [smem:$0x7AA];
	_ =	sdelay $0x2  }
0x21e: {  	s18 =	sadd.s32 s11, s28;
	s14 =	spop (v2sf)  }
0x21f: {  	[hbm:s18], [sflag:s16] =	dma.local [spmem:s14], $0x7D  }
0x220: {  	(v2sf) =	vpush v0, $0x9;
	_ =	sdelay $0xb  }
0x221: {  	s17 =	sld [smem:$0x7AB];
	_ =	sdelay $0x2  }
0x222: {  	s19 =	sadd.s32 s17, s28;
	s14 =	spop (v2sf)  }
0x223: {  	[hbm:s19], [sflag:s16] =	dma.local [spmem:s14], $0x7D  }
0x224: {  	(v2sf) =	vpush v0, $0xA;
	_ =	sdelay $0xb  }
0x225: {  	s18 =	sld [smem:$0x7AC];
	_ =	sdelay $0x2  }
0x226: {  	s20 =	sadd.s32 s18, s28;
	s14 =	spop (v2sf)  }
0x227: {  	[hbm:s20], [sflag:s16] =	dma.local [spmem:s14], $0x7D  }
0x228: {  	(v2sf) =	vpush v0, $0xB;
	_ =	sdelay $0xb  }
0x229: {  	s10 =	sld [smem:$0x7AD];
	_ =	sdelay $0x2  }
0x22a: {  	s21 =	sadd.s32 s10, s28;
	s14 =	spop (v2sf)  }
0x22b: {  	[hbm:s21], [sflag:s16] =	dma.local [spmem:s14], $0x7D  }
0x22c: {  	(v2sf) =	vpush v0, $0xC;
	_ =	sdelay $0xb  }
0x22d: {  	s19 =	sld [smem:$0x7AE];
	_ =	sdelay $0x2  }
0x22e: {  	s22 =	sadd.s32 s19, s28;
	s14 =	spop (v2sf)  }
0x22f: {  	[hbm:s22], [sflag:s16] =	dma.local [spmem:s14], $0x7D  }
0x230: {  	(v2sf) =	vpush v0, $0xD;
	_ =	sdelay $0xb  }
0x231: {  	s20 =	sld [smem:$0x7AF];
	_ =	sdelay $0x2  }
0x232: {  	s23 =	sadd.s32 s20, s28;
	s14 =	spop (v2sf)  }
0x233: {  	[hbm:s23], [sflag:s16] =	dma.local [spmem:s14], $0x7D  }
0x234: {  	(v2sf) =	vpush v0, $0xE;
	_ =	sdelay $0xb  }
0x235: {  	s21 =	sld [smem:$0x7B0];
	_ =	sdelay $0x2  }
0x236: {  	s25 =	sadd.s32 s21, s28;
	s14 =	spop (v2sf)  }
0x237: {  	[hbm:s25], [sflag:s16] =	dma.local [spmem:s14], $0x7D  }
0x238: {  	(v2sf) =	vpush v0, $0xF;
	_ =	sdelay $0xb  }
0x239: {  	s22 =	sld [smem:$0x7B1];
	_ =	sdelay $0x2  }
0x23a: {  	s26 =	sadd.s32 s22, s28;
	s14 =	spop (v2sf)  }
0x23b: {  	[hbm:s26], [sflag:s16] =	dma.local [spmem:s14], $0x7D  }
0x23c: {  	_ =	swait.ge [sflag:s15], $0x7D  }
0x23d: {  	[sflag:s15] =	ssyncset.done $0x0  }
0x23e: {  	[sflag:s15] =	ssyncadd.s32 $0xFFFFFF83  }
0x23f: {  	_ =	swait.ge [sflag:s15], $0x7D  }
0x240: {  	[sflag:s15] =	ssyncset.done $0x0  }
0x241: {  	[sflag:s15] =	ssyncadd.s32 $0xFFFFFF83  }
0x242: {  	_ =	swait.ge [sflag:s15], $0x7D  }
0x243: {  	[sflag:s15] =	ssyncset.done $0x0  }
0x244: {  	[sflag:s15] =	ssyncadd.s32 $0xFFFFFF83  }
0x245: {  	_ =	swait.ge [sflag:s15], $0x7D  }
0x246: {  	[sflag:s15] =	ssyncset.done $0x0  }
0x247: {  	[sflag:s15] =	ssyncadd.s32 $0xFFFFFF83  }
0x248: {  	_ =	swait.ge [sflag:s15], $0x7D  }
0x249: {  	[sflag:s15] =	ssyncset.done $0x0  }
0x24a: {  	[sflag:s15] =	ssyncadd.s32 $0xFFFFFF83  }
0x24b: {  	_ =	swait.ge [sflag:s15], $0x7D  }
0x24c: {  	[sflag:s15] =	ssyncset.done $0x0  }
0x24d: {  	[sflag:s15] =	ssyncadd.s32 $0xFFFFFF83  }
0x24e: {  	_ =	swait.ge [sflag:s15], $0x7D  }
0x24f: {  	[sflag:s15] =	ssyncset.done $0x0  }
0x250: {  	[sflag:s15] =	ssyncadd.s32 $0xFFFFFF83  }
0x251: {  	_ =	swait.ge [sflag:s15], $0x7D  }
0x252: {  	[sflag:s15] =	ssyncset.done $0x0  }
0x253: {  	[sflag:s15] =	ssyncadd.s32 $0xFFFFFF83  }
0x254: {  	_ =	swait.ge [sflag:s15], $0x7D  }
0x255: {  	[sflag:s15] =	ssyncset.done $0x0  }
0x256: {  	[sflag:s15] =	ssyncadd.s32 $0xFFFFFF83  }
0x257: {  	_ =	swait.ge [sflag:s15], $0x7D  }
0x258: {  	[sflag:s15] =	ssyncset.done $0x0  }
0x259: {  	[sflag:s15] =	ssyncadd.s32 $0xFFFFFF83  }
0x25a: {  	_ =	swait.ge [sflag:s15], $0x7D  }
0x25b: {  	[sflag:s15] =	ssyncset.done $0x0  }
0x25c: {  	[sflag:s15] =	ssyncadd.s32 $0xFFFFFF83  }
0x25d: {  	_ =	swait.ge [sflag:s15], $0x7D  }
0x25e: {  	[sflag:s15] =	ssyncset.done $0x0  }
0x25f: {  	[sflag:s15] =	ssyncadd.s32 $0xFFFFFF83  }
0x260: {  	_ =	swait.ge [sflag:s15], $0x7D  }
0x261: {  	[sflag:s15] =	ssyncset.done $0x0  }
0x262: {  	[sflag:s15] =	ssyncadd.s32 $0xFFFFFF83  }
0x263: {  	_ =	swait.ge [sflag:s15], $0x7D  }
0x264: {  	[sflag:s15] =	ssyncset.done $0x0  }
0x265: {  	[sflag:s15] =	ssyncadd.s32 $0xFFFFFF83  }
0x266: {  	_ =	swait.ge [sflag:s15], $0x7D  }
0x267: {  	[sflag:s15] =	ssyncset.done $0x0  }
0x268: {  	[sflag:s15] =	ssyncadd.s32 $0xFFFFFF83  }
0x269: {  	_ =	swait.ge [sflag:s15], $0x7D  }
0x26a: {  	s0 =	sld [smem:$0x791]  }
0x26b: {  	[sflag:s15] =	ssyncset.done $0x0  }
0x26c: {  	[sflag:s15] =	ssyncadd.s32 $0xFFFFFF83  }
0x26d: {  	v63 =	vld [tilespmem:s0+$0x0];
	_ =	sdelay $0x4  }
0x26e: {  	v0 =	vmul.u32 $0xFA0, v63;
	_ =	sdelay $0x1  }
0x26f: {  	v0 =	vshra.s32 v0, $0x2  }
0x270: {  	v0 =	vadd.s32 s31, v0  }
0x271: {  	v0 =	vshrl.u32 v0, $0x3  }
0x272: {  	(v2sf) =	vpush v0, $0x0;
	_ =	sdelay $0xe  }
0x273: {  	s12 =	sadd.s32 $0x203A0, s12;
	s1 =	spop (v2sf)  }
0x274: {  	[hbm:s12], [sflag:s16] =	dma.local [spmem:s1], $0x7D  }
0x275: {  	(v2sf) =	vpush v0, $0x1;
	_ =	sdelay $0xb  }
0x276: {  	s14 =	sld [smem:$0x7B2];
	_ =	sdelay $0x2  }
0x277: {  	s2 =	sadd.s32 s14, s28;
	s13 =	spop (v2sf)  }
0x278: {  	[hbm:s2], [sflag:s16] =	dma.local [spmem:s13], $0x7D  }
0x279: {  	(v2sf) =	vpush v0, $0x2;
	_ =	sdelay $0xb  }
0x27a: {  	s31 =	sld [smem:$0x7B3];
	_ =	sdelay $0x2  }
0x27b: {  	s3 =	sadd.s32 s31, s28;
	s13 =	spop (v2sf)  }
0x27c: {  	[hbm:s3], [sflag:s16] =	dma.local [spmem:s13], $0x7D  }
0x27d: {  	(v2sf) =	vpush v0, $0x3;
	_ =	sdelay $0xb  }
0x27e: {  	s9 =	sld [smem:$0x7B4];
	_ =	sdelay $0x2  }
0x27f: {  	s4 =	sadd.s32 s9, s28;
	s13 =	spop (v2sf)  }
0x280: {  	[hbm:s4], [sflag:s16] =	dma.local [spmem:s13], $0x7D  }
0x281: {  	(v2sf) =	vpush v0, $0x4;
	_ =	sdelay $0xb  }
0x282: {  	s8 =	sld [smem:$0x7B5];
	_ =	sdelay $0x2  }
0x283: {  	s5 =	sadd.s32 s8, s28;
	s13 =	spop (v2sf)  }
0x284: {  	[hbm:s5], [sflag:s16] =	dma.local [spmem:s13], $0x7D  }
0x285: {  	(v2sf) =	vpush v0, $0x5;
	_ =	sdelay $0xb  }
0x286: {  	s7 =	sld [smem:$0x7B6];
	_ =	sdelay $0x2  }
0x287: {  	s6 =	sadd.s32 s7, s28;
	s13 =	spop (v2sf)  }
0x288: {  	[hbm:s6], [sflag:s16] =	dma.local [spmem:s13], $0x7D  }
0x289: {  	(v2sf) =	vpush v0, $0x6;
	_ =	sdelay $0xb  }
0x28a: {  	s6 =	sld [smem:$0x7B7];
	_ =	sdelay $0x2  }
0x28b: {  	s23 =	sadd.s32 s6, s28;
	s13 =	spop (v2sf)  }
0x28c: {  	[hbm:s23], [sflag:s16] =	dma.local [spmem:s13], $0x7D  }
0x28d: {  	(v2sf) =	vpush v0, $0x7;
	_ =	sdelay $0xb  }
0x28e: {  	s5 =	sld [smem:$0x7B8];
	_ =	sdelay $0x2  }
0x28f: {  	s25 =	sadd.s32 s5, s28;
	s13 =	spop (v2sf)  }
0x290: {  	[hbm:s25], [sflag:s16] =	dma.local [spmem:s13], $0x7D  }
0x291: {  	(v2sf) =	vpush v0, $0x8;
	_ =	sdelay $0xb  }
0x292: {  	s4 =	sld [smem:$0x7B9];
	_ =	sdelay $0x2  }
0x293: {  	s26 =	sadd.s32 s4, s28;
	s13 =	spop (v2sf)  }
0x294: {  	[hbm:s26], [sflag:s16] =	dma.local [spmem:s13], $0x7D  }
0x295: {  	(v2sf) =	vpush v0, $0x9;
	_ =	sdelay $0xb  }
0x296: {  	s3 =	sld [smem:$0x7BA];
	_ =	sdelay $0x2  }
0x297: {  	s0 =	sadd.s32 s3, s28;
	s13 =	spop (v2sf)  }
0x298: {  	[hbm:s0], [sflag:s16] =	dma.local [spmem:s13], $0x7D  }
0x299: {  	(v2sf) =	vpush v0, $0xA;
	_ =	sdelay $0xb  }
0x29a: {  	s2 =	sld [smem:$0x7BB];
	_ =	sdelay $0x2  }
0x29b: {  	s1 =	sadd.s32 s2, s28;
	s13 =	spop (v2sf)  }
0x29c: {  	[hbm:s1], [sflag:s16] =	dma.local [spmem:s13], $0x7D  }
0x29d: {  	(v2sf) =	vpush v0, $0xB;
	_ =	sdelay $0xb  }
0x29e: {  	s1 =	sld [smem:$0x7BC];
	_ =	sdelay $0x2  }
0x29f: {  	s23 =	sadd.s32 s1, s28;
	s13 =	spop (v2sf)  }
0x2a0: {  	[hbm:s23], [sflag:s16] =	dma.local [spmem:s13], $0x7D  }
0x2a1: {  	(v2sf) =	vpush v0, $0xC;
	_ =	sdelay $0xb  }
0x2a2: {  	s0 =	sld [smem:$0x7BD];
	_ =	sdelay $0x2  }
0x2a3: {  	s25 =	sadd.s32 s0, s28;
	s13 =	spop (v2sf)  }
0x2a4: {  	[hbm:s25], [sflag:s16] =	dma.local [spmem:s13], $0x7D  }
0x2a5: {  	(v2sf) =	vpush v0, $0xD;
	_ =	sdelay $0xb  }
0x2a6: {  	s23 =	sld [smem:$0x7BE];
	_ =	sdelay $0x2  }
0x2a7: {  	s26 =	sadd.s32 s23, s28;
	s13 =	spop (v2sf)  }
0x2a8: {  	[hbm:s26], [sflag:s16] =	dma.local [spmem:s13], $0x7D  }
0x2a9: {  	(v2sf) =	vpush v0, $0xE;
	_ =	sdelay $0xb  }
0x2aa: {  	s26 =	sld [smem:$0x7BF];
	_ =	sdelay $0x2  }
0x2ab: {  	s25 =	sadd.s32 s26, s28;
	s13 =	spop (v2sf)  }
0x2ac: {  	[hbm:s25], [sflag:s16] =	dma.local [spmem:s13], $0x7D  }
0x2ad: {  	(v2sf) =	vpush v0, $0xF;
	_ =	sdelay $0xb  }
0x2ae: {  	s25 =	sld [smem:$0x7C0];
	_ =	sdelay $0x2  }
0x2af: {  	s12 =	sadd.s32 s25, s28;
	s25 =	sadd.s32 $0x1770, s25;
	s13 =	spop (v2sf)  }
0x2b0: {  	[hbm:s12], [sflag:s16] =	dma.local [spmem:s13], $0x7D  }
0x2b1: {  	s26 =	sadd.s32 $0x1770, s26;
	[smem:$0x7C0] =	sst s25  }
0x2b2: {  	s23 =	sadd.s32 $0x1770, s23;
	[smem:$0x7BF] =	sst s26  }
0x2b3: {  	s0 =	sadd.s32 $0x1770, s0;
	[smem:$0x7BE] =	sst s23  }
0x2b4: {  	s1 =	sadd.s32 $0x1770, s1;
	[smem:$0x7BD] =	sst s0  }
0x2b5: {  	s2 =	sadd.s32 $0x1770, s2;
	[smem:$0x7BC] =	sst s1  }
0x2b6: {  	s3 =	sadd.s32 $0x1770, s3;
	[smem:$0x7BB] =	sst s2  }
0x2b7: {  	s4 =	sadd.s32 $0x1770, s4;
	[smem:$0x7BA] =	sst s3  }
0x2b8: {  	s5 =	sadd.s32 $0x1770, s5;
	[smem:$0x7B9] =	sst s4  }
0x2b9: {  	s6 =	sadd.s32 $0x1770, s6;
	[smem:$0x7B8] =	sst s5  }
0x2ba: {  	s7 =	sadd.s32 $0x1770, s7;
	[smem:$0x7B7] =	sst s6  }
0x2bb: {  	s8 =	sadd.s32 $0x1770, s8;
	[smem:$0x7B6] =	sst s7  }
0x2bc: {  	s9 =	sadd.s32 $0x1770, s9;
	[smem:$0x7B5] =	sst s8  }
0x2bd: {  	s31 =	sadd.s32 $0x1770, s31;
	[smem:$0x7B4] =	sst s9  }
0x2be: {  	s14 =	sadd.s32 $0x1770, s14;
	[smem:$0x7B3] =	sst s31  }
0x2bf: {  	s22 =	sadd.s32 $0x1770, s22;
	[smem:$0x7B2] =	sst s14  }
0x2c0: {  	s21 =	sadd.s32 $0x1770, s21;
	[smem:$0x7B1] =	sst s22  }
0x2c1: {  	s20 =	sadd.s32 $0x1770, s20;
	[smem:$0x7B0] =	sst s21  }
0x2c2: {  	s19 =	sadd.s32 $0x1770, s19;
	[smem:$0x7AF] =	sst s20  }
0x2c3: {  	s10 =	sadd.s32 $0x1770, s10;
	[smem:$0x7AE] =	sst s19  }
0x2c4: {  	s18 =	sadd.s32 $0x1770, s18;
	[smem:$0x7AD] =	sst s10  }
0x2c5: {  	s17 =	sadd.s32 $0x1770, s17;
	[smem:$0x7AC] =	sst s18  }
0x2c6: {  	s11 =	sadd.s32 $0x1770, s11;
	[smem:$0x7AB] =	sst s17  }
0x2c7: {  	s24 =	sadd.s32 $0x1770, s24;
	[smem:$0x7AA] =	sst s11  }
0x2c8: {  	s29 =	sadd.s32 $0x1770, s29;
	[smem:$0x7A9] =	sst s24  }
0x2c9: {  	s30 =	sadd.s32 $0x1770, s30;
	[smem:$0x7A8] =	sst s29  }
0x2ca: {  	[smem:$0x7A7] =	sst s30  }
0x2cb: {  	s31 =	rddreg [dreg:$0x2]  }
0x2cc: {  	s0 =	sld [smem:$0x790]  }
0x2cd: {  	s9 =	sld [smem:$0x791]  }
0x2ce: {  	s1 =	sld [smem:$0x7A6]  }
0x2cf: {  	s2 =	sld [smem:$0x7A5]  }
0x2d0: {  	s7 =	sld [smem:$0x792]  }
0x2d1: {  	s3 =	sld [smem:$0x7A4]  }
0x2d2: {  	s4 =	sld [smem:$0x7A3]  }
0x2d3: {  	s5 =	sld [smem:$0x793]  }
0x2d4: {  	s8 =	sld [smem:$0x794]  }
0x2d5: {  	s10 =	sld [smem:$0x795]  }
0x2d6: {  	s11 =	sld [smem:$0x796]  }
0x2d7: {  	s17 =	sld [smem:$0x797]  }
0x2d8: {  	s18 =	sld [smem:$0x798]  }
0x2d9: {  	s19 =	sld [smem:$0x799]  }
0x2da: {  	s20 =	sld [smem:$0x79A]  }
0x2db: {  	s21 =	sld [smem:$0x79B]  }
0x2dc: {  	s22 =	sld [smem:$0x79C]  }
0x2dd: {  	s23 =	sld [smem:$0x79D]  }
0x2de: {  	s24 =	sld [smem:$0x79E]  }
0x2df: {  	s25 =	sld [smem:$0x79F]  }
0x2e0: {  	s29 =	sld [smem:$0x7A0]  }
0x2e1: {  	s12 =	simm.s32 $0x1;
	s13 =	simm.s32 $0x0;
	s30 =	sld [smem:$0x7A1]  }
0x2e2: {  	s26 =	sld [smem:$0x7A2];
	s14 =	sadd.s32 $0x1770, s0;
	s0 =	sadd.s32 $0x1770, s1  }
0x2e3: {  	s6 =	sadd.s32 $0x1770, s5;
	s1 =	sadd.s32 $0x1770, s19;
	s29 =	sadd.s32 $0x1770, s29  }
0x2e4: {  	s30 =	sadd.s32 $0x1770, s30;
	p1 =	sne.s32 s7, $0xFFFFFF00;
	s9 =	sadd.s32 $0x30, s9  }
0x2e5: {  	s7 =	sadd.s32 $0x100, s7;
	[smem:$0x7A6] =	sst s0;
	s0 =	sadd.s32 $0x1770, s2  }
0x2e6: {  	s2 =	sadd.s32 $0x1770, s10;
	s10 =	sadd.s32 $0x1770, s11;
	s11 =	sadd.s32 $0x1770, s17  }
.Ltmp1:
0x2e7: {  	s17 =	sadd.s32 $0x1770, s18;
	s18 =	sadd.s32 $0x1770, s20;
	(pc) =	sbr.rel @p1 .LBB2_4-.Ltmp1, $4  }
0x2e8: {  	s20 =	sadd.s32 $0x1770, s24;
	[smem:$0x7A5] =	sst s0;
	s0 =	sadd.s32 $0x1770, s3  }
0x2e9: {  	s24 =	sadd.s32 $0x1F40, s26;
	[smem:$0x7A4] =	sst s0;
	s0 =	sadd.s32 $0x1770, s4  }
0x2ea: {  	s4 =	sadd.s32 $0x1770, s8;
	s8 =	sadd.s32 $0x1770, s22;
	s22 =	sadd.s32 $0x1770, s25  }
0x2eb: {  	[smem:$0x7A3] =	sst s0;
	s0 =	sadd.s32 $0x1770, s21;
	s21 =	sadd.s32 $0x1770, s23  }
0x2ec: {  	_ =	swait.ge [sflag:s12], $0x7D00  }
0x2ed: {  	s3 =	sld [smem:$0x7C6]  }
0x2ee: {  	s0 =	simm.s32 $0x0;
	[sflag:s12] =	ssyncset.done $0x0  }
0x2ef: {  	s1 =	simm.s32 $0xFA68;
	s22 =	simm.s32 $0x2;
	[sflag:s12] =	ssyncadd.s32 $0xFFFF8300  }
0x2f0: {  	[hbm4b:s3+s0] =	stream.linear.scatter [tilespmem:s1], [sflag:$0x3], $0x7D00, $0x38;
	[tilespmem:$0x1F468] =	vst v63  }
0x2f1: {  	_ =	swait.ge [sflag:s22], $0x7D00  }
0x2f2: {  	s23 =	sld [smem:$0x7C7]  }
0x2f3: {  	[sflag:s22] =	ssyncset.done $0x0  }
0x2f4: {  	s24 =	simm.s32 $0x17768;
	s25 =	simm.s32 $0x3;
	[sflag:s22] =	ssyncadd.s32 $0xFFFF8300  }
0x2f5: {  	[hbm4b:s23+s0] =	stream.linear.scatter [tilespmem:s24], [sflag:$0x4], $0x7D00, $0x38;
	[tilespmem:$0x1F468] =	vst v63  }
0x2f6: {  	_ =	swait.ge [sflag:s25], $0x7D00  }
0x2f7: {  	[sflag:s25] =	ssyncset.done $0x0  }
0x2f8: {  	s26 =	simm.s32 $0x4;
	[sflag:s25] =	ssyncadd.s32 $0xFFFF8300  }
0x2f9: {  	_ =	swait.ge [sflag:s26], $0x7D00  }
0x2fa: {  	[sflag:s26] =	ssyncset.done $0x0  }
0x2fb: {  	[sflag:s26] =	ssyncadd.s32 $0xFFFF8300  }
0x2fc: {  	_ =	swait.ge [sflag:s15], $0x7D  }
0x2fd: {  	[sflag:s15] =	ssyncset.done $0x0  }
0x2fe: {  	[sflag:s15] =	ssyncadd.s32 $0xFFFFFF83  }
0x2ff: {  	_ =	swait.ge [sflag:s15], $0x7D  }
0x300: {  	[sflag:s15] =	ssyncset.done $0x0  }
0x301: {  	[sflag:s15] =	ssyncadd.s32 $0xFFFFFF83  }
0x302: {  	_ =	swait.ge [sflag:s15], $0x7D  }
0x303: {  	[sflag:s15] =	ssyncset.done $0x0  }
0x304: {  	[sflag:s15] =	ssyncadd.s32 $0xFFFFFF83  }
0x305: {  	_ =	swait.ge [sflag:s15], $0x7D  }
0x306: {  	[sflag:s15] =	ssyncset.done $0x0  }
0x307: {  	[sflag:s15] =	ssyncadd.s32 $0xFFFFFF83  }
0x308: {  	_ =	swait.ge [sflag:s15], $0x7D  }
0x309: {  	[sflag:s15] =	ssyncset.done $0x0  }
0x30a: {  	[sflag:s15] =	ssyncadd.s32 $0xFFFFFF83  }
0x30b: {  	_ =	swait.ge [sflag:s15], $0x7D  }
0x30c: {  	[sflag:s15] =	ssyncset.done $0x0  }
0x30d: {  	[sflag:s15] =	ssyncadd.s32 $0xFFFFFF83  }
0x30e: {  	_ =	swait.ge [sflag:s15], $0x7D  }
0x30f: {  	[sflag:s15] =	ssyncset.done $0x0  }
0x310: {  	[sflag:s15] =	ssyncadd.s32 $0xFFFFFF83  }
0x311: {  	_ =	swait.ge [sflag:s15], $0x7D  }
0x312: {  	[sflag:s15] =	ssyncset.done $0x0  }
0x313: {  	[sflag:s15] =	ssyncadd.s32 $0xFFFFFF83  }
0x314: {  	_ =	swait.ge [sflag:s15], $0x7D  }
0x315: {  	[sflag:s15] =	ssyncset.done $0x0  }
0x316: {  	[sflag:s15] =	ssyncadd.s32 $0xFFFFFF83  }
0x317: {  	_ =	swait.ge [sflag:s15], $0x7D  }
0x318: {  	[sflag:s15] =	ssyncset.done $0x0  }
0x319: {  	[sflag:s15] =	ssyncadd.s32 $0xFFFFFF83  }
0x31a: {  	_ =	swait.ge [sflag:s15], $0x7D  }
0x31b: {  	[sflag:s15] =	ssyncset.done $0x0  }
0x31c: {  	[sflag:s15] =	ssyncadd.s32 $0xFFFFFF83  }
0x31d: {  	_ =	swait.ge [sflag:s15], $0x7D  }
0x31e: {  	[sflag:s15] =	ssyncset.done $0x0  }
0x31f: {  	[sflag:s15] =	ssyncadd.s32 $0xFFFFFF83  }
0x320: {  	_ =	swait.ge [sflag:s15], $0x7D  }
0x321: {  	[sflag:s15] =	ssyncset.done $0x0  }
0x322: {  	[sflag:s15] =	ssyncadd.s32 $0xFFFFFF83  }
0x323: {  	_ =	swait.ge [sflag:s15], $0x7D  }
0x324: {  	[sflag:s15] =	ssyncset.done $0x0  }
0x325: {  	[sflag:s15] =	ssyncadd.s32 $0xFFFFFF83  }
0x326: {  	_ =	swait.ge [sflag:s15], $0x7D  }
0x327: {  	[sflag:s15] =	ssyncset.done $0x0  }
0x328: {  	[sflag:s15] =	ssyncadd.s32 $0xFFFFFF83  }
0x329: {  	_ =	swait.ge [sflag:s15], $0x7D  }
0x32a: {  	[sflag:s15] =	ssyncset.done $0x0  }
0x32b: {  	s28 =	simm.s32 $0xFA38;
	[sflag:s15] =	ssyncadd.s32 $0xFFFFFF83  }
0x32c: {  	v0 =	vld [tilespmem:s28+$0x0];
	_ =	sdelay $0x4  }
0x32d: {  	v0 =	vmul.u32 $0xFA0, v0;
	_ =	sdelay $0x1  }
0x32e: {  	v0 =	vshra.s32 v0, $0x2  }
0x32f: {  	v0 =	vadd.s32 s31, v0  }
0x330: {  	v0 =	vshrl.u32 v0, $0x3  }
0x331: {  	(v2sf) =	vpush v0, $0x0;
	_ =	sdelay $0x7  }
0x332: {  	(v2sf) =	vpush v0, $0x1;
	_ =	sdelay $0x3  }
0x333: {  	(v2sf) =	vpush v0, $0x2;
	_ =	sdelay $0x2  }
0x334: {  	s30 =	spop (v2sf);
	(v2sf) =	vpush v0, $0x3;
	_ =	sdelay $0x1  }
0x335: {  	s29 =	rddreg [dreg:$0x14]  }
0x336: {  	s0 =	sadd.s32 $0x0, s29  }
0x337: {  	[hbm:s0], [sflag:s16] =	dma.local [spmem:s30], $0x7D  }
0x338: {  	s0 =	sld [smem:$0x7D6];
	_ =	sdelay $0x2  }
0x339: {  	s3 =	spop (v2sf);
	(v2sf) =	vpush v0, $0x4;
	s0 =	sadd.s32 $0x0, s0  }
0x33a: {  	[hbm:s0], [sflag:s16] =	dma.local [spmem:s3], $0x7D  }
0x33b: {  	s0 =	sld [smem:$0x7D3];
	_ =	sdelay $0x1  }
0x33c: {  	s3 =	spop (v2sf);
	(v2sf) =	vpush v0, $0x5  }
0x33d: {  	s0 =	sadd.s32 $0x0, s0  }
0x33e: {  	[hbm:s0], [sflag:s16] =	dma.local [spmem:s3], $0x7D  }
0x33f: {  	s3 =	spop (v2sf);
	(v2sf) =	vpush v0, $0x6;
	_ =	sdelay $0x1  }
0x340: {  	s0 =	sld [smem:$0x7D2];
	_ =	sdelay $0x2  }
0x341: {  	s0 =	sadd.s32 $0x0, s0  }
0x342: {  	[hbm:s0], [sflag:s16] =	dma.local [spmem:s3], $0x7D  }
0x343: {  	s0 =	sld [smem:$0x7D1];
	_ =	sdelay $0x1  }
0x344: {  	s3 =	spop (v2sf);
	(v2sf) =	vpush v0, $0x7  }
0x345: {  	s0 =	sadd.s32 $0x0, s0  }
0x346: {  	[hbm:s0], [sflag:s16] =	dma.local [spmem:s3], $0x7D  }
0x347: {  	s0 =	rddreg [dreg:$0x1f];
	s3 =	spop (v2sf);
	(v2sf) =	vpush v0, $0x8  }
0x348: {  	s0 =	sadd.s32 $0x0, s0  }
0x349: {  	[hbm:s0], [sflag:s16] =	dma.local [spmem:s3], $0x7D  }
0x34a: {  	s3 =	spop (v2sf);
	(v2sf) =	vpush v0, $0x9;
	_ =	sdelay $0x5  }
0x34b: {  	s0 =	rddreg [dreg:$0x1e]  }
0x34c: {  	s0 =	sadd.s32 $0x0, s0  }
0x34d: {  	[hbm:s0], [sflag:s16] =	dma.local [spmem:s3], $0x7D  }
0x34e: {  	s0 =	rddreg [dreg:$0x1d];
	s3 =	spop (v2sf);
	(v2sf) =	vpush v0, $0xA  }
0x34f: {  	s0 =	sadd.s32 $0x0, s0  }
0x350: {  	[hbm:s0], [sflag:s16] =	dma.local [spmem:s3], $0x7D  }
0x351: {  	s0 =	rddreg [dreg:$0x1c];
	s3 =	spop (v2sf);
	(v2sf) =	vpush v0, $0xB  }
0x352: {  	s0 =	sadd.s32 $0x0, s0  }
0x353: {  	[hbm:s0], [sflag:s16] =	dma.local [spmem:s3], $0x7D  }
0x354: {  	s3 =	spop (v2sf);
	(v2sf) =	vpush v0, $0xC;
	_ =	sdelay $0x5  }
0x355: {  	s0 =	rddreg [dreg:$0x1b]  }
0x356: {  	s0 =	sadd.s32 $0x0, s0  }
0x357: {  	[hbm:s0], [sflag:s16] =	dma.local [spmem:s3], $0x7D  }
0x358: {  	s0 =	rddreg [dreg:$0x1a];
	s3 =	spop (v2sf);
	(v2sf) =	vpush v0, $0xD  }
0x359: {  	s0 =	sadd.s32 $0x0, s0  }
0x35a: {  	[hbm:s0], [sflag:s16] =	dma.local [spmem:s3], $0x7D  }
0x35b: {  	s0 =	rddreg [dreg:$0x19];
	s3 =	spop (v2sf);
	(v2sf) =	vpush v0, $0xE  }
0x35c: {  	s0 =	sadd.s32 $0x0, s0  }
0x35d: {  	[hbm:s0], [sflag:s16] =	dma.local [spmem:s3], $0x7D  }
0x35e: {  	s3 =	spop (v2sf);
	(v2sf) =	vpush v0, $0xF;
	_ =	sdelay $0x4  }
0x35f: {  	s0 =	rddreg [dreg:$0x18]  }
0x360: {  	s0 =	sadd.s32 $0x0, s0  }
0x361: {  	[hbm:s0], [sflag:s16] =	dma.local [spmem:s3], $0x7D  }
0x362: {  	s0 =	rddreg [dreg:$0x17]  }
0x363: {  	s3 =	spop (v2sf);
	s0 =	sadd.s32 $0x0, s0  }
0x364: {  	[hbm:s0], [sflag:s16] =	dma.local [spmem:s3], $0x7D  }
0x365: {  	s0 =	rddreg [dreg:$0x16]  }
0x366: {  	s8 =	simm.s32 $0xFA68;
	s0 =	sadd.s32 $0x0, s0;
	s3 =	spop (v2sf)  }
0x367: {  	[hbm:s0], [sflag:s16] =	dma.local [spmem:s3], $0x7D  }
0x368: {  	s9 =	simm.s32 $0x17768;
	s0 =	simm.s32 $0x7D0;
	s3 =	rddreg [dreg:$0x15]  }
0x369: {  	s4 =	sadd.s32 $0x0, s3;
	s3 =	simm.s32 $0xFA48;
	s5 =	spop (v2sf)  }
.LBB2_6:
0x36a: {  	[hbm:s4], [sflag:s16] =	dma.local [spmem:s5], $0x7D  }
0x36b: {  	_ =	swait.ge [sflag:s15], $0x7D  }
0x36c: {  	[sflag:s15] =	ssyncset.done $0x0  }
0x36d: {  	[sflag:s15] =	ssyncadd.s32 $0xFFFFFF83  }
0x36e: {  	_ =	swait.ge [sflag:s15], $0x7D  }
0x36f: {  	[sflag:s15] =	ssyncset.done $0x0  }
0x370: {  	[sflag:s15] =	ssyncadd.s32 $0xFFFFFF83  }
0x371: {  	_ =	swait.ge [sflag:s15], $0x7D  }
0x372: {  	[sflag:s15] =	ssyncset.done $0x0  }
0x373: {  	[sflag:s15] =	ssyncadd.s32 $0xFFFFFF83  }
0x374: {  	_ =	swait.ge [sflag:s15], $0x7D  }
0x375: {  	[sflag:s15] =	ssyncset.done $0x0  }
0x376: {  	[sflag:s15] =	ssyncadd.s32 $0xFFFFFF83  }
0x377: {  	_ =	swait.ge [sflag:s15], $0x7D  }
0x378: {  	[sflag:s15] =	ssyncset.done $0x0  }
0x379: {  	[sflag:s15] =	ssyncadd.s32 $0xFFFFFF83  }
0x37a: {  	_ =	swait.ge [sflag:s15], $0x7D  }
0x37b: {  	[sflag:s15] =	ssyncset.done $0x0  }
0x37c: {  	[sflag:s15] =	ssyncadd.s32 $0xFFFFFF83  }
0x37d: {  	_ =	swait.ge [sflag:s15], $0x7D  }
0x37e: {  	[sflag:s15] =	ssyncset.done $0x0  }
0x37f: {  	[sflag:s15] =	ssyncadd.s32 $0xFFFFFF83  }
0x380: {  	_ =	swait.ge [sflag:s15], $0x7D  }
0x381: {  	[sflag:s15] =	ssyncset.done $0x0  }
0x382: {  	[sflag:s15] =	ssyncadd.s32 $0xFFFFFF83  }
0x383: {  	_ =	swait.ge [sflag:s15], $0x7D  }
0x384: {  	[sflag:s15] =	ssyncset.done $0x0  }
0x385: {  	[sflag:s15] =	ssyncadd.s32 $0xFFFFFF83  }
0x386: {  	_ =	swait.ge [sflag:s15], $0x7D  }
0x387: {  	[sflag:s15] =	ssyncset.done $0x0  }
0x388: {  	[sflag:s15] =	ssyncadd.s32 $0xFFFFFF83  }
0x389: {  	_ =	swait.ge [sflag:s15], $0x7D  }
0x38a: {  	[sflag:s15] =	ssyncset.done $0x0  }
0x38b: {  	[sflag:s15] =	ssyncadd.s32 $0xFFFFFF83  }
0x38c: {  	_ =	swait.ge [sflag:s15], $0x7D  }
0x38d: {  	[sflag:s15] =	ssyncset.done $0x0  }
0x38e: {  	[sflag:s15] =	ssyncadd.s32 $0xFFFFFF83  }
0x38f: {  	_ =	swait.ge [sflag:s15], $0x7D  }
0x390: {  	[sflag:s15] =	ssyncset.done $0x0  }
0x391: {  	[sflag:s15] =	ssyncadd.s32 $0xFFFFFF83  }
0x392: {  	_ =	swait.ge [sflag:s15], $0x7D  }
0x393: {  	[sflag:s15] =	ssyncset.done $0x0  }
0x394: {  	[sflag:s15] =	ssyncadd.s32 $0xFFFFFF83  }
0x395: {  	_ =	swait.ge [sflag:s15], $0x7D  }
0x396: {  	[sflag:s15] =	ssyncset.done $0x0  }
0x397: {  	[sflag:s15] =	ssyncadd.s32 $0xFFFFFF83  }
0x398: {  	_ =	swait.ge [sflag:s15], $0x7D  }
0x399: {  	[sflag:s15] =	ssyncset.done $0x0  }
0x39a: {  	[sflag:s15] =	ssyncadd.s32 $0xFFFFFF83  }
0x39b: {  	v0 =	vld [tilespmem:s3+$0x0];
	_ =	sdelay $0x4  }
0x39c: {  	v0 =	vmul.u32 $0xFA0, v0;
	_ =	sdelay $0x1  }
0x39d: {  	v0 =	vshra.s32 v0, $0x2  }
0x39e: {  	v0 =	vadd.s32 s31, v0  }
0x39f: {  	v0 =	vshrl.u32 v0, $0x3  }
0x3a0: {  	(v2sf) =	vpush v0, $0x0;
	_ =	sdelay $0x7  }
0x3a1: {  	(v2sf) =	vpush v0, $0x1;
	_ =	sdelay $0x3  }
0x3a2: {  	(v2sf) =	vpush v0, $0x2;
	_ =	sdelay $0x2  }
0x3a3: {  	s6 =	spop (v2sf);
	(v2sf) =	vpush v0, $0x3;
	_ =	sdelay $0x1  }
0x3a4: {  	s29 =	smov.u32 s0;
	s30 =	rddreg [dreg:$0x14]  }
0x3a5: {  	s5 =	sadd.s32 s29, s30  }
0x3a6: {  	[hbm:s5], [sflag:s16] =	dma.local [spmem:s6], $0x7D  }
0x3a7: {  	s5 =	sld [smem:$0x7D6];
	_ =	sdelay $0x2  }
0x3a8: {  	s6 =	spop (v2sf);
	(v2sf) =	vpush v0, $0x4;
	s5 =	sadd.s32 s29, s5  }
0x3a9: {  	[hbm:s5], [sflag:s16] =	dma.local [spmem:s6], $0x7D  }
0x3aa: {  	s5 =	sld [smem:$0x7D3];
	_ =	sdelay $0x1  }
0x3ab: {  	s6 =	spop (v2sf);
	(v2sf) =	vpush v0, $0x5  }
0x3ac: {  	s5 =	sadd.s32 s29, s5  }
0x3ad: {  	[hbm:s5], [sflag:s16] =	dma.local [spmem:s6], $0x7D  }
0x3ae: {  	s6 =	spop (v2sf);
	(v2sf) =	vpush v0, $0x6;
	_ =	sdelay $0x1  }
0x3af: {  	s5 =	sld [smem:$0x7D2];
	_ =	sdelay $0x2  }
0x3b0: {  	s5 =	sadd.s32 s29, s5  }
0x3b1: {  	[hbm:s5], [sflag:s16] =	dma.local [spmem:s6], $0x7D  }
0x3b2: {  	s5 =	sld [smem:$0x7D1];
	_ =	sdelay $0x1  }
0x3b3: {  	s6 =	spop (v2sf);
	(v2sf) =	vpush v0, $0x7  }
0x3b4: {  	s5 =	sadd.s32 s29, s5  }
0x3b5: {  	[hbm:s5], [sflag:s16] =	dma.local [spmem:s6], $0x7D  }
0x3b6: {  	s5 =	rddreg [dreg:$0x1f];
	s6 =	spop (v2sf);
	(v2sf) =	vpush v0, $0x8  }
0x3b7: {  	s5 =	sadd.s32 s29, s5  }
0x3b8: {  	[hbm:s5], [sflag:s16] =	dma.local [spmem:s6], $0x7D  }
0x3b9: {  	s6 =	spop (v2sf);
	(v2sf) =	vpush v0, $0x9;
	_ =	sdelay $0x5  }
0x3ba: {  	s5 =	rddreg [dreg:$0x1e]  }
0x3bb: {  	s5 =	sadd.s32 s29, s5  }
0x3bc: {  	[hbm:s5], [sflag:s16] =	dma.local [spmem:s6], $0x7D  }
0x3bd: {  	s5 =	rddreg [dreg:$0x1d];
	s6 =	spop (v2sf);
	(v2sf) =	vpush v0, $0xA  }
0x3be: {  	s5 =	sadd.s32 s29, s5  }
0x3bf: {  	[hbm:s5], [sflag:s16] =	dma.local [spmem:s6], $0x7D  }
0x3c0: {  	s5 =	rddreg [dreg:$0x1c];
	s6 =	spop (v2sf);
	(v2sf) =	vpush v0, $0xB  }
0x3c1: {  	s5 =	sadd.s32 s29, s5  }
0x3c2: {  	[hbm:s5], [sflag:s16] =	dma.local [spmem:s6], $0x7D  }
0x3c3: {  	s6 =	spop (v2sf);
	(v2sf) =	vpush v0, $0xC;
	_ =	sdelay $0x5  }
0x3c4: {  	s5 =	rddreg [dreg:$0x1b]  }
0x3c5: {  	s5 =	sadd.s32 s29, s5  }
0x3c6: {  	[hbm:s5], [sflag:s16] =	dma.local [spmem:s6], $0x7D  }
0x3c7: {  	s5 =	rddreg [dreg:$0x1a];
	s6 =	spop (v2sf);
	(v2sf) =	vpush v0, $0xD  }
0x3c8: {  	s5 =	sadd.s32 s29, s5  }
0x3c9: {  	[hbm:s5], [sflag:s16] =	dma.local [spmem:s6], $0x7D  }
0x3ca: {  	s5 =	rddreg [dreg:$0x19];
	s6 =	spop (v2sf);
	(v2sf) =	vpush v0, $0xE  }
0x3cb: {  	s5 =	sadd.s32 s29, s5  }
0x3cc: {  	[hbm:s5], [sflag:s16] =	dma.local [spmem:s6], $0x7D  }
0x3cd: {  	s6 =	spop (v2sf);
	(v2sf) =	vpush v0, $0xF;
	_ =	sdelay $0x4  }
0x3ce: {  	s5 =	rddreg [dreg:$0x18]  }
0x3cf: {  	s5 =	sadd.s32 s29, s5  }
0x3d0: {  	[hbm:s5], [sflag:s16] =	dma.local [spmem:s6], $0x7D  }
0x3d1: {  	s5 =	rddreg [dreg:$0x17]  }
0x3d2: {  	p1 =	sne.s32 s0, $0xFA0;
	s6 =	spop (v2sf);
	s5 =	sadd.s32 s29, s5  }
0x3d3: {  	[hbm:s5], [sflag:s16] =	dma.local [spmem:s6], $0x7D  }
.Ltmp2:
0x3d4: {  	s5 =	rddreg [dreg:$0x16];
	(pc) =	sbr.rel @p1 .LBB2_6-.Ltmp2, $4  }
0x3d5: {  	s5 =	sadd.s32 s29, s5;
	s6 =	spop (v2sf)  }
0x3d6: {  	[hbm:s5], [sflag:s16] =	dma.local [spmem:s6], $0x7D  }
0x3d7: {  	s0 =	sadd.s32 $0x7D0, s0;
	s5 =	rddreg [dreg:$0x15]  }
0x3d8: {  	s3 =	sadd.s32 $0x10, s3;
	s4 =	sadd.s32 s29, s5;
	s5 =	spop (v2sf)  }
0x3d9: {  	[hbm:s4], [sflag:s16] =	dma.local [spmem:s5], $0x7D  }
0x3da: {  	_ =	swait.ge [sflag:s15], $0x7D  }
0x3db: {  	s0 =	simm.s32 $0xFF;
	s7 =	simm.s32 $0xF428;
	[sflag:s15] =	ssyncset.done $0x0  }
.LBB2_8:
0x3dc: {  	p1 =	sne.s32 s0, $0x1;
	s0 =	sadd.s32 $0xFFFFFFFF, s0;
	[sflag:s15] =	ssyncadd.s32 $0xFFFFFF83  }
.Ltmp3:
0x3dd: {  	(pc) =	sbr.rel @p1 .LBB2_8-.Ltmp3, $3  }
0x3de: {  	_ =	sdelay $0x1  }
0x3df: {  	_ =	swait.ge [sflag:s15], $0x7D  }
0x3e0: {  	[sflag:s15] =	ssyncset.done $0x0  }
0x3e1: {  	s3 =	sld [smem:$0x7C1]  }
0x3e2: {  	s0 =	sld [smem:$0x7C8];
	_ =	sdelay $0x1  }
0x3e3: {  	s3 =	sadd.s32 $0x1, s3  }
0x3e4: {  	p1 =	sne.s32 s3, s0  }
.Ltmp4:
0x3e5: {  	_ = 	snop;
	(pc) =	sbr.rel @p1 .LBB2_1-.Ltmp4, $2  }
0x3e6: {  	_ =	sdelay $0x2  }
0x3e7: {  	[sflag:s15] =	ssyncadd.s32 $0xFFFFFF83  }
0x3e8: {  	_ =	sfence.sel $0x180000  }
0x3e9: {  	[bflag:$0x0] =	sbarrier.arrive $0xFFFF  }
0x3ea: {  	_ =	strace $0x90000047  }
0x3eb: {  	[bflag:$0x2] =	sbarrier.arrive $0xFFFF  }
0x3ec: {  	s0 =	rddreg [dreg:$0x3]  }
0x3ed: {  	s0 =	sadd.s32 @!p0 $0x100000, s0  }
0x3ee: {  	[sflag:s0] =	ssyncadd.tile.s32 @!p0 $0x1;
	_ =	shalt  }
.Lfunc_end2:
_tile_overlayer_lowered:
.L_overlay_start_2:
0x3ef: {  	(tag) =	ssettag $0x2  }
0x3f0: {  	s0 =	rddreg [dreg:$0x0];
	s2 =	stileid.u32  }
0x3f1: {  	s1 =	rddreg [dreg:$0x1];
	p0 =	sne.s32 s2, $0x0  }
0x3f2: {  	s3 =	rddreg [dreg:$0x2];
	[bflag:$0x3] =	sbarrier.arrive $0xFFFF;
	s2 =	simm.s32 @!p0 $0x1C06  }
0x3f3: {  	[timem:s3], [sflag:s2] =	dma.local @!p0 [hbm:s0], s1  }
0x3f4: {  	s0 =	simm.s32 @!p0 $0x6  }
0x3f5: {  	_ =	swait.ge @!p0 [sflag:s0], s1  }
0x3f6: {  	s1 =	ssub.s32 @!p0 $0x0, s1;
	[sflag:s0] =	ssyncset.done @!p0 $0x0  }
0x3f7: {  	[sflag:s0] =	ssyncadd.s32 @!p0 s1  }
0x3f8: {  	[bflag:$0x3] =	sbarrier.arrive $0xFFFF  }
0x3f9: {  	_ =	shalt  }

// kernel: sparse-core-data-format-call.cloned.1.call-start
scs
called_computation_lowered:
.L_overlay_start_0:
0x0: {  	s2 =	sld [smem:$0x3FD9]  }
0x1: {  	s3 =	sld [smem:$0x3FFE];
	_ =	sdelay $0x1  }
0x2: {  	s1 =	srdreg.scid  }
0x3: {  	s0 =	sand.u32 $0x1, s1  }
0x4: {  	s18 =	sshll.u32 s0, $0xA;
	s2 =	sadd.s32 s3, s2  }
0x5: {  	s2 =	sadd.s32 s2, s18  }
0x6: {  	[smem:$0x3FC6] =	sst s2  }
0x7: {  	_ = 	snop  }
0x8: {  	s2 =	sld [smem:$0x3FD0];
	(tm) =	ssettm $0x1  }
0x9: {  	s19 =	sld [smem:$0x3FFB];
	_ =	sdelay $0x3  }
0xa: {  	_ =	strace s19  }
0xb: {  	s3 =	sld [smem:$0x3FFC];
	_ =	sdelay $0x3  }
0xc: {  	_ =	strace s3  }
0xd: {  	s3 =	sld [smem:$0x3FFD];
	_ =	sdelay $0x3  }
0xe: {  	_ =	strace s3  }
0xf: {  	_ =	strace $0x8FFFFFFF  }
0x10: {  	s20 =	sld [smem:$0x3FDB];
	_ =	sdelay $0x1  }
0x11: {  	s4 =	simm.s32 $_scs_section_size  }
0x12: {  	s5 =	simm.s32 $_size__tile_overlayer_lowered;
	s6 =	simm.s32 $_tile_overlayer_lowered  }
0x13: {  	s23 =	simm.s32 $0x1BFF;
	s22 =	sshll.u32 s6, $0x1;
	s3 =	sadd.s32 s4, s20  }
0x14: {  	s7 =	simm.s32 $0x0;
	s21 =	sshll.u32 s5, $0x1;
	s5 =	sadd.s32 s22, s3  }
0x15: {  	[timem:s7], [sflag:s23] =	dma.local [hbm:s5], s21  }
0x16: {  	_ =	swait.ge [sflag:s23], s21  }
0x17: {  	s4 =	ssub.s32 $0x0, s21;
	[sflag:s23] =	ssyncset.done $0x0  }
0x18: {  	[sflag:s23] =	ssyncadd.s32 s4;
	_ =	sdelay $0x1  }
0x19: {  	s24 =	simm.s32 $0x1B8B  }
0x1a: {  	_ =	swait.ge [sflag:s24], $0x1  }
0x1b: {  	[sflag:s24] =	ssyncset.done $0x0  }
0x1c: {  	s26 =	simm.s32 $0x1B8E;
	s25 =	sld [smem:$0x3FFE];
	[sflag:s24] =	ssyncadd.s32 $0xFFFFFFFF  }
0x1d: {  	s27 =	simm.s32 $execute0_lowered;
	[smem:$0x3FD2] =	sst s26  }
0x1e: {  	s5 =	sshll.u32 s27, $0x1;
	_ =	strace $0x80000049;
	[dreg:$0x1] =	wrdreg $0xFFFFFFFF  }
0x1f: {  	s28 =	simm.s32 $_size_execute0_lowered;
	s3 =	sadd.s32 s3, s5;
	[dreg:$0x0] =	wrdreg $0x0  }
0x20: {  	s5 =	sshll.u32 s28, $0x1;
	[dreg:$0x2] =	wrdreg s3  }
0x21: {  	[dreg:$0x3] =	wrdreg s5  }
0x22: {  	[dreg:$0x4] =	wrdreg $0xC0  }
0x23: {  	_ =	task [dreg:s7], $0x5FFFF  }
0x24: {  	[dreg:$0x1] =	wrdreg $0xFFFFFFFF  }
0x25: {  	[dreg:$0x0] =	wrdreg $0x60  }
0x26: {  	[dreg:$0x2] =	wrdreg s25  }
0x27: {  	[dreg:$0x3] =	wrdreg s2  }
0x28: {  	[dreg:$0x4] =	wrdreg $0x9  }
0x29: {  	_ =	task.clear_ibuf [dreg:s7], $0x5FFFF;
	_ =	strace $0x90000049  }
0x2a: {  	s29 =	simm.s32 $0x9;
	_ =	strace $0x8000004B  }
0x2b: {  	_ =	swait.ge [sflag:s29], $0x1  }
0x2c: {  	[sflag:s29] =	ssyncadd.s32 $0xFFFFFFFF  }
0x2d: {  	_ =	strace $0x9000004B  }
0x2e: {  	_ =	sfence  }
0x2f: {  	s30 =	sld [smem:$0x0];
	_ =	sdelay $0x2  }
0x30: {  	s31 =	sshll.u32 s1, $0xD;
	s1 =	sshrl.u32 s1, $0x2  }
0x31: {  	s3 =	sand.u32 $0x4000, s31;
	s1 =	sadd.s32 s1, s30  }
0x32: {  	s0 =	sor.u32 s3, s0;
	s1 =	sshll.u32 s1, $0x11  }
0x33: {  	s0 =	sor.u32 s1, s0  }
0x34: {  	s0 =	sadd.s32 $0x8F2B, s0  }
0x35: {  	[sflag:s0] =	ssyncadd.remote.s32 $0x1  }
0x36: {  	_ =	sfence.sel $0xFFFF  }
0x37: {  	[dreg:$0x0] =	wrdreg $0xFFFFFFFF;
	(pc) =	sbr.abs _section_cstart, $3  }
0x38: {  	[dreg:$0x1] =	wrdreg $0xFFFFFFFF  }
0x39: {  	_ =	task.clear_ibuf [dreg:s7], $0x2FFFF;
	_ =	strace $0x9FFFFFFF  }
0x3a: {  	(tm) =	ssettm $0x7FFFFFFF  }
0x3b: {  	_ =	shalt  }
tec
execute0_lowered:
.L_overlay_start_1:
0x0: {  	(tag) =	ssettag $0x1  }
0x1: {  	s4 =	rddreg [dreg:$0x0]  }
0x2: {  	s0 =	stileid.u32;
	s2 =	rddreg [dreg:$0x1]  }
0x3: {  	s7 =	srdreg.scid;
	s31 =	simm.s32 $0x2;
	s17 =	simm.s32 $0x0  }
0x4: {  	s9 =	simm.s32 $0x2000;
	s19 =	simm.s32 $0x0;
	s18 =	simm.s32 $0x0  }
0x5: {  	s10 =	simm.s32 $0x0;
	s11 =	simm.s32 $0x0;
	s1 =	sshll.u32 s0, $0x7  }
0x6: {  	s12 =	simm.s32 $0x0;
	s14 =	simm.s32 $0x0;
	s3 =	sand.u32 $0x380, s1  }
0x7: {  	s16 =	simm.s32 $0x0;
	s4 =	sadd.s32 $0x800, s4;
	s5 =	ssub.s32 $0x400, s3  }
0x8: {  	s8 =	sshll.u32 s0, $0x4;
	s7 =	sshll.u32 s7, $0x8;
	s6 =	sand.u32 $0x380, s5  }
0x9: {  	s1 =	rddreg [dreg:$0x2];
	p0 =	sne.s32 s6, $0x0;
	s6 =	simm.s32 $0x1  }
.Ltmp0:
0xa: {  	s5 =	sshrl.u32 s5, $0xA;
	s6 =	simm.s32 @!p0 $0x0;
	(pc) =	sbr.rel .LBB1_1-.Ltmp0, $4  }
0xb: {  	_ =	strace $0x8000004A;
	s7 =	sor.u32 s8, s7;
	s6 =	sadd.s32 s6, s5  }
0xc: {  	s7 =	sand.u32 $0x180, s7;
	s5 =	simm.s32 $0x1;
	s6 =	smul.u32 $0x64, s6  }
0xd: {  	s15 =	smov.u32 s3;
	s13 =	smov.u32 s7;
	[sflag:s5] =	ssyncpa.u1 $0x0  }
0xe: {  	p0 =	por $0x0, $0x0;
	[sflag:s31] =	ssyncpa.u1 $0x0;
	s8 =	sor.u32 $0x1, s6  }
.LBB1_4:
0xf: {  	s25 =	sshll.u32 s10, $0xA;
	s24 =	sshra.s32 s24, $0x2;
	s26 =	sshll.u32 s12, $0x3  }
0x10: {  	p1 =	sgt.s32 s11, $0x31;
	s27 =	smov.u32 s11;
	s28 =	sshra.s32 s11, $0x1F  }
0x11: {  	p2 =	sgt.s32 s12, $0x380;
	s31 =	sshra.s32 s12, $0x1F;
	s25 =	sand.u32 $0xFFFFE000, s25  }
0x12: {  	s26 =	sand.u32 $0xFFFFFC00, s26;
	s27 =	simm.s32 @!p1 $0x31;
	s28 =	sand.u32 s28, s11  }
0x13: {  	[tilespmem:s22+$0x2040 ss:$0x81] =	vst.msk $0xffff, v4;
	s23 =	sadd.s32 s24, s23;
	s29 =	sadd.s32 s26, s25;
	s25 =	ssub.s32 s27, s28  }
0x14: {  	[tilespmem:s22+$0x2850 ss:$0x81] =	vst.msk $0xffff, v3;
	s27 =	smov.u32 s12;
	s28 =	smov.u32 s10;
	s26 =	sand.u32 s31, s12  }
0x15: {  	[tilespmem:s22+$0x3060 ss:$0x81] =	vst.msk $0xffff, v2;
	s24 =	sshrl.u32 s29, $0xA;
	s30 =	sadd.s32 $0xFFFFFFCF, s25;
	s27 =	simm.s32 @!p2 $0x380  }
0x16: {  	v5 =	vld [tilespmem:s21+$0xFFFFFFD0];
	[tilespmem:s22+$0x0 ss:$0x81] =	vst.msk $0xffff, v1;
	p2 =	sgt.s32 s10, $0x368;
	s29 =	sshra.s32 s10, $0x1F;
	s22 =	ssub.s32 $0x32, s25  }
0x17: {  	v58 =	vld [tilespmem:s21+$0xFFFFFFE0];
	p1 =	sgt.s32 s30, $0x0;
	s28 =	simm.s32 @!p2 $0x368;
	s29 =	sand.u32 s29, s10  }
0x18: {  	v59 =	vld [tilespmem:s21+$0xFFFFFFF0];
	s26 =	ssub.s32 s27, s26;
	s27 =	smulhi.u32 $0x418938, s24;
	s28 =	ssub.s32 s28, s29  }
0x19: {  	v60 =	vld [tilespmem:s21+$0x0];
	s30 =	sadd.s32 $0xFFFFFC80, s26;
	s25 =	ssub.s32 $0x400, s26;
	s22 =	simm.s32 @p1 $0x0  }
0x1a: {  	v61 =	vld [tilespmem:s21+$0x10];
	[tilespmem:s23+$0x3870 ss:$0x81] =	vst.msk $0xffff, v0;
	s29 =	sand.u32 $0x78, s12;
	p2 =	sgt.s32 s30, $0x7F;
	s31 =	sadd.s32 $0xFFFFFC98, s28  }
0x1b: {  	v62 =	vld [tilespmem:s21+$0x20];
	[tilespmem:s23+$0x810 ss:$0x81] =	vst.msk $0xffff, v5;
	s27 =	smul.u32 $0x3E8, s27;
	s30 =	sshll.u32 s10, $0x7;
	s28 =	ssub.s32 $0x3E8, s28  }
0x1c: {  	v63 =	vld [tilespmem:s21+$0xFFFFFFC0];
	[tilespmem:s23+$0x1020 ss:$0x81] =	vst.msk $0xffff, v58;
	s25 =	simm.s32 @p2 $0x0;
	p1 =	sgt.s32 s31, $0x7F;
	s31 =	smul.u32 $0x1F400, s11  }
0x1d: {  	[tilespmem:s23+$0x1830 ss:$0x81] =	vst.msk $0xffff, v59;
	s21 =	sand.u32 $0x380, s30;
	s22 =	smul.u32 s25, s22;
	s28 =	simm.s32 @p1 $0x0  }
0x1e: {  	[tilespmem:s23+$0x2040 ss:$0x81] =	vst.msk $0xffff, v60;
	s21 =	sor.u32 s29, s21;
	s24 =	ssub.s32 s24, s27;
	s29 =	sand.u32 $0x7, s12  }
0x1f: {  	[tilespmem:s23+$0x2850 ss:$0x81] =	vst.msk $0xffff, v61;
	s21 =	sshrl.u32 s21, $0x3;
	s25 =	sadd.s32 s2, s31;
	s22 =	smul.u32 s28, s22  }
0x20: {  	[tilespmem:s23+$0x3060 ss:$0x81] =	vst.msk $0xffff, v62;
	s24 =	sshll.u32 s24, $0x7;
	s30 =	sshll.u32 s29, $0x12;
	s21 =	sadd.s32 s21, s25  }
0x21: {  	[tilespmem:s23+$0x0 ss:$0x81] =	vst.msk $0xffff, v63;
	s31 =	sor.u32 $0x400, s30;
	s21 =	sadd.s32 s24, s21;
	s22 =	sand.u32 $0x3FFFFFFF, s22  }
0x22: {  	[hbm4b:s21+s31] =	stream.strided.scatter [tilespmem:s20], [sflag:$0x2], s22, s9, s31, $0x20;
	[tilespmem:$0x10100] =	vst v63  }
.LBB1_5:
0x23: {  	p1 =	slt.u32 s16, $0x2  }
0x24: {  	p2 =	sgt.s32 @!p1 s19, $0x31  }
0x25: {  	s20 =	smov.u32 s19;
	s21 =	sshra.s32 @!p1 s19, $0x1F;
	p2 =	por !p2, p1  }
0x26: {  	s19 =	sand.u32 @!p1 s21, s19;
	s20 =	simm.s32 @p2 $0x31  }
0x27: {  	p3 =	sgt.s32 @!p1 s17, $0x368;
	s19 =	ssub.s32 @!p1 s20, s19  }
0x28: {  	p4 =	sgt.s32 @!p1 s18, $0x380;
	s22 =	sshra.s32 @!p1 s18, $0x1F;
	s20 =	sadd.s32 @!p1 $0xFFFFFFCF, s19  }
0x29: {  	s21 =	smov.u32 s17;
	p2 =	sgt.s32 @!p1 s20, $0x0;
	s20 =	sshra.s32 @!p1 s17, $0x1F  }
0x2a: {  	p4 =	por !p4, p1;
	s17 =	sand.u32 @!p1 s20, s17;
	s20 =	smov.u32 s18  }
0x2b: {  	p3 =	por !p3, p1;
	s18 =	sand.u32 @!p1 s22, s18;
	s20 =	simm.s32 @p4 $0x380  }
0x2c: {  	s21 =	simm.s32 @p3 $0x368;
	s19 =	ssub.s32 @!p1 $0x32, s19;
	s18 =	ssub.s32 @!p1 s20, s18  }
0x2d: {  	p2 =	por !p2, p1;
	s17 =	ssub.s32 @!p1 s21, s17;
	s21 =	sadd.s32 @!p1 $0xFFFFFC80, s18  }
0x2e: {  	s19 =	simm.s32 @!p2 $0x0;
	p3 =	sgt.s32 @!p1 s21, $0x7F  }
0x2f: {  	s20 =	sadd.s32 @!p1 $0xFFFFFC98, s17;
	s18 =	ssub.s32 @!p1 $0x400, s18;
	p3 =	por !p3, p1  }
0x30: {  	p2 =	sgt.s32 @!p1 s20, $0x7F;
	s20 =	sadd.s32 $0x200, s13;
	s18 =	simm.s32 @!p3 $0x0  }
0x31: {  	p3 =	sgt.s32 s20, $0x3E7;
	s18 =	smul.u32 @!p1 s18, s19;
	s19 =	simm.s32 $0x1  }
0x32: {  	s17 =	ssub.s32 @!p1 $0x3E8, s17;
	p2 =	por !p2, p1;
	s19 =	simm.s32 @!p3 $0x0  }
0x33: {  	s22 =	smov.u32 s15;
	s17 =	simm.s32 @!p2 $0x0;
	s21 =	sadd.s32 s19, s14  }
0x34: {  	s17 =	smul.u32 @!p1 s17, s18;
	s18 =	sadd.s32 $0x400, s15;
	p2 =	sgt.s32 s21, $0x31  }
0x35: {  	p0 =	por !p0, !p0;
	s23 =	simm.s32 @!p1 $0x2;
	s22 =	smov.u32 @p2 s18  }
0x36: {  	s20 =	smov.u32 @p3 s7;
	s21 =	simm.s32 @p2 $0x0;
	p2 =	sgt.s32 s22, $0x3FF  }
0x37: {  	s19 =	smov.u32 s11;
	s22 =	smov.u32 @p2 s3;
	p2 =	sne.s32 s16, s8  }
.Ltmp1:
0x38: {  	s11 =	smov.u32 s14;
	s17 =	sand.u32 @!p1 $0x3FFFFFFF, s17;
	(pc) =	sbr.rel @!p2 .LBB1_6-.Ltmp1, $4  }
0x39: {  	s18 =	smov.u32 s12;
	s12 =	smov.u32 s15;
	_ =	swait.ge @!p1 [sflag:s23], s17  }
0x3a: {  	s24 =	ssub.s32 @!p1 $0x0, s17;
	s17 =	smov.u32 s10;
	s10 =	smov.u32 s13  }
0x3b: {  	s13 =	smov.u32 s20;
	s14 =	smov.u32 s21;
	[sflag:s23] =	ssyncset.done @!p1 $0x0  }
0x3c: {  	s16 =	sadd.s32 $0x1, s16;
	[sflag:s23] =	ssyncadd.s32 @!p1 s24;
	s15 =	smov.u32 s22  }
.LBB1_1:
0x3d: {  	p1 =	sge.u32 s16, s6  }
0x3e: {  	s20 =	sshll.u32 @!p1 s14, $0xA  }
0x3f: {  	s21 =	sshll.u32 @!p1 s13, $0x3;
	s20 =	sand.u32 @!p1 $0xFFFFE000, s20  }
0x40: {  	s20 =	sadd.s32 @!p1 s20, s21  }
0x41: {  	s20 =	sshrl.u32 @!p1 s20, $0xA  }
0x42: {  	s21 =	smulhi.u32 @!p1 $0x4924925, s20  }
0x43: {  	s22 =	sshll.u32 @!p1 s14, $0x7;
	s24 =	smul.u32 @!p1 $0x1C00, s15  }
0x44: {  	s23 =	sand.u32 @!p1 $0x78, s13;
	s22 =	sand.u32 @!p1 $0x380, s22;
	s21 =	smul.u32 @!p1 $0x38, s21  }
0x45: {  	s31 =	sadd.s32 $0xFFFFFFFF, s16;
	s22 =	sor.u32 @!p1 s23, s22;
	s23 =	sadd.s32 @!p1 s4, s24  }
0x46: {  	s22 =	sshrl.u32 @!p1 s22, $0x3;
	s20 =	ssub.s32 @!p1 s20, s21;
	s21 =	sxor.u32 @!p1 $0xFFFFFFFF, s16  }
0x47: {  	s22 =	sadd.s32 @!p1 s22, s23;
	s23 =	sand.u32 @!p1 $0x7, s13;
	s21 =	sshll.u32 @!p1 s21, $0xE  }
0x48: {  	s23 =	sshll.u32 @!p1 s23, $0x12;
	s20 =	sshll.u32 @!p1 s20, $0x7;
	s21 =	sand.u32 @!p1 $0x4000, s21  }
0x49: {  	s20 =	sadd.s32 @!p1 s20, s22;
	s22 =	sor.u32 @!p1 $0x80, s23;
	s23 =	simm.s32 @!p1 $0xE000  }
0x4a: {  	[tilespmem:s21], [sflag:$0x1] =	stream.strided.gather @!p1 [hbm4b:s20+s22], $0x4000, s23, s22, $0x38;
	[tilespmem:$0x10100] =	vst v63  }
0x4b: {  	p1 =	sge.u32 s31, s6  }
.Ltmp2:
0x4c: {  	_ = 	snop;
	(pc) =	sbr.rel @p1 .LBB1_5-.Ltmp2, $1  }
0x4d: {  	_ =	sdelay $0x3  }
0x4e: {  	s20 =	simm.s32 $0x1  }
0x4f: {  	_ =	swait.ge [sflag:s5], $0x4000;
	s20 =	simm.s32 @!p0 $0x0  }
0x50: {  	[sflag:s5] =	ssyncset.done $0x0;
	s21 =	sshll.u32 s20, $0xE  }
0x51: {  	[sflag:s5] =	ssyncadd.s32 $0xFFFFC000;
	s21 =	sor.u32 $0x40, s21  }
0x52: {  	s20 =	smul.u32 $0x10200, s20;
	v0 =	vld [tilespmem:s21+$0x30]  }
0x53: {  	v1 =	vld [tilespmem:s21+$0xFFFFFFD0]  }
0x54: {  	s20 =	sshrl.u32 s20, $0x2;
	v5 =	vld [tilespmem:s21+$0xFFFFFFE0]  }
0x55: {  	v6 =	vld [tilespmem:s21+$0xFFFFFFF0];
	s23 =	sor.u32 $0x8000, s20  }
0x56: {  	s31 =	sand.u32 $0x1, s16;
	v4 =	vld [tilespmem:s21+$0x0];
	s22 =	sadd.s32 $0x0, s23  }
0x57: {  	v3 =	vld [tilespmem:s21+$0x10];
	s20 =	smul.u32 $0x10200, s31;
	[tilespmem:s22+$0x3870 ss:$0x81] =	vst.msk $0xffff, v0  }
0x58: {  	v2 =	vld [tilespmem:s21+$0x20];
	[tilespmem:s22+$0x810 ss:$0x81] =	vst.msk $0xffff, v1  }
0x59: {  	s20 =	sshrl.u32 s20, $0x2;
	v1 =	vld [tilespmem:s21+$0xFFFFFFC0];
	[tilespmem:s22+$0x1020 ss:$0x81] =	vst.msk $0xffff, v5;
	s21 =	sadd.s32 $0x80, s21  }
0x5a: {  	s24 =	simm.s32 $0x4;
	s25 =	simm.s32 $0x8;
	s20 =	sor.u32 $0x8000, s20;
	[tilespmem:s22+$0x1830 ss:$0x81] =	vst.msk $0xffff, v6;
	v0 =	vld [tilespmem:s21+$0x30]  }
.LBB1_3:
0x5b: {  	p1 =	sne.s32 s25, $0x1FC;
	v5 =	vld [tilespmem:s21+$0xFFFFFFD0];
	[tilespmem:s22+$0x2040 ss:$0x81] =	vst.msk $0xffff, v4  }
0x5c: {  	v6 =	vld [tilespmem:s21+$0xFFFFFFE0];
	[tilespmem:s22+$0x2850 ss:$0x81] =	vst.msk $0xffff, v3  }
0x5d: {  	s26 =	sshra.s32 s24, $0x2;
	s24 =	smov.u32 s25;
	v7 =	vld [tilespmem:s21+$0xFFFFFFF0];
	[tilespmem:s22+$0x3060 ss:$0x81] =	vst.msk $0xffff, v2  }
.Ltmp3:
0x5e: {  	v4 =	vld [tilespmem:s21+$0x0];
	[tilespmem:s22+$0x0 ss:$0x81] =	vst.msk $0xffff, v1;
	s22 =	sadd.s32 s26, s23;
	(pc) =	sbr.rel @p1 .LBB1_3-.Ltmp3, $4  }
0x5f: {  	v3 =	vld [tilespmem:s21+$0x10];
	[tilespmem:s22+$0x3870 ss:$0x81] =	vst.msk $0xffff, v0  }
0x60: {  	[tilespmem:s22+$0x810 ss:$0x81] =	vst.msk $0xffff, v5;
	v2 =	vld [tilespmem:s21+$0x20]  }
0x61: {  	v1 =	vld [tilespmem:s21+$0xFFFFFFC0];
	[tilespmem:s22+$0x1020 ss:$0x81] =	vst.msk $0xffff, v6;
	s21 =	sadd.s32 $0x80, s21  }
0x62: {  	s25 =	sadd.s32 $0x4, s25;
	v0 =	vld [tilespmem:s21+$0x30];
	[tilespmem:s22+$0x1830 ss:$0x81] =	vst.msk $0xffff, v7  }
.Ltmp4:
0x63: {  	_ = 	snop;
	(pc) =	sbr.rel .LBB1_4-.Ltmp4, $1  }
0x64: {  	_ =	sdelay $0x3  }
.LBB1_6:
0x65: {  	_ =	sfence.sel $0x180000  }
0x66: {  	s2 =	simm.s32 $0x1;
	[bflag:$0x0] =	sbarrier.arrive $0xFFFF  }
0x67: {  	s31 =	simm.s32 $0x2;
	[sflag:s2] =	ssyncpa.u1 $0x1  }
0x68: {  	[sflag:s31] =	ssyncpa.u1 $0x1  }
0x69: {  	p0 =	sne.s32 s0, $0x0;
	_ =	strace $0x9000004A  }
0x6a: {  	s0 =	sadd.s32 @!p0 $0x100000, s1;
	[bflag:$0x2] =	sbarrier.arrive $0xFFFF  }
0x6b: {  	[sflag:s0] =	ssyncadd.tile.s32 @!p0 $0x1;
	_ =	shalt  }
.Lfunc_end1:
_tile_overlayer_lowered:
.L_overlay_start_2:
0x6c: {  	(tag) =	ssettag $0x2  }
0x6d: {  	s0 =	rddreg [dreg:$0x0];
	s2 =	stileid.u32  }
0x6e: {  	s1 =	rddreg [dreg:$0x1];
	p0 =	sne.s32 s2, $0x0  }
0x6f: {  	s3 =	rddreg [dreg:$0x2];
	[bflag:$0x3] =	sbarrier.arrive $0xFFFF;
	s2 =	simm.s32 @!p0 $0x1C01  }
0x70: {  	[timem:s3], [sflag:s2] =	dma.local @!p0 [hbm:s0], s1  }
0x71: {  	s0 =	simm.s32 @!p0 $0x1  }
0x72: {  	_ =	swait.ge @!p0 [sflag:s0], s1  }
0x73: {  	s1 =	ssub.s32 @!p0 $0x0, s1;
	[sflag:s0] =	ssyncset.done @!p0 $0x0  }
0x74: {  	[sflag:s0] =	ssyncadd.s32 @!p0 s1  }
0x75: {  	[bflag:$0x3] =	sbarrier.arrive $0xFFFF  }
0x76: {  	_ =	shalt  }

</sc_bundles>
